<compile_context>
chip_gen: v7x
topology: tpu7x:2x2x1
jax: 0.10.2.dev20260603
libtpu: 0.0.44.dev20260713+nightly
codegen_flags: <defaults>
</compile_context>

<pallas_src>
import functools

import jax
import jax.numpy as jnp
from jax import lax
from jax.experimental import pallas as pl
from jax.experimental.pallas import tpu as pltpu
from jax.experimental.pallas import tpu_sc as plsc


def _sel(shape, fn):
    i = jax.lax.broadcasted_iota(jnp.int32, shape, 0)
    j = jax.lax.broadcasted_iota(jnp.int32, shape, 1)
    return fn(i, j).astype(jnp.float32)


def _dot(a, b):
    return jax.lax.dot_general(a, b, (((1,), (0,)), ((), ())),
                               preferred_element_type=jnp.float32,
                               precision=jax.lax.Precision.HIGHEST)


def _coarsen_body(xg, yg, yo, gxy_out, gv_out, yaug_out):
    x = xg[0]
    y = yg[0]
    H = x.shape[0]
    Hc = H // 2
    Yd = y.shape[1] // x.shape[1] * 2

    R = _sel((Hc, H), lambda i, j: (j >> 1) == i)
    xr = _dot(R, x)
    yr = _dot(R, y)
    P = _sel((x.shape[1], x.shape[1] // 2),
             lambda l, m: m == ((l >> 2) * 2 + (l & 1)))
    gxy_out[0] = _dot(xr, P) * 0.25
    qs = (2 * Yd).bit_length() - 1
    Q2 = _sel((y.shape[1], y.shape[1]),
              lambda l, m: ((m >> qs) == (l >> qs))
              & ((m & (2 * Yd - 1)) == (l & (Yd - 1))))
    gv_out[0] = _dot(yr, Q2) * 0.25

    yv = yo[0]
    U_ = yv.shape[0]
    yaug_out[0] = jnp.concatenate(
        [yv, jnp.zeros((U_, Yd), jnp.float32),
         jnp.ones((U_, 2 * Yd), jnp.float32),
         jnp.zeros((U_, 128 - 4 * Yd), jnp.float32)], axis=1)


def _make_tc_body(U, BPC):
    def _tc_body(gxy_ref, xall, idx_out, idxt_out):
        gxy = gxy_ref[0]
        S_ = gxy.shape[0]
        gx = gxy[:, 0:1]
        gy = gxy[:, 1:2]

        px = xall[0][0:1, :]
        py = xall[0][1:2, :]
        dist = jnp.abs(gx - px) + jnp.abs(gy - py)
        am = jnp.argmin(dist, axis=0, keepdims=True)
        b = pl.program_id(0)
        idx_out[0] = am[:, :U] + (b % BPC) * S_
        idxt_out[0] = am[:, U:] + b * S_
    return _tc_body


def _sc_kernel(B, S, U, T, Yd2):
    mesh = plsc.VectorSubcoreMesh(core_axis_name="c", subcore_axis_name="s")
    NS = 16
    BPC = B // 2
    UP = U // NS
    TP = T // NS
    SP = S // NS

    W = 128

    @functools.partial(
        pl.kernel, mesh=mesh,
        out_type=[jax.ShapeDtypeStruct((B, T, W), jnp.float32),
                  jax.ShapeDtypeStruct((B * S, W), jnp.float32)],
        scratch_types=[
            pltpu.VMEM((BPC, UP), jnp.int32),
            pltpu.VMEM((UP, W), jnp.float32),
            pltpu.VMEM((SP, W), jnp.float32),
            pltpu.VMEM((BPC, SP, Yd2), jnp.float32),
            pltpu.VMEM((SP, W), jnp.float32),
            pltpu.VMEM((BPC, TP), jnp.int32),
            pltpu.VMEM((BPC, TP, W), jnp.float32),
            pltpu.VMEM_SHARED((BPC * S, W), jnp.float32),
            pltpu.SemaphoreType.DMA,
        ],
    )
    def k(idx_hbm, yaug_hbm, gv_hbm, idxt_hbm, zeros_hbm, out_hbm, avg_hbm,
          idx_v, rows_v, acc_v, gv_v, avg_v, idxt_v, trows_v,
          acc_sh, sem):
        core = lax.axis_index("c")
        sid = lax.axis_index("s")
        pre = []
        for lb in range(BPC):
            b = core * BPC + lb
            pre.append(pltpu.async_copy(
                zeros_hbm.at[pl.ds(sid * SP, SP)],
                acc_sh.at[pl.ds(lb * S + sid * SP, SP)], sem))
            pre.append(pltpu.async_copy(
                idx_hbm.at[b, pl.ds(sid * UP, UP)], idx_v.at[lb], sem))
            pre.append(pltpu.async_copy(
                gv_hbm.at[b, pl.ds(sid * SP, SP)], gv_v.at[lb], sem))
            pre.append(pltpu.async_copy(
                idxt_hbm.at[b, pl.ds(sid * TP, TP)], idxt_v.at[lb], sem))
        pre.append(pltpu.async_copy(
            yaug_hbm.at[core * BPC, pl.ds(sid * UP, UP)], rows_v, sem))
        for h in pre:
            h.wait()
        plsc.subcore_barrier()
        for lb in range(BPC):
            pltpu.sync_copy(rows_v, acc_sh.at[idx_v.at[lb]], add=True)
            if lb + 1 < BPC:
                pltpu.sync_copy(
                    yaug_hbm.at[core * BPC + lb + 1, pl.ds(sid * UP, UP)],
                    rows_v)
        plsc.subcore_barrier()
        for lb in range(BPC):
            b = core * BPC + lb
            pltpu.sync_copy(acc_sh.at[pl.ds(lb * S + sid * SP, SP)], acc_v)
            for r in range(SP):
                lo = acc_v[r, 0:Yd2]
                hi = acc_v[r, Yd2:2 * Yd2]
                avg_v[r, 0:Yd2] = (gv_v[lb, r, :] + lo) / (hi + 1.0)
            pltpu.sync_copy(avg_v,
                            avg_hbm.at[pl.ds(b * S + sid * SP, SP)])
        plsc.subcore_barrier()
        gs = [pltpu.async_copy(avg_hbm.at[idxt_v.at[lb]], trows_v.at[lb],
                               sem) for lb in range(BPC)]
        for h in gs:
            h.wait()
        ws = []
        for lb in range(BPC):
            b = core * BPC + lb
            ws.append(pltpu.async_copy(
                trows_v.at[lb], out_hbm.at[b, pl.ds(sid * TP, TP)], sem))
        for h in ws:
            h.wait()

    return k


@jax.jit
def kernel(xc_off_grid, yc_off_grid, xc_on_grid, yc_on_grid, xt):
    B, U, Yd = yc_off_grid.shape
    _, H, W, _ = xc_on_grid.shape
    S = (H // 2) * (W // 2)
    T = xt.shape[1]
    Yd2 = 2 * Yd

    xg = xc_on_grid.reshape(B, H, W * 2)
    yg = yc_on_grid.reshape(B, H, W * Yd)
    xall = jnp.concatenate([xc_off_grid, xt], axis=1).transpose(0, 2, 1)
    Hc, Wc = H // 2, W // 2

    def spec(shape):
        return pl.BlockSpec((1,) + shape, lambda b: (b, 0, 0))

    gxy_p, gv_p, yaug = pl.pallas_call(
        _coarsen_body,
        grid=(B,),
        in_specs=[spec((H, W * 2)), spec((H, W * Yd)), spec((U, Yd))],
        out_specs=[spec((Hc, Wc * 2)), spec((Hc, Wc * Yd2)),
                   spec((U, 128))],
        out_shape=[
            jax.ShapeDtypeStruct((B, Hc, Wc * 2), jnp.float32),
            jax.ShapeDtypeStruct((B, Hc, Wc * Yd2), jnp.float32),
            jax.ShapeDtypeStruct((B, U, 128), jnp.float32),
        ],
    )(xg, yg, yc_off_grid)
    gxy = gxy_p.reshape(B, S, 2)
    gv16 = gv_p.reshape(B, S, Yd2)

    idx, idxt = pl.pallas_call(
        _make_tc_body(U, 2),
        grid=(B,),
        in_specs=[spec((S, 2)), spec((2, U + T))],
        out_specs=[spec((1, U)), spec((1, T))],
        out_shape=[
            jax.ShapeDtypeStruct((B, 1, U), jnp.int32),
            jax.ShapeDtypeStruct((B, 1, T), jnp.int32),
        ],
    )(gxy, xall)

    idx = idx.reshape(B, U)
    idxt = idxt.reshape(B, T)
    zeros_tab = jnp.zeros((S, 128), jnp.float32)

    out_w, avg_w = _sc_kernel(B, S, U, T, Yd2)(idx, yaug, gv16, idxt,
                                               zeros_tab)
    del avg_w
    return out_w[:, :, :Yd]

# --- scband reference (transcript-rebuilt; emitter-appended) ---
"""Pipeline reference for scband-interp-baseline-encoder-83829171683905 (READ-ONLY COPY).

The authoritative reference and input builder live on the scoring server;
editing this copy changes nothing except your own understanding.
"""

import jax, jax.numpy as jnp
import numpy as np

FACTORS = (2, 2)

def coarsen_grid(g, factors):
    B, H, W, D = g.shape
    fh, fw = factors
    return g.reshape(B, H // fh, fh, W // fw, fw, D).mean(axis=(2, 4))

def flatten_grid(g):
    B = g.shape[0]
    D = g.shape[-1]
    return g.reshape(B, -1, D)

def setup_inputs(seed: int = 0) -> dict:
    key = jax.random.key(seed)
    k1, k2, k3, k4, k5 = jax.random.split(key, 5)
    B, U, H, W, T, Yd = 4, 2048, 64, 64, 2048, 8
    return {
        'xc_off_grid': jax.random.uniform(k1, (B, U, 2), dtype=jnp.float32),
        'yc_off_grid': jax.random.normal(k2, (B, U, Yd), dtype=jnp.float32),
        'xc_on_grid': jax.random.uniform(k3, (B, H, W, 2), dtype=jnp.float32),
        'yc_on_grid': jax.random.normal(k4, (B, H, W, Yd), dtype=jnp.float32),
        'xt': jax.random.uniform(k5, (B, T, 2), dtype=jnp.float32),
    }

def reference(xc_off_grid, yc_off_grid, xc_on_grid, yc_on_grid, xt):
    # used_modality == DataModality.BOTH path
    grid_locations = flatten_grid(coarsen_grid(xc_on_grid, FACTORS))
    grid_values = flatten_grid(coarsen_grid(yc_on_grid, FACTORS))
    B, U, Ydim = yc_off_grid.shape
    S = grid_values.shape[-2]
    nearest_idx = jnp.argmin(jnp.abs(xc_off_grid[..., None, :] - grid_locations[:, None, ...]).sum(axis=-1), axis=2)
    u_batch_idx = jnp.broadcast_to(jnp.arange(B)[:, None], (B, U))
    u_range_idx = jnp.broadcast_to(jnp.arange(U)[None, :], (B, U))
    nearest_mask = jnp.zeros((B, U, S), dtype=jnp.int32).at[u_batch_idx, u_range_idx, nearest_idx].set(1)
    max_patch = U + 1  # +1 because BOTH
    cumcount_idx = jnp.take_along_axis(jnp.cumsum(nearest_mask, axis=1) - 1, nearest_idx[:, :, None], axis=2)[..., 0]
    joint_grid = jnp.full((B, S, max_patch, Ydim), jnp.nan, dtype=yc_off_grid.dtype)
    joint_grid = joint_grid.at[u_batch_idx, nearest_idx, cumcount_idx].set(yc_off_grid)
    joint_grid = joint_grid.at[:, :, -1, :].set(grid_values)
    counts = (~jnp.isnan(joint_grid)).sum(axis=2)
    avg_grid = jnp.nan_to_num(joint_grid).sum(axis=2) / counts
    nearest_idx_t = jnp.argmin(jnp.abs(xt[..., None, :] - grid_locations[:, None, ...]).sum(axis=-1), axis=2)
    t_batch_idx = jnp.broadcast_to(jnp.arange(B)[:, None], (B, xt.shape[1]))
    return avg_grid[t_batch_idx, nearest_idx_t]

if __name__ == "__main__":
    import jax
    _d = setup_inputs()
    print(jax.jit(kernel)(*tuple(_d.values())))

</pallas_src>

<mosaic_0001>
#map = affine_map<(d0, d1) -> (0, 0)>
#map1 = affine_map<(d0, d1) -> (0, 0, 0)>
module attributes {stable_mosaic.version = 14 : i64} {
  func.func @k(%arg0: i32, %arg1: i32, %arg2: memref<4x2048xi32, #tpu.memory_space<hbm>>, %arg3: memref<4x2048x128xf32, #tpu.memory_space<hbm>>, %arg4: memref<4x1024x16xf32, #tpu.memory_space<hbm>>, %arg5: memref<4x2048xi32, #tpu.memory_space<hbm>>, %arg6: memref<1024x128xf32, #tpu.memory_space<hbm>>, %arg7: memref<4x2048x128xf32, #tpu.memory_space<hbm>>, %arg8: memref<4096x128xf32, #tpu.memory_space<hbm>>, %arg9: memref<2x128xi32, #tpu.memory_space<vmem>>, %arg10: memref<128x128xf32, #tpu.memory_space<vmem>>, %arg11: memref<64x128xf32, #tpu.memory_space<vmem>>, %arg12: memref<2x64x16xf32, #tpu.memory_space<vmem>>, %arg13: memref<64x128xf32, #tpu.memory_space<vmem>>, %arg14: memref<2x128xi32, #tpu.memory_space<vmem>>, %arg15: memref<2x128x128xf32, #tpu.memory_space<vmem>>, %arg16: memref<2048x128xf32, #tpu.memory_space<vmem_shared>>, %arg17: memref<!tpu.dma_semaphore, #tpu.memory_space<semaphore_mem>>) attributes {dimension_semantics = [#tpu.dimension_semantics<core_parallel>, #tpu.dimension_semantics<subcore_parallel>], iteration_bounds = array<i64: 2, 16>, scalar_prefetch = 0 : i64, scratch_operands = 9 : i64, tpu.core_type = #tpu.core_type<sc_vector_subcore>, window_params = [{transform_indices = #map}, {transform_indices = #map1}, {transform_indices = #map1}, {transform_indices = #map}, {transform_indices = #map}, {transform_indices = #map1}, {transform_indices = #map}]} {
    %mul3A = arith.constant 2 : i32
    %mul3A_0 = arith.muli %arg0, %mul3A : i32
    %add3A = arith.constant 0 : i32
    %add3A_1 = arith.addi %mul3A_0, %add3A : i32
    %mul3A_2 = arith.constant 64 : i32
    %mul3A_3 = arith.muli %arg1, %mul3A_2 : i32
    %mul3A_4 = arith.constant 64 : i32
    %mul3A_5 = arith.muli %arg1, %mul3A_4 : i32
    %add3A_6 = arith.constant 0 : i32
    %add3A_7 = arith.addi %add3A_6, %mul3A_5 : i32
    %dma_start3A = arith.constant 0 : i32
    %dma_start3A_8 = tpu.memref_slice %arg16[%add3A_7, %dma_start3A] : memref<2048x128xf32, #tpu.memory_space<vmem_shared>> -> memref<64x128xf32, #tpu.memory_space<vmem_shared>>
    %dma_start3A_9 = arith.constant 0 : i32
    %dma_start3A_10 = tpu.memref_slice %arg6[%mul3A_3, %dma_start3A_9] : memref<1024x128xf32, #tpu.memory_space<hbm>> -> memref<64x128xf32, #tpu.memory_space<hbm>>
    tpu.enqueue_dma source(%dma_start3A_10 : memref<64x128xf32, #tpu.memory_space<hbm>>) target(%dma_start3A_8 : memref<64x128xf32, #tpu.memory_space<vmem_shared>>) target_semaphore(%arg17 : memref<!tpu.dma_semaphore, #tpu.memory_space<semaphore_mem>>)
    %mul3A_11 = arith.constant 128 : i32
    %mul3A_12 = arith.muli %arg1, %mul3A_11 : i32
    %dma_start3A_13 = arith.constant 0 : i32
    %dma_start3A_14 = arith.constant 0 : i32
    %dma_start3A_15 = tpu.memref_slice %arg9[%dma_start3A_13, %dma_start3A_14] : memref<2x128xi32, #tpu.memory_space<vmem>> -> memref<1x128xi32, #tpu.memory_space<vmem>>
    %dma_start3A_16 = tpu.memref_squeeze %dma_start3A_15 : memref<1x128xi32, #tpu.memory_space<vmem>> -> memref<128xi32, #tpu.memory_space<vmem>>
    %dma_start3A_17 = tpu.memref_slice %arg2[%add3A_1, %mul3A_12] : memref<4x2048xi32, #tpu.memory_space<hbm>> -> memref<1x128xi32, #tpu.memory_space<hbm>>
    %dma_start3A_18 = tpu.memref_squeeze %dma_start3A_17 : memref<1x128xi32, #tpu.memory_space<hbm>> -> memref<128xi32, #tpu.memory_space<hbm>>
    %dma_start3A_19 = arith.constant 0 : i32
    %dma_start3A_20 = tpu.memref_slice %arg9[%dma_start3A_13, %dma_start3A_19] : memref<2x128xi32, #tpu.memory_space<vmem>> -> memref<1x128xi32, #tpu.memory_space<vmem>>
    %dma_start3A_21 = tpu.memref_squeeze %dma_start3A_20 : memref<1x128xi32, #tpu.memory_space<vmem>> -> memref<128xi32, #tpu.memory_space<vmem>>
    %dma_start3A_22 = tpu.memref_slice %arg2[%add3A_1, %mul3A_12] : memref<4x2048xi32, #tpu.memory_space<hbm>> -> memref<1x128xi32, #tpu.memory_space<hbm>>
    %dma_start3A_23 = tpu.memref_squeeze %dma_start3A_22 : memref<1x128xi32, #tpu.memory_space<hbm>> -> memref<128xi32, #tpu.memory_space<hbm>>
    tpu.enqueue_dma source(%dma_start3A_23 : memref<128xi32, #tpu.memory_space<hbm>>) target(%dma_start3A_21 : memref<128xi32, #tpu.memory_space<vmem>>) target_semaphore(%arg17 : memref<!tpu.dma_semaphore, #tpu.memory_space<semaphore_mem>>)
    %mul3A_24 = arith.constant 64 : i32
    %mul3A_25 = arith.muli %arg1, %mul3A_24 : i32
    %dma_start3A_26 = arith.constant 0 : i32
    %dma_start3A_27 = arith.constant 0 : i32
    %dma_start3A_28 = arith.constant 0 : i32
    %dma_start3A_29 = tpu.memref_slice %arg12[%dma_start3A_26, %dma_start3A_27, %dma_start3A_28] : memref<2x64x16xf32, #tpu.memory_space<vmem>> -> memref<1x64x16xf32, #tpu.memory_space<vmem>>
    %dma_start3A_30 = tpu.memref_squeeze %dma_start3A_29 : memref<1x64x16xf32, #tpu.memory_space<vmem>> -> memref<64x16xf32, #tpu.memory_space<vmem>>
    %dma_start3A_31 = arith.constant 0 : i32
    %dma_start3A_32 = tpu.memref_slice %arg4[%add3A_1, %mul3A_25, %dma_start3A_31] : memref<4x1024x16xf32, #tpu.memory_space<hbm>> -> memref<1x64x16xf32, #tpu.memory_space<hbm>>
    %dma_start3A_33 = tpu.memref_squeeze %dma_start3A_32 : memref<1x64x16xf32, #tpu.memory_space<hbm>> -> memref<64x16xf32, #tpu.memory_space<hbm>>
    %dma_start3A_34 = arith.constant 0 : i32
    %dma_start3A_35 = arith.constant 0 : i32
    %dma_start3A_36 = tpu.memref_slice %arg12[%dma_start3A_26, %dma_start3A_34, %dma_start3A_35] : memref<2x64x16xf32, #tpu.memory_space<vmem>> -> memref<1x64x16xf32, #tpu.memory_space<vmem>>
    %dma_start3A_37 = tpu.memref_squeeze %dma_start3A_36 : memref<1x64x16xf32, #tpu.memory_space<vmem>> -> memref<64x16xf32, #tpu.memory_space<vmem>>
    %dma_start3A_38 = arith.constant 0 : i32
    %dma_start3A_39 = tpu.memref_slice %arg4[%add3A_1, %mul3A_25, %dma_start3A_38] : memref<4x1024x16xf32, #tpu.memory_space<hbm>> -> memref<1x64x16xf32, #tpu.memory_space<hbm>>
    %dma_start3A_40 = tpu.memref_squeeze %dma_start3A_39 : memref<1x64x16xf32, #tpu.memory_space<hbm>> -> memref<64x16xf32, #tpu.memory_space<hbm>>
    tpu.enqueue_dma source(%dma_start3A_40 : memref<64x16xf32, #tpu.memory_space<hbm>>) target(%dma_start3A_37 : memref<64x16xf32, #tpu.memory_space<vmem>>) target_semaphore(%arg17 : memref<!tpu.dma_semaphore, #tpu.memory_space<semaphore_mem>>)
    %mul3A_41 = arith.constant 128 : i32
    %mul3A_42 = arith.muli %arg1, %mul3A_41 : i32
    %dma_start3A_43 = arith.constant 0 : i32
    %dma_start3A_44 = arith.constant 0 : i32
    %dma_start3A_45 = tpu.memref_slice %arg14[%dma_start3A_43, %dma_start3A_44] : memref<2x128xi32, #tpu.memory_space<vmem>> -> memref<1x128xi32, #tpu.memory_space<vmem>>
    %dma_start3A_46 = tpu.memref_squeeze %dma_start3A_45 : memref<1x128xi32, #tpu.memory_space<vmem>> -> memref<128xi32, #tpu.memory_space<vmem>>
    %dma_start3A_47 = tpu.memref_slice %arg5[%add3A_1, %mul3A_42] : memref<4x2048xi32, #tpu.memory_space<hbm>> -> memref<1x128xi32, #tpu.memory_space<hbm>>
    %dma_start3A_48 = tpu.memref_squeeze %dma_start3A_47 : memref<1x128xi32, #tpu.memory_space<hbm>> -> memref<128xi32, #tpu.memory_space<hbm>>
    %dma_start3A_49 = arith.constant 0 : i32
    %dma_start3A_50 = tpu.memref_slice %arg14[%dma_start3A_43, %dma_start3A_49] : memref<2x128xi32, #tpu.memory_space<vmem>> -> memref<1x128xi32, #tpu.memory_space<vmem>>
    %dma_start3A_51 = tpu.memref_squeeze %dma_start3A_50 : memref<1x128xi32, #tpu.memory_space<vmem>> -> memref<128xi32, #tpu.memory_space<vmem>>
    %dma_start3A_52 = tpu.memref_slice %arg5[%add3A_1, %mul3A_42] : memref<4x2048xi32, #tpu.memory_space<hbm>> -> memref<1x128xi32, #tpu.memory_space<hbm>>
    %dma_start3A_53 = tpu.memref_squeeze %dma_start3A_52 : memref<1x128xi32, #tpu.memory_space<hbm>> -> memref<128xi32, #tpu.memory_space<hbm>>
    tpu.enqueue_dma source(%dma_start3A_53 : memref<128xi32, #tpu.memory_space<hbm>>) target(%dma_start3A_51 : memref<128xi32, #tpu.memory_space<vmem>>) target_semaphore(%arg17 : memref<!tpu.dma_semaphore, #tpu.memory_space<semaphore_mem>>)
    %mul3A_54 = arith.constant 2 : i32
    %mul3A_55 = arith.muli %arg0, %mul3A_54 : i32
    %add3A_56 = arith.constant 1 : i32
    %add3A_57 = arith.addi %mul3A_55, %add3A_56 : i32
    %mul3A_58 = arith.constant 64 : i32
    %mul3A_59 = arith.muli %arg1, %mul3A_58 : i32
    %mul3A_60 = arith.constant 64 : i32
    %mul3A_61 = arith.muli %arg1, %mul3A_60 : i32
    %add3A_62 = arith.constant 1024 : i32
    %add3A_63 = arith.addi %add3A_62, %mul3A_61 : i32
    %dma_start3A_64 = arith.constant 0 : i32
    %dma_start3A_65 = tpu.memref_slice %arg16[%add3A_63, %dma_start3A_64] : memref<2048x128xf32, #tpu.memory_space<vmem_shared>> -> memref<64x128xf32, #tpu.memory_space<vmem_shared>>
    %dma_start3A_66 = arith.constant 0 : i32
    %dma_start3A_67 = tpu.memref_slice %arg6[%mul3A_59, %dma_start3A_66] : memref<1024x128xf32, #tpu.memory_space<hbm>> -> memref<64x128xf32, #tpu.memory_space<hbm>>
    tpu.enqueue_dma source(%dma_start3A_67 : memref<64x128xf32, #tpu.memory_space<hbm>>) target(%dma_start3A_65 : memref<64x128xf32, #tpu.memory_space<vmem_shared>>) target_semaphore(%arg17 : memref<!tpu.dma_semaphore, #tpu.memory_space<semaphore_mem>>)
    %mul3A_68 = arith.constant 128 : i32
    %mul3A_69 = arith.muli %arg1, %mul3A_68 : i32
    %dma_start3A_70 = arith.constant 1 : i32
    %dma_start3A_71 = arith.constant 0 : i32
    %dma_start3A_72 = tpu.memref_slice %arg9[%dma_start3A_70, %dma_start3A_71] : memref<2x128xi32, #tpu.memory_space<vmem>> -> memref<1x128xi32, #tpu.memory_space<vmem>>
    %dma_start3A_73 = tpu.memref_squeeze %dma_start3A_72 : memref<1x128xi32, #tpu.memory_space<vmem>> -> memref<128xi32, #tpu.memory_space<vmem>>
    %dma_start3A_74 = tpu.memref_slice %arg2[%add3A_57, %mul3A_69] : memref<4x2048xi32, #tpu.memory_space<hbm>> -> memref<1x128xi32, #tpu.memory_space<hbm>>
    %dma_start3A_75 = tpu.memref_squeeze %dma_start3A_74 : memref<1x128xi32, #tpu.memory_space<hbm>> -> memref<128xi32, #tpu.memory_space<hbm>>
    %dma_start3A_76 = arith.constant 0 : i32
    %dma_start3A_77 = tpu.memref_slice %arg9[%dma_start3A_70, %dma_start3A_76] : memref<2x128xi32, #tpu.memory_space<vmem>> -> memref<1x128xi32, #tpu.memory_space<vmem>>
    %dma_start3A_78 = tpu.memref_squeeze %dma_start3A_77 : memref<1x128xi32, #tpu.memory_space<vmem>> -> memref<128xi32, #tpu.memory_space<vmem>>
    %dma_start3A_79 = tpu.memref_slice %arg2[%add3A_57, %mul3A_69] : memref<4x2048xi32, #tpu.memory_space<hbm>> -> memref<1x128xi32, #tpu.memory_space<hbm>>
    %dma_start3A_80 = tpu.memref_squeeze %dma_start3A_79 : memref<1x128xi32, #tpu.memory_space<hbm>> -> memref<128xi32, #tpu.memory_space<hbm>>
    tpu.enqueue_dma source(%dma_start3A_80 : memref<128xi32, #tpu.memory_space<hbm>>) target(%dma_start3A_78 : memref<128xi32, #tpu.memory_space<vmem>>) target_semaphore(%arg17 : memref<!tpu.dma_semaphore, #tpu.memory_space<semaphore_mem>>)
    %mul3A_81 = arith.constant 64 : i32
    %mul3A_82 = arith.muli %arg1, %mul3A_81 : i32
    %dma_start3A_83 = arith.constant 1 : i32
    %dma_start3A_84 = arith.constant 0 : i32
    %dma_start3A_85 = arith.constant 0 : i32
    %dma_start3A_86 = tpu.memref_slice %arg12[%dma_start3A_83, %dma_start3A_84, %dma_start3A_85] : memref<2x64x16xf32, #tpu.memory_space<vmem>> -> memref<1x64x16xf32, #tpu.memory_space<vmem>>
    %dma_start3A_87 = tpu.memref_squeeze %dma_start3A_86 : memref<1x64x16xf32, #tpu.memory_space<vmem>> -> memref<64x16xf32, #tpu.memory_space<vmem>>
    %dma_start3A_88 = arith.constant 0 : i32
    %dma_start3A_89 = tpu.memref_slice %arg4[%add3A_57, %mul3A_82, %dma_start3A_88] : memref<4x1024x16xf32, #tpu.memory_space<hbm>> -> memref<1x64x16xf32, #tpu.memory_space<hbm>>
    %dma_start3A_90 = tpu.memref_squeeze %dma_start3A_89 : memref<1x64x16xf32, #tpu.memory_space<hbm>> -> memref<64x16xf32, #tpu.memory_space<hbm>>
    %dma_start3A_91 = arith.constant 0 : i32
    %dma_start3A_92 = arith.constant 0 : i32
    %dma_start3A_93 = tpu.memref_slice %arg12[%dma_start3A_83, %dma_start3A_91, %dma_start3A_92] : memref<2x64x16xf32, #tpu.memory_space<vmem>> -> memref<1x64x16xf32, #tpu.memory_space<vmem>>
    %dma_start3A_94 = tpu.memref_squeeze %dma_start3A_93 : memref<1x64x16xf32, #tpu.memory_space<vmem>> -> memref<64x16xf32, #tpu.memory_space<vmem>>
    %dma_start3A_95 = arith.constant 0 : i32
    %dma_start3A_96 = tpu.memref_slice %arg4[%add3A_57, %mul3A_82, %dma_start3A_95] : memref<4x1024x16xf32, #tpu.memory_space<hbm>> -> memref<1x64x16xf32, #tpu.memory_space<hbm>>
    %dma_start3A_97 = tpu.memref_squeeze %dma_start3A_96 : memref<1x64x16xf32, #tpu.memory_space<hbm>> -> memref<64x16xf32, #tpu.memory_space<hbm>>
    tpu.enqueue_dma source(%dma_start3A_97 : memref<64x16xf32, #tpu.memory_space<hbm>>) target(%dma_start3A_94 : memref<64x16xf32, #tpu.memory_space<vmem>>) target_semaphore(%arg17 : memref<!tpu.dma_semaphore, #tpu.memory_space<semaphore_mem>>)
    %mul3A_98 = arith.constant 128 : i32
    %mul3A_99 = arith.muli %arg1, %mul3A_98 : i32
    %dma_start3A_100 = arith.constant 1 : i32
    %dma_start3A_101 = arith.constant 0 : i32
    %dma_start3A_102 = tpu.memref_slice %arg14[%dma_start3A_100, %dma_start3A_101] : memref<2x128xi32, #tpu.memory_space<vmem>> -> memref<1x128xi32, #tpu.memory_space<vmem>>
    %dma_start3A_103 = tpu.memref_squeeze %dma_start3A_102 : memref<1x128xi32, #tpu.memory_space<vmem>> -> memref<128xi32, #tpu.memory_space<vmem>>
    %dma_start3A_104 = tpu.memref_slice %arg5[%add3A_57, %mul3A_99] : memref<4x2048xi32, #tpu.memory_space<hbm>> -> memref<1x128xi32, #tpu.memory_space<hbm>>
    %dma_start3A_105 = tpu.memref_squeeze %dma_start3A_104 : memref<1x128xi32, #tpu.memory_space<hbm>> -> memref<128xi32, #tpu.memory_space<hbm>>
    %dma_start3A_106 = arith.constant 0 : i32
    %dma_start3A_107 = tpu.memref_slice %arg14[%dma_start3A_100, %dma_start3A_106] : memref<2x128xi32, #tpu.memory_space<vmem>> -> memref<1x128xi32, #tpu.memory_space<vmem>>
    %dma_start3A_108 = tpu.memref_squeeze %dma_start3A_107 : memref<1x128xi32, #tpu.memory_space<vmem>> -> memref<128xi32, #tpu.memory_space<vmem>>
    %dma_start3A_109 = tpu.memref_slice %arg5[%add3A_57, %mul3A_99] : memref<4x2048xi32, #tpu.memory_space<hbm>> -> memref<1x128xi32, #tpu.memory_space<hbm>>
    %dma_start3A_110 = tpu.memref_squeeze %dma_start3A_109 : memref<1x128xi32, #tpu.memory_space<hbm>> -> memref<128xi32, #tpu.memory_space<hbm>>
    tpu.enqueue_dma source(%dma_start3A_110 : memref<128xi32, #tpu.memory_space<hbm>>) target(%dma_start3A_108 : memref<128xi32, #tpu.memory_space<vmem>>) target_semaphore(%arg17 : memref<!tpu.dma_semaphore, #tpu.memory_space<semaphore_mem>>)
    %mul3A_111 = arith.constant 2 : i32
    %mul3A_112 = arith.muli %arg0, %mul3A_111 : i32
    %mul3A_113 = arith.constant 128 : i32
    %mul3A_114 = arith.muli %arg1, %mul3A_113 : i32
    %dma_start3A_115 = arith.constant 0 : i32
    %dma_start3A_116 = tpu.memref_slice %arg3[%mul3A_112, %mul3A_114, %dma_start3A_115] : memref<4x2048x128xf32, #tpu.memory_space<hbm>> -> memref<1x128x128xf32, #tpu.memory_space<hbm>>
    %dma_start3A_117 = tpu.memref_squeeze %dma_start3A_116 : memref<1x128x128xf32, #tpu.memory_space<hbm>> -> memref<128x128xf32, #tpu.memory_space<hbm>>
    %dma_start3A_118 = arith.constant 0 : i32
    %dma_start3A_119 = tpu.memref_slice %arg3[%mul3A_112, %mul3A_114, %dma_start3A_118] : memref<4x2048x128xf32, #tpu.memory_space<hbm>> -> memref<1x128x128xf32, #tpu.memory_space<hbm>>
    %dma_start3A_120 = tpu.memref_squeeze %dma_start3A_119 : memref<1x128x128xf32, #tpu.memory_space<hbm>> -> memref<128x128xf32, #tpu.memory_space<hbm>>
    tpu.enqueue_dma source(%dma_start3A_120 : memref<128x128xf32, #tpu.memory_space<hbm>>) target(%arg10 : memref<128x128xf32, #tpu.memory_space<vmem>>) target_semaphore(%arg17 : memref<!tpu.dma_semaphore, #tpu.memory_space<semaphore_mem>>)
    %dma_wait3A = arith.constant 0 : i32
    %dma_wait3A_121 = tpu.memref_slice %arg16[%add3A_7, %dma_wait3A] : memref<2048x128xf32, #tpu.memory_space<vmem_shared>> -> memref<64x128xf32, #tpu.memory_space<vmem_shared>>
    %dma_wait3A_122 = arith.constant 0 : i32
    %dma_wait3A_123 = tpu.memref_slice %arg6[%mul3A_3, %dma_wait3A_122] : memref<1024x128xf32, #tpu.memory_space<hbm>> -> memref<64x128xf32, #tpu.memory_space<hbm>>
    tpu.wait_dma2 semaphore(%arg17 : memref<!tpu.dma_semaphore, #tpu.memory_space<semaphore_mem>>) src(%dma_wait3A_123 : memref<64x128xf32, #tpu.memory_space<hbm>>) dst(%dma_wait3A_121 : memref<64x128xf32, #tpu.memory_space<vmem_shared>>)
    %dma_wait3A_124 = arith.constant 0 : i32
    %dma_wait3A_125 = arith.constant 0 : i32
    %dma_wait3A_126 = tpu.memref_slice %arg9[%dma_wait3A_124, %dma_wait3A_125] : memref<2x128xi32, #tpu.memory_space<vmem>> -> memref<1x128xi32, #tpu.memory_space<vmem>>
    %dma_wait3A_127 = tpu.memref_squeeze %dma_wait3A_126 : memref<1x128xi32, #tpu.memory_space<vmem>> -> memref<128xi32, #tpu.memory_space<vmem>>
    %dma_wait3A_128 = tpu.memref_slice %arg2[%add3A_1, %mul3A_12] : memref<4x2048xi32, #tpu.memory_space<hbm>> -> memref<1x128xi32, #tpu.memory_space<hbm>>
    %dma_wait3A_129 = tpu.memref_squeeze %dma_wait3A_128 : memref<1x128xi32, #tpu.memory_space<hbm>> -> memref<128xi32, #tpu.memory_space<hbm>>
    %dma_wait3A_130 = arith.constant 0 : i32
    %dma_wait3A_131 = tpu.memref_slice %arg9[%dma_wait3A_124, %dma_wait3A_130] : memref<2x128xi32, #tpu.memory_space<vmem>> -> memref<1x128xi32, #tpu.memory_space<vmem>>
    %dma_wait3A_132 = tpu.memref_squeeze %dma_wait3A_131 : memref<1x128xi32, #tpu.memory_space<vmem>> -> memref<128xi32, #tpu.memory_space<vmem>>
    %dma_wait3A_133 = tpu.memref_slice %arg2[%add3A_1, %mul3A_12] : memref<4x2048xi32, #tpu.memory_space<hbm>> -> memref<1x128xi32, #tpu.memory_space<hbm>>
    %dma_wait3A_134 = tpu.memref_squeeze %dma_wait3A_133 : memref<1x128xi32, #tpu.memory_space<hbm>> -> memref<128xi32, #tpu.memory_space<hbm>>
    tpu.wait_dma2 semaphore(%arg17 : memref<!tpu.dma_semaphore, #tpu.memory_space<semaphore_mem>>) src(%dma_wait3A_134 : memref<128xi32, #tpu.memory_space<hbm>>) dst(%dma_wait3A_132 : memref<128xi32, #tpu.memory_space<vmem>>)
    %dma_wait3A_135 = arith.constant 0 : i32
    %dma_wait3A_136 = arith.constant 0 : i32
    %dma_wait3A_137 = arith.constant 0 : i32
    %dma_wait3A_138 = tpu.memref_slice %arg12[%dma_wait3A_135, %dma_wait3A_136, %dma_wait3A_137] : memref<2x64x16xf32, #tpu.memory_space<vmem>> -> memref<1x64x16xf32, #tpu.memory_space<vmem>>
    %dma_wait3A_139 = tpu.memref_squeeze %dma_wait3A_138 : memref<1x64x16xf32, #tpu.memory_space<vmem>> -> memref<64x16xf32, #tpu.memory_space<vmem>>
    %dma_wait3A_140 = arith.constant 0 : i32
    %dma_wait3A_141 = tpu.memref_slice %arg4[%add3A_1, %mul3A_25, %dma_wait3A_140] : memref<4x1024x16xf32, #tpu.memory_space<hbm>> -> memref<1x64x16xf32, #tpu.memory_space<hbm>>
    %dma_wait3A_142 = tpu.memref_squeeze %dma_wait3A_141 : memref<1x64x16xf32, #tpu.memory_space<hbm>> -> memref<64x16xf32, #tpu.memory_space<hbm>>
    %dma_wait3A_143 = arith.constant 0 : i32
    %dma_wait3A_144 = arith.constant 0 : i32
    %dma_wait3A_145 = tpu.memref_slice %arg12[%dma_wait3A_135, %dma_wait3A_143, %dma_wait3A_144] : memref<2x64x16xf32, #tpu.memory_space<vmem>> -> memref<1x64x16xf32, #tpu.memory_space<vmem>>
    %dma_wait3A_146 = tpu.memref_squeeze %dma_wait3A_145 : memref<1x64x16xf32, #tpu.memory_space<vmem>> -> memref<64x16xf32, #tpu.memory_space<vmem>>
    %dma_wait3A_147 = arith.constant 0 : i32
    %dma_wait3A_148 = tpu.memref_slice %arg4[%add3A_1, %mul3A_25, %dma_wait3A_147] : memref<4x1024x16xf32, #tpu.memory_space<hbm>> -> memref<1x64x16xf32, #tpu.memory_space<hbm>>
    %dma_wait3A_149 = tpu.memref_squeeze %dma_wait3A_148 : memref<1x64x16xf32, #tpu.memory_space<hbm>> -> memref<64x16xf32, #tpu.memory_space<hbm>>
    tpu.wait_dma2 semaphore(%arg17 : memref<!tpu.dma_semaphore, #tpu.memory_space<semaphore_mem>>) src(%dma_wait3A_149 : memref<64x16xf32, #tpu.memory_space<hbm>>) dst(%dma_wait3A_146 : memref<64x16xf32, #tpu.memory_space<vmem>>)
    %dma_wait3A_150 = arith.constant 0 : i32
    %dma_wait3A_151 = arith.constant 0 : i32
    %dma_wait3A_152 = tpu.memref_slice %arg14[%dma_wait3A_150, %dma_wait3A_151] : memref<2x128xi32, #tpu.memory_space<vmem>> -> memref<1x128xi32, #tpu.memory_space<vmem>>
    %dma_wait3A_153 = tpu.memref_squeeze %dma_wait3A_152 : memref<1x128xi32, #tpu.memory_space<vmem>> -> memref<128xi32, #tpu.memory_space<vmem>>
    %dma_wait3A_154 = tpu.memref_slice %arg5[%add3A_1, %mul3A_42] : memref<4x2048xi32, #tpu.memory_space<hbm>> -> memref<1x128xi32, #tpu.memory_space<hbm>>
    %dma_wait3A_155 = tpu.memref_squeeze %dma_wait3A_154 : memref<1x128xi32, #tpu.memory_space<hbm>> -> memref<128xi32, #tpu.memory_space<hbm>>
    %dma_wait3A_156 = arith.constant 0 : i32
    %dma_wait3A_157 = tpu.memref_slice %arg14[%dma_wait3A_150, %dma_wait3A_156] : memref<2x128xi32, #tpu.memory_space<vmem>> -> memref<1x128xi32, #tpu.memory_space<vmem>>
    %dma_wait3A_158 = tpu.memref_squeeze %dma_wait3A_157 : memref<1x128xi32, #tpu.memory_space<vmem>> -> memref<128xi32, #tpu.memory_space<vmem>>
    %dma_wait3A_159 = tpu.memref_slice %arg5[%add3A_1, %mul3A_42] : memref<4x2048xi32, #tpu.memory_space<hbm>> -> memref<1x128xi32, #tpu.memory_space<hbm>>
    %dma_wait3A_160 = tpu.memref_squeeze %dma_wait3A_159 : memref<1x128xi32, #tpu.memory_space<hbm>> -> memref<128xi32, #tpu.memory_space<hbm>>
    tpu.wait_dma2 semaphore(%arg17 : memref<!tpu.dma_semaphore, #tpu.memory_space<semaphore_mem>>) src(%dma_wait3A_160 : memref<128xi32, #tpu.memory_space<hbm>>) dst(%dma_wait3A_158 : memref<128xi32, #tpu.memory_space<vmem>>)
    %dma_wait3A_161 = arith.constant 0 : i32
    %dma_wait3A_162 = tpu.memref_slice %arg16[%add3A_63, %dma_wait3A_161] : memref<2048x128xf32, #tpu.memory_space<vmem_shared>> -> memref<64x128xf32, #tpu.memory_space<vmem_shared>>
    %dma_wait3A_163 = arith.constant 0 : i32
    %dma_wait3A_164 = tpu.memref_slice %arg6[%mul3A_59, %dma_wait3A_163] : memref<1024x128xf32, #tpu.memory_space<hbm>> -> memref<64x128xf32, #tpu.memory_space<hbm>>
    tpu.wait_dma2 semaphore(%arg17 : memref<!tpu.dma_semaphore, #tpu.memory_space<semaphore_mem>>) src(%dma_wait3A_164 : memref<64x128xf32, #tpu.memory_space<hbm>>) dst(%dma_wait3A_162 : memref<64x128xf32, #tpu.memory_space<vmem_shared>>)
    %dma_wait3A_165 = arith.constant 1 : i32
    %dma_wait3A_166 = arith.constant 0 : i32
    %dma_wait3A_167 = tpu.memref_slice %arg9[%dma_wait3A_165, %dma_wait3A_166] : memref<2x128xi32, #tpu.memory_space<vmem>> -> memref<1x128xi32, #tpu.memory_space<vmem>>
    %dma_wait3A_168 = tpu.memref_squeeze %dma_wait3A_167 : memref<1x128xi32, #tpu.memory_space<vmem>> -> memref<128xi32, #tpu.memory_space<vmem>>
    %dma_wait3A_169 = tpu.memref_slice %arg2[%add3A_57, %mul3A_69] : memref<4x2048xi32, #tpu.memory_space<hbm>> -> memref<1x128xi32, #tpu.memory_space<hbm>>
    %dma_wait3A_170 = tpu.memref_squeeze %dma_wait3A_169 : memref<1x128xi32, #tpu.memory_space<hbm>> -> memref<128xi32, #tpu.memory_space<hbm>>
    %dma_wait3A_171 = arith.constant 0 : i32
    %dma_wait3A_172 = tpu.memref_slice %arg9[%dma_wait3A_165, %dma_wait3A_171] : memref<2x128xi32, #tpu.memory_space<vmem>> -> memref<1x128xi32, #tpu.memory_space<vmem>>
    %dma_wait3A_173 = tpu.memref_squeeze %dma_wait3A_172 : memref<1x128xi32, #tpu.memory_space<vmem>> -> memref<128xi32, #tpu.memory_space<vmem>>
    %dma_wait3A_174 = tpu.memref_slice %arg2[%add3A_57, %mul3A_69] : memref<4x2048xi32, #tpu.memory_space<hbm>> -> memref<1x128xi32, #tpu.memory_space<hbm>>
    %dma_wait3A_175 = tpu.memref_squeeze %dma_wait3A_174 : memref<1x128xi32, #tpu.memory_space<hbm>> -> memref<128xi32, #tpu.memory_space<hbm>>
    tpu.wait_dma2 semaphore(%arg17 : memref<!tpu.dma_semaphore, #tpu.memory_space<semaphore_mem>>) src(%dma_wait3A_175 : memref<128xi32, #tpu.memory_space<hbm>>) dst(%dma_wait3A_173 : memref<128xi32, #tpu.memory_space<vmem>>)
    %dma_wait3A_176 = arith.constant 1 : i32
    %dma_wait3A_177 = arith.constant 0 : i32
    %dma_wait3A_178 = arith.constant 0 : i32
    %dma_wait3A_179 = tpu.memref_slice %arg12[%dma_wait3A_176, %dma_wait3A_177, %dma_wait3A_178] : memref<2x64x16xf32, #tpu.memory_space<vmem>> -> memref<1x64x16xf32, #tpu.memory_space<vmem>>
    %dma_wait3A_180 = tpu.memref_squeeze %dma_wait3A_179 : memref<1x64x16xf32, #tpu.memory_space<vmem>> -> memref<64x16xf32, #tpu.memory_space<vmem>>
    %dma_wait3A_181 = arith.constant 0 : i32
    %dma_wait3A_182 = tpu.memref_slice %arg4[%add3A_57, %mul3A_82, %dma_wait3A_181] : memref<4x1024x16xf32, #tpu.memory_space<hbm>> -> memref<1x64x16xf32, #tpu.memory_space<hbm>>
    %dma_wait3A_183 = tpu.memref_squeeze %dma_wait3A_182 : memref<1x64x16xf32, #tpu.memory_space<hbm>> -> memref<64x16xf32, #tpu.memory_space<hbm>>
    %dma_wait3A_184 = arith.constant 0 : i32
    %dma_wait3A_185 = arith.constant 0 : i32
    %dma_wait3A_186 = tpu.memref_slice %arg12[%dma_wait3A_176, %dma_wait3A_184, %dma_wait3A_185] : memref<2x64x16xf32, #tpu.memory_space<vmem>> -> memref<1x64x16xf32, #tpu.memory_space<vmem>>
    %dma_wait3A_187 = tpu.memref_squeeze %dma_wait3A_186 : memref<1x64x16xf32, #tpu.memory_space<vmem>> -> memref<64x16xf32, #tpu.memory_space<vmem>>
    %dma_wait3A_188 = arith.constant 0 : i32
    %dma_wait3A_189 = tpu.memref_slice %arg4[%add3A_57, %mul3A_82, %dma_wait3A_188] : memref<4x1024x16xf32, #tpu.memory_space<hbm>> -> memref<1x64x16xf32, #tpu.memory_space<hbm>>
    %dma_wait3A_190 = tpu.memref_squeeze %dma_wait3A_189 : memref<1x64x16xf32, #tpu.memory_space<hbm>> -> memref<64x16xf32, #tpu.memory_space<hbm>>
    tpu.wait_dma2 semaphore(%arg17 : memref<!tpu.dma_semaphore, #tpu.memory_space<semaphore_mem>>) src(%dma_wait3A_190 : memref<64x16xf32, #tpu.memory_space<hbm>>) dst(%dma_wait3A_187 : memref<64x16xf32, #tpu.memory_space<vmem>>)
    %dma_wait3A_191 = arith.constant 1 : i32
    %dma_wait3A_192 = arith.constant 0 : i32
    %dma_wait3A_193 = tpu.memref_slice %arg14[%dma_wait3A_191, %dma_wait3A_192] : memref<2x128xi32, #tpu.memory_space<vmem>> -> memref<1x128xi32, #tpu.memory_space<vmem>>
    %dma_wait3A_194 = tpu.memref_squeeze %dma_wait3A_193 : memref<1x128xi32, #tpu.memory_space<vmem>> -> memref<128xi32, #tpu.memory_space<vmem>>
    %dma_wait3A_195 = tpu.memref_slice %arg5[%add3A_57, %mul3A_99] : memref<4x2048xi32, #tpu.memory_space<hbm>> -> memref<1x128xi32, #tpu.memory_space<hbm>>
    %dma_wait3A_196 = tpu.memref_squeeze %dma_wait3A_195 : memref<1x128xi32, #tpu.memory_space<hbm>> -> memref<128xi32, #tpu.memory_space<hbm>>
    %dma_wait3A_197 = arith.constant 0 : i32
    %dma_wait3A_198 = tpu.memref_slice %arg14[%dma_wait3A_191, %dma_wait3A_197] : memref<2x128xi32, #tpu.memory_space<vmem>> -> memref<1x128xi32, #tpu.memory_space<vmem>>
    %dma_wait3A_199 = tpu.memref_squeeze %dma_wait3A_198 : memref<1x128xi32, #tpu.memory_space<vmem>> -> memref<128xi32, #tpu.memory_space<vmem>>
    %dma_wait3A_200 = tpu.memref_slice %arg5[%add3A_57, %mul3A_99] : memref<4x2048xi32, #tpu.memory_space<hbm>> -> memref<1x128xi32, #tpu.memory_space<hbm>>
    %dma_wait3A_201 = tpu.memref_squeeze %dma_wait3A_200 : memref<1x128xi32, #tpu.memory_space<hbm>> -> memref<128xi32, #tpu.memory_space<hbm>>
    tpu.wait_dma2 semaphore(%arg17 : memref<!tpu.dma_semaphore, #tpu.memory_space<semaphore_mem>>) src(%dma_wait3A_201 : memref<128xi32, #tpu.memory_space<hbm>>) dst(%dma_wait3A_199 : memref<128xi32, #tpu.memory_space<vmem>>)
    %dma_wait3A_202 = arith.constant 0 : i32
    %dma_wait3A_203 = tpu.memref_slice %arg3[%mul3A_112, %mul3A_114, %dma_wait3A_202] : memref<4x2048x128xf32, #tpu.memory_space<hbm>> -> memref<1x128x128xf32, #tpu.memory_space<hbm>>
    %dma_wait3A_204 = tpu.memref_squeeze %dma_wait3A_203 : memref<1x128x128xf32, #tpu.memory_space<hbm>> -> memref<128x128xf32, #tpu.memory_space<hbm>>
    %dma_wait3A_205 = arith.constant 0 : i32
    %dma_wait3A_206 = tpu.memref_slice %arg3[%mul3A_112, %mul3A_114, %dma_wait3A_205] : memref<4x2048x128xf32, #tpu.memory_space<hbm>> -> memref<1x128x128xf32, #tpu.memory_space<hbm>>
    %dma_wait3A_207 = tpu.memref_squeeze %dma_wait3A_206 : memref<1x128x128xf32, #tpu.memory_space<hbm>> -> memref<128x128xf32, #tpu.memory_space<hbm>>
    tpu.wait_dma2 semaphore(%arg17 : memref<!tpu.dma_semaphore, #tpu.memory_space<semaphore_mem>>) src(%dma_wait3A_207 : memref<128x128xf32, #tpu.memory_space<hbm>>) dst(%arg10 : memref<128x128xf32, #tpu.memory_space<vmem>>)
    %barrier3A = arith.constant 0 : index
    tpu.barrier barrier_id(%barrier3A)
    %run_scoped3A = arith.constant 0 : i32
    "tpu.region"() ({
      %run_scoped3A_3946 = tpu.sem_alloc : memref<!tpu.dma_semaphore, #tpu.memory_space<semaphore_mem>>
      %dma_start3A_3947 = arith.constant 0 : i32
      %dma_start3A_3948 = tpu.memref_slice %arg9[%run_scoped3A, %dma_start3A_3947] : memref<2x128xi32, #tpu.memory_space<vmem>> -> memref<1x128xi32, #tpu.memory_space<vmem>>
      %dma_start3A_3949 = tpu.memref_squeeze %dma_start3A_3948 : memref<1x128xi32, #tpu.memory_space<vmem>> -> memref<128xi32, #tpu.memory_space<vmem>>
      %dma_start3A_3950 = arith.constant 0 : i32
      %dma_start3A_3951 = arith.constant 0 : i32
      %dma_start3A_3952 = tpu.memref_slice %arg16[%dma_start3A_3950, %dma_start3A_3951] : memref<2048x128xf32, #tpu.memory_space<vmem_shared>> -> memref<2048x128xf32, #tpu.memory_space<vmem_shared>>
      tpu.enqueue_indirect_dma source(%arg10 : memref<128x128xf32, #tpu.memory_space<vmem>>) target(%dma_start3A_3952 : memref<2048x128xf32, #tpu.memory_space<vmem_shared>>) offsets(%dma_start3A_3949 : memref<128xi32, #tpu.memory_space<vmem>>) semaphore(%run_scoped3A_3946 : memref<!tpu.dma_semaphore, #tpu.memory_space<semaphore_mem>>) {add = true}
      %dma_wait3A_3953 = arith.constant 0 : i32
      %dma_wait3A_3954 = tpu.memref_slice %arg9[%run_scoped3A, %dma_wait3A_3953] : memref<2x128xi32, #tpu.memory_space<vmem>> -> memref<1x128xi32, #tpu.memory_space<vmem>>
      %dma_wait3A_3955 = tpu.memref_squeeze %dma_wait3A_3954 : memref<1x128xi32, #tpu.memory_space<vmem>> -> memref<128xi32, #tpu.memory_space<vmem>>
      %dma_wait3A_3956 = arith.constant 0 : i32
      %dma_wait3A_3957 = arith.constant 0 : i32
      %dma_wait3A_3958 = tpu.memref_slice %arg16[%dma_wait3A_3956, %dma_wait3A_3957] : memref<2048x128xf32, #tpu.memory_space<vmem_shared>> -> memref<2048x128xf32, #tpu.memory_space<vmem_shared>>
      tpu.wait_indirect_dma semaphore(%run_scoped3A_3946 : memref<!tpu.dma_semaphore, #tpu.memory_space<semaphore_mem>>) src(%arg10 : memref<128x128xf32, #tpu.memory_space<vmem>>) dst(%dma_wait3A_3958 : memref<2048x128xf32, #tpu.memory_space<vmem_shared>>)
      tpu.yield
    }) : () -> ()
    %mul3A_208 = arith.constant 2 : i32
    %mul3A_209 = arith.muli %arg0, %mul3A_208 : i32
    %add3A_210 = arith.constant 0 : i32
    %add3A_211 = arith.addi %mul3A_209, %add3A_210 : i32
    %add3A_212 = arith.constant 1 : i32
    %add3A_213 = arith.addi %add3A_211, %add3A_212 : i32
    %mul3A_214 = arith.constant 128 : i32
    %mul3A_215 = arith.muli %arg1, %mul3A_214 : i32
    "tpu.region"() ({
      %run_scoped3A_3946 = tpu.sem_alloc : memref<!tpu.dma_semaphore, #tpu.memory_space<semaphore_mem>>
      %dma_start3A_3947 = arith.constant 0 : i32
      %dma_start3A_3948 = tpu.memref_slice %arg3[%add3A_213, %mul3A_215, %dma_start3A_3947] : memref<4x2048x128xf32, #tpu.memory_space<hbm>> -> memref<1x128x128xf32, #tpu.memory_space<hbm>>
      %dma_start3A_3949 = tpu.memref_squeeze %dma_start3A_3948 : memref<1x128x128xf32, #tpu.memory_space<hbm>> -> memref<128x128xf32, #tpu.memory_space<hbm>>
      %dma_start3A_3950 = arith.constant 0 : i32
      %dma_start3A_3951 = tpu.memref_slice %arg3[%add3A_213, %mul3A_215, %dma_start3A_3950] : memref<4x2048x128xf32, #tpu.memory_space<hbm>> -> memref<1x128x128xf32, #tpu.memory_space<hbm>>
      %dma_start3A_3952 = tpu.memref_squeeze %dma_start3A_3951 : memref<1x128x128xf32, #tpu.memory_space<hbm>> -> memref<128x128xf32, #tpu.memory_space<hbm>>
      tpu.enqueue_dma source(%dma_start3A_3952 : memref<128x128xf32, #tpu.memory_space<hbm>>) target(%arg10 : memref<128x128xf32, #tpu.memory_space<vmem>>) target_semaphore(%run_scoped3A_3946 : memref<!tpu.dma_semaphore, #tpu.memory_space<semaphore_mem>>)
      %dma_wait3A_3953 = arith.constant 0 : i32
      %dma_wait3A_3954 = tpu.memref_slice %arg3[%add3A_213, %mul3A_215, %dma_wait3A_3953] : memref<4x2048x128xf32, #tpu.memory_space<hbm>> -> memref<1x128x128xf32, #tpu.memory_space<hbm>>
      %dma_wait3A_3955 = tpu.memref_squeeze %dma_wait3A_3954 : memref<1x128x128xf32, #tpu.memory_space<hbm>> -> memref<128x128xf32, #tpu.memory_space<hbm>>
      %dma_wait3A_3956 = arith.constant 0 : i32
      %dma_wait3A_3957 = tpu.memref_slice %arg3[%add3A_213, %mul3A_215, %dma_wait3A_3956] : memref<4x2048x128xf32, #tpu.memory_space<hbm>> -> memref<1x128x128xf32, #tpu.memory_space<hbm>>
      %dma_wait3A_3958 = tpu.memref_squeeze %dma_wait3A_3957 : memref<1x128x128xf32, #tpu.memory_space<hbm>> -> memref<128x128xf32, #tpu.memory_space<hbm>>
      tpu.wait_dma2 semaphore(%run_scoped3A_3946 : memref<!tpu.dma_semaphore, #tpu.memory_space<semaphore_mem>>) src(%dma_wait3A_3958 : memref<128x128xf32, #tpu.memory_space<hbm>>) dst(%arg10 : memref<128x128xf32, #tpu.memory_space<vmem>>)
      tpu.yield
    }) : () -> ()
    %run_scoped3A_216 = arith.constant 1 : i32
    "tpu.region"() ({
      %run_scoped3A_3946 = tpu.sem_alloc : memref<!tpu.dma_semaphore, #tpu.memory_space<semaphore_mem>>
      %dma_start3A_3947 = arith.constant 0 : i32
      %dma_start3A_3948 = tpu.memref_slice %arg9[%run_scoped3A_216, %dma_start3A_3947] : memref<2x128xi32, #tpu.memory_space<vmem>> -> memref<1x128xi32, #tpu.memory_space<vmem>>
      %dma_start3A_3949 = tpu.memref_squeeze %dma_start3A_3948 : memref<1x128xi32, #tpu.memory_space<vmem>> -> memref<128xi32, #tpu.memory_space<vmem>>
      %dma_start3A_3950 = arith.constant 0 : i32
      %dma_start3A_3951 = arith.constant 0 : i32
      %dma_start3A_3952 = tpu.memref_slice %arg16[%dma_start3A_3950, %dma_start3A_3951] : memref<2048x128xf32, #tpu.memory_space<vmem_shared>> -> memref<2048x128xf32, #tpu.memory_space<vmem_shared>>
      tpu.enqueue_indirect_dma source(%arg10 : memref<128x128xf32, #tpu.memory_space<vmem>>) target(%dma_start3A_3952 : memref<2048x128xf32, #tpu.memory_space<vmem_shared>>) offsets(%dma_start3A_3949 : memref<128xi32, #tpu.memory_space<vmem>>) semaphore(%run_scoped3A_3946 : memref<!tpu.dma_semaphore, #tpu.memory_space<semaphore_mem>>) {add = true}
      %dma_wait3A_3953 = arith.constant 0 : i32
      %dma_wait3A_3954 = tpu.memref_slice %arg9[%run_scoped3A_216, %dma_wait3A_3953] : memref<2x128xi32, #tpu.memory_space<vmem>> -> memref<1x128xi32, #tpu.memory_space<vmem>>
      %dma_wait3A_3955 = tpu.memref_squeeze %dma_wait3A_3954 : memref<1x128xi32, #tpu.memory_space<vmem>> -> memref<128xi32, #tpu.memory_space<vmem>>
      %dma_wait3A_3956 = arith.constant 0 : i32
      %dma_wait3A_3957 = arith.constant 0 : i32
      %dma_wait3A_3958 = tpu.memref_slice %arg16[%dma_wait3A_3956, %dma_wait3A_3957] : memref<2048x128xf32, #tpu.memory_space<vmem_shared>> -> memref<2048x128xf32, #tpu.memory_space<vmem_shared>>
      tpu.wait_indirect_dma semaphore(%run_scoped3A_3946 : memref<!tpu.dma_semaphore, #tpu.memory_space<semaphore_mem>>) src(%arg10 : memref<128x128xf32, #tpu.memory_space<vmem>>) dst(%dma_wait3A_3958 : memref<2048x128xf32, #tpu.memory_space<vmem_shared>>)
      tpu.yield
    }) : () -> ()
    %barrier3A_217 = arith.constant 0 : index
    tpu.barrier barrier_id(%barrier3A_217)
    %mul3A_218 = arith.constant 2 : i32
    %mul3A_219 = arith.muli %arg0, %mul3A_218 : i32
    %add3A_220 = arith.constant 0 : i32
    %add3A_221 = arith.addi %mul3A_219, %add3A_220 : i32
    %mul3A_222 = arith.constant 64 : i32
    %mul3A_223 = arith.muli %arg1, %mul3A_222 : i32
    %add3A_224 = arith.constant 0 : i32
    %add3A_225 = arith.addi %add3A_224, %mul3A_223 : i32
    "tpu.region"() ({
      %run_scoped3A_3946 = tpu.sem_alloc : memref<!tpu.dma_semaphore, #tpu.memory_space<semaphore_mem>>
      %dma_start3A_3947 = arith.constant 0 : i32
      %dma_start3A_3948 = tpu.memref_slice %arg16[%add3A_225, %dma_start3A_3947] : memref<2048x128xf32, #tpu.memory_space<vmem_shared>> -> memref<64x128xf32, #tpu.memory_space<vmem_shared>>
      %dma_start3A_3949 = arith.constant 0 : i32
      %dma_start3A_3950 = tpu.memref_slice %arg16[%add3A_225, %dma_start3A_3949] : memref<2048x128xf32, #tpu.memory_space<vmem_shared>> -> memref<64x128xf32, #tpu.memory_space<vmem_shared>>
      tpu.enqueue_dma source(%dma_start3A_3950 : memref<64x128xf32, #tpu.memory_space<vmem_shared>>) target(%arg11 : memref<64x128xf32, #tpu.memory_space<vmem>>) target_semaphore(%run_scoped3A_3946 : memref<!tpu.dma_semaphore, #tpu.memory_space<semaphore_mem>>)
      %dma_wait3A_3951 = arith.constant 0 : i32
      %dma_wait3A_3952 = tpu.memref_slice %arg16[%add3A_225, %dma_wait3A_3951] : memref<2048x128xf32, #tpu.memory_space<vmem_shared>> -> memref<64x128xf32, #tpu.memory_space<vmem_shared>>
      %dma_wait3A_3953 = arith.constant 0 : i32
      %dma_wait3A_3954 = tpu.memref_slice %arg16[%add3A_225, %dma_wait3A_3953] : memref<2048x128xf32, #tpu.memory_space<vmem_shared>> -> memref<64x128xf32, #tpu.memory_space<vmem_shared>>
      tpu.wait_dma2 semaphore(%run_scoped3A_3946 : memref<!tpu.dma_semaphore, #tpu.memory_space<semaphore_mem>>) src(%dma_wait3A_3954 : memref<64x128xf32, #tpu.memory_space<vmem_shared>>) dst(%arg11 : memref<64x128xf32, #tpu.memory_space<vmem>>)
      tpu.yield
    }) : () -> ()
    %get3A = arith.constant 0 : i32
    %get3A_226 = arith.index_cast %get3A : i32 to index
    %get3A_227 = arith.constant 0 : index
    %get3A_228 = tpu.vector_load %arg11[%get3A_226, %get3A_227] {strides = array<i32>} : memref<64x128xf32, #tpu.memory_space<vmem>>, vector<1x16xf32>,
    %get3A_229 = vector.shape_cast %get3A_228 : vector<1x16xf32> to vector<16xf32>
    %get3A_230 = arith.constant 0 : i32
    %get3A_231 = arith.index_cast %get3A_230 : i32 to index
    %get3A_232 = arith.constant 16 : index
    %get3A_233 = tpu.vector_load %arg11[%get3A_231, %get3A_232] {strides = array<i32>} : memref<64x128xf32, #tpu.memory_space<vmem>>, vector<1x16xf32>,
    %get3A_234 = vector.shape_cast %get3A_233 : vector<1x16xf32> to vector<16xf32>
    %get3A_235 = arith.constant 0 : i32
    %get3A_236 = arith.constant 0 : i32
    %get3A_237 = arith.index_cast %get3A_235 : i32 to index
    %get3A_238 = arith.index_cast %get3A_236 : i32 to index
    %get3A_239 = arith.constant 0 : index
    %get3A_240 = tpu.vector_load %arg12[%get3A_237, %get3A_238, %get3A_239] {strides = array<i32>} : memref<2x64x16xf32, #tpu.memory_space<vmem>>, vector<1x1x16xf32>,
    %get3A_241 = vector.shape_cast %get3A_240 : vector<1x1x16xf32> to vector<16xf32>
    %add3A_242 = arith.addf %get3A_241, %get3A_229 : vector<16xf32>
    %add3A_243 = arith.constant 1.000000e+00 : f32
    %add3A_244 = vector.broadcast %add3A_243 : f32 to vector<16xf32>
    %add3A_245 = arith.addf %get3A_234, %add3A_244 : vector<16xf32>
    %div3A = arith.divf %add3A_242, %add3A_245 : vector<16xf32>
    %swap3A = arith.constant 0 : i32
    %swap3A_246 = arith.index_cast %swap3A : i32 to index
    %swap3A_247 = arith.constant 0 : index
    %swap3A_248 = tpu.vector_load %arg13[%swap3A_246, %swap3A_247] {strides = array<i32>} : memref<64x128xf32, #tpu.memory_space<vmem>>, vector<1x16xf32>,
    %swap3A_249 = vector.shape_cast %swap3A_248 : vector<1x16xf32> to vector<16xf32>
    %swap3A_250 = vector.shape_cast %div3A : vector<16xf32> to vector<1x16xf32>
    tpu.vector_store %arg13[%swap3A_246, %swap3A_247], %swap3A_250 {strides = array<i32>} : memref<64x128xf32, #tpu.memory_space<vmem>>, vector<1x16xf32>,
    %get3A_251 = arith.constant 1 : i32
    %get3A_252 = arith.index_cast %get3A_251 : i32 to index
    %get3A_253 = arith.constant 0 : index
    %get3A_254 = tpu.vector_load %arg11[%get3A_252, %get3A_253] {strides = array<i32>} : memref<64x128xf32, #tpu.memory_space<vmem>>, vector<1x16xf32>,
    %get3A_255 = vector.shape_cast %get3A_254 : vector<1x16xf32> to vector<16xf32>
    %get3A_256 = arith.constant 1 : i32
    %get3A_257 = arith.index_cast %get3A_256 : i32 to index
    %get3A_258 = arith.constant 16 : index
    %get3A_259 = tpu.vector_load %arg11[%get3A_257, %get3A_258] {strides = array<i32>} : memref<64x128xf32, #tpu.memory_space<vmem>>, vector<1x16xf32>,
    %get3A_260 = vector.shape_cast %get3A_259 : vector<1x16xf32> to vector<16xf32>
    %get3A_261 = arith.constant 0 : i32
    %get3A_262 = arith.constant 1 : i32
    %get3A_263 = arith.index_cast %get3A_261 : i32 to index
    %get3A_264 = arith.index_cast %get3A_262 : i32 to index
    %get3A_265 = arith.constant 0 : index
    %get3A_266 = tpu.vector_load %arg12[%get3A_263, %get3A_264, %get3A_265] {strides = array<i32>} : memref<2x64x16xf32, #tpu.memory_space<vmem>>, vector<1x1x16xf32>,
    %get3A_267 = vector.shape_cast %get3A_266 : vector<1x1x16xf32> to vector<16xf32>
    %add3A_268 = arith.addf %get3A_267, %get3A_255 : vector<16xf32>
    %add3A_269 = arith.constant 1.000000e+00 : f32
    %add3A_270 = vector.broadcast %add3A_269 : f32 to vector<16xf32>
    %add3A_271 = arith.addf %get3A_260, %add3A_270 : vector<16xf32>
    %div3A_272 = arith.divf %add3A_268, %add3A_271 : vector<16xf32>
    %swap3A_273 = arith.constant 1 : i32
    %swap3A_274 = arith.index_cast %swap3A_273 : i32 to index
    %swap3A_275 = arith.constant 0 : index
    %swap3A_276 = tpu.vector_load %arg13[%swap3A_274, %swap3A_275] {strides = array<i32>} : memref<64x128xf32, #tpu.memory_space<vmem>>, vector<1x16xf32>,
    %swap3A_277 = vector.shape_cast %swap3A_276 : vector<1x16xf32> to vector<16xf32>
    %swap3A_278 = vector.shape_cast %div3A_272 : vector<16xf32> to vector<1x16xf32>
    tpu.vector_store %arg13[%swap3A_274, %swap3A_275], %swap3A_278 {strides = array<i32>} : memref<64x128xf32, #tpu.memory_space<vmem>>, vector<1x16xf32>,
    %get3A_279 = arith.constant 2 : i32
    %get3A_280 = arith.index_cast %get3A_279 : i32 to index
    %get3A_281 = arith.constant 0 : index
    %get3A_282 = tpu.vector_load %arg11[%get3A_280, %get3A_281] {strides = array<i32>} : memref<64x128xf32, #tpu.memory_space<vmem>>, vector<1x16xf32>,
    %get3A_283 = vector.shape_cast %get3A_282 : vector<1x16xf32> to vector<16xf32>
    %get3A_284 = arith.constant 2 : i32
    %get3A_285 = arith.index_cast %get3A_284 : i32 to index
    %get3A_286 = arith.constant 16 : index
    %get3A_287 = tpu.vector_load %arg11[%get3A_285, %get3A_286] {strides = array<i32>} : memref<64x128xf32, #tpu.memory_space<vmem>>, vector<1x16xf32>,
    %get3A_288 = vector.shape_cast %get3A_287 : vector<1x16xf32> to vector<16xf32>
    %get3A_289 = arith.constant 0 : i32
    %get3A_290 = arith.constant 2 : i32
    %get3A_291 = arith.index_cast %get3A_289 : i32 to index
    %get3A_292 = arith.index_cast %get3A_290 : i32 to index
    %get3A_293 = arith.constant 0 : index
    %get3A_294 = tpu.vector_load %arg12[%get3A_291, %get3A_292, %get3A_293] {strides = array<i32>} : memref<2x64x16xf32, #tpu.memory_space<vmem>>, vector<1x1x16xf32>,
    %get3A_295 = vector.shape_cast %get3A_294 : vector<1x1x16xf32> to vector<16xf32>
    %add3A_296 = arith.addf %get3A_295, %get3A_283 : vector<16xf32>
    %add3A_297 = arith.constant 1.000000e+00 : f32
    %add3A_298 = vector.broadcast %add3A_297 : f32 to vector<16xf32>
    %add3A_299 = arith.addf %get3A_288, %add3A_298 : vector<16xf32>
    %div3A_300 = arith.divf %add3A_296, %add3A_299 : vector<16xf32>
    %swap3A_301 = arith.constant 2 : i32
    %swap3A_302 = arith.index_cast %swap3A_301 : i32 to index
    %swap3A_303 = arith.constant 0 : index
    %swap3A_304 = tpu.vector_load %arg13[%swap3A_302, %swap3A_303] {strides = array<i32>} : memref<64x128xf32, #tpu.memory_space<vmem>>, vector<1x16xf32>,
    %swap3A_305 = vector.shape_cast %swap3A_304 : vector<1x16xf32> to vector<16xf32>
    %swap3A_306 = vector.shape_cast %div3A_300 : vector<16xf32> to vector<1x16xf32>
    tpu.vector_store %arg13[%swap3A_302, %swap3A_303], %swap3A_306 {strides = array<i32>} : memref<64x128xf32, #tpu.memory_space<vmem>>, vector<1x16xf32>,
    %get3A_307 = arith.constant 3 : i32
    %get3A_308 = arith.index_cast %get3A_307 : i32 to index
    %get3A_309 = arith.constant 0 : index
    %get3A_310 = tpu.vector_load %arg11[%get3A_308, %get3A_309] {strides = array<i32>} : memref<64x128xf32, #tpu.memory_space<vmem>>, vector<1x16xf32>,
    %get3A_311 = vector.shape_cast %get3A_310 : vector<1x16xf32> to vector<16xf32>
    %get3A_312 = arith.constant 3 : i32
    %get3A_313 = arith.index_cast %get3A_312 : i32 to index
    %get3A_314 = arith.constant 16 : index
    %get3A_315 = tpu.vector_load %arg11[%get3A_313, %get3A_314] {strides = array<i32>} : memref<64x128xf32, #tpu.memory_space<vmem>>, vector<1x16xf32>,
    %get3A_316 = vector.shape_cast %get3A_315 : vector<1x16xf32> to vector<16xf32>
    %get3A_317 = arith.constant 0 : i32
    %get3A_318 = arith.constant 3 : i32
    %get3A_319 = arith.index_cast %get3A_317 : i32 to index
    %get3A_320 = arith.index_cast %get3A_318 : i32 to index
    %get3A_321 = arith.constant 0 : index
    %get3A_322 = tpu.vector_load %arg12[%get3A_319, %get3A_320, %get3A_321] {strides = array<i32>} : memref<2x64x16xf32, #tpu.memory_space<vmem>>, vector<1x1x16xf32>,
    %get3A_323 = vector.shape_cast %get3A_322 : vector<1x1x16xf32> to vector<16xf32>
    %add3A_324 = arith.addf %get3A_323, %get3A_311 : vector<16xf32>
    %add3A_325 = arith.constant 1.000000e+00 : f32
    %add3A_326 = vector.broadcast %add3A_325 : f32 to vector<16xf32>
    %add3A_327 = arith.addf %get3A_316, %add3A_326 : vector<16xf32>
    %div3A_328 = arith.divf %add3A_324, %add3A_327 : vector<16xf32>
    %swap3A_329 = arith.constant 3 : i32
    %swap3A_330 = arith.index_cast %swap3A_329 : i32 to index
    %swap3A_331 = arith.constant 0 : index
    %swap3A_332 = tpu.vector_load %arg13[%swap3A_330, %swap3A_331] {strides = array<i32>} : memref<64x128xf32, #tpu.memory_space<vmem>>, vector<1x16xf32>,
    %swap3A_333 = vector.shape_cast %swap3A_332 : vector<1x16xf32> to vector<16xf32>
    %swap3A_334 = vector.shape_cast %div3A_328 : vector<16xf32> to vector<1x16xf32>
    tpu.vector_store %arg13[%swap3A_330, %swap3A_331], %swap3A_334 {strides = array<i32>} : memref<64x128xf32, #tpu.memory_space<vmem>>, vector<1x16xf32>,
    %get3A_335 = arith.constant 4 : i32
    %get3A_336 = arith.index_cast %get3A_335 : i32 to index
    %get3A_337 = arith.constant 0 : index
    %get3A_338 = tpu.vector_load %arg11[%get3A_336, %get3A_337] {strides = array<i32>} : memref<64x128xf32, #tpu.memory_space<vmem>>, vector<1x16xf32>,
    %get3A_339 = vector.shape_cast %get3A_338 : vector<1x16xf32> to vector<16xf32>
    %get3A_340 = arith.constant 4 : i32
    %get3A_341 = arith.index_cast %get3A_340 : i32 to index
    %get3A_342 = arith.constant 16 : index
    %get3A_343 = tpu.vector_load %arg11[%get3A_341, %get3A_342] {strides = array<i32>} : memref<64x128xf32, #tpu.memory_space<vmem>>, vector<1x16xf32>,
    %get3A_344 = vector.shape_cast %get3A_343 : vector<1x16xf32> to vector<16xf32>
    %get3A_345 = arith.constant 0 : i32
    %get3A_346 = arith.constant 4 : i32
    %get3A_347 = arith.index_cast %get3A_345 : i32 to index
    %get3A_348 = arith.index_cast %get3A_346 : i32 to index
    %get3A_349 = arith.constant 0 : index
    %get3A_350 = tpu.vector_load %arg12[%get3A_347, %get3A_348, %get3A_349] {strides = array<i32>} : memref<2x64x16xf32, #tpu.memory_space<vmem>>, vector<1x1x16xf32>,
    %get3A_351 = vector.shape_cast %get3A_350 : vector<1x1x16xf32> to vector<16xf32>
    %add3A_352 = arith.addf %get3A_351, %get3A_339 : vector<16xf32>
    %add3A_353 = arith.constant 1.000000e+00 : f32
    %add3A_354 = vector.broadcast %add3A_353 : f32 to vector<16xf32>
    %add3A_355 = arith.addf %get3A_344, %add3A_354 : vector<16xf32>
    %div3A_356 = arith.divf %add3A_352, %add3A_355 : vector<16xf32>
    %swap3A_357 = arith.constant 4 : i32
    %swap3A_358 = arith.index_cast %swap3A_357 : i32 to index
    %swap3A_359 = arith.constant 0 : index
    %swap3A_360 = tpu.vector_load %arg13[%swap3A_358, %swap3A_359] {strides = array<i32>} : memref<64x128xf32, #tpu.memory_space<vmem>>, vector<1x16xf32>,
    %swap3A_361 = vector.shape_cast %swap3A_360 : vector<1x16xf32> to vector<16xf32>
    %swap3A_362 = vector.shape_cast %div3A_356 : vector<16xf32> to vector<1x16xf32>
    tpu.vector_store %arg13[%swap3A_358, %swap3A_359], %swap3A_362 {strides = array<i32>} : memref<64x128xf32, #tpu.memory_space<vmem>>, vector<1x16xf32>,
    %get3A_363 = arith.constant 5 : i32
    %get3A_364 = arith.index_cast %get3A_363 : i32 to index
    %get3A_365 = arith.constant 0 : index
    %get3A_366 = tpu.vector_load %arg11[%get3A_364, %get3A_365] {strides = array<i32>} : memref<64x128xf32, #tpu.memory_space<vmem>>, vector<1x16xf32>,
    %get3A_367 = vector.shape_cast %get3A_366 : vector<1x16xf32> to vector<16xf32>
    %get3A_368 = arith.constant 5 : i32
    %get3A_369 = arith.index_cast %get3A_368 : i32 to index
    %get3A_370 = arith.constant 16 : index
    %get3A_371 = tpu.vector_load %arg11[%get3A_369, %get3A_370] {strides = array<i32>} : memref<64x128xf32, #tpu.memory_space<vmem>>, vector<1x16xf32>,
    %get3A_372 = vector.shape_cast %get3A_371 : vector<1x16xf32> to vector<16xf32>
    %get3A_373 = arith.constant 0 : i32
    %get3A_374 = arith.constant 5 : i32
    %get3A_375 = arith.index_cast %get3A_373 : i32 to index
    %get3A_376 = arith.index_cast %get3A_374 : i32 to index
    %get3A_377 = arith.constant 0 : index
    %get3A_378 = tpu.vector_load %arg12[%get3A_375, %get3A_376, %get3A_377] {strides = array<i32>} : memref<2x64x16xf32, #tpu.memory_space<vmem>>, vector<1x1x16xf32>,
    %get3A_379 = vector.shape_cast %get3A_378 : vector<1x1x16xf32> to vector<16xf32>
    %add3A_380 = arith.addf %get3A_379, %get3A_367 : vector<16xf32>
    %add3A_381 = arith.constant 1.000000e+00 : f32
    %add3A_382 = vector.broadcast %add3A_381 : f32 to vector<16xf32>
    %add3A_383 = arith.addf %get3A_372, %add3A_382 : vector<16xf32>
    %div3A_384 = arith.divf %add3A_380, %add3A_383 : vector<16xf32>
    %swap3A_385 = arith.constant 5 : i32
    %swap3A_386 = arith.index_cast %swap3A_385 : i32 to index
    %swap3A_387 = arith.constant 0 : index
    %swap3A_388 = tpu.vector_load %arg13[%swap3A_386, %swap3A_387] {strides = array<i32>} : memref<64x128xf32, #tpu.memory_space<vmem>>, vector<1x16xf32>,
    %swap3A_389 = vector.shape_cast %swap3A_388 : vector<1x16xf32> to vector<16xf32>
    %swap3A_390 = vector.shape_cast %div3A_384 : vector<16xf32> to vector<1x16xf32>
    tpu.vector_store %arg13[%swap3A_386, %swap3A_387], %swap3A_390 {strides = array<i32>} : memref<64x128xf32, #tpu.memory_space<vmem>>, vector<1x16xf32>,
    %get3A_391 = arith.constant 6 : i32
    %get3A_392 = arith.index_cast %get3A_391 : i32 to index
    %get3A_393 = arith.constant 0 : index
    %get3A_394 = tpu.vector_load %arg11[%get3A_392, %get3A_393] {strides = array<i32>} : memref<64x128xf32, #tpu.memory_space<vmem>>, vector<1x16xf32>,
    %get3A_395 = vector.shape_cast %get3A_394 : vector<1x16xf32> to vector<16xf32>
    %get3A_396 = arith.constant 6 : i32
    %get3A_397 = arith.index_cast %get3A_396 : i32 to index
    %get3A_398 = arith.constant 16 : index
    %get3A_399 = tpu.vector_load %arg11[%get3A_397, %get3A_398] {strides = array<i32>} : memref<64x128xf32, #tpu.memory_space<vmem>>, vector<1x16xf32>,
    %get3A_400 = vector.shape_cast %get3A_399 : vector<1x16xf32> to vector<16xf32>
    %get3A_401 = arith.constant 0 : i32
    %get3A_402 = arith.constant 6 : i32
    %get3A_403 = arith.index_cast %get3A_401 : i32 to index
    %get3A_404 = arith.index_cast %get3A_402 : i32 to index
    %get3A_405 = arith.constant 0 : index
    %get3A_406 = tpu.vector_load %arg12[%get3A_403, %get3A_404, %get3A_405] {strides = array<i32>} : memref<2x64x16xf32, #tpu.memory_space<vmem>>, vector<1x1x16xf32>,
    %get3A_407 = vector.shape_cast %get3A_406 : vector<1x1x16xf32> to vector<16xf32>
    %add3A_408 = arith.addf %get3A_407, %get3A_395 : vector<16xf32>
    %add3A_409 = arith.constant 1.000000e+00 : f32
    %add3A_410 = vector.broadcast %add3A_409 : f32 to vector<16xf32>
    %add3A_411 = arith.addf %get3A_400, %add3A_410 : vector<16xf32>
    %div3A_412 = arith.divf %add3A_408, %add3A_411 : vector<16xf32>
    %swap3A_413 = arith.constant 6 : i32
    %swap3A_414 = arith.index_cast %swap3A_413 : i32 to index
    %swap3A_415 = arith.constant 0 : index
    %swap3A_416 = tpu.vector_load %arg13[%swap3A_414, %swap3A_415] {strides = array<i32>} : memref<64x128xf32, #tpu.memory_space<vmem>>, vector<1x16xf32>,
    %swap3A_417 = vector.shape_cast %swap3A_416 : vector<1x16xf32> to vector<16xf32>
    %swap3A_418 = vector.shape_cast %div3A_412 : vector<16xf32> to vector<1x16xf32>
    tpu.vector_store %arg13[%swap3A_414, %swap3A_415], %swap3A_418 {strides = array<i32>} : memref<64x128xf32, #tpu.memory_space<vmem>>, vector<1x16xf32>,
    %get3A_419 = arith.constant 7 : i32
    %get3A_420 = arith.index_cast %get3A_419 : i32 to index
    %get3A_421 = arith.constant 0 : index
    %get3A_422 = tpu.vector_load %arg11[%get3A_420, %get3A_421] {strides = array<i32>} : memref<64x128xf32, #tpu.memory_space<vmem>>, vector<1x16xf32>,
    %get3A_423 = vector.shape_cast %get3A_422 : vector<1x16xf32> to vector<16xf32>
    %get3A_424 = arith.constant 7 : i32
    %get3A_425 = arith.index_cast %get3A_424 : i32 to index
    %get3A_426 = arith.constant 16 : index
    %get3A_427 = tpu.vector_load %arg11[%get3A_425, %get3A_426] {strides = array<i32>} : memref<64x128xf32, #tpu.memory_space<vmem>>, vector<1x16xf32>,
    %get3A_428 = vector.shape_cast %get3A_427 : vector<1x16xf32> to vector<16xf32>
    %get3A_429 = arith.constant 0 : i32
    %get3A_430 = arith.constant 7 : i32
    %get3A_431 = arith.index_cast %get3A_429 : i32 to index
    %get3A_432 = arith.index_cast %get3A_430 : i32 to index
    %get3A_433 = arith.constant 0 : index
    %get3A_434 = tpu.vector_load %arg12[%get3A_431, %get3A_432, %get3A_433] {strides = array<i32>} : memref<2x64x16xf32, #tpu.memory_space<vmem>>, vector<1x1x16xf32>,
    %get3A_435 = vector.shape_cast %get3A_434 : vector<1x1x16xf32> to vector<16xf32>
    %add3A_436 = arith.addf %get3A_435, %get3A_423 : vector<16xf32>
    %add3A_437 = arith.constant 1.000000e+00 : f32
    %add3A_438 = vector.broadcast %add3A_437 : f32 to vector<16xf32>
    %add3A_439 = arith.addf %get3A_428, %add3A_438 : vector<16xf32>
    %div3A_440 = arith.divf %add3A_436, %add3A_439 : vector<16xf32>
    %swap3A_441 = arith.constant 7 : i32
    %swap3A_442 = arith.index_cast %swap3A_441 : i32 to index
    %swap3A_443 = arith.constant 0 : index
    %swap3A_444 = tpu.vector_load %arg13[%swap3A_442, %swap3A_443] {strides = array<i32>} : memref<64x128xf32, #tpu.memory_space<vmem>>, vector<1x16xf32>,
    %swap3A_445 = vector.shape_cast %swap3A_444 : vector<1x16xf32> to vector<16xf32>
    %swap3A_446 = vector.shape_cast %div3A_440 : vector<16xf32> to vector<1x16xf32>
    tpu.vector_store %arg13[%swap3A_442, %swap3A_443], %swap3A_446 {strides = array<i32>} : memref<64x128xf32, #tpu.memory_space<vmem>>, vector<1x16xf32>,
    %get3A_447 = arith.constant 8 : i32
    %get3A_448 = arith.index_cast %get3A_447 : i32 to index
    %get3A_449 = arith.constant 0 : index
    %get3A_450 = tpu.vector_load %arg11[%get3A_448, %get3A_449] {strides = array<i32>} : memref<64x128xf32, #tpu.memory_space<vmem>>, vector<1x16xf32>,
    %get3A_451 = vector.shape_cast %get3A_450 : vector<1x16xf32> to vector<16xf32>
    %get3A_452 = arith.constant 8 : i32
    %get3A_453 = arith.index_cast %get3A_452 : i32 to index
    %get3A_454 = arith.constant 16 : index
    %get3A_455 = tpu.vector_load %arg11[%get3A_453, %get3A_454] {strides = array<i32>} : memref<64x128xf32, #tpu.memory_space<vmem>>, vector<1x16xf32>,
    %get3A_456 = vector.shape_cast %get3A_455 : vector<1x16xf32> to vector<16xf32>
    %get3A_457 = arith.constant 0 : i32
    %get3A_458 = arith.constant 8 : i32
    %get3A_459 = arith.index_cast %get3A_457 : i32 to index
    %get3A_460 = arith.index_cast %get3A_458 : i32 to index
    %get3A_461 = arith.constant 0 : index
    %get3A_462 = tpu.vector_load %arg12[%get3A_459, %get3A_460, %get3A_461] {strides = array<i32>} : memref<2x64x16xf32, #tpu.memory_space<vmem>>, vector<1x1x16xf32>,
    %get3A_463 = vector.shape_cast %get3A_462 : vector<1x1x16xf32> to vector<16xf32>
    %add3A_464 = arith.addf %get3A_463, %get3A_451 : vector<16xf32>
    %add3A_465 = arith.constant 1.000000e+00 : f32
    %add3A_466 = vector.broadcast %add3A_465 : f32 to vector<16xf32>
    %add3A_467 = arith.addf %get3A_456, %add3A_466 : vector<16xf32>
    %div3A_468 = arith.divf %add3A_464, %add3A_467 : vector<16xf32>
    %swap3A_469 = arith.constant 8 : i32
    %swap3A_470 = arith.index_cast %swap3A_469 : i32 to index
    %swap3A_471 = arith.constant 0 : index
    %swap3A_472 = tpu.vector_load %arg13[%swap3A_470, %swap3A_471] {strides = array<i32>} : memref<64x128xf32, #tpu.memory_space<vmem>>, vector<1x16xf32>,
    %swap3A_473 = vector.shape_cast %swap3A_472 : vector<1x16xf32> to vector<16xf32>
    %swap3A_474 = vector.shape_cast %div3A_468 : vector<16xf32> to vector<1x16xf32>
    tpu.vector_store %arg13[%swap3A_470, %swap3A_471], %swap3A_474 {strides = array<i32>} : memref<64x128xf32, #tpu.memory_space<vmem>>, vector<1x16xf32>,
    %get3A_475 = arith.constant 9 : i32
    %get3A_476 = arith.index_cast %get3A_475 : i32 to index
    %get3A_477 = arith.constant 0 : index
    %get3A_478 = tpu.vector_load %arg11[%get3A_476, %get3A_477] {strides = array<i32>} : memref<64x128xf32, #tpu.memory_space<vmem>>, vector<1x16xf32>,
    %get3A_479 = vector.shape_cast %get3A_478 : vector<1x16xf32> to vector<16xf32>
    %get3A_480 = arith.constant 9 : i32
    %get3A_481 = arith.index_cast %get3A_480 : i32 to index
    %get3A_482 = arith.constant 16 : index
    %get3A_483 = tpu.vector_load %arg11[%get3A_481, %get3A_482] {strides = array<i32>} : memref<64x128xf32, #tpu.memory_space<vmem>>, vector<1x16xf32>,
    %get3A_484 = vector.shape_cast %get3A_483 : vector<1x16xf32> to vector<16xf32>
    %get3A_485 = arith.constant 0 : i32
    %get3A_486 = arith.constant 9 : i32
    %get3A_487 = arith.index_cast %get3A_485 : i32 to index
    %get3A_488 = arith.index_cast %get3A_486 : i32 to index
    %get3A_489 = arith.constant 0 : index
    %get3A_490 = tpu.vector_load %arg12[%get3A_487, %get3A_488, %get3A_489] {strides = array<i32>} : memref<2x64x16xf32, #tpu.memory_space<vmem>>, vector<1x1x16xf32>,
    %get3A_491 = vector.shape_cast %get3A_490 : vector<1x1x16xf32> to vector<16xf32>
    %add3A_492 = arith.addf %get3A_491, %get3A_479 : vector<16xf32>
    %add3A_493 = arith.constant 1.000000e+00 : f32
    %add3A_494 = vector.broadcast %add3A_493 : f32 to vector<16xf32>
    %add3A_495 = arith.addf %get3A_484, %add3A_494 : vector<16xf32>
    %div3A_496 = arith.divf %add3A_492, %add3A_495 : vector<16xf32>
    %swap3A_497 = arith.constant 9 : i32
    %swap3A_498 = arith.index_cast %swap3A_497 : i32 to index
    %swap3A_499 = arith.constant 0 : index
    %swap3A_500 = tpu.vector_load %arg13[%swap3A_498, %swap3A_499] {strides = array<i32>} : memref<64x128xf32, #tpu.memory_space<vmem>>, vector<1x16xf32>,
    %swap3A_501 = vector.shape_cast %swap3A_500 : vector<1x16xf32> to vector<16xf32>
    %swap3A_502 = vector.shape_cast %div3A_496 : vector<16xf32> to vector<1x16xf32>
    tpu.vector_store %arg13[%swap3A_498, %swap3A_499], %swap3A_502 {strides = array<i32>} : memref<64x128xf32, #tpu.memory_space<vmem>>, vector<1x16xf32>,
    %get3A_503 = arith.constant 10 : i32
    %get3A_504 = arith.index_cast %get3A_503 : i32 to index
    %get3A_505 = arith.constant 0 : index
    %get3A_506 = tpu.vector_load %arg11[%get3A_504, %get3A_505] {strides = array<i32>} : memref<64x128xf32, #tpu.memory_space<vmem>>, vector<1x16xf32>,
    %get3A_507 = vector.shape_cast %get3A_506 : vector<1x16xf32> to vector<16xf32>
    %get3A_508 = arith.constant 10 : i32
    %get3A_509 = arith.index_cast %get3A_508 : i32 to index
    %get3A_510 = arith.constant 16 : index
    %get3A_511 = tpu.vector_load %arg11[%get3A_509, %get3A_510] {strides = array<i32>} : memref<64x128xf32, #tpu.memory_space<vmem>>, vector<1x16xf32>,
    %get3A_512 = vector.shape_cast %get3A_511 : vector<1x16xf32> to vector<16xf32>
    %get3A_513 = arith.constant 0 : i32
    %get3A_514 = arith.constant 10 : i32
    %get3A_515 = arith.index_cast %get3A_513 : i32 to index
    %get3A_516 = arith.index_cast %get3A_514 : i32 to index
    %get3A_517 = arith.constant 0 : index
    %get3A_518 = tpu.vector_load %arg12[%get3A_515, %get3A_516, %get3A_517] {strides = array<i32>} : memref<2x64x16xf32, #tpu.memory_space<vmem>>, vector<1x1x16xf32>,
    %get3A_519 = vector.shape_cast %get3A_518 : vector<1x1x16xf32> to vector<16xf32>
    %add3A_520 = arith.addf %get3A_519, %get3A_507 : vector<16xf32>
    %add3A_521 = arith.constant 1.000000e+00 : f32
    %add3A_522 = vector.broadcast %add3A_521 : f32 to vector<16xf32>
    %add3A_523 = arith.addf %get3A_512, %add3A_522 : vector<16xf32>
    %div3A_524 = arith.divf %add3A_520, %add3A_523 : vector<16xf32>
    %swap3A_525 = arith.constant 10 : i32
    %swap3A_526 = arith.index_cast %swap3A_525 : i32 to index
    %swap3A_527 = arith.constant 0 : index
    %swap3A_528 = tpu.vector_load %arg13[%swap3A_526, %swap3A_527] {strides = array<i32>} : memref<64x128xf32, #tpu.memory_space<vmem>>, vector<1x16xf32>,
    %swap3A_529 = vector.shape_cast %swap3A_528 : vector<1x16xf32> to vector<16xf32>
    %swap3A_530 = vector.shape_cast %div3A_524 : vector<16xf32> to vector<1x16xf32>
    tpu.vector_store %arg13[%swap3A_526, %swap3A_527], %swap3A_530 {strides = array<i32>} : memref<64x128xf32, #tpu.memory_space<vmem>>, vector<1x16xf32>,
    %get3A_531 = arith.constant 11 : i32
    %get3A_532 = arith.index_cast %get3A_531 : i32 to index
    %get3A_533 = arith.constant 0 : index
    %get3A_534 = tpu.vector_load %arg11[%get3A_532, %get3A_533] {strides = array<i32>} : memref<64x128xf32, #tpu.memory_space<vmem>>, vector<1x16xf32>,
    %get3A_535 = vector.shape_cast %get3A_534 : vector<1x16xf32> to vector<16xf32>
    %get3A_536 = arith.constant 11 : i32
    %get3A_537 = arith.index_cast %get3A_536 : i32 to index
    %get3A_538 = arith.constant 16 : index
    %get3A_539 = tpu.vector_load %arg11[%get3A_537, %get3A_538] {strides = array<i32>} : memref<64x128xf32, #tpu.memory_space<vmem>>, vector<1x16xf32>,
    %get3A_540 = vector.shape_cast %get3A_539 : vector<1x16xf32> to vector<16xf32>
    %get3A_541 = arith.constant 0 : i32
    %get3A_542 = arith.constant 11 : i32
    %get3A_543 = arith.index_cast %get3A_541 : i32 to index
    %get3A_544 = arith.index_cast %get3A_542 : i32 to index
    %get3A_545 = arith.constant 0 : index
    %get3A_546 = tpu.vector_load %arg12[%get3A_543, %get3A_544, %get3A_545] {strides = array<i32>} : memref<2x64x16xf32, #tpu.memory_space<vmem>>, vector<1x1x16xf32>,
    %get3A_547 = vector.shape_cast %get3A_546 : vector<1x1x16xf32> to vector<16xf32>
    %add3A_548 = arith.addf %get3A_547, %get3A_535 : vector<16xf32>
    %add3A_549 = arith.constant 1.000000e+00 : f32
    %add3A_550 = vector.broadcast %add3A_549 : f32 to vector<16xf32>
    %add3A_551 = arith.addf %get3A_540, %add3A_550 : vector<16xf32>
    %div3A_552 = arith.divf %add3A_548, %add3A_551 : vector<16xf32>
    %swap3A_553 = arith.constant 11 : i32
    %swap3A_554 = arith.index_cast %swap3A_553 : i32 to index
    %swap3A_555 = arith.constant 0 : index
    %swap3A_556 = tpu.vector_load %arg13[%swap3A_554, %swap3A_555] {strides = array<i32>} : memref<64x128xf32, #tpu.memory_space<vmem>>, vector<1x16xf32>,
    %swap3A_557 = vector.shape_cast %swap3A_556 : vector<1x16xf32> to vector<16xf32>
    %swap3A_558 = vector.shape_cast %div3A_552 : vector<16xf32> to vector<1x16xf32>
    tpu.vector_store %arg13[%swap3A_554, %swap3A_555], %swap3A_558 {strides = array<i32>} : memref<64x128xf32, #tpu.memory_space<vmem>>, vector<1x16xf32>,
    %get3A_559 = arith.constant 12 : i32
    %get3A_560 = arith.index_cast %get3A_559 : i32 to index
    %get3A_561 = arith.constant 0 : index
    %get3A_562 = tpu.vector_load %arg11[%get3A_560, %get3A_561] {strides = array<i32>} : memref<64x128xf32, #tpu.memory_space<vmem>>, vector<1x16xf32>,
    %get3A_563 = vector.shape_cast %get3A_562 : vector<1x16xf32> to vector<16xf32>
    %get3A_564 = arith.constant 12 : i32
    %get3A_565 = arith.index_cast %get3A_564 : i32 to index
    %get3A_566 = arith.constant 16 : index
    %get3A_567 = tpu.vector_load %arg11[%get3A_565, %get3A_566] {strides = array<i32>} : memref<64x128xf32, #tpu.memory_space<vmem>>, vector<1x16xf32>,
    %get3A_568 = vector.shape_cast %get3A_567 : vector<1x16xf32> to vector<16xf32>
    %get3A_569 = arith.constant 0 : i32
    %get3A_570 = arith.constant 12 : i32
    %get3A_571 = arith.index_cast %get3A_569 : i32 to index
    %get3A_572 = arith.index_cast %get3A_570 : i32 to index
    %get3A_573 = arith.constant 0 : index
    %get3A_574 = tpu.vector_load %arg12[%get3A_571, %get3A_572, %get3A_573] {strides = array<i32>} : memref<2x64x16xf32, #tpu.memory_space<vmem>>, vector<1x1x16xf32>,
    %get3A_575 = vector.shape_cast %get3A_574 : vector<1x1x16xf32> to vector<16xf32>
    %add3A_576 = arith.addf %get3A_575, %get3A_563 : vector<16xf32>
    %add3A_577 = arith.constant 1.000000e+00 : f32
    %add3A_578 = vector.broadcast %add3A_577 : f32 to vector<16xf32>
    %add3A_579 = arith.addf %get3A_568, %add3A_578 : vector<16xf32>
    %div3A_580 = arith.divf %add3A_576, %add3A_579 : vector<16xf32>
    %swap3A_581 = arith.constant 12 : i32
    %swap3A_582 = arith.index_cast %swap3A_581 : i32 to index
    %swap3A_583 = arith.constant 0 : index
    %swap3A_584 = tpu.vector_load %arg13[%swap3A_582, %swap3A_583] {strides = array<i32>} : memref<64x128xf32, #tpu.memory_space<vmem>>, vector<1x16xf32>,
    %swap3A_585 = vector.shape_cast %swap3A_584 : vector<1x16xf32> to vector<16xf32>
    %swap3A_586 = vector.shape_cast %div3A_580 : vector<16xf32> to vector<1x16xf32>
    tpu.vector_store %arg13[%swap3A_582, %swap3A_583], %swap3A_586 {strides = array<i32>} : memref<64x128xf32, #tpu.memory_space<vmem>>, vector<1x16xf32>,
    %get3A_587 = arith.constant 13 : i32
    %get3A_588 = arith.index_cast %get3A_587 : i32 to index
    %get3A_589 = arith.constant 0 : index
    %get3A_590 = tpu.vector_load %arg11[%get3A_588, %get3A_589] {strides = array<i32>} : memref<64x128xf32, #tpu.memory_space<vmem>>, vector<1x16xf32>,
    %get3A_591 = vector.shape_cast %get3A_590 : vector<1x16xf32> to vector<16xf32>
    %get3A_592 = arith.constant 13 : i32
    %get3A_593 = arith.index_cast %get3A_592 : i32 to index
    %get3A_594 = arith.constant 16 : index
    %get3A_595 = tpu.vector_load %arg11[%get3A_593, %get3A_594] {strides = array<i32>} : memref<64x128xf32, #tpu.memory_space<vmem>>, vector<1x16xf32>,
    %get3A_596 = vector.shape_cast %get3A_595 : vector<1x16xf32> to vector<16xf32>
    %get3A_597 = arith.constant 0 : i32
    %get3A_598 = arith.constant 13 : i32
    %get3A_599 = arith.index_cast %get3A_597 : i32 to index
    %get3A_600 = arith.index_cast %get3A_598 : i32 to index
    %get3A_601 = arith.constant 0 : index
    %get3A_602 = tpu.vector_load %arg12[%get3A_599, %get3A_600, %get3A_601] {strides = array<i32>} : memref<2x64x16xf32, #tpu.memory_space<vmem>>, vector<1x1x16xf32>,
    %get3A_603 = vector.shape_cast %get3A_602 : vector<1x1x16xf32> to vector<16xf32>
    %add3A_604 = arith.addf %get3A_603, %get3A_591 : vector<16xf32>
    %add3A_605 = arith.constant 1.000000e+00 : f32
    %add3A_606 = vector.broadcast %add3A_605 : f32 to vector<16xf32>
    %add3A_607 = arith.addf %get3A_596, %add3A_606 : vector<16xf32>
    %div3A_608 = arith.divf %add3A_604, %add3A_607 : vector<16xf32>
    %swap3A_609 = arith.constant 13 : i32
    %swap3A_610 = arith.index_cast %swap3A_609 : i32 to index
    %swap3A_611 = arith.constant 0 : index
    %swap3A_612 = tpu.vector_load %arg13[%swap3A_610, %swap3A_611] {strides = array<i32>} : memref<64x128xf32, #tpu.memory_space<vmem>>, vector<1x16xf32>,
    %swap3A_613 = vector.shape_cast %swap3A_612 : vector<1x16xf32> to vector<16xf32>
    %swap3A_614 = vector.shape_cast %div3A_608 : vector<16xf32> to vector<1x16xf32>
    tpu.vector_store %arg13[%swap3A_610, %swap3A_611], %swap3A_614 {strides = array<i32>} : memref<64x128xf32, #tpu.memory_space<vmem>>, vector<1x16xf32>,
    %get3A_615 = arith.constant 14 : i32
    %get3A_616 = arith.index_cast %get3A_615 : i32 to index
    %get3A_617 = arith.constant 0 : index
    %get3A_618 = tpu.vector_load %arg11[%get3A_616, %get3A_617] {strides = array<i32>} : memref<64x128xf32, #tpu.memory_space<vmem>>, vector<1x16xf32>,
    %get3A_619 = vector.shape_cast %get3A_618 : vector<1x16xf32> to vector<16xf32>
    %get3A_620 = arith.constant 14 : i32
    %get3A_621 = arith.index_cast %get3A_620 : i32 to index
    %get3A_622 = arith.constant 16 : index
    %get3A_623 = tpu.vector_load %arg11[%get3A_621, %get3A_622] {strides = array<i32>} : memref<64x128xf32, #tpu.memory_space<vmem>>, vector<1x16xf32>,
    %get3A_624 = vector.shape_cast %get3A_623 : vector<1x16xf32> to vector<16xf32>
    %get3A_625 = arith.constant 0 : i32
    %get3A_626 = arith.constant 14 : i32
    %get3A_627 = arith.index_cast %get3A_625 : i32 to index
    %get3A_628 = arith.index_cast %get3A_626 : i32 to index
    %get3A_629 = arith.constant 0 : index
    %get3A_630 = tpu.vector_load %arg12[%get3A_627, %get3A_628, %get3A_629] {strides = array<i32>} : memref<2x64x16xf32, #tpu.memory_space<vmem>>, vector<1x1x16xf32>,
    %get3A_631 = vector.shape_cast %get3A_630 : vector<1x1x16xf32> to vector<16xf32>
    %add3A_632 = arith.addf %get3A_631, %get3A_619 : vector<16xf32>
    %add3A_633 = arith.constant 1.000000e+00 : f32
    %add3A_634 = vector.broadcast %add3A_633 : f32 to vector<16xf32>
    %add3A_635 = arith.addf %get3A_624, %add3A_634 : vector<16xf32>
    %div3A_636 = arith.divf %add3A_632, %add3A_635 : vector<16xf32>
    %swap3A_637 = arith.constant 14 : i32
    %swap3A_638 = arith.index_cast %swap3A_637 : i32 to index
    %swap3A_639 = arith.constant 0 : index
    %swap3A_640 = tpu.vector_load %arg13[%swap3A_638, %swap3A_639] {strides = array<i32>} : memref<64x128xf32, #tpu.memory_space<vmem>>, vector<1x16xf32>,
    %swap3A_641 = vector.shape_cast %swap3A_640 : vector<1x16xf32> to vector<16xf32>
    %swap3A_642 = vector.shape_cast %div3A_636 : vector<16xf32> to vector<1x16xf32>
    tpu.vector_store %arg13[%swap3A_638, %swap3A_639], %swap3A_642 {strides = array<i32>} : memref<64x128xf32, #tpu.memory_space<vmem>>, vector<1x16xf32>,
    %get3A_643 = arith.constant 15 : i32
    %get3A_644 = arith.index_cast %get3A_643 : i32 to index
    %get3A_645 = arith.constant 0 : index
    %get3A_646 = tpu.vector_load %arg11[%get3A_644, %get3A_645] {strides = array<i32>} : memref<64x128xf32, #tpu.memory_space<vmem>>, vector<1x16xf32>,
    %get3A_647 = vector.shape_cast %get3A_646 : vector<1x16xf32> to vector<16xf32>
    %get3A_648 = arith.constant 15 : i32
    %get3A_649 = arith.index_cast %get3A_648 : i32 to index
    %get3A_650 = arith.constant 16 : index
    %get3A_651 = tpu.vector_load %arg11[%get3A_649, %get3A_650] {strides = array<i32>} : memref<64x128xf32, #tpu.memory_space<vmem>>, vector<1x16xf32>,
    %get3A_652 = vector.shape_cast %get3A_651 : vector<1x16xf32> to vector<16xf32>
    %get3A_653 = arith.constant 0 : i32
    %get3A_654 = arith.constant 15 : i32
    %get3A_655 = arith.index_cast %get3A_653 : i32 to index
    %get3A_656 = arith.index_cast %get3A_654 : i32 to index
    %get3A_657 = arith.constant 0 : index
    %get3A_658 = tpu.vector_load %arg12[%get3A_655, %get3A_656, %get3A_657] {strides = array<i32>} : memref<2x64x16xf32, #tpu.memory_space<vmem>>, vector<1x1x16xf32>,
    %get3A_659 = vector.shape_cast %get3A_658 : vector<1x1x16xf32> to vector<16xf32>
    %add3A_660 = arith.addf %get3A_659, %get3A_647 : vector<16xf32>
    %add3A_661 = arith.constant 1.000000e+00 : f32
    %add3A_662 = vector.broadcast %add3A_661 : f32 to vector<16xf32>
    %add3A_663 = arith.addf %get3A_652, %add3A_662 : vector<16xf32>
    %div3A_664 = arith.divf %add3A_660, %add3A_663 : vector<16xf32>
    %swap3A_665 = arith.constant 15 : i32
    %swap3A_666 = arith.index_cast %swap3A_665 : i32 to index
    %swap3A_667 = arith.constant 0 : index
    %swap3A_668 = tpu.vector_load %arg13[%swap3A_666, %swap3A_667] {strides = array<i32>} : memref<64x128xf32, #tpu.memory_space<vmem>>, vector<1x16xf32>,
    %swap3A_669 = vector.shape_cast %swap3A_668 : vector<1x16xf32> to vector<16xf32>
    %swap3A_670 = vector.shape_cast %div3A_664 : vector<16xf32> to vector<1x16xf32>
    tpu.vector_store %arg13[%swap3A_666, %swap3A_667], %swap3A_670 {strides = array<i32>} : memref<64x128xf32, #tpu.memory_space<vmem>>, vector<1x16xf32>,
    %get3A_671 = arith.constant 16 : i32
    %get3A_672 = arith.index_cast %get3A_671 : i32 to index
    %get3A_673 = arith.constant 0 : index
    %get3A_674 = tpu.vector_load %arg11[%get3A_672, %get3A_673] {strides = array<i32>} : memref<64x128xf32, #tpu.memory_space<vmem>>, vector<1x16xf32>,
    %get3A_675 = vector.shape_cast %get3A_674 : vector<1x16xf32> to vector<16xf32>
    %get3A_676 = arith.constant 16 : i32
    %get3A_677 = arith.index_cast %get3A_676 : i32 to index
    %get3A_678 = arith.constant 16 : index
    %get3A_679 = tpu.vector_load %arg11[%get3A_677, %get3A_678] {strides = array<i32>} : memref<64x128xf32, #tpu.memory_space<vmem>>, vector<1x16xf32>,
    %get3A_680 = vector.shape_cast %get3A_679 : vector<1x16xf32> to vector<16xf32>
    %get3A_681 = arith.constant 0 : i32
    %get3A_682 = arith.constant 16 : i32
    %get3A_683 = arith.index_cast %get3A_681 : i32 to index
    %get3A_684 = arith.index_cast %get3A_682 : i32 to index
    %get3A_685 = arith.constant 0 : index
    %get3A_686 = tpu.vector_load %arg12[%get3A_683, %get3A_684, %get3A_685] {strides = array<i32>} : memref<2x64x16xf32, #tpu.memory_space<vmem>>, vector<1x1x16xf32>,
    %get3A_687 = vector.shape_cast %get3A_686 : vector<1x1x16xf32> to vector<16xf32>
    %add3A_688 = arith.addf %get3A_687, %get3A_675 : vector<16xf32>
    %add3A_689 = arith.constant 1.000000e+00 : f32
    %add3A_690 = vector.broadcast %add3A_689 : f32 to vector<16xf32>
    %add3A_691 = arith.addf %get3A_680, %add3A_690 : vector<16xf32>
    %div3A_692 = arith.divf %add3A_688, %add3A_691 : vector<16xf32>
    %swap3A_693 = arith.constant 16 : i32
    %swap3A_694 = arith.index_cast %swap3A_693 : i32 to index
    %swap3A_695 = arith.constant 0 : index
    %swap3A_696 = tpu.vector_load %arg13[%swap3A_694, %swap3A_695] {strides = array<i32>} : memref<64x128xf32, #tpu.memory_space<vmem>>, vector<1x16xf32>,
    %swap3A_697 = vector.shape_cast %swap3A_696 : vector<1x16xf32> to vector<16xf32>
    %swap3A_698 = vector.shape_cast %div3A_692 : vector<16xf32> to vector<1x16xf32>
    tpu.vector_store %arg13[%swap3A_694, %swap3A_695], %swap3A_698 {strides = array<i32>} : memref<64x128xf32, #tpu.memory_space<vmem>>, vector<1x16xf32>,
    %get3A_699 = arith.constant 17 : i32
    %get3A_700 = arith.index_cast %get3A_699 : i32 to index
    %get3A_701 = arith.constant 0 : index
    %get3A_702 = tpu.vector_load %arg11[%get3A_700, %get3A_701] {strides = array<i32>} : memref<64x128xf32, #tpu.memory_space<vmem>>, vector<1x16xf32>,
    %get3A_703 = vector.shape_cast %get3A_702 : vector<1x16xf32> to vector<16xf32>
    %get3A_704 = arith.constant 17 : i32
    %get3A_705 = arith.index_cast %get3A_704 : i32 to index
    %get3A_706 = arith.constant 16 : index
    %get3A_707 = tpu.vector_load %arg11[%get3A_705, %get3A_706] {strides = array<i32>} : memref<64x128xf32, #tpu.memory_space<vmem>>, vector<1x16xf32>,
    %get3A_708 = vector.shape_cast %get3A_707 : vector<1x16xf32> to vector<16xf32>
    %get3A_709 = arith.constant 0 : i32
    %get3A_710 = arith.constant 17 : i32
    %get3A_711 = arith.index_cast %get3A_709 : i32 to index
    %get3A_712 = arith.index_cast %get3A_710 : i32 to index
    %get3A_713 = arith.constant 0 : index
    %get3A_714 = tpu.vector_load %arg12[%get3A_711, %get3A_712, %get3A_713] {strides = array<i32>} : memref<2x64x16xf32, #tpu.memory_space<vmem>>, vector<1x1x16xf32>,
    %get3A_715 = vector.shape_cast %get3A_714 : vector<1x1x16xf32> to vector<16xf32>
    %add3A_716 = arith.addf %get3A_715, %get3A_703 : vector<16xf32>
    %add3A_717 = arith.constant 1.000000e+00 : f32
    %add3A_718 = vector.broadcast %add3A_717 : f32 to vector<16xf32>
    %add3A_719 = arith.addf %get3A_708, %add3A_718 : vector<16xf32>
    %div3A_720 = arith.divf %add3A_716, %add3A_719 : vector<16xf32>
    %swap3A_721 = arith.constant 17 : i32
    %swap3A_722 = arith.index_cast %swap3A_721 : i32 to index
    %swap3A_723 = arith.constant 0 : index
    %swap3A_724 = tpu.vector_load %arg13[%swap3A_722, %swap3A_723] {strides = array<i32>} : memref<64x128xf32, #tpu.memory_space<vmem>>, vector<1x16xf32>,
    %swap3A_725 = vector.shape_cast %swap3A_724 : vector<1x16xf32> to vector<16xf32>
    %swap3A_726 = vector.shape_cast %div3A_720 : vector<16xf32> to vector<1x16xf32>
    tpu.vector_store %arg13[%swap3A_722, %swap3A_723], %swap3A_726 {strides = array<i32>} : memref<64x128xf32, #tpu.memory_space<vmem>>, vector<1x16xf32>,
    %get3A_727 = arith.constant 18 : i32
    %get3A_728 = arith.index_cast %get3A_727 : i32 to index
    %get3A_729 = arith.constant 0 : index
    %get3A_730 = tpu.vector_load %arg11[%get3A_728, %get3A_729] {strides = array<i32>} : memref<64x128xf32, #tpu.memory_space<vmem>>, vector<1x16xf32>,
    %get3A_731 = vector.shape_cast %get3A_730 : vector<1x16xf32> to vector<16xf32>
    %get3A_732 = arith.constant 18 : i32
    %get3A_733 = arith.index_cast %get3A_732 : i32 to index
    %get3A_734 = arith.constant 16 : index
    %get3A_735 = tpu.vector_load %arg11[%get3A_733, %get3A_734] {strides = array<i32>} : memref<64x128xf32, #tpu.memory_space<vmem>>, vector<1x16xf32>,
    %get3A_736 = vector.shape_cast %get3A_735 : vector<1x16xf32> to vector<16xf32>
    %get3A_737 = arith.constant 0 : i32
    %get3A_738 = arith.constant 18 : i32
    %get3A_739 = arith.index_cast %get3A_737 : i32 to index
    %get3A_740 = arith.index_cast %get3A_738 : i32 to index
    %get3A_741 = arith.constant 0 : index
    %get3A_742 = tpu.vector_load %arg12[%get3A_739, %get3A_740, %get3A_741] {strides = array<i32>} : memref<2x64x16xf32, #tpu.memory_space<vmem>>, vector<1x1x16xf32>,
    %get3A_743 = vector.shape_cast %get3A_742 : vector<1x1x16xf32> to vector<16xf32>
    %add3A_744 = arith.addf %get3A_743, %get3A_731 : vector<16xf32>
    %add3A_745 = arith.constant 1.000000e+00 : f32
    %add3A_746 = vector.broadcast %add3A_745 : f32 to vector<16xf32>
    %add3A_747 = arith.addf %get3A_736, %add3A_746 : vector<16xf32>
    %div3A_748 = arith.divf %add3A_744, %add3A_747 : vector<16xf32>
    %swap3A_749 = arith.constant 18 : i32
    %swap3A_750 = arith.index_cast %swap3A_749 : i32 to index
    %swap3A_751 = arith.constant 0 : index
    %swap3A_752 = tpu.vector_load %arg13[%swap3A_750, %swap3A_751] {strides = array<i32>} : memref<64x128xf32, #tpu.memory_space<vmem>>, vector<1x16xf32>,
    %swap3A_753 = vector.shape_cast %swap3A_752 : vector<1x16xf32> to vector<16xf32>
    %swap3A_754 = vector.shape_cast %div3A_748 : vector<16xf32> to vector<1x16xf32>
    tpu.vector_store %arg13[%swap3A_750, %swap3A_751], %swap3A_754 {strides = array<i32>} : memref<64x128xf32, #tpu.memory_space<vmem>>, vector<1x16xf32>,
    %get3A_755 = arith.constant 19 : i32
    %get3A_756 = arith.index_cast %get3A_755 : i32 to index
    %get3A_757 = arith.constant 0 : index
    %get3A_758 = tpu.vector_load %arg11[%get3A_756, %get3A_757] {strides = array<i32>} : memref<64x128xf32, #tpu.memory_space<vmem>>, vector<1x16xf32>,
    %get3A_759 = vector.shape_cast %get3A_758 : vector<1x16xf32> to vector<16xf32>
    %get3A_760 = arith.constant 19 : i32
    %get3A_761 = arith.index_cast %get3A_760 : i32 to index
    %get3A_762 = arith.constant 16 : index
    %get3A_763 = tpu.vector_load %arg11[%get3A_761, %get3A_762] {strides = array<i32>} : memref<64x128xf32, #tpu.memory_space<vmem>>, vector<1x16xf32>,
    %get3A_764 = vector.shape_cast %get3A_763 : vector<1x16xf32> to vector<16xf32>
    %get3A_765 = arith.constant 0 : i32
    %get3A_766 = arith.constant 19 : i32
    %get3A_767 = arith.index_cast %get3A_765 : i32 to index
    %get3A_768 = arith.index_cast %get3A_766 : i32 to index
    %get3A_769 = arith.constant 0 : index
    %get3A_770 = tpu.vector_load %arg12[%get3A_767, %get3A_768, %get3A_769] {strides = array<i32>} : memref<2x64x16xf32, #tpu.memory_space<vmem>>, vector<1x1x16xf32>,
    %get3A_771 = vector.shape_cast %get3A_770 : vector<1x1x16xf32> to vector<16xf32>
    %add3A_772 = arith.addf %get3A_771, %get3A_759 : vector<16xf32>
    %add3A_773 = arith.constant 1.000000e+00 : f32
    %add3A_774 = vector.broadcast %add3A_773 : f32 to vector<16xf32>
    %add3A_775 = arith.addf %get3A_764, %add3A_774 : vector<16xf32>
    %div3A_776 = arith.divf %add3A_772, %add3A_775 : vector<16xf32>
    %swap3A_777 = arith.constant 19 : i32
    %swap3A_778 = arith.index_cast %swap3A_777 : i32 to index
    %swap3A_779 = arith.constant 0 : index
    %swap3A_780 = tpu.vector_load %arg13[%swap3A_778, %swap3A_779] {strides = array<i32>} : memref<64x128xf32, #tpu.memory_space<vmem>>, vector<1x16xf32>,
    %swap3A_781 = vector.shape_cast %swap3A_780 : vector<1x16xf32> to vector<16xf32>
    %swap3A_782 = vector.shape_cast %div3A_776 : vector<16xf32> to vector<1x16xf32>
    tpu.vector_store %arg13[%swap3A_778, %swap3A_779], %swap3A_782 {strides = array<i32>} : memref<64x128xf32, #tpu.memory_space<vmem>>, vector<1x16xf32>,
    %get3A_783 = arith.constant 20 : i32
    %get3A_784 = arith.index_cast %get3A_783 : i32 to index
    %get3A_785 = arith.constant 0 : index
    %get3A_786 = tpu.vector_load %arg11[%get3A_784, %get3A_785] {strides = array<i32>} : memref<64x128xf32, #tpu.memory_space<vmem>>, vector<1x16xf32>,
    %get3A_787 = vector.shape_cast %get3A_786 : vector<1x16xf32> to vector<16xf32>
    %get3A_788 = arith.constant 20 : i32
    %get3A_789 = arith.index_cast %get3A_788 : i32 to index
    %get3A_790 = arith.constant 16 : index
    %get3A_791 = tpu.vector_load %arg11[%get3A_789, %get3A_790] {strides = array<i32>} : memref<64x128xf32, #tpu.memory_space<vmem>>, vector<1x16xf32>,
    %get3A_792 = vector.shape_cast %get3A_791 : vector<1x16xf32> to vector<16xf32>
    %get3A_793 = arith.constant 0 : i32
    %get3A_794 = arith.constant 20 : i32
    %get3A_795 = arith.index_cast %get3A_793 : i32 to index
    %get3A_796 = arith.index_cast %get3A_794 : i32 to index
    %get3A_797 = arith.constant 0 : index
    %get3A_798 = tpu.vector_load %arg12[%get3A_795, %get3A_796, %get3A_797] {strides = array<i32>} : memref<2x64x16xf32, #tpu.memory_space<vmem>>, vector<1x1x16xf32>,
    %get3A_799 = vector.shape_cast %get3A_798 : vector<1x1x16xf32> to vector<16xf32>
    %add3A_800 = arith.addf %get3A_799, %get3A_787 : vector<16xf32>
    %add3A_801 = arith.constant 1.000000e+00 : f32
    %add3A_802 = vector.broadcast %add3A_801 : f32 to vector<16xf32>
    %add3A_803 = arith.addf %get3A_792, %add3A_802 : vector<16xf32>
    %div3A_804 = arith.divf %add3A_800, %add3A_803 : vector<16xf32>
    %swap3A_805 = arith.constant 20 : i32
    %swap3A_806 = arith.index_cast %swap3A_805 : i32 to index
    %swap3A_807 = arith.constant 0 : index
    %swap3A_808 = tpu.vector_load %arg13[%swap3A_806, %swap3A_807] {strides = array<i32>} : memref<64x128xf32, #tpu.memory_space<vmem>>, vector<1x16xf32>,
    %swap3A_809 = vector.shape_cast %swap3A_808 : vector<1x16xf32> to vector<16xf32>
    %swap3A_810 = vector.shape_cast %div3A_804 : vector<16xf32> to vector<1x16xf32>
    tpu.vector_store %arg13[%swap3A_806, %swap3A_807], %swap3A_810 {strides = array<i32>} : memref<64x128xf32, #tpu.memory_space<vmem>>, vector<1x16xf32>,
    %get3A_811 = arith.constant 21 : i32
    %get3A_812 = arith.index_cast %get3A_811 : i32 to index
    %get3A_813 = arith.constant 0 : index
    %get3A_814 = tpu.vector_load %arg11[%get3A_812, %get3A_813] {strides = array<i32>} : memref<64x128xf32, #tpu.memory_space<vmem>>, vector<1x16xf32>,
    %get3A_815 = vector.shape_cast %get3A_814 : vector<1x16xf32> to vector<16xf32>
    %get3A_816 = arith.constant 21 : i32
    %get3A_817 = arith.index_cast %get3A_816 : i32 to index
    %get3A_818 = arith.constant 16 : index
    %get3A_819 = tpu.vector_load %arg11[%get3A_817, %get3A_818] {strides = array<i32>} : memref<64x128xf32, #tpu.memory_space<vmem>>, vector<1x16xf32>,
    %get3A_820 = vector.shape_cast %get3A_819 : vector<1x16xf32> to vector<16xf32>
    %get3A_821 = arith.constant 0 : i32
    %get3A_822 = arith.constant 21 : i32
    %get3A_823 = arith.index_cast %get3A_821 : i32 to index
    %get3A_824 = arith.index_cast %get3A_822 : i32 to index
    %get3A_825 = arith.constant 0 : index
    %get3A_826 = tpu.vector_load %arg12[%get3A_823, %get3A_824, %get3A_825] {strides = array<i32>} : memref<2x64x16xf32, #tpu.memory_space<vmem>>, vector<1x1x16xf32>,
    %get3A_827 = vector.shape_cast %get3A_826 : vector<1x1x16xf32> to vector<16xf32>
    %add3A_828 = arith.addf %get3A_827, %get3A_815 : vector<16xf32>
    %add3A_829 = arith.constant 1.000000e+00 : f32
    %add3A_830 = vector.broadcast %add3A_829 : f32 to vector<16xf32>
    %add3A_831 = arith.addf %get3A_820, %add3A_830 : vector<16xf32>
    %div3A_832 = arith.divf %add3A_828, %add3A_831 : vector<16xf32>
    %swap3A_833 = arith.constant 21 : i32
    %swap3A_834 = arith.index_cast %swap3A_833 : i32 to index
    %swap3A_835 = arith.constant 0 : index
    %swap3A_836 = tpu.vector_load %arg13[%swap3A_834, %swap3A_835] {strides = array<i32>} : memref<64x128xf32, #tpu.memory_space<vmem>>, vector<1x16xf32>,
    %swap3A_837 = vector.shape_cast %swap3A_836 : vector<1x16xf32> to vector<16xf32>
    %swap3A_838 = vector.shape_cast %div3A_832 : vector<16xf32> to vector<1x16xf32>
    tpu.vector_store %arg13[%swap3A_834, %swap3A_835], %swap3A_838 {strides = array<i32>} : memref<64x128xf32, #tpu.memory_space<vmem>>, vector<1x16xf32>,
    %get3A_839 = arith.constant 22 : i32
    %get3A_840 = arith.index_cast %get3A_839 : i32 to index
    %get3A_841 = arith.constant 0 : index
    %get3A_842 = tpu.vector_load %arg11[%get3A_840, %get3A_841] {strides = array<i32>} : memref<64x128xf32, #tpu.memory_space<vmem>>, vector<1x16xf32>,
    %get3A_843 = vector.shape_cast %get3A_842 : vector<1x16xf32> to vector<16xf32>
    %get3A_844 = arith.constant 22 : i32
    %get3A_845 = arith.index_cast %get3A_844 : i32 to index
    %get3A_846 = arith.constant 16 : index
    %get3A_847 = tpu.vector_load %arg11[%get3A_845, %get3A_846] {strides = array<i32>} : memref<64x128xf32, #tpu.memory_space<vmem>>, vector<1x16xf32>,
    %get3A_848 = vector.shape_cast %get3A_847 : vector<1x16xf32> to vector<16xf32>
    %get3A_849 = arith.constant 0 : i32
    %get3A_850 = arith.constant 22 : i32
    %get3A_851 = arith.index_cast %get3A_849 : i32 to index
    %get3A_852 = arith.index_cast %get3A_850 : i32 to index
    %get3A_853 = arith.constant 0 : index
    %get3A_854 = tpu.vector_load %arg12[%get3A_851, %get3A_852, %get3A_853] {strides = array<i32>} : memref<2x64x16xf32, #tpu.memory_space<vmem>>, vector<1x1x16xf32>,
    %get3A_855 = vector.shape_cast %get3A_854 : vector<1x1x16xf32> to vector<16xf32>
    %add3A_856 = arith.addf %get3A_855, %get3A_843 : vector<16xf32>
    %add3A_857 = arith.constant 1.000000e+00 : f32
    %add3A_858 = vector.broadcast %add3A_857 : f32 to vector<16xf32>
    %add3A_859 = arith.addf %get3A_848, %add3A_858 : vector<16xf32>
    %div3A_860 = arith.divf %add3A_856, %add3A_859 : vector<16xf32>
    %swap3A_861 = arith.constant 22 : i32
    %swap3A_862 = arith.index_cast %swap3A_861 : i32 to index
    %swap3A_863 = arith.constant 0 : index
    %swap3A_864 = tpu.vector_load %arg13[%swap3A_862, %swap3A_863] {strides = array<i32>} : memref<64x128xf32, #tpu.memory_space<vmem>>, vector<1x16xf32>,
    %swap3A_865 = vector.shape_cast %swap3A_864 : vector<1x16xf32> to vector<16xf32>
    %swap3A_866 = vector.shape_cast %div3A_860 : vector<16xf32> to vector<1x16xf32>
    tpu.vector_store %arg13[%swap3A_862, %swap3A_863], %swap3A_866 {strides = array<i32>} : memref<64x128xf32, #tpu.memory_space<vmem>>, vector<1x16xf32>,
    %get3A_867 = arith.constant 23 : i32
    %get3A_868 = arith.index_cast %get3A_867 : i32 to index
    %get3A_869 = arith.constant 0 : index
    %get3A_870 = tpu.vector_load %arg11[%get3A_868, %get3A_869] {strides = array<i32>} : memref<64x128xf32, #tpu.memory_space<vmem>>, vector<1x16xf32>,
    %get3A_871 = vector.shape_cast %get3A_870 : vector<1x16xf32> to vector<16xf32>
    %get3A_872 = arith.constant 23 : i32
    %get3A_873 = arith.index_cast %get3A_872 : i32 to index
    %get3A_874 = arith.constant 16 : index
    %get3A_875 = tpu.vector_load %arg11[%get3A_873, %get3A_874] {strides = array<i32>} : memref<64x128xf32, #tpu.memory_space<vmem>>, vector<1x16xf32>,
    %get3A_876 = vector.shape_cast %get3A_875 : vector<1x16xf32> to vector<16xf32>
    %get3A_877 = arith.constant 0 : i32
    %get3A_878 = arith.constant 23 : i32
    %get3A_879 = arith.index_cast %get3A_877 : i32 to index
    %get3A_880 = arith.index_cast %get3A_878 : i32 to index
    %get3A_881 = arith.constant 0 : index
    %get3A_882 = tpu.vector_load %arg12[%get3A_879, %get3A_880, %get3A_881] {strides = array<i32>} : memref<2x64x16xf32, #tpu.memory_space<vmem>>, vector<1x1x16xf32>,
    %get3A_883 = vector.shape_cast %get3A_882 : vector<1x1x16xf32> to vector<16xf32>
    %add3A_884 = arith.addf %get3A_883, %get3A_871 : vector<16xf32>
    %add3A_885 = arith.constant 1.000000e+00 : f32
    %add3A_886 = vector.broadcast %add3A_885 : f32 to vector<16xf32>
    %add3A_887 = arith.addf %get3A_876, %add3A_886 : vector<16xf32>
    %div3A_888 = arith.divf %add3A_884, %add3A_887 : vector<16xf32>
    %swap3A_889 = arith.constant 23 : i32
    %swap3A_890 = arith.index_cast %swap3A_889 : i32 to index
    %swap3A_891 = arith.constant 0 : index
    %swap3A_892 = tpu.vector_load %arg13[%swap3A_890, %swap3A_891] {strides = array<i32>} : memref<64x128xf32, #tpu.memory_space<vmem>>, vector<1x16xf32>,
    %swap3A_893 = vector.shape_cast %swap3A_892 : vector<1x16xf32> to vector<16xf32>
    %swap3A_894 = vector.shape_cast %div3A_888 : vector<16xf32> to vector<1x16xf32>
    tpu.vector_store %arg13[%swap3A_890, %swap3A_891], %swap3A_894 {strides = array<i32>} : memref<64x128xf32, #tpu.memory_space<vmem>>, vector<1x16xf32>,
    %get3A_895 = arith.constant 24 : i32
    %get3A_896 = arith.index_cast %get3A_895 : i32 to index
    %get3A_897 = arith.constant 0 : index
    %get3A_898 = tpu.vector_load %arg11[%get3A_896, %get3A_897] {strides = array<i32>} : memref<64x128xf32, #tpu.memory_space<vmem>>, vector<1x16xf32>,
    %get3A_899 = vector.shape_cast %get3A_898 : vector<1x16xf32> to vector<16xf32>
    %get3A_900 = arith.constant 24 : i32
    %get3A_901 = arith.index_cast %get3A_900 : i32 to index
    %get3A_902 = arith.constant 16 : index
    %get3A_903 = tpu.vector_load %arg11[%get3A_901, %get3A_902] {strides = array<i32>} : memref<64x128xf32, #tpu.memory_space<vmem>>, vector<1x16xf32>,
    %get3A_904 = vector.shape_cast %get3A_903 : vector<1x16xf32> to vector<16xf32>
    %get3A_905 = arith.constant 0 : i32
    %get3A_906 = arith.constant 24 : i32
    %get3A_907 = arith.index_cast %get3A_905 : i32 to index
    %get3A_908 = arith.index_cast %get3A_906 : i32 to index
    %get3A_909 = arith.constant 0 : index
    %get3A_910 = tpu.vector_load %arg12[%get3A_907, %get3A_908, %get3A_909] {strides = array<i32>} : memref<2x64x16xf32, #tpu.memory_space<vmem>>, vector<1x1x16xf32>,
    %get3A_911 = vector.shape_cast %get3A_910 : vector<1x1x16xf32> to vector<16xf32>
    %add3A_912 = arith.addf %get3A_911, %get3A_899 : vector<16xf32>
    %add3A_913 = arith.constant 1.000000e+00 : f32
    %add3A_914 = vector.broadcast %add3A_913 : f32 to vector<16xf32>
    %add3A_915 = arith.addf %get3A_904, %add3A_914 : vector<16xf32>
    %div3A_916 = arith.divf %add3A_912, %add3A_915 : vector<16xf32>
    %swap3A_917 = arith.constant 24 : i32
    %swap3A_918 = arith.index_cast %swap3A_917 : i32 to index
    %swap3A_919 = arith.constant 0 : index
    %swap3A_920 = tpu.vector_load %arg13[%swap3A_918, %swap3A_919] {strides = array<i32>} : memref<64x128xf32, #tpu.memory_space<vmem>>, vector<1x16xf32>,
    %swap3A_921 = vector.shape_cast %swap3A_920 : vector<1x16xf32> to vector<16xf32>
    %swap3A_922 = vector.shape_cast %div3A_916 : vector<16xf32> to vector<1x16xf32>
    tpu.vector_store %arg13[%swap3A_918, %swap3A_919], %swap3A_922 {strides = array<i32>} : memref<64x128xf32, #tpu.memory_space<vmem>>, vector<1x16xf32>,
    %get3A_923 = arith.constant 25 : i32
    %get3A_924 = arith.index_cast %get3A_923 : i32 to index
    %get3A_925 = arith.constant 0 : index
    %get3A_926 = tpu.vector_load %arg11[%get3A_924, %get3A_925] {strides = array<i32>} : memref<64x128xf32, #tpu.memory_space<vmem>>, vector<1x16xf32>,
    %get3A_927 = vector.shape_cast %get3A_926 : vector<1x16xf32> to vector<16xf32>
    %get3A_928 = arith.constant 25 : i32
    %get3A_929 = arith.index_cast %get3A_928 : i32 to index
    %get3A_930 = arith.constant 16 : index
    %get3A_931 = tpu.vector_load %arg11[%get3A_929, %get3A_930] {strides = array<i32>} : memref<64x128xf32, #tpu.memory_space<vmem>>, vector<1x16xf32>,
    %get3A_932 = vector.shape_cast %get3A_931 : vector<1x16xf32> to vector<16xf32>
    %get3A_933 = arith.constant 0 : i32
    %get3A_934 = arith.constant 25 : i32
    %get3A_935 = arith.index_cast %get3A_933 : i32 to index
    %get3A_936 = arith.index_cast %get3A_934 : i32 to index
    %get3A_937 = arith.constant 0 : index
    %get3A_938 = tpu.vector_load %arg12[%get3A_935, %get3A_936, %get3A_937] {strides = array<i32>} : memref<2x64x16xf32, #tpu.memory_space<vmem>>, vector<1x1x16xf32>,
    %get3A_939 = vector.shape_cast %get3A_938 : vector<1x1x16xf32> to vector<16xf32>
    %add3A_940 = arith.addf %get3A_939, %get3A_927 : vector<16xf32>
    %add3A_941 = arith.constant 1.000000e+00 : f32
    %add3A_942 = vector.broadcast %add3A_941 : f32 to vector<16xf32>
    %add3A_943 = arith.addf %get3A_932, %add3A_942 : vector<16xf32>
    %div3A_944 = arith.divf %add3A_940, %add3A_943 : vector<16xf32>
    %swap3A_945 = arith.constant 25 : i32
    %swap3A_946 = arith.index_cast %swap3A_945 : i32 to index
    %swap3A_947 = arith.constant 0 : index
    %swap3A_948 = tpu.vector_load %arg13[%swap3A_946, %swap3A_947] {strides = array<i32>} : memref<64x128xf32, #tpu.memory_space<vmem>>, vector<1x16xf32>,
    %swap3A_949 = vector.shape_cast %swap3A_948 : vector<1x16xf32> to vector<16xf32>
    %swap3A_950 = vector.shape_cast %div3A_944 : vector<16xf32> to vector<1x16xf32>
    tpu.vector_store %arg13[%swap3A_946, %swap3A_947], %swap3A_950 {strides = array<i32>} : memref<64x128xf32, #tpu.memory_space<vmem>>, vector<1x16xf32>,
    %get3A_951 = arith.constant 26 : i32
    %get3A_952 = arith.index_cast %get3A_951 : i32 to index
    %get3A_953 = arith.constant 0 : index
    %get3A_954 = tpu.vector_load %arg11[%get3A_952, %get3A_953] {strides = array<i32>} : memref<64x128xf32, #tpu.memory_space<vmem>>, vector<1x16xf32>,
    %get3A_955 = vector.shape_cast %get3A_954 : vector<1x16xf32> to vector<16xf32>
    %get3A_956 = arith.constant 26 : i32
    %get3A_957 = arith.index_cast %get3A_956 : i32 to index
    %get3A_958 = arith.constant 16 : index
    %get3A_959 = tpu.vector_load %arg11[%get3A_957, %get3A_958] {strides = array<i32>} : memref<64x128xf32, #tpu.memory_space<vmem>>, vector<1x16xf32>,
    %get3A_960 = vector.shape_cast %get3A_959 : vector<1x16xf32> to vector<16xf32>
    %get3A_961 = arith.constant 0 : i32
    %get3A_962 = arith.constant 26 : i32
    %get3A_963 = arith.index_cast %get3A_961 : i32 to index
    %get3A_964 = arith.index_cast %get3A_962 : i32 to index
    %get3A_965 = arith.constant 0 : index
    %get3A_966 = tpu.vector_load %arg12[%get3A_963, %get3A_964, %get3A_965] {strides = array<i32>} : memref<2x64x16xf32, #tpu.memory_space<vmem>>, vector<1x1x16xf32>,
    %get3A_967 = vector.shape_cast %get3A_966 : vector<1x1x16xf32> to vector<16xf32>
    %add3A_968 = arith.addf %get3A_967, %get3A_955 : vector<16xf32>
    %add3A_969 = arith.constant 1.000000e+00 : f32
    %add3A_970 = vector.broadcast %add3A_969 : f32 to vector<16xf32>
    %add3A_971 = arith.addf %get3A_960, %add3A_970 : vector<16xf32>
    %div3A_972 = arith.divf %add3A_968, %add3A_971 : vector<16xf32>
    %swap3A_973 = arith.constant 26 : i32
    %swap3A_974 = arith.index_cast %swap3A_973 : i32 to index
    %swap3A_975 = arith.constant 0 : index
    %swap3A_976 = tpu.vector_load %arg13[%swap3A_974, %swap3A_975] {strides = array<i32>} : memref<64x128xf32, #tpu.memory_space<vmem>>, vector<1x16xf32>,
    %swap3A_977 = vector.shape_cast %swap3A_976 : vector<1x16xf32> to vector<16xf32>
    %swap3A_978 = vector.shape_cast %div3A_972 : vector<16xf32> to vector<1x16xf32>
    tpu.vector_store %arg13[%swap3A_974, %swap3A_975], %swap3A_978 {strides = array<i32>} : memref<64x128xf32, #tpu.memory_space<vmem>>, vector<1x16xf32>,
    %get3A_979 = arith.constant 27 : i32
    %get3A_980 = arith.index_cast %get3A_979 : i32 to index
    %get3A_981 = arith.constant 0 : index
    %get3A_982 = tpu.vector_load %arg11[%get3A_980, %get3A_981] {strides = array<i32>} : memref<64x128xf32, #tpu.memory_space<vmem>>, vector<1x16xf32>,
    %get3A_983 = vector.shape_cast %get3A_982 : vector<1x16xf32> to vector<16xf32>
    %get3A_984 = arith.constant 27 : i32
    %get3A_985 = arith.index_cast %get3A_984 : i32 to index
    %get3A_986 = arith.constant 16 : index
    %get3A_987 = tpu.vector_load %arg11[%get3A_985, %get3A_986] {strides = array<i32>} : memref<64x128xf32, #tpu.memory_space<vmem>>, vector<1x16xf32>,
    %get3A_988 = vector.shape_cast %get3A_987 : vector<1x16xf32> to vector<16xf32>
    %get3A_989 = arith.constant 0 : i32
    %get3A_990 = arith.constant 27 : i32
    %get3A_991 = arith.index_cast %get3A_989 : i32 to index
    %get3A_992 = arith.index_cast %get3A_990 : i32 to index
    %get3A_993 = arith.constant 0 : index
    %get3A_994 = tpu.vector_load %arg12[%get3A_991, %get3A_992, %get3A_993] {strides = array<i32>} : memref<2x64x16xf32, #tpu.memory_space<vmem>>, vector<1x1x16xf32>,
    %get3A_995 = vector.shape_cast %get3A_994 : vector<1x1x16xf32> to vector<16xf32>
    %add3A_996 = arith.addf %get3A_995, %get3A_983 : vector<16xf32>
    %add3A_997 = arith.constant 1.000000e+00 : f32
    %add3A_998 = vector.broadcast %add3A_997 : f32 to vector<16xf32>
    %add3A_999 = arith.addf %get3A_988, %add3A_998 : vector<16xf32>
    %div3A_1000 = arith.divf %add3A_996, %add3A_999 : vector<16xf32>
    %swap3A_1001 = arith.constant 27 : i32
    %swap3A_1002 = arith.index_cast %swap3A_1001 : i32 to index
    %swap3A_1003 = arith.constant 0 : index
    %swap3A_1004 = tpu.vector_load %arg13[%swap3A_1002, %swap3A_1003] {strides = array<i32>} : memref<64x128xf32, #tpu.memory_space<vmem>>, vector<1x16xf32>,
    %swap3A_1005 = vector.shape_cast %swap3A_1004 : vector<1x16xf32> to vector<16xf32>
    %swap3A_1006 = vector.shape_cast %div3A_1000 : vector<16xf32> to vector<1x16xf32>
    tpu.vector_store %arg13[%swap3A_1002, %swap3A_1003], %swap3A_1006 {strides = array<i32>} : memref<64x128xf32, #tpu.memory_space<vmem>>, vector<1x16xf32>,
    %get3A_1007 = arith.constant 28 : i32
    %get3A_1008 = arith.index_cast %get3A_1007 : i32 to index
    %get3A_1009 = arith.constant 0 : index
    %get3A_1010 = tpu.vector_load %arg11[%get3A_1008, %get3A_1009] {strides = array<i32>} : memref<64x128xf32, #tpu.memory_space<vmem>>, vector<1x16xf32>,
    %get3A_1011 = vector.shape_cast %get3A_1010 : vector<1x16xf32> to vector<16xf32>
    %get3A_1012 = arith.constant 28 : i32
    %get3A_1013 = arith.index_cast %get3A_1012 : i32 to index
    %get3A_1014 = arith.constant 16 : index
    %get3A_1015 = tpu.vector_load %arg11[%get3A_1013, %get3A_1014] {strides = array<i32>} : memref<64x128xf32, #tpu.memory_space<vmem>>, vector<1x16xf32>,
    %get3A_1016 = vector.shape_cast %get3A_1015 : vector<1x16xf32> to vector<16xf32>
    %get3A_1017 = arith.constant 0 : i32
    %get3A_1018 = arith.constant 28 : i32
    %get3A_1019 = arith.index_cast %get3A_1017 : i32 to index
    %get3A_1020 = arith.index_cast %get3A_1018 : i32 to index
    %get3A_1021 = arith.constant 0 : index
    %get3A_1022 = tpu.vector_load %arg12[%get3A_1019, %get3A_1020, %get3A_1021] {strides = array<i32>} : memref<2x64x16xf32, #tpu.memory_space<vmem>>, vector<1x1x16xf32>,
    %get3A_1023 = vector.shape_cast %get3A_1022 : vector<1x1x16xf32> to vector<16xf32>
    %add3A_1024 = arith.addf %get3A_1023, %get3A_1011 : vector<16xf32>
    %add3A_1025 = arith.constant 1.000000e+00 : f32
    %add3A_1026 = vector.broadcast %add3A_1025 : f32 to vector<16xf32>
    %add3A_1027 = arith.addf %get3A_1016, %add3A_1026 : vector<16xf32>
    %div3A_1028 = arith.divf %add3A_1024, %add3A_1027 : vector<16xf32>
    %swap3A_1029 = arith.constant 28 : i32
    %swap3A_1030 = arith.index_cast %swap3A_1029 : i32 to index
    %swap3A_1031 = arith.constant 0 : index
    %swap3A_1032 = tpu.vector_load %arg13[%swap3A_1030, %swap3A_1031] {strides = array<i32>} : memref<64x128xf32, #tpu.memory_space<vmem>>, vector<1x16xf32>,
    %swap3A_1033 = vector.shape_cast %swap3A_1032 : vector<1x16xf32> to vector<16xf32>
    %swap3A_1034 = vector.shape_cast %div3A_1028 : vector<16xf32> to vector<1x16xf32>
    tpu.vector_store %arg13[%swap3A_1030, %swap3A_1031], %swap3A_1034 {strides = array<i32>} : memref<64x128xf32, #tpu.memory_space<vmem>>, vector<1x16xf32>,
    %get3A_1035 = arith.constant 29 : i32
    %get3A_1036 = arith.index_cast %get3A_1035 : i32 to index
    %get3A_1037 = arith.constant 0 : index
    %get3A_1038 = tpu.vector_load %arg11[%get3A_1036, %get3A_1037] {strides = array<i32>} : memref<64x128xf32, #tpu.memory_space<vmem>>, vector<1x16xf32>,
    %get3A_1039 = vector.shape_cast %get3A_1038 : vector<1x16xf32> to vector<16xf32>
    %get3A_1040 = arith.constant 29 : i32
    %get3A_1041 = arith.index_cast %get3A_1040 : i32 to index
    %get3A_1042 = arith.constant 16 : index
    %get3A_1043 = tpu.vector_load %arg11[%get3A_1041, %get3A_1042] {strides = array<i32>} : memref<64x128xf32, #tpu.memory_space<vmem>>, vector<1x16xf32>,
    %get3A_1044 = vector.shape_cast %get3A_1043 : vector<1x16xf32> to vector<16xf32>
    %get3A_1045 = arith.constant 0 : i32
    %get3A_1046 = arith.constant 29 : i32
    %get3A_1047 = arith.index_cast %get3A_1045 : i32 to index
    %get3A_1048 = arith.index_cast %get3A_1046 : i32 to index
    %get3A_1049 = arith.constant 0 : index
    %get3A_1050 = tpu.vector_load %arg12[%get3A_1047, %get3A_1048, %get3A_1049] {strides = array<i32>} : memref<2x64x16xf32, #tpu.memory_space<vmem>>, vector<1x1x16xf32>,
    %get3A_1051 = vector.shape_cast %get3A_1050 : vector<1x1x16xf32> to vector<16xf32>
    %add3A_1052 = arith.addf %get3A_1051, %get3A_1039 : vector<16xf32>
    %add3A_1053 = arith.constant 1.000000e+00 : f32
    %add3A_1054 = vector.broadcast %add3A_1053 : f32 to vector<16xf32>
    %add3A_1055 = arith.addf %get3A_1044, %add3A_1054 : vector<16xf32>
    %div3A_1056 = arith.divf %add3A_1052, %add3A_1055 : vector<16xf32>
    %swap3A_1057 = arith.constant 29 : i32
    %swap3A_1058 = arith.index_cast %swap3A_1057 : i32 to index
    %swap3A_1059 = arith.constant 0 : index
    %swap3A_1060 = tpu.vector_load %arg13[%swap3A_1058, %swap3A_1059] {strides = array<i32>} : memref<64x128xf32, #tpu.memory_space<vmem>>, vector<1x16xf32>,
    %swap3A_1061 = vector.shape_cast %swap3A_1060 : vector<1x16xf32> to vector<16xf32>
    %swap3A_1062 = vector.shape_cast %div3A_1056 : vector<16xf32> to vector<1x16xf32>
    tpu.vector_store %arg13[%swap3A_1058, %swap3A_1059], %swap3A_1062 {strides = array<i32>} : memref<64x128xf32, #tpu.memory_space<vmem>>, vector<1x16xf32>,
    %get3A_1063 = arith.constant 30 : i32
    %get3A_1064 = arith.index_cast %get3A_1063 : i32 to index
    %get3A_1065 = arith.constant 0 : index
    %get3A_1066 = tpu.vector_load %arg11[%get3A_1064, %get3A_1065] {strides = array<i32>} : memref<64x128xf32, #tpu.memory_space<vmem>>, vector<1x16xf32>,
    %get3A_1067 = vector.shape_cast %get3A_1066 : vector<1x16xf32> to vector<16xf32>
    %get3A_1068 = arith.constant 30 : i32
    %get3A_1069 = arith.index_cast %get3A_1068 : i32 to index
    %get3A_1070 = arith.constant 16 : index
    %get3A_1071 = tpu.vector_load %arg11[%get3A_1069, %get3A_1070] {strides = array<i32>} : memref<64x128xf32, #tpu.memory_space<vmem>>, vector<1x16xf32>,
    %get3A_1072 = vector.shape_cast %get3A_1071 : vector<1x16xf32> to vector<16xf32>
    %get3A_1073 = arith.constant 0 : i32
    %get3A_1074 = arith.constant 30 : i32
    %get3A_1075 = arith.index_cast %get3A_1073 : i32 to index
    %get3A_1076 = arith.index_cast %get3A_1074 : i32 to index
    %get3A_1077 = arith.constant 0 : index
    %get3A_1078 = tpu.vector_load %arg12[%get3A_1075, %get3A_1076, %get3A_1077] {strides = array<i32>} : memref<2x64x16xf32, #tpu.memory_space<vmem>>, vector<1x1x16xf32>,
    %get3A_1079 = vector.shape_cast %get3A_1078 : vector<1x1x16xf32> to vector<16xf32>
    %add3A_1080 = arith.addf %get3A_1079, %get3A_1067 : vector<16xf32>
    %add3A_1081 = arith.constant 1.000000e+00 : f32
    %add3A_1082 = vector.broadcast %add3A_1081 : f32 to vector<16xf32>
    %add3A_1083 = arith.addf %get3A_1072, %add3A_1082 : vector<16xf32>
    %div3A_1084 = arith.divf %add3A_1080, %add3A_1083 : vector<16xf32>
    %swap3A_1085 = arith.constant 30 : i32
    %swap3A_1086 = arith.index_cast %swap3A_1085 : i32 to index
    %swap3A_1087 = arith.constant 0 : index
    %swap3A_1088 = tpu.vector_load %arg13[%swap3A_1086, %swap3A_1087] {strides = array<i32>} : memref<64x128xf32, #tpu.memory_space<vmem>>, vector<1x16xf32>,
    %swap3A_1089 = vector.shape_cast %swap3A_1088 : vector<1x16xf32> to vector<16xf32>
    %swap3A_1090 = vector.shape_cast %div3A_1084 : vector<16xf32> to vector<1x16xf32>
    tpu.vector_store %arg13[%swap3A_1086, %swap3A_1087], %swap3A_1090 {strides = array<i32>} : memref<64x128xf32, #tpu.memory_space<vmem>>, vector<1x16xf32>,
    %get3A_1091 = arith.constant 31 : i32
    %get3A_1092 = arith.index_cast %get3A_1091 : i32 to index
    %get3A_1093 = arith.constant 0 : index
    %get3A_1094 = tpu.vector_load %arg11[%get3A_1092, %get3A_1093] {strides = array<i32>} : memref<64x128xf32, #tpu.memory_space<vmem>>, vector<1x16xf32>,
    %get3A_1095 = vector.shape_cast %get3A_1094 : vector<1x16xf32> to vector<16xf32>
    %get3A_1096 = arith.constant 31 : i32
    %get3A_1097 = arith.index_cast %get3A_1096 : i32 to index
    %get3A_1098 = arith.constant 16 : index
    %get3A_1099 = tpu.vector_load %arg11[%get3A_1097, %get3A_1098] {strides = array<i32>} : memref<64x128xf32, #tpu.memory_space<vmem>>, vector<1x16xf32>,
    %get3A_1100 = vector.shape_cast %get3A_1099 : vector<1x16xf32> to vector<16xf32>
    %get3A_1101 = arith.constant 0 : i32
    %get3A_1102 = arith.constant 31 : i32
    %get3A_1103 = arith.index_cast %get3A_1101 : i32 to index
    %get3A_1104 = arith.index_cast %get3A_1102 : i32 to index
    %get3A_1105 = arith.constant 0 : index
    %get3A_1106 = tpu.vector_load %arg12[%get3A_1103, %get3A_1104, %get3A_1105] {strides = array<i32>} : memref<2x64x16xf32, #tpu.memory_space<vmem>>, vector<1x1x16xf32>,
    %get3A_1107 = vector.shape_cast %get3A_1106 : vector<1x1x16xf32> to vector<16xf32>
    %add3A_1108 = arith.addf %get3A_1107, %get3A_1095 : vector<16xf32>
    %add3A_1109 = arith.constant 1.000000e+00 : f32
    %add3A_1110 = vector.broadcast %add3A_1109 : f32 to vector<16xf32>
    %add3A_1111 = arith.addf %get3A_1100, %add3A_1110 : vector<16xf32>
    %div3A_1112 = arith.divf %add3A_1108, %add3A_1111 : vector<16xf32>
    %swap3A_1113 = arith.constant 31 : i32
    %swap3A_1114 = arith.index_cast %swap3A_1113 : i32 to index
    %swap3A_1115 = arith.constant 0 : index
    %swap3A_1116 = tpu.vector_load %arg13[%swap3A_1114, %swap3A_1115] {strides = array<i32>} : memref<64x128xf32, #tpu.memory_space<vmem>>, vector<1x16xf32>,
    %swap3A_1117 = vector.shape_cast %swap3A_1116 : vector<1x16xf32> to vector<16xf32>
    %swap3A_1118 = vector.shape_cast %div3A_1112 : vector<16xf32> to vector<1x16xf32>
    tpu.vector_store %arg13[%swap3A_1114, %swap3A_1115], %swap3A_1118 {strides = array<i32>} : memref<64x128xf32, #tpu.memory_space<vmem>>, vector<1x16xf32>,
    %get3A_1119 = arith.constant 32 : i32
    %get3A_1120 = arith.index_cast %get3A_1119 : i32 to index
    %get3A_1121 = arith.constant 0 : index
    %get3A_1122 = tpu.vector_load %arg11[%get3A_1120, %get3A_1121] {strides = array<i32>} : memref<64x128xf32, #tpu.memory_space<vmem>>, vector<1x16xf32>,
    %get3A_1123 = vector.shape_cast %get3A_1122 : vector<1x16xf32> to vector<16xf32>
    %get3A_1124 = arith.constant 32 : i32
    %get3A_1125 = arith.index_cast %get3A_1124 : i32 to index
    %get3A_1126 = arith.constant 16 : index
    %get3A_1127 = tpu.vector_load %arg11[%get3A_1125, %get3A_1126] {strides = array<i32>} : memref<64x128xf32, #tpu.memory_space<vmem>>, vector<1x16xf32>,
    %get3A_1128 = vector.shape_cast %get3A_1127 : vector<1x16xf32> to vector<16xf32>
    %get3A_1129 = arith.constant 0 : i32
    %get3A_1130 = arith.constant 32 : i32
    %get3A_1131 = arith.index_cast %get3A_1129 : i32 to index
    %get3A_1132 = arith.index_cast %get3A_1130 : i32 to index
    %get3A_1133 = arith.constant 0 : index
    %get3A_1134 = tpu.vector_load %arg12[%get3A_1131, %get3A_1132, %get3A_1133] {strides = array<i32>} : memref<2x64x16xf32, #tpu.memory_space<vmem>>, vector<1x1x16xf32>,
    %get3A_1135 = vector.shape_cast %get3A_1134 : vector<1x1x16xf32> to vector<16xf32>
    %add3A_1136 = arith.addf %get3A_1135, %get3A_1123 : vector<16xf32>
    %add3A_1137 = arith.constant 1.000000e+00 : f32
    %add3A_1138 = vector.broadcast %add3A_1137 : f32 to vector<16xf32>
    %add3A_1139 = arith.addf %get3A_1128, %add3A_1138 : vector<16xf32>
    %div3A_1140 = arith.divf %add3A_1136, %add3A_1139 : vector<16xf32>
    %swap3A_1141 = arith.constant 32 : i32
    %swap3A_1142 = arith.index_cast %swap3A_1141 : i32 to index
    %swap3A_1143 = arith.constant 0 : index
    %swap3A_1144 = tpu.vector_load %arg13[%swap3A_1142, %swap3A_1143] {strides = array<i32>} : memref<64x128xf32, #tpu.memory_space<vmem>>, vector<1x16xf32>,
    %swap3A_1145 = vector.shape_cast %swap3A_1144 : vector<1x16xf32> to vector<16xf32>
    %swap3A_1146 = vector.shape_cast %div3A_1140 : vector<16xf32> to vector<1x16xf32>
    tpu.vector_store %arg13[%swap3A_1142, %swap3A_1143], %swap3A_1146 {strides = array<i32>} : memref<64x128xf32, #tpu.memory_space<vmem>>, vector<1x16xf32>,
    %get3A_1147 = arith.constant 33 : i32
    %get3A_1148 = arith.index_cast %get3A_1147 : i32 to index
    %get3A_1149 = arith.constant 0 : index
    %get3A_1150 = tpu.vector_load %arg11[%get3A_1148, %get3A_1149] {strides = array<i32>} : memref<64x128xf32, #tpu.memory_space<vmem>>, vector<1x16xf32>,
    %get3A_1151 = vector.shape_cast %get3A_1150 : vector<1x16xf32> to vector<16xf32>
    %get3A_1152 = arith.constant 33 : i32
    %get3A_1153 = arith.index_cast %get3A_1152 : i32 to index
    %get3A_1154 = arith.constant 16 : index
    %get3A_1155 = tpu.vector_load %arg11[%get3A_1153, %get3A_1154] {strides = array<i32>} : memref<64x128xf32, #tpu.memory_space<vmem>>, vector<1x16xf32>,
    %get3A_1156 = vector.shape_cast %get3A_1155 : vector<1x16xf32> to vector<16xf32>
    %get3A_1157 = arith.constant 0 : i32
    %get3A_1158 = arith.constant 33 : i32
    %get3A_1159 = arith.index_cast %get3A_1157 : i32 to index
    %get3A_1160 = arith.index_cast %get3A_1158 : i32 to index
    %get3A_1161 = arith.constant 0 : index
    %get3A_1162 = tpu.vector_load %arg12[%get3A_1159, %get3A_1160, %get3A_1161] {strides = array<i32>} : memref<2x64x16xf32, #tpu.memory_space<vmem>>, vector<1x1x16xf32>,
    %get3A_1163 = vector.shape_cast %get3A_1162 : vector<1x1x16xf32> to vector<16xf32>
    %add3A_1164 = arith.addf %get3A_1163, %get3A_1151 : vector<16xf32>
    %add3A_1165 = arith.constant 1.000000e+00 : f32
    %add3A_1166 = vector.broadcast %add3A_1165 : f32 to vector<16xf32>
    %add3A_1167 = arith.addf %get3A_1156, %add3A_1166 : vector<16xf32>
    %div3A_1168 = arith.divf %add3A_1164, %add3A_1167 : vector<16xf32>
    %swap3A_1169 = arith.constant 33 : i32
    %swap3A_1170 = arith.index_cast %swap3A_1169 : i32 to index
    %swap3A_1171 = arith.constant 0 : index
    %swap3A_1172 = tpu.vector_load %arg13[%swap3A_1170, %swap3A_1171] {strides = array<i32>} : memref<64x128xf32, #tpu.memory_space<vmem>>, vector<1x16xf32>,
    %swap3A_1173 = vector.shape_cast %swap3A_1172 : vector<1x16xf32> to vector<16xf32>
    %swap3A_1174 = vector.shape_cast %div3A_1168 : vector<16xf32> to vector<1x16xf32>
    tpu.vector_store %arg13[%swap3A_1170, %swap3A_1171], %swap3A_1174 {strides = array<i32>} : memref<64x128xf32, #tpu.memory_space<vmem>>, vector<1x16xf32>,
    %get3A_1175 = arith.constant 34 : i32
    %get3A_1176 = arith.index_cast %get3A_1175 : i32 to index
    %get3A_1177 = arith.constant 0 : index
    %get3A_1178 = tpu.vector_load %arg11[%get3A_1176, %get3A_1177] {strides = array<i32>} : memref<64x128xf32, #tpu.memory_space<vmem>>, vector<1x16xf32>,
    %get3A_1179 = vector.shape_cast %get3A_1178 : vector<1x16xf32> to vector<16xf32>
    %get3A_1180 = arith.constant 34 : i32
    %get3A_1181 = arith.index_cast %get3A_1180 : i32 to index
    %get3A_1182 = arith.constant 16 : index
    %get3A_1183 = tpu.vector_load %arg11[%get3A_1181, %get3A_1182] {strides = array<i32>} : memref<64x128xf32, #tpu.memory_space<vmem>>, vector<1x16xf32>,
    %get3A_1184 = vector.shape_cast %get3A_1183 : vector<1x16xf32> to vector<16xf32>
    %get3A_1185 = arith.constant 0 : i32
    %get3A_1186 = arith.constant 34 : i32
    %get3A_1187 = arith.index_cast %get3A_1185 : i32 to index
    %get3A_1188 = arith.index_cast %get3A_1186 : i32 to index
    %get3A_1189 = arith.constant 0 : index
    %get3A_1190 = tpu.vector_load %arg12[%get3A_1187, %get3A_1188, %get3A_1189] {strides = array<i32>} : memref<2x64x16xf32, #tpu.memory_space<vmem>>, vector<1x1x16xf32>,
    %get3A_1191 = vector.shape_cast %get3A_1190 : vector<1x1x16xf32> to vector<16xf32>
    %add3A_1192 = arith.addf %get3A_1191, %get3A_1179 : vector<16xf32>
    %add3A_1193 = arith.constant 1.000000e+00 : f32
    %add3A_1194 = vector.broadcast %add3A_1193 : f32 to vector<16xf32>
    %add3A_1195 = arith.addf %get3A_1184, %add3A_1194 : vector<16xf32>
    %div3A_1196 = arith.divf %add3A_1192, %add3A_1195 : vector<16xf32>
    %swap3A_1197 = arith.constant 34 : i32
    %swap3A_1198 = arith.index_cast %swap3A_1197 : i32 to index
    %swap3A_1199 = arith.constant 0 : index
    %swap3A_1200 = tpu.vector_load %arg13[%swap3A_1198, %swap3A_1199] {strides = array<i32>} : memref<64x128xf32, #tpu.memory_space<vmem>>, vector<1x16xf32>,
    %swap3A_1201 = vector.shape_cast %swap3A_1200 : vector<1x16xf32> to vector<16xf32>
    %swap3A_1202 = vector.shape_cast %div3A_1196 : vector<16xf32> to vector<1x16xf32>
    tpu.vector_store %arg13[%swap3A_1198, %swap3A_1199], %swap3A_1202 {strides = array<i32>} : memref<64x128xf32, #tpu.memory_space<vmem>>, vector<1x16xf32>,
    %get3A_1203 = arith.constant 35 : i32
    %get3A_1204 = arith.index_cast %get3A_1203 : i32 to index
    %get3A_1205 = arith.constant 0 : index
    %get3A_1206 = tpu.vector_load %arg11[%get3A_1204, %get3A_1205] {strides = array<i32>} : memref<64x128xf32, #tpu.memory_space<vmem>>, vector<1x16xf32>,
    %get3A_1207 = vector.shape_cast %get3A_1206 : vector<1x16xf32> to vector<16xf32>
    %get3A_1208 = arith.constant 35 : i32
    %get3A_1209 = arith.index_cast %get3A_1208 : i32 to index
    %get3A_1210 = arith.constant 16 : index
    %get3A_1211 = tpu.vector_load %arg11[%get3A_1209, %get3A_1210] {strides = array<i32>} : memref<64x128xf32, #tpu.memory_space<vmem>>, vector<1x16xf32>,
    %get3A_1212 = vector.shape_cast %get3A_1211 : vector<1x16xf32> to vector<16xf32>
    %get3A_1213 = arith.constant 0 : i32
    %get3A_1214 = arith.constant 35 : i32
    %get3A_1215 = arith.index_cast %get3A_1213 : i32 to index
    %get3A_1216 = arith.index_cast %get3A_1214 : i32 to index
    %get3A_1217 = arith.constant 0 : index
    %get3A_1218 = tpu.vector_load %arg12[%get3A_1215, %get3A_1216, %get3A_1217] {strides = array<i32>} : memref<2x64x16xf32, #tpu.memory_space<vmem>>, vector<1x1x16xf32>,
    %get3A_1219 = vector.shape_cast %get3A_1218 : vector<1x1x16xf32> to vector<16xf32>
    %add3A_1220 = arith.addf %get3A_1219, %get3A_1207 : vector<16xf32>
    %add3A_1221 = arith.constant 1.000000e+00 : f32
    %add3A_1222 = vector.broadcast %add3A_1221 : f32 to vector<16xf32>
    %add3A_1223 = arith.addf %get3A_1212, %add3A_1222 : vector<16xf32>
    %div3A_1224 = arith.divf %add3A_1220, %add3A_1223 : vector<16xf32>
    %swap3A_1225 = arith.constant 35 : i32
    %swap3A_1226 = arith.index_cast %swap3A_1225 : i32 to index
    %swap3A_1227 = arith.constant 0 : index
    %swap3A_1228 = tpu.vector_load %arg13[%swap3A_1226, %swap3A_1227] {strides = array<i32>} : memref<64x128xf32, #tpu.memory_space<vmem>>, vector<1x16xf32>,
    %swap3A_1229 = vector.shape_cast %swap3A_1228 : vector<1x16xf32> to vector<16xf32>
    %swap3A_1230 = vector.shape_cast %div3A_1224 : vector<16xf32> to vector<1x16xf32>
    tpu.vector_store %arg13[%swap3A_1226, %swap3A_1227], %swap3A_1230 {strides = array<i32>} : memref<64x128xf32, #tpu.memory_space<vmem>>, vector<1x16xf32>,
    %get3A_1231 = arith.constant 36 : i32
    %get3A_1232 = arith.index_cast %get3A_1231 : i32 to index
    %get3A_1233 = arith.constant 0 : index
    %get3A_1234 = tpu.vector_load %arg11[%get3A_1232, %get3A_1233] {strides = array<i32>} : memref<64x128xf32, #tpu.memory_space<vmem>>, vector<1x16xf32>,
    %get3A_1235 = vector.shape_cast %get3A_1234 : vector<1x16xf32> to vector<16xf32>
    %get3A_1236 = arith.constant 36 : i32
    %get3A_1237 = arith.index_cast %get3A_1236 : i32 to index
    %get3A_1238 = arith.constant 16 : index
    %get3A_1239 = tpu.vector_load %arg11[%get3A_1237, %get3A_1238] {strides = array<i32>} : memref<64x128xf32, #tpu.memory_space<vmem>>, vector<1x16xf32>,
    %get3A_1240 = vector.shape_cast %get3A_1239 : vector<1x16xf32> to vector<16xf32>
    %get3A_1241 = arith.constant 0 : i32
    %get3A_1242 = arith.constant 36 : i32
    %get3A_1243 = arith.index_cast %get3A_1241 : i32 to index
    %get3A_1244 = arith.index_cast %get3A_1242 : i32 to index
    %get3A_1245 = arith.constant 0 : index
    %get3A_1246 = tpu.vector_load %arg12[%get3A_1243, %get3A_1244, %get3A_1245] {strides = array<i32>} : memref<2x64x16xf32, #tpu.memory_space<vmem>>, vector<1x1x16xf32>,
    %get3A_1247 = vector.shape_cast %get3A_1246 : vector<1x1x16xf32> to vector<16xf32>
    %add3A_1248 = arith.addf %get3A_1247, %get3A_1235 : vector<16xf32>
    %add3A_1249 = arith.constant 1.000000e+00 : f32
    %add3A_1250 = vector.broadcast %add3A_1249 : f32 to vector<16xf32>
    %add3A_1251 = arith.addf %get3A_1240, %add3A_1250 : vector<16xf32>
    %div3A_1252 = arith.divf %add3A_1248, %add3A_1251 : vector<16xf32>
    %swap3A_1253 = arith.constant 36 : i32
    %swap3A_1254 = arith.index_cast %swap3A_1253 : i32 to index
    %swap3A_1255 = arith.constant 0 : index
    %swap3A_1256 = tpu.vector_load %arg13[%swap3A_1254, %swap3A_1255] {strides = array<i32>} : memref<64x128xf32, #tpu.memory_space<vmem>>, vector<1x16xf32>,
    %swap3A_1257 = vector.shape_cast %swap3A_1256 : vector<1x16xf32> to vector<16xf32>
    %swap3A_1258 = vector.shape_cast %div3A_1252 : vector<16xf32> to vector<1x16xf32>
    tpu.vector_store %arg13[%swap3A_1254, %swap3A_1255], %swap3A_1258 {strides = array<i32>} : memref<64x128xf32, #tpu.memory_space<vmem>>, vector<1x16xf32>,
    %get3A_1259 = arith.constant 37 : i32
    %get3A_1260 = arith.index_cast %get3A_1259 : i32 to index
    %get3A_1261 = arith.constant 0 : index
    %get3A_1262 = tpu.vector_load %arg11[%get3A_1260, %get3A_1261] {strides = array<i32>} : memref<64x128xf32, #tpu.memory_space<vmem>>, vector<1x16xf32>,
    %get3A_1263 = vector.shape_cast %get3A_1262 : vector<1x16xf32> to vector<16xf32>
    %get3A_1264 = arith.constant 37 : i32
    %get3A_1265 = arith.index_cast %get3A_1264 : i32 to index
    %get3A_1266 = arith.constant 16 : index
    %get3A_1267 = tpu.vector_load %arg11[%get3A_1265, %get3A_1266] {strides = array<i32>} : memref<64x128xf32, #tpu.memory_space<vmem>>, vector<1x16xf32>,
    %get3A_1268 = vector.shape_cast %get3A_1267 : vector<1x16xf32> to vector<16xf32>
    %get3A_1269 = arith.constant 0 : i32
    %get3A_1270 = arith.constant 37 : i32
    %get3A_1271 = arith.index_cast %get3A_1269 : i32 to index
    %get3A_1272 = arith.index_cast %get3A_1270 : i32 to index
    %get3A_1273 = arith.constant 0 : index
    %get3A_1274 = tpu.vector_load %arg12[%get3A_1271, %get3A_1272, %get3A_1273] {strides = array<i32>} : memref<2x64x16xf32, #tpu.memory_space<vmem>>, vector<1x1x16xf32>,
    %get3A_1275 = vector.shape_cast %get3A_1274 : vector<1x1x16xf32> to vector<16xf32>
    %add3A_1276 = arith.addf %get3A_1275, %get3A_1263 : vector<16xf32>
    %add3A_1277 = arith.constant 1.000000e+00 : f32
    %add3A_1278 = vector.broadcast %add3A_1277 : f32 to vector<16xf32>
    %add3A_1279 = arith.addf %get3A_1268, %add3A_1278 : vector<16xf32>
    %div3A_1280 = arith.divf %add3A_1276, %add3A_1279 : vector<16xf32>
    %swap3A_1281 = arith.constant 37 : i32
    %swap3A_1282 = arith.index_cast %swap3A_1281 : i32 to index
    %swap3A_1283 = arith.constant 0 : index
    %swap3A_1284 = tpu.vector_load %arg13[%swap3A_1282, %swap3A_1283] {strides = array<i32>} : memref<64x128xf32, #tpu.memory_space<vmem>>, vector<1x16xf32>,
    %swap3A_1285 = vector.shape_cast %swap3A_1284 : vector<1x16xf32> to vector<16xf32>
    %swap3A_1286 = vector.shape_cast %div3A_1280 : vector<16xf32> to vector<1x16xf32>
    tpu.vector_store %arg13[%swap3A_1282, %swap3A_1283], %swap3A_1286 {strides = array<i32>} : memref<64x128xf32, #tpu.memory_space<vmem>>, vector<1x16xf32>,
    %get3A_1287 = arith.constant 38 : i32
    %get3A_1288 = arith.index_cast %get3A_1287 : i32 to index
    %get3A_1289 = arith.constant 0 : index
    %get3A_1290 = tpu.vector_load %arg11[%get3A_1288, %get3A_1289] {strides = array<i32>} : memref<64x128xf32, #tpu.memory_space<vmem>>, vector<1x16xf32>,
    %get3A_1291 = vector.shape_cast %get3A_1290 : vector<1x16xf32> to vector<16xf32>
    %get3A_1292 = arith.constant 38 : i32
    %get3A_1293 = arith.index_cast %get3A_1292 : i32 to index
    %get3A_1294 = arith.constant 16 : index
    %get3A_1295 = tpu.vector_load %arg11[%get3A_1293, %get3A_1294] {strides = array<i32>} : memref<64x128xf32, #tpu.memory_space<vmem>>, vector<1x16xf32>,
    %get3A_1296 = vector.shape_cast %get3A_1295 : vector<1x16xf32> to vector<16xf32>
    %get3A_1297 = arith.constant 0 : i32
    %get3A_1298 = arith.constant 38 : i32
    %get3A_1299 = arith.index_cast %get3A_1297 : i32 to index
    %get3A_1300 = arith.index_cast %get3A_1298 : i32 to index
    %get3A_1301 = arith.constant 0 : index
    %get3A_1302 = tpu.vector_load %arg12[%get3A_1299, %get3A_1300, %get3A_1301] {strides = array<i32>} : memref<2x64x16xf32, #tpu.memory_space<vmem>>, vector<1x1x16xf32>,
    %get3A_1303 = vector.shape_cast %get3A_1302 : vector<1x1x16xf32> to vector<16xf32>
    %add3A_1304 = arith.addf %get3A_1303, %get3A_1291 : vector<16xf32>
    %add3A_1305 = arith.constant 1.000000e+00 : f32
    %add3A_1306 = vector.broadcast %add3A_1305 : f32 to vector<16xf32>
    %add3A_1307 = arith.addf %get3A_1296, %add3A_1306 : vector<16xf32>
    %div3A_1308 = arith.divf %add3A_1304, %add3A_1307 : vector<16xf32>
    %swap3A_1309 = arith.constant 38 : i32
    %swap3A_1310 = arith.index_cast %swap3A_1309 : i32 to index
    %swap3A_1311 = arith.constant 0 : index
    %swap3A_1312 = tpu.vector_load %arg13[%swap3A_1310, %swap3A_1311] {strides = array<i32>} : memref<64x128xf32, #tpu.memory_space<vmem>>, vector<1x16xf32>,
    %swap3A_1313 = vector.shape_cast %swap3A_1312 : vector<1x16xf32> to vector<16xf32>
    %swap3A_1314 = vector.shape_cast %div3A_1308 : vector<16xf32> to vector<1x16xf32>
    tpu.vector_store %arg13[%swap3A_1310, %swap3A_1311], %swap3A_1314 {strides = array<i32>} : memref<64x128xf32, #tpu.memory_space<vmem>>, vector<1x16xf32>,
    %get3A_1315 = arith.constant 39 : i32
    %get3A_1316 = arith.index_cast %get3A_1315 : i32 to index
    %get3A_1317 = arith.constant 0 : index
    %get3A_1318 = tpu.vector_load %arg11[%get3A_1316, %get3A_1317] {strides = array<i32>} : memref<64x128xf32, #tpu.memory_space<vmem>>, vector<1x16xf32>,
    %get3A_1319 = vector.shape_cast %get3A_1318 : vector<1x16xf32> to vector<16xf32>
    %get3A_1320 = arith.constant 39 : i32
    %get3A_1321 = arith.index_cast %get3A_1320 : i32 to index
    %get3A_1322 = arith.constant 16 : index
    %get3A_1323 = tpu.vector_load %arg11[%get3A_1321, %get3A_1322] {strides = array<i32>} : memref<64x128xf32, #tpu.memory_space<vmem>>, vector<1x16xf32>,
    %get3A_1324 = vector.shape_cast %get3A_1323 : vector<1x16xf32> to vector<16xf32>
    %get3A_1325 = arith.constant 0 : i32
    %get3A_1326 = arith.constant 39 : i32
    %get3A_1327 = arith.index_cast %get3A_1325 : i32 to index
    %get3A_1328 = arith.index_cast %get3A_1326 : i32 to index
    %get3A_1329 = arith.constant 0 : index
    %get3A_1330 = tpu.vector_load %arg12[%get3A_1327, %get3A_1328, %get3A_1329] {strides = array<i32>} : memref<2x64x16xf32, #tpu.memory_space<vmem>>, vector<1x1x16xf32>,
    %get3A_1331 = vector.shape_cast %get3A_1330 : vector<1x1x16xf32> to vector<16xf32>
    %add3A_1332 = arith.addf %get3A_1331, %get3A_1319 : vector<16xf32>
    %add3A_1333 = arith.constant 1.000000e+00 : f32
    %add3A_1334 = vector.broadcast %add3A_1333 : f32 to vector<16xf32>
    %add3A_1335 = arith.addf %get3A_1324, %add3A_1334 : vector<16xf32>
    %div3A_1336 = arith.divf %add3A_1332, %add3A_1335 : vector<16xf32>
    %swap3A_1337 = arith.constant 39 : i32
    %swap3A_1338 = arith.index_cast %swap3A_1337 : i32 to index
    %swap3A_1339 = arith.constant 0 : index
    %swap3A_1340 = tpu.vector_load %arg13[%swap3A_1338, %swap3A_1339] {strides = array<i32>} : memref<64x128xf32, #tpu.memory_space<vmem>>, vector<1x16xf32>,
    %swap3A_1341 = vector.shape_cast %swap3A_1340 : vector<1x16xf32> to vector<16xf32>
    %swap3A_1342 = vector.shape_cast %div3A_1336 : vector<16xf32> to vector<1x16xf32>
    tpu.vector_store %arg13[%swap3A_1338, %swap3A_1339], %swap3A_1342 {strides = array<i32>} : memref<64x128xf32, #tpu.memory_space<vmem>>, vector<1x16xf32>,
    %get3A_1343 = arith.constant 40 : i32
    %get3A_1344 = arith.index_cast %get3A_1343 : i32 to index
    %get3A_1345 = arith.constant 0 : index
    %get3A_1346 = tpu.vector_load %arg11[%get3A_1344, %get3A_1345] {strides = array<i32>} : memref<64x128xf32, #tpu.memory_space<vmem>>, vector<1x16xf32>,
    %get3A_1347 = vector.shape_cast %get3A_1346 : vector<1x16xf32> to vector<16xf32>
    %get3A_1348 = arith.constant 40 : i32
    %get3A_1349 = arith.index_cast %get3A_1348 : i32 to index
    %get3A_1350 = arith.constant 16 : index
    %get3A_1351 = tpu.vector_load %arg11[%get3A_1349, %get3A_1350] {strides = array<i32>} : memref<64x128xf32, #tpu.memory_space<vmem>>, vector<1x16xf32>,
    %get3A_1352 = vector.shape_cast %get3A_1351 : vector<1x16xf32> to vector<16xf32>
    %get3A_1353 = arith.constant 0 : i32
    %get3A_1354 = arith.constant 40 : i32
    %get3A_1355 = arith.index_cast %get3A_1353 : i32 to index
    %get3A_1356 = arith.index_cast %get3A_1354 : i32 to index
    %get3A_1357 = arith.constant 0 : index
    %get3A_1358 = tpu.vector_load %arg12[%get3A_1355, %get3A_1356, %get3A_1357] {strides = array<i32>} : memref<2x64x16xf32, #tpu.memory_space<vmem>>, vector<1x1x16xf32>,
    %get3A_1359 = vector.shape_cast %get3A_1358 : vector<1x1x16xf32> to vector<16xf32>
    %add3A_1360 = arith.addf %get3A_1359, %get3A_1347 : vector<16xf32>
    %add3A_1361 = arith.constant 1.000000e+00 : f32
    %add3A_1362 = vector.broadcast %add3A_1361 : f32 to vector<16xf32>
    %add3A_1363 = arith.addf %get3A_1352, %add3A_1362 : vector<16xf32>
    %div3A_1364 = arith.divf %add3A_1360, %add3A_1363 : vector<16xf32>
    %swap3A_1365 = arith.constant 40 : i32
    %swap3A_1366 = arith.index_cast %swap3A_1365 : i32 to index
    %swap3A_1367 = arith.constant 0 : index
    %swap3A_1368 = tpu.vector_load %arg13[%swap3A_1366, %swap3A_1367] {strides = array<i32>} : memref<64x128xf32, #tpu.memory_space<vmem>>, vector<1x16xf32>,
    %swap3A_1369 = vector.shape_cast %swap3A_1368 : vector<1x16xf32> to vector<16xf32>
    %swap3A_1370 = vector.shape_cast %div3A_1364 : vector<16xf32> to vector<1x16xf32>
    tpu.vector_store %arg13[%swap3A_1366, %swap3A_1367], %swap3A_1370 {strides = array<i32>} : memref<64x128xf32, #tpu.memory_space<vmem>>, vector<1x16xf32>,
    %get3A_1371 = arith.constant 41 : i32
    %get3A_1372 = arith.index_cast %get3A_1371 : i32 to index
    %get3A_1373 = arith.constant 0 : index
    %get3A_1374 = tpu.vector_load %arg11[%get3A_1372, %get3A_1373] {strides = array<i32>} : memref<64x128xf32, #tpu.memory_space<vmem>>, vector<1x16xf32>,
    %get3A_1375 = vector.shape_cast %get3A_1374 : vector<1x16xf32> to vector<16xf32>
    %get3A_1376 = arith.constant 41 : i32
    %get3A_1377 = arith.index_cast %get3A_1376 : i32 to index
    %get3A_1378 = arith.constant 16 : index
    %get3A_1379 = tpu.vector_load %arg11[%get3A_1377, %get3A_1378] {strides = array<i32>} : memref<64x128xf32, #tpu.memory_space<vmem>>, vector<1x16xf32>,
    %get3A_1380 = vector.shape_cast %get3A_1379 : vector<1x16xf32> to vector<16xf32>
    %get3A_1381 = arith.constant 0 : i32
    %get3A_1382 = arith.constant 41 : i32
    %get3A_1383 = arith.index_cast %get3A_1381 : i32 to index
    %get3A_1384 = arith.index_cast %get3A_1382 : i32 to index
    %get3A_1385 = arith.constant 0 : index
    %get3A_1386 = tpu.vector_load %arg12[%get3A_1383, %get3A_1384, %get3A_1385] {strides = array<i32>} : memref<2x64x16xf32, #tpu.memory_space<vmem>>, vector<1x1x16xf32>,
    %get3A_1387 = vector.shape_cast %get3A_1386 : vector<1x1x16xf32> to vector<16xf32>
    %add3A_1388 = arith.addf %get3A_1387, %get3A_1375 : vector<16xf32>
    %add3A_1389 = arith.constant 1.000000e+00 : f32
    %add3A_1390 = vector.broadcast %add3A_1389 : f32 to vector<16xf32>
    %add3A_1391 = arith.addf %get3A_1380, %add3A_1390 : vector<16xf32>
    %div3A_1392 = arith.divf %add3A_1388, %add3A_1391 : vector<16xf32>
    %swap3A_1393 = arith.constant 41 : i32
    %swap3A_1394 = arith.index_cast %swap3A_1393 : i32 to index
    %swap3A_1395 = arith.constant 0 : index
    %swap3A_1396 = tpu.vector_load %arg13[%swap3A_1394, %swap3A_1395] {strides = array<i32>} : memref<64x128xf32, #tpu.memory_space<vmem>>, vector<1x16xf32>,
    %swap3A_1397 = vector.shape_cast %swap3A_1396 : vector<1x16xf32> to vector<16xf32>
    %swap3A_1398 = vector.shape_cast %div3A_1392 : vector<16xf32> to vector<1x16xf32>
    tpu.vector_store %arg13[%swap3A_1394, %swap3A_1395], %swap3A_1398 {strides = array<i32>} : memref<64x128xf32, #tpu.memory_space<vmem>>, vector<1x16xf32>,
    %get3A_1399 = arith.constant 42 : i32
    %get3A_1400 = arith.index_cast %get3A_1399 : i32 to index
    %get3A_1401 = arith.constant 0 : index
    %get3A_1402 = tpu.vector_load %arg11[%get3A_1400, %get3A_1401] {strides = array<i32>} : memref<64x128xf32, #tpu.memory_space<vmem>>, vector<1x16xf32>,
    %get3A_1403 = vector.shape_cast %get3A_1402 : vector<1x16xf32> to vector<16xf32>
    %get3A_1404 = arith.constant 42 : i32
    %get3A_1405 = arith.index_cast %get3A_1404 : i32 to index
    %get3A_1406 = arith.constant 16 : index
    %get3A_1407 = tpu.vector_load %arg11[%get3A_1405, %get3A_1406] {strides = array<i32>} : memref<64x128xf32, #tpu.memory_space<vmem>>, vector<1x16xf32>,
    %get3A_1408 = vector.shape_cast %get3A_1407 : vector<1x16xf32> to vector<16xf32>
    %get3A_1409 = arith.constant 0 : i32
    %get3A_1410 = arith.constant 42 : i32
    %get3A_1411 = arith.index_cast %get3A_1409 : i32 to index
    %get3A_1412 = arith.index_cast %get3A_1410 : i32 to index
    %get3A_1413 = arith.constant 0 : index
    %get3A_1414 = tpu.vector_load %arg12[%get3A_1411, %get3A_1412, %get3A_1413] {strides = array<i32>} : memref<2x64x16xf32, #tpu.memory_space<vmem>>, vector<1x1x16xf32>,
    %get3A_1415 = vector.shape_cast %get3A_1414 : vector<1x1x16xf32> to vector<16xf32>
    %add3A_1416 = arith.addf %get3A_1415, %get3A_1403 : vector<16xf32>
    %add3A_1417 = arith.constant 1.000000e+00 : f32
    %add3A_1418 = vector.broadcast %add3A_1417 : f32 to vector<16xf32>
    %add3A_1419 = arith.addf %get3A_1408, %add3A_1418 : vector<16xf32>
    %div3A_1420 = arith.divf %add3A_1416, %add3A_1419 : vector<16xf32>
    %swap3A_1421 = arith.constant 42 : i32
    %swap3A_1422 = arith.index_cast %swap3A_1421 : i32 to index
    %swap3A_1423 = arith.constant 0 : index
    %swap3A_1424 = tpu.vector_load %arg13[%swap3A_1422, %swap3A_1423] {strides = array<i32>} : memref<64x128xf32, #tpu.memory_space<vmem>>, vector<1x16xf32>,
    %swap3A_1425 = vector.shape_cast %swap3A_1424 : vector<1x16xf32> to vector<16xf32>
    %swap3A_1426 = vector.shape_cast %div3A_1420 : vector<16xf32> to vector<1x16xf32>
    tpu.vector_store %arg13[%swap3A_1422, %swap3A_1423], %swap3A_1426 {strides = array<i32>} : memref<64x128xf32, #tpu.memory_space<vmem>>, vector<1x16xf32>,
    %get3A_1427 = arith.constant 43 : i32
    %get3A_1428 = arith.index_cast %get3A_1427 : i32 to index
    %get3A_1429 = arith.constant 0 : index
    %get3A_1430 = tpu.vector_load %arg11[%get3A_1428, %get3A_1429] {strides = array<i32>} : memref<64x128xf32, #tpu.memory_space<vmem>>, vector<1x16xf32>,
    %get3A_1431 = vector.shape_cast %get3A_1430 : vector<1x16xf32> to vector<16xf32>
    %get3A_1432 = arith.constant 43 : i32
    %get3A_1433 = arith.index_cast %get3A_1432 : i32 to index
    %get3A_1434 = arith.constant 16 : index
    %get3A_1435 = tpu.vector_load %arg11[%get3A_1433, %get3A_1434] {strides = array<i32>} : memref<64x128xf32, #tpu.memory_space<vmem>>, vector<1x16xf32>,
    %get3A_1436 = vector.shape_cast %get3A_1435 : vector<1x16xf32> to vector<16xf32>
    %get3A_1437 = arith.constant 0 : i32
    %get3A_1438 = arith.constant 43 : i32
    %get3A_1439 = arith.index_cast %get3A_1437 : i32 to index
    %get3A_1440 = arith.index_cast %get3A_1438 : i32 to index
    %get3A_1441 = arith.constant 0 : index
    %get3A_1442 = tpu.vector_load %arg12[%get3A_1439, %get3A_1440, %get3A_1441] {strides = array<i32>} : memref<2x64x16xf32, #tpu.memory_space<vmem>>, vector<1x1x16xf32>,
    %get3A_1443 = vector.shape_cast %get3A_1442 : vector<1x1x16xf32> to vector<16xf32>
    %add3A_1444 = arith.addf %get3A_1443, %get3A_1431 : vector<16xf32>
    %add3A_1445 = arith.constant 1.000000e+00 : f32
    %add3A_1446 = vector.broadcast %add3A_1445 : f32 to vector<16xf32>
    %add3A_1447 = arith.addf %get3A_1436, %add3A_1446 : vector<16xf32>
    %div3A_1448 = arith.divf %add3A_1444, %add3A_1447 : vector<16xf32>
    %swap3A_1449 = arith.constant 43 : i32
    %swap3A_1450 = arith.index_cast %swap3A_1449 : i32 to index
    %swap3A_1451 = arith.constant 0 : index
    %swap3A_1452 = tpu.vector_load %arg13[%swap3A_1450, %swap3A_1451] {strides = array<i32>} : memref<64x128xf32, #tpu.memory_space<vmem>>, vector<1x16xf32>,
    %swap3A_1453 = vector.shape_cast %swap3A_1452 : vector<1x16xf32> to vector<16xf32>
    %swap3A_1454 = vector.shape_cast %div3A_1448 : vector<16xf32> to vector<1x16xf32>
    tpu.vector_store %arg13[%swap3A_1450, %swap3A_1451], %swap3A_1454 {strides = array<i32>} : memref<64x128xf32, #tpu.memory_space<vmem>>, vector<1x16xf32>,
    %get3A_1455 = arith.constant 44 : i32
    %get3A_1456 = arith.index_cast %get3A_1455 : i32 to index
    %get3A_1457 = arith.constant 0 : index
    %get3A_1458 = tpu.vector_load %arg11[%get3A_1456, %get3A_1457] {strides = array<i32>} : memref<64x128xf32, #tpu.memory_space<vmem>>, vector<1x16xf32>,
    %get3A_1459 = vector.shape_cast %get3A_1458 : vector<1x16xf32> to vector<16xf32>
    %get3A_1460 = arith.constant 44 : i32
    %get3A_1461 = arith.index_cast %get3A_1460 : i32 to index
    %get3A_1462 = arith.constant 16 : index
    %get3A_1463 = tpu.vector_load %arg11[%get3A_1461, %get3A_1462] {strides = array<i32>} : memref<64x128xf32, #tpu.memory_space<vmem>>, vector<1x16xf32>,
    %get3A_1464 = vector.shape_cast %get3A_1463 : vector<1x16xf32> to vector<16xf32>
    %get3A_1465 = arith.constant 0 : i32
    %get3A_1466 = arith.constant 44 : i32
    %get3A_1467 = arith.index_cast %get3A_1465 : i32 to index
    %get3A_1468 = arith.index_cast %get3A_1466 : i32 to index
    %get3A_1469 = arith.constant 0 : index
    %get3A_1470 = tpu.vector_load %arg12[%get3A_1467, %get3A_1468, %get3A_1469] {strides = array<i32>} : memref<2x64x16xf32, #tpu.memory_space<vmem>>, vector<1x1x16xf32>,
    %get3A_1471 = vector.shape_cast %get3A_1470 : vector<1x1x16xf32> to vector<16xf32>
    %add3A_1472 = arith.addf %get3A_1471, %get3A_1459 : vector<16xf32>
    %add3A_1473 = arith.constant 1.000000e+00 : f32
    %add3A_1474 = vector.broadcast %add3A_1473 : f32 to vector<16xf32>
    %add3A_1475 = arith.addf %get3A_1464, %add3A_1474 : vector<16xf32>
    %div3A_1476 = arith.divf %add3A_1472, %add3A_1475 : vector<16xf32>
    %swap3A_1477 = arith.constant 44 : i32
    %swap3A_1478 = arith.index_cast %swap3A_1477 : i32 to index
    %swap3A_1479 = arith.constant 0 : index
    %swap3A_1480 = tpu.vector_load %arg13[%swap3A_1478, %swap3A_1479] {strides = array<i32>} : memref<64x128xf32, #tpu.memory_space<vmem>>, vector<1x16xf32>,
    %swap3A_1481 = vector.shape_cast %swap3A_1480 : vector<1x16xf32> to vector<16xf32>
    %swap3A_1482 = vector.shape_cast %div3A_1476 : vector<16xf32> to vector<1x16xf32>
    tpu.vector_store %arg13[%swap3A_1478, %swap3A_1479], %swap3A_1482 {strides = array<i32>} : memref<64x128xf32, #tpu.memory_space<vmem>>, vector<1x16xf32>,
    %get3A_1483 = arith.constant 45 : i32
    %get3A_1484 = arith.index_cast %get3A_1483 : i32 to index
    %get3A_1485 = arith.constant 0 : index
    %get3A_1486 = tpu.vector_load %arg11[%get3A_1484, %get3A_1485] {strides = array<i32>} : memref<64x128xf32, #tpu.memory_space<vmem>>, vector<1x16xf32>,
    %get3A_1487 = vector.shape_cast %get3A_1486 : vector<1x16xf32> to vector<16xf32>
    %get3A_1488 = arith.constant 45 : i32
    %get3A_1489 = arith.index_cast %get3A_1488 : i32 to index
    %get3A_1490 = arith.constant 16 : index
    %get3A_1491 = tpu.vector_load %arg11[%get3A_1489, %get3A_1490] {strides = array<i32>} : memref<64x128xf32, #tpu.memory_space<vmem>>, vector<1x16xf32>,
    %get3A_1492 = vector.shape_cast %get3A_1491 : vector<1x16xf32> to vector<16xf32>
    %get3A_1493 = arith.constant 0 : i32
    %get3A_1494 = arith.constant 45 : i32
    %get3A_1495 = arith.index_cast %get3A_1493 : i32 to index
    %get3A_1496 = arith.index_cast %get3A_1494 : i32 to index
    %get3A_1497 = arith.constant 0 : index
    %get3A_1498 = tpu.vector_load %arg12[%get3A_1495, %get3A_1496, %get3A_1497] {strides = array<i32>} : memref<2x64x16xf32, #tpu.memory_space<vmem>>, vector<1x1x16xf32>,
    %get3A_1499 = vector.shape_cast %get3A_1498 : vector<1x1x16xf32> to vector<16xf32>
    %add3A_1500 = arith.addf %get3A_1499, %get3A_1487 : vector<16xf32>
    %add3A_1501 = arith.constant 1.000000e+00 : f32
    %add3A_1502 = vector.broadcast %add3A_1501 : f32 to vector<16xf32>
    %add3A_1503 = arith.addf %get3A_1492, %add3A_1502 : vector<16xf32>
    %div3A_1504 = arith.divf %add3A_1500, %add3A_1503 : vector<16xf32>
    %swap3A_1505 = arith.constant 45 : i32
    %swap3A_1506 = arith.index_cast %swap3A_1505 : i32 to index
    %swap3A_1507 = arith.constant 0 : index
    %swap3A_1508 = tpu.vector_load %arg13[%swap3A_1506, %swap3A_1507] {strides = array<i32>} : memref<64x128xf32, #tpu.memory_space<vmem>>, vector<1x16xf32>,
    %swap3A_1509 = vector.shape_cast %swap3A_1508 : vector<1x16xf32> to vector<16xf32>
    %swap3A_1510 = vector.shape_cast %div3A_1504 : vector<16xf32> to vector<1x16xf32>
    tpu.vector_store %arg13[%swap3A_1506, %swap3A_1507], %swap3A_1510 {strides = array<i32>} : memref<64x128xf32, #tpu.memory_space<vmem>>, vector<1x16xf32>,
    %get3A_1511 = arith.constant 46 : i32
    %get3A_1512 = arith.index_cast %get3A_1511 : i32 to index
    %get3A_1513 = arith.constant 0 : index
    %get3A_1514 = tpu.vector_load %arg11[%get3A_1512, %get3A_1513] {strides = array<i32>} : memref<64x128xf32, #tpu.memory_space<vmem>>, vector<1x16xf32>,
    %get3A_1515 = vector.shape_cast %get3A_1514 : vector<1x16xf32> to vector<16xf32>
    %get3A_1516 = arith.constant 46 : i32
    %get3A_1517 = arith.index_cast %get3A_1516 : i32 to index
    %get3A_1518 = arith.constant 16 : index
    %get3A_1519 = tpu.vector_load %arg11[%get3A_1517, %get3A_1518] {strides = array<i32>} : memref<64x128xf32, #tpu.memory_space<vmem>>, vector<1x16xf32>,
    %get3A_1520 = vector.shape_cast %get3A_1519 : vector<1x16xf32> to vector<16xf32>
    %get3A_1521 = arith.constant 0 : i32
    %get3A_1522 = arith.constant 46 : i32
    %get3A_1523 = arith.index_cast %get3A_1521 : i32 to index
    %get3A_1524 = arith.index_cast %get3A_1522 : i32 to index
    %get3A_1525 = arith.constant 0 : index
    %get3A_1526 = tpu.vector_load %arg12[%get3A_1523, %get3A_1524, %get3A_1525] {strides = array<i32>} : memref<2x64x16xf32, #tpu.memory_space<vmem>>, vector<1x1x16xf32>,
    %get3A_1527 = vector.shape_cast %get3A_1526 : vector<1x1x16xf32> to vector<16xf32>
    %add3A_1528 = arith.addf %get3A_1527, %get3A_1515 : vector<16xf32>
    %add3A_1529 = arith.constant 1.000000e+00 : f32
    %add3A_1530 = vector.broadcast %add3A_1529 : f32 to vector<16xf32>
    %add3A_1531 = arith.addf %get3A_1520, %add3A_1530 : vector<16xf32>
    %div3A_1532 = arith.divf %add3A_1528, %add3A_1531 : vector<16xf32>
    %swap3A_1533 = arith.constant 46 : i32
    %swap3A_1534 = arith.index_cast %swap3A_1533 : i32 to index
    %swap3A_1535 = arith.constant 0 : index
    %swap3A_1536 = tpu.vector_load %arg13[%swap3A_1534, %swap3A_1535] {strides = array<i32>} : memref<64x128xf32, #tpu.memory_space<vmem>>, vector<1x16xf32>,
    %swap3A_1537 = vector.shape_cast %swap3A_1536 : vector<1x16xf32> to vector<16xf32>
    %swap3A_1538 = vector.shape_cast %div3A_1532 : vector<16xf32> to vector<1x16xf32>
    tpu.vector_store %arg13[%swap3A_1534, %swap3A_1535], %swap3A_1538 {strides = array<i32>} : memref<64x128xf32, #tpu.memory_space<vmem>>, vector<1x16xf32>,
    %get3A_1539 = arith.constant 47 : i32
    %get3A_1540 = arith.index_cast %get3A_1539 : i32 to index
    %get3A_1541 = arith.constant 0 : index
    %get3A_1542 = tpu.vector_load %arg11[%get3A_1540, %get3A_1541] {strides = array<i32>} : memref<64x128xf32, #tpu.memory_space<vmem>>, vector<1x16xf32>,
    %get3A_1543 = vector.shape_cast %get3A_1542 : vector<1x16xf32> to vector<16xf32>
    %get3A_1544 = arith.constant 47 : i32
    %get3A_1545 = arith.index_cast %get3A_1544 : i32 to index
    %get3A_1546 = arith.constant 16 : index
    %get3A_1547 = tpu.vector_load %arg11[%get3A_1545, %get3A_1546] {strides = array<i32>} : memref<64x128xf32, #tpu.memory_space<vmem>>, vector<1x16xf32>,
    %get3A_1548 = vector.shape_cast %get3A_1547 : vector<1x16xf32> to vector<16xf32>
    %get3A_1549 = arith.constant 0 : i32
    %get3A_1550 = arith.constant 47 : i32
    %get3A_1551 = arith.index_cast %get3A_1549 : i32 to index
    %get3A_1552 = arith.index_cast %get3A_1550 : i32 to index
    %get3A_1553 = arith.constant 0 : index
    %get3A_1554 = tpu.vector_load %arg12[%get3A_1551, %get3A_1552, %get3A_1553] {strides = array<i32>} : memref<2x64x16xf32, #tpu.memory_space<vmem>>, vector<1x1x16xf32>,
    %get3A_1555 = vector.shape_cast %get3A_1554 : vector<1x1x16xf32> to vector<16xf32>
    %add3A_1556 = arith.addf %get3A_1555, %get3A_1543 : vector<16xf32>
    %add3A_1557 = arith.constant 1.000000e+00 : f32
    %add3A_1558 = vector.broadcast %add3A_1557 : f32 to vector<16xf32>
    %add3A_1559 = arith.addf %get3A_1548, %add3A_1558 : vector<16xf32>
    %div3A_1560 = arith.divf %add3A_1556, %add3A_1559 : vector<16xf32>
    %swap3A_1561 = arith.constant 47 : i32
    %swap3A_1562 = arith.index_cast %swap3A_1561 : i32 to index
    %swap3A_1563 = arith.constant 0 : index
    %swap3A_1564 = tpu.vector_load %arg13[%swap3A_1562, %swap3A_1563] {strides = array<i32>} : memref<64x128xf32, #tpu.memory_space<vmem>>, vector<1x16xf32>,
    %swap3A_1565 = vector.shape_cast %swap3A_1564 : vector<1x16xf32> to vector<16xf32>
    %swap3A_1566 = vector.shape_cast %div3A_1560 : vector<16xf32> to vector<1x16xf32>
    tpu.vector_store %arg13[%swap3A_1562, %swap3A_1563], %swap3A_1566 {strides = array<i32>} : memref<64x128xf32, #tpu.memory_space<vmem>>, vector<1x16xf32>,
    %get3A_1567 = arith.constant 48 : i32
    %get3A_1568 = arith.index_cast %get3A_1567 : i32 to index
    %get3A_1569 = arith.constant 0 : index
    %get3A_1570 = tpu.vector_load %arg11[%get3A_1568, %get3A_1569] {strides = array<i32>} : memref<64x128xf32, #tpu.memory_space<vmem>>, vector<1x16xf32>,
    %get3A_1571 = vector.shape_cast %get3A_1570 : vector<1x16xf32> to vector<16xf32>
    %get3A_1572 = arith.constant 48 : i32
    %get3A_1573 = arith.index_cast %get3A_1572 : i32 to index
    %get3A_1574 = arith.constant 16 : index
    %get3A_1575 = tpu.vector_load %arg11[%get3A_1573, %get3A_1574] {strides = array<i32>} : memref<64x128xf32, #tpu.memory_space<vmem>>, vector<1x16xf32>,
    %get3A_1576 = vector.shape_cast %get3A_1575 : vector<1x16xf32> to vector<16xf32>
    %get3A_1577 = arith.constant 0 : i32
    %get3A_1578 = arith.constant 48 : i32
    %get3A_1579 = arith.index_cast %get3A_1577 : i32 to index
    %get3A_1580 = arith.index_cast %get3A_1578 : i32 to index
    %get3A_1581 = arith.constant 0 : index
    %get3A_1582 = tpu.vector_load %arg12[%get3A_1579, %get3A_1580, %get3A_1581] {strides = array<i32>} : memref<2x64x16xf32, #tpu.memory_space<vmem>>, vector<1x1x16xf32>,
    %get3A_1583 = vector.shape_cast %get3A_1582 : vector<1x1x16xf32> to vector<16xf32>
    %add3A_1584 = arith.addf %get3A_1583, %get3A_1571 : vector<16xf32>
    %add3A_1585 = arith.constant 1.000000e+00 : f32
    %add3A_1586 = vector.broadcast %add3A_1585 : f32 to vector<16xf32>
    %add3A_1587 = arith.addf %get3A_1576, %add3A_1586 : vector<16xf32>
    %div3A_1588 = arith.divf %add3A_1584, %add3A_1587 : vector<16xf32>
    %swap3A_1589 = arith.constant 48 : i32
    %swap3A_1590 = arith.index_cast %swap3A_1589 : i32 to index
    %swap3A_1591 = arith.constant 0 : index
    %swap3A_1592 = tpu.vector_load %arg13[%swap3A_1590, %swap3A_1591] {strides = array<i32>} : memref<64x128xf32, #tpu.memory_space<vmem>>, vector<1x16xf32>,
    %swap3A_1593 = vector.shape_cast %swap3A_1592 : vector<1x16xf32> to vector<16xf32>
    %swap3A_1594 = vector.shape_cast %div3A_1588 : vector<16xf32> to vector<1x16xf32>
    tpu.vector_store %arg13[%swap3A_1590, %swap3A_1591], %swap3A_1594 {strides = array<i32>} : memref<64x128xf32, #tpu.memory_space<vmem>>, vector<1x16xf32>,
    %get3A_1595 = arith.constant 49 : i32
    %get3A_1596 = arith.index_cast %get3A_1595 : i32 to index
    %get3A_1597 = arith.constant 0 : index
    %get3A_1598 = tpu.vector_load %arg11[%get3A_1596, %get3A_1597] {strides = array<i32>} : memref<64x128xf32, #tpu.memory_space<vmem>>, vector<1x16xf32>,
    %get3A_1599 = vector.shape_cast %get3A_1598 : vector<1x16xf32> to vector<16xf32>
    %get3A_1600 = arith.constant 49 : i32
    %get3A_1601 = arith.index_cast %get3A_1600 : i32 to index
    %get3A_1602 = arith.constant 16 : index
    %get3A_1603 = tpu.vector_load %arg11[%get3A_1601, %get3A_1602] {strides = array<i32>} : memref<64x128xf32, #tpu.memory_space<vmem>>, vector<1x16xf32>,
    %get3A_1604 = vector.shape_cast %get3A_1603 : vector<1x16xf32> to vector<16xf32>
    %get3A_1605 = arith.constant 0 : i32
    %get3A_1606 = arith.constant 49 : i32
    %get3A_1607 = arith.index_cast %get3A_1605 : i32 to index
    %get3A_1608 = arith.index_cast %get3A_1606 : i32 to index
    %get3A_1609 = arith.constant 0 : index
    %get3A_1610 = tpu.vector_load %arg12[%get3A_1607, %get3A_1608, %get3A_1609] {strides = array<i32>} : memref<2x64x16xf32, #tpu.memory_space<vmem>>, vector<1x1x16xf32>,
    %get3A_1611 = vector.shape_cast %get3A_1610 : vector<1x1x16xf32> to vector<16xf32>
    %add3A_1612 = arith.addf %get3A_1611, %get3A_1599 : vector<16xf32>
    %add3A_1613 = arith.constant 1.000000e+00 : f32
    %add3A_1614 = vector.broadcast %add3A_1613 : f32 to vector<16xf32>
    %add3A_1615 = arith.addf %get3A_1604, %add3A_1614 : vector<16xf32>
    %div3A_1616 = arith.divf %add3A_1612, %add3A_1615 : vector<16xf32>
    %swap3A_1617 = arith.constant 49 : i32
    %swap3A_1618 = arith.index_cast %swap3A_1617 : i32 to index
    %swap3A_1619 = arith.constant 0 : index
    %swap3A_1620 = tpu.vector_load %arg13[%swap3A_1618, %swap3A_1619] {strides = array<i32>} : memref<64x128xf32, #tpu.memory_space<vmem>>, vector<1x16xf32>,
    %swap3A_1621 = vector.shape_cast %swap3A_1620 : vector<1x16xf32> to vector<16xf32>
    %swap3A_1622 = vector.shape_cast %div3A_1616 : vector<16xf32> to vector<1x16xf32>
    tpu.vector_store %arg13[%swap3A_1618, %swap3A_1619], %swap3A_1622 {strides = array<i32>} : memref<64x128xf32, #tpu.memory_space<vmem>>, vector<1x16xf32>,
    %get3A_1623 = arith.constant 50 : i32
    %get3A_1624 = arith.index_cast %get3A_1623 : i32 to index
    %get3A_1625 = arith.constant 0 : index
    %get3A_1626 = tpu.vector_load %arg11[%get3A_1624, %get3A_1625] {strides = array<i32>} : memref<64x128xf32, #tpu.memory_space<vmem>>, vector<1x16xf32>,
    %get3A_1627 = vector.shape_cast %get3A_1626 : vector<1x16xf32> to vector<16xf32>
    %get3A_1628 = arith.constant 50 : i32
    %get3A_1629 = arith.index_cast %get3A_1628 : i32 to index
    %get3A_1630 = arith.constant 16 : index
    %get3A_1631 = tpu.vector_load %arg11[%get3A_1629, %get3A_1630] {strides = array<i32>} : memref<64x128xf32, #tpu.memory_space<vmem>>, vector<1x16xf32>,
    %get3A_1632 = vector.shape_cast %get3A_1631 : vector<1x16xf32> to vector<16xf32>
    %get3A_1633 = arith.constant 0 : i32
    %get3A_1634 = arith.constant 50 : i32
    %get3A_1635 = arith.index_cast %get3A_1633 : i32 to index
    %get3A_1636 = arith.index_cast %get3A_1634 : i32 to index
    %get3A_1637 = arith.constant 0 : index
    %get3A_1638 = tpu.vector_load %arg12[%get3A_1635, %get3A_1636, %get3A_1637] {strides = array<i32>} : memref<2x64x16xf32, #tpu.memory_space<vmem>>, vector<1x1x16xf32>,
    %get3A_1639 = vector.shape_cast %get3A_1638 : vector<1x1x16xf32> to vector<16xf32>
    %add3A_1640 = arith.addf %get3A_1639, %get3A_1627 : vector<16xf32>
    %add3A_1641 = arith.constant 1.000000e+00 : f32
    %add3A_1642 = vector.broadcast %add3A_1641 : f32 to vector<16xf32>
    %add3A_1643 = arith.addf %get3A_1632, %add3A_1642 : vector<16xf32>
    %div3A_1644 = arith.divf %add3A_1640, %add3A_1643 : vector<16xf32>
    %swap3A_1645 = arith.constant 50 : i32
    %swap3A_1646 = arith.index_cast %swap3A_1645 : i32 to index
    %swap3A_1647 = arith.constant 0 : index
    %swap3A_1648 = tpu.vector_load %arg13[%swap3A_1646, %swap3A_1647] {strides = array<i32>} : memref<64x128xf32, #tpu.memory_space<vmem>>, vector<1x16xf32>,
    %swap3A_1649 = vector.shape_cast %swap3A_1648 : vector<1x16xf32> to vector<16xf32>
    %swap3A_1650 = vector.shape_cast %div3A_1644 : vector<16xf32> to vector<1x16xf32>
    tpu.vector_store %arg13[%swap3A_1646, %swap3A_1647], %swap3A_1650 {strides = array<i32>} : memref<64x128xf32, #tpu.memory_space<vmem>>, vector<1x16xf32>,
    %get3A_1651 = arith.constant 51 : i32
    %get3A_1652 = arith.index_cast %get3A_1651 : i32 to index
    %get3A_1653 = arith.constant 0 : index
    %get3A_1654 = tpu.vector_load %arg11[%get3A_1652, %get3A_1653] {strides = array<i32>} : memref<64x128xf32, #tpu.memory_space<vmem>>, vector<1x16xf32>,
    %get3A_1655 = vector.shape_cast %get3A_1654 : vector<1x16xf32> to vector<16xf32>
    %get3A_1656 = arith.constant 51 : i32
    %get3A_1657 = arith.index_cast %get3A_1656 : i32 to index
    %get3A_1658 = arith.constant 16 : index
    %get3A_1659 = tpu.vector_load %arg11[%get3A_1657, %get3A_1658] {strides = array<i32>} : memref<64x128xf32, #tpu.memory_space<vmem>>, vector<1x16xf32>,
    %get3A_1660 = vector.shape_cast %get3A_1659 : vector<1x16xf32> to vector<16xf32>
    %get3A_1661 = arith.constant 0 : i32
    %get3A_1662 = arith.constant 51 : i32
    %get3A_1663 = arith.index_cast %get3A_1661 : i32 to index
    %get3A_1664 = arith.index_cast %get3A_1662 : i32 to index
    %get3A_1665 = arith.constant 0 : index
    %get3A_1666 = tpu.vector_load %arg12[%get3A_1663, %get3A_1664, %get3A_1665] {strides = array<i32>} : memref<2x64x16xf32, #tpu.memory_space<vmem>>, vector<1x1x16xf32>,
    %get3A_1667 = vector.shape_cast %get3A_1666 : vector<1x1x16xf32> to vector<16xf32>
    %add3A_1668 = arith.addf %get3A_1667, %get3A_1655 : vector<16xf32>
    %add3A_1669 = arith.constant 1.000000e+00 : f32
    %add3A_1670 = vector.broadcast %add3A_1669 : f32 to vector<16xf32>
    %add3A_1671 = arith.addf %get3A_1660, %add3A_1670 : vector<16xf32>
    %div3A_1672 = arith.divf %add3A_1668, %add3A_1671 : vector<16xf32>
    %swap3A_1673 = arith.constant 51 : i32
    %swap3A_1674 = arith.index_cast %swap3A_1673 : i32 to index
    %swap3A_1675 = arith.constant 0 : index
    %swap3A_1676 = tpu.vector_load %arg13[%swap3A_1674, %swap3A_1675] {strides = array<i32>} : memref<64x128xf32, #tpu.memory_space<vmem>>, vector<1x16xf32>,
    %swap3A_1677 = vector.shape_cast %swap3A_1676 : vector<1x16xf32> to vector<16xf32>
    %swap3A_1678 = vector.shape_cast %div3A_1672 : vector<16xf32> to vector<1x16xf32>
    tpu.vector_store %arg13[%swap3A_1674, %swap3A_1675], %swap3A_1678 {strides = array<i32>} : memref<64x128xf32, #tpu.memory_space<vmem>>, vector<1x16xf32>,
    %get3A_1679 = arith.constant 52 : i32
    %get3A_1680 = arith.index_cast %get3A_1679 : i32 to index
    %get3A_1681 = arith.constant 0 : index
    %get3A_1682 = tpu.vector_load %arg11[%get3A_1680, %get3A_1681] {strides = array<i32>} : memref<64x128xf32, #tpu.memory_space<vmem>>, vector<1x16xf32>,
    %get3A_1683 = vector.shape_cast %get3A_1682 : vector<1x16xf32> to vector<16xf32>
    %get3A_1684 = arith.constant 52 : i32
    %get3A_1685 = arith.index_cast %get3A_1684 : i32 to index
    %get3A_1686 = arith.constant 16 : index
    %get3A_1687 = tpu.vector_load %arg11[%get3A_1685, %get3A_1686] {strides = array<i32>} : memref<64x128xf32, #tpu.memory_space<vmem>>, vector<1x16xf32>,
    %get3A_1688 = vector.shape_cast %get3A_1687 : vector<1x16xf32> to vector<16xf32>
    %get3A_1689 = arith.constant 0 : i32
    %get3A_1690 = arith.constant 52 : i32
    %get3A_1691 = arith.index_cast %get3A_1689 : i32 to index
    %get3A_1692 = arith.index_cast %get3A_1690 : i32 to index
    %get3A_1693 = arith.constant 0 : index
    %get3A_1694 = tpu.vector_load %arg12[%get3A_1691, %get3A_1692, %get3A_1693] {strides = array<i32>} : memref<2x64x16xf32, #tpu.memory_space<vmem>>, vector<1x1x16xf32>,
    %get3A_1695 = vector.shape_cast %get3A_1694 : vector<1x1x16xf32> to vector<16xf32>
    %add3A_1696 = arith.addf %get3A_1695, %get3A_1683 : vector<16xf32>
    %add3A_1697 = arith.constant 1.000000e+00 : f32
    %add3A_1698 = vector.broadcast %add3A_1697 : f32 to vector<16xf32>
    %add3A_1699 = arith.addf %get3A_1688, %add3A_1698 : vector<16xf32>
    %div3A_1700 = arith.divf %add3A_1696, %add3A_1699 : vector<16xf32>
    %swap3A_1701 = arith.constant 52 : i32
    %swap3A_1702 = arith.index_cast %swap3A_1701 : i32 to index
    %swap3A_1703 = arith.constant 0 : index
    %swap3A_1704 = tpu.vector_load %arg13[%swap3A_1702, %swap3A_1703] {strides = array<i32>} : memref<64x128xf32, #tpu.memory_space<vmem>>, vector<1x16xf32>,
    %swap3A_1705 = vector.shape_cast %swap3A_1704 : vector<1x16xf32> to vector<16xf32>
    %swap3A_1706 = vector.shape_cast %div3A_1700 : vector<16xf32> to vector<1x16xf32>
    tpu.vector_store %arg13[%swap3A_1702, %swap3A_1703], %swap3A_1706 {strides = array<i32>} : memref<64x128xf32, #tpu.memory_space<vmem>>, vector<1x16xf32>,
    %get3A_1707 = arith.constant 53 : i32
    %get3A_1708 = arith.index_cast %get3A_1707 : i32 to index
    %get3A_1709 = arith.constant 0 : index
    %get3A_1710 = tpu.vector_load %arg11[%get3A_1708, %get3A_1709] {strides = array<i32>} : memref<64x128xf32, #tpu.memory_space<vmem>>, vector<1x16xf32>,
    %get3A_1711 = vector.shape_cast %get3A_1710 : vector<1x16xf32> to vector<16xf32>
    %get3A_1712 = arith.constant 53 : i32
    %get3A_1713 = arith.index_cast %get3A_1712 : i32 to index
    %get3A_1714 = arith.constant 16 : index
    %get3A_1715 = tpu.vector_load %arg11[%get3A_1713, %get3A_1714] {strides = array<i32>} : memref<64x128xf32, #tpu.memory_space<vmem>>, vector<1x16xf32>,
    %get3A_1716 = vector.shape_cast %get3A_1715 : vector<1x16xf32> to vector<16xf32>
    %get3A_1717 = arith.constant 0 : i32
    %get3A_1718 = arith.constant 53 : i32
    %get3A_1719 = arith.index_cast %get3A_1717 : i32 to index
    %get3A_1720 = arith.index_cast %get3A_1718 : i32 to index
    %get3A_1721 = arith.constant 0 : index
    %get3A_1722 = tpu.vector_load %arg12[%get3A_1719, %get3A_1720, %get3A_1721] {strides = array<i32>} : memref<2x64x16xf32, #tpu.memory_space<vmem>>, vector<1x1x16xf32>,
    %get3A_1723 = vector.shape_cast %get3A_1722 : vector<1x1x16xf32> to vector<16xf32>
    %add3A_1724 = arith.addf %get3A_1723, %get3A_1711 : vector<16xf32>
    %add3A_1725 = arith.constant 1.000000e+00 : f32
    %add3A_1726 = vector.broadcast %add3A_1725 : f32 to vector<16xf32>
    %add3A_1727 = arith.addf %get3A_1716, %add3A_1726 : vector<16xf32>
    %div3A_1728 = arith.divf %add3A_1724, %add3A_1727 : vector<16xf32>
    %swap3A_1729 = arith.constant 53 : i32
    %swap3A_1730 = arith.index_cast %swap3A_1729 : i32 to index
    %swap3A_1731 = arith.constant 0 : index
    %swap3A_1732 = tpu.vector_load %arg13[%swap3A_1730, %swap3A_1731] {strides = array<i32>} : memref<64x128xf32, #tpu.memory_space<vmem>>, vector<1x16xf32>,
    %swap3A_1733 = vector.shape_cast %swap3A_1732 : vector<1x16xf32> to vector<16xf32>
    %swap3A_1734 = vector.shape_cast %div3A_1728 : vector<16xf32> to vector<1x16xf32>
    tpu.vector_store %arg13[%swap3A_1730, %swap3A_1731], %swap3A_1734 {strides = array<i32>} : memref<64x128xf32, #tpu.memory_space<vmem>>, vector<1x16xf32>,
    %get3A_1735 = arith.constant 54 : i32
    %get3A_1736 = arith.index_cast %get3A_1735 : i32 to index
    %get3A_1737 = arith.constant 0 : index
    %get3A_1738 = tpu.vector_load %arg11[%get3A_1736, %get3A_1737] {strides = array<i32>} : memref<64x128xf32, #tpu.memory_space<vmem>>, vector<1x16xf32>,
    %get3A_1739 = vector.shape_cast %get3A_1738 : vector<1x16xf32> to vector<16xf32>
    %get3A_1740 = arith.constant 54 : i32
    %get3A_1741 = arith.index_cast %get3A_1740 : i32 to index
    %get3A_1742 = arith.constant 16 : index
    %get3A_1743 = tpu.vector_load %arg11[%get3A_1741, %get3A_1742] {strides = array<i32>} : memref<64x128xf32, #tpu.memory_space<vmem>>, vector<1x16xf32>,
    %get3A_1744 = vector.shape_cast %get3A_1743 : vector<1x16xf32> to vector<16xf32>
    %get3A_1745 = arith.constant 0 : i32
    %get3A_1746 = arith.constant 54 : i32
    %get3A_1747 = arith.index_cast %get3A_1745 : i32 to index
    %get3A_1748 = arith.index_cast %get3A_1746 : i32 to index
    %get3A_1749 = arith.constant 0 : index
    %get3A_1750 = tpu.vector_load %arg12[%get3A_1747, %get3A_1748, %get3A_1749] {strides = array<i32>} : memref<2x64x16xf32, #tpu.memory_space<vmem>>, vector<1x1x16xf32>,
    %get3A_1751 = vector.shape_cast %get3A_1750 : vector<1x1x16xf32> to vector<16xf32>
    %add3A_1752 = arith.addf %get3A_1751, %get3A_1739 : vector<16xf32>
    %add3A_1753 = arith.constant 1.000000e+00 : f32
    %add3A_1754 = vector.broadcast %add3A_1753 : f32 to vector<16xf32>
    %add3A_1755 = arith.addf %get3A_1744, %add3A_1754 : vector<16xf32>
    %div3A_1756 = arith.divf %add3A_1752, %add3A_1755 : vector<16xf32>
    %swap3A_1757 = arith.constant 54 : i32
    %swap3A_1758 = arith.index_cast %swap3A_1757 : i32 to index
    %swap3A_1759 = arith.constant 0 : index
    %swap3A_1760 = tpu.vector_load %arg13[%swap3A_1758, %swap3A_1759] {strides = array<i32>} : memref<64x128xf32, #tpu.memory_space<vmem>>, vector<1x16xf32>,
    %swap3A_1761 = vector.shape_cast %swap3A_1760 : vector<1x16xf32> to vector<16xf32>
    %swap3A_1762 = vector.shape_cast %div3A_1756 : vector<16xf32> to vector<1x16xf32>
    tpu.vector_store %arg13[%swap3A_1758, %swap3A_1759], %swap3A_1762 {strides = array<i32>} : memref<64x128xf32, #tpu.memory_space<vmem>>, vector<1x16xf32>,
    %get3A_1763 = arith.constant 55 : i32
    %get3A_1764 = arith.index_cast %get3A_1763 : i32 to index
    %get3A_1765 = arith.constant 0 : index
    %get3A_1766 = tpu.vector_load %arg11[%get3A_1764, %get3A_1765] {strides = array<i32>} : memref<64x128xf32, #tpu.memory_space<vmem>>, vector<1x16xf32>,
    %get3A_1767 = vector.shape_cast %get3A_1766 : vector<1x16xf32> to vector<16xf32>
    %get3A_1768 = arith.constant 55 : i32
    %get3A_1769 = arith.index_cast %get3A_1768 : i32 to index
    %get3A_1770 = arith.constant 16 : index
    %get3A_1771 = tpu.vector_load %arg11[%get3A_1769, %get3A_1770] {strides = array<i32>} : memref<64x128xf32, #tpu.memory_space<vmem>>, vector<1x16xf32>,
    %get3A_1772 = vector.shape_cast %get3A_1771 : vector<1x16xf32> to vector<16xf32>
    %get3A_1773 = arith.constant 0 : i32
    %get3A_1774 = arith.constant 55 : i32
    %get3A_1775 = arith.index_cast %get3A_1773 : i32 to index
    %get3A_1776 = arith.index_cast %get3A_1774 : i32 to index
    %get3A_1777 = arith.constant 0 : index
    %get3A_1778 = tpu.vector_load %arg12[%get3A_1775, %get3A_1776, %get3A_1777] {strides = array<i32>} : memref<2x64x16xf32, #tpu.memory_space<vmem>>, vector<1x1x16xf32>,
    %get3A_1779 = vector.shape_cast %get3A_1778 : vector<1x1x16xf32> to vector<16xf32>
    %add3A_1780 = arith.addf %get3A_1779, %get3A_1767 : vector<16xf32>
    %add3A_1781 = arith.constant 1.000000e+00 : f32
    %add3A_1782 = vector.broadcast %add3A_1781 : f32 to vector<16xf32>
    %add3A_1783 = arith.addf %get3A_1772, %add3A_1782 : vector<16xf32>
    %div3A_1784 = arith.divf %add3A_1780, %add3A_1783 : vector<16xf32>
    %swap3A_1785 = arith.constant 55 : i32
    %swap3A_1786 = arith.index_cast %swap3A_1785 : i32 to index
    %swap3A_1787 = arith.constant 0 : index
    %swap3A_1788 = tpu.vector_load %arg13[%swap3A_1786, %swap3A_1787] {strides = array<i32>} : memref<64x128xf32, #tpu.memory_space<vmem>>, vector<1x16xf32>,
    %swap3A_1789 = vector.shape_cast %swap3A_1788 : vector<1x16xf32> to vector<16xf32>
    %swap3A_1790 = vector.shape_cast %div3A_1784 : vector<16xf32> to vector<1x16xf32>
    tpu.vector_store %arg13[%swap3A_1786, %swap3A_1787], %swap3A_1790 {strides = array<i32>} : memref<64x128xf32, #tpu.memory_space<vmem>>, vector<1x16xf32>,
    %get3A_1791 = arith.constant 56 : i32
    %get3A_1792 = arith.index_cast %get3A_1791 : i32 to index
    %get3A_1793 = arith.constant 0 : index
    %get3A_1794 = tpu.vector_load %arg11[%get3A_1792, %get3A_1793] {strides = array<i32>} : memref<64x128xf32, #tpu.memory_space<vmem>>, vector<1x16xf32>,
    %get3A_1795 = vector.shape_cast %get3A_1794 : vector<1x16xf32> to vector<16xf32>
    %get3A_1796 = arith.constant 56 : i32
    %get3A_1797 = arith.index_cast %get3A_1796 : i32 to index
    %get3A_1798 = arith.constant 16 : index
    %get3A_1799 = tpu.vector_load %arg11[%get3A_1797, %get3A_1798] {strides = array<i32>} : memref<64x128xf32, #tpu.memory_space<vmem>>, vector<1x16xf32>,
    %get3A_1800 = vector.shape_cast %get3A_1799 : vector<1x16xf32> to vector<16xf32>
    %get3A_1801 = arith.constant 0 : i32
    %get3A_1802 = arith.constant 56 : i32
    %get3A_1803 = arith.index_cast %get3A_1801 : i32 to index
    %get3A_1804 = arith.index_cast %get3A_1802 : i32 to index
    %get3A_1805 = arith.constant 0 : index
    %get3A_1806 = tpu.vector_load %arg12[%get3A_1803, %get3A_1804, %get3A_1805] {strides = array<i32>} : memref<2x64x16xf32, #tpu.memory_space<vmem>>, vector<1x1x16xf32>,
    %get3A_1807 = vector.shape_cast %get3A_1806 : vector<1x1x16xf32> to vector<16xf32>
    %add3A_1808 = arith.addf %get3A_1807, %get3A_1795 : vector<16xf32>
    %add3A_1809 = arith.constant 1.000000e+00 : f32
    %add3A_1810 = vector.broadcast %add3A_1809 : f32 to vector<16xf32>
    %add3A_1811 = arith.addf %get3A_1800, %add3A_1810 : vector<16xf32>
    %div3A_1812 = arith.divf %add3A_1808, %add3A_1811 : vector<16xf32>
    %swap3A_1813 = arith.constant 56 : i32
    %swap3A_1814 = arith.index_cast %swap3A_1813 : i32 to index
    %swap3A_1815 = arith.constant 0 : index
    %swap3A_1816 = tpu.vector_load %arg13[%swap3A_1814, %swap3A_1815] {strides = array<i32>} : memref<64x128xf32, #tpu.memory_space<vmem>>, vector<1x16xf32>,
    %swap3A_1817 = vector.shape_cast %swap3A_1816 : vector<1x16xf32> to vector<16xf32>
    %swap3A_1818 = vector.shape_cast %div3A_1812 : vector<16xf32> to vector<1x16xf32>
    tpu.vector_store %arg13[%swap3A_1814, %swap3A_1815], %swap3A_1818 {strides = array<i32>} : memref<64x128xf32, #tpu.memory_space<vmem>>, vector<1x16xf32>,
    %get3A_1819 = arith.constant 57 : i32
    %get3A_1820 = arith.index_cast %get3A_1819 : i32 to index
    %get3A_1821 = arith.constant 0 : index
    %get3A_1822 = tpu.vector_load %arg11[%get3A_1820, %get3A_1821] {strides = array<i32>} : memref<64x128xf32, #tpu.memory_space<vmem>>, vector<1x16xf32>,
    %get3A_1823 = vector.shape_cast %get3A_1822 : vector<1x16xf32> to vector<16xf32>
    %get3A_1824 = arith.constant 57 : i32
    %get3A_1825 = arith.index_cast %get3A_1824 : i32 to index
    %get3A_1826 = arith.constant 16 : index
    %get3A_1827 = tpu.vector_load %arg11[%get3A_1825, %get3A_1826] {strides = array<i32>} : memref<64x128xf32, #tpu.memory_space<vmem>>, vector<1x16xf32>,
    %get3A_1828 = vector.shape_cast %get3A_1827 : vector<1x16xf32> to vector<16xf32>
    %get3A_1829 = arith.constant 0 : i32
    %get3A_1830 = arith.constant 57 : i32
    %get3A_1831 = arith.index_cast %get3A_1829 : i32 to index
    %get3A_1832 = arith.index_cast %get3A_1830 : i32 to index
    %get3A_1833 = arith.constant 0 : index
    %get3A_1834 = tpu.vector_load %arg12[%get3A_1831, %get3A_1832, %get3A_1833] {strides = array<i32>} : memref<2x64x16xf32, #tpu.memory_space<vmem>>, vector<1x1x16xf32>,
    %get3A_1835 = vector.shape_cast %get3A_1834 : vector<1x1x16xf32> to vector<16xf32>
    %add3A_1836 = arith.addf %get3A_1835, %get3A_1823 : vector<16xf32>
    %add3A_1837 = arith.constant 1.000000e+00 : f32
    %add3A_1838 = vector.broadcast %add3A_1837 : f32 to vector<16xf32>
    %add3A_1839 = arith.addf %get3A_1828, %add3A_1838 : vector<16xf32>
    %div3A_1840 = arith.divf %add3A_1836, %add3A_1839 : vector<16xf32>
    %swap3A_1841 = arith.constant 57 : i32
    %swap3A_1842 = arith.index_cast %swap3A_1841 : i32 to index
    %swap3A_1843 = arith.constant 0 : index
    %swap3A_1844 = tpu.vector_load %arg13[%swap3A_1842, %swap3A_1843] {strides = array<i32>} : memref<64x128xf32, #tpu.memory_space<vmem>>, vector<1x16xf32>,
    %swap3A_1845 = vector.shape_cast %swap3A_1844 : vector<1x16xf32> to vector<16xf32>
    %swap3A_1846 = vector.shape_cast %div3A_1840 : vector<16xf32> to vector<1x16xf32>
    tpu.vector_store %arg13[%swap3A_1842, %swap3A_1843], %swap3A_1846 {strides = array<i32>} : memref<64x128xf32, #tpu.memory_space<vmem>>, vector<1x16xf32>,
    %get3A_1847 = arith.constant 58 : i32
    %get3A_1848 = arith.index_cast %get3A_1847 : i32 to index
    %get3A_1849 = arith.constant 0 : index
    %get3A_1850 = tpu.vector_load %arg11[%get3A_1848, %get3A_1849] {strides = array<i32>} : memref<64x128xf32, #tpu.memory_space<vmem>>, vector<1x16xf32>,
    %get3A_1851 = vector.shape_cast %get3A_1850 : vector<1x16xf32> to vector<16xf32>
    %get3A_1852 = arith.constant 58 : i32
    %get3A_1853 = arith.index_cast %get3A_1852 : i32 to index
    %get3A_1854 = arith.constant 16 : index
    %get3A_1855 = tpu.vector_load %arg11[%get3A_1853, %get3A_1854] {strides = array<i32>} : memref<64x128xf32, #tpu.memory_space<vmem>>, vector<1x16xf32>,
    %get3A_1856 = vector.shape_cast %get3A_1855 : vector<1x16xf32> to vector<16xf32>
    %get3A_1857 = arith.constant 0 : i32
    %get3A_1858 = arith.constant 58 : i32
    %get3A_1859 = arith.index_cast %get3A_1857 : i32 to index
    %get3A_1860 = arith.index_cast %get3A_1858 : i32 to index
    %get3A_1861 = arith.constant 0 : index
    %get3A_1862 = tpu.vector_load %arg12[%get3A_1859, %get3A_1860, %get3A_1861] {strides = array<i32>} : memref<2x64x16xf32, #tpu.memory_space<vmem>>, vector<1x1x16xf32>,
    %get3A_1863 = vector.shape_cast %get3A_1862 : vector<1x1x16xf32> to vector<16xf32>
    %add3A_1864 = arith.addf %get3A_1863, %get3A_1851 : vector<16xf32>
    %add3A_1865 = arith.constant 1.000000e+00 : f32
    %add3A_1866 = vector.broadcast %add3A_1865 : f32 to vector<16xf32>
    %add3A_1867 = arith.addf %get3A_1856, %add3A_1866 : vector<16xf32>
    %div3A_1868 = arith.divf %add3A_1864, %add3A_1867 : vector<16xf32>
    %swap3A_1869 = arith.constant 58 : i32
    %swap3A_1870 = arith.index_cast %swap3A_1869 : i32 to index
    %swap3A_1871 = arith.constant 0 : index
    %swap3A_1872 = tpu.vector_load %arg13[%swap3A_1870, %swap3A_1871] {strides = array<i32>} : memref<64x128xf32, #tpu.memory_space<vmem>>, vector<1x16xf32>,
    %swap3A_1873 = vector.shape_cast %swap3A_1872 : vector<1x16xf32> to vector<16xf32>
    %swap3A_1874 = vector.shape_cast %div3A_1868 : vector<16xf32> to vector<1x16xf32>
    tpu.vector_store %arg13[%swap3A_1870, %swap3A_1871], %swap3A_1874 {strides = array<i32>} : memref<64x128xf32, #tpu.memory_space<vmem>>, vector<1x16xf32>,
    %get3A_1875 = arith.constant 59 : i32
    %get3A_1876 = arith.index_cast %get3A_1875 : i32 to index
    %get3A_1877 = arith.constant 0 : index
    %get3A_1878 = tpu.vector_load %arg11[%get3A_1876, %get3A_1877] {strides = array<i32>} : memref<64x128xf32, #tpu.memory_space<vmem>>, vector<1x16xf32>,
    %get3A_1879 = vector.shape_cast %get3A_1878 : vector<1x16xf32> to vector<16xf32>
    %get3A_1880 = arith.constant 59 : i32
    %get3A_1881 = arith.index_cast %get3A_1880 : i32 to index
    %get3A_1882 = arith.constant 16 : index
    %get3A_1883 = tpu.vector_load %arg11[%get3A_1881, %get3A_1882] {strides = array<i32>} : memref<64x128xf32, #tpu.memory_space<vmem>>, vector<1x16xf32>,
    %get3A_1884 = vector.shape_cast %get3A_1883 : vector<1x16xf32> to vector<16xf32>
    %get3A_1885 = arith.constant 0 : i32
    %get3A_1886 = arith.constant 59 : i32
    %get3A_1887 = arith.index_cast %get3A_1885 : i32 to index
    %get3A_1888 = arith.index_cast %get3A_1886 : i32 to index
    %get3A_1889 = arith.constant 0 : index
    %get3A_1890 = tpu.vector_load %arg12[%get3A_1887, %get3A_1888, %get3A_1889] {strides = array<i32>} : memref<2x64x16xf32, #tpu.memory_space<vmem>>, vector<1x1x16xf32>,
    %get3A_1891 = vector.shape_cast %get3A_1890 : vector<1x1x16xf32> to vector<16xf32>
    %add3A_1892 = arith.addf %get3A_1891, %get3A_1879 : vector<16xf32>
    %add3A_1893 = arith.constant 1.000000e+00 : f32
    %add3A_1894 = vector.broadcast %add3A_1893 : f32 to vector<16xf32>
    %add3A_1895 = arith.addf %get3A_1884, %add3A_1894 : vector<16xf32>
    %div3A_1896 = arith.divf %add3A_1892, %add3A_1895 : vector<16xf32>
    %swap3A_1897 = arith.constant 59 : i32
    %swap3A_1898 = arith.index_cast %swap3A_1897 : i32 to index
    %swap3A_1899 = arith.constant 0 : index
    %swap3A_1900 = tpu.vector_load %arg13[%swap3A_1898, %swap3A_1899] {strides = array<i32>} : memref<64x128xf32, #tpu.memory_space<vmem>>, vector<1x16xf32>,
    %swap3A_1901 = vector.shape_cast %swap3A_1900 : vector<1x16xf32> to vector<16xf32>
    %swap3A_1902 = vector.shape_cast %div3A_1896 : vector<16xf32> to vector<1x16xf32>
    tpu.vector_store %arg13[%swap3A_1898, %swap3A_1899], %swap3A_1902 {strides = array<i32>} : memref<64x128xf32, #tpu.memory_space<vmem>>, vector<1x16xf32>,
    %get3A_1903 = arith.constant 60 : i32
    %get3A_1904 = arith.index_cast %get3A_1903 : i32 to index
    %get3A_1905 = arith.constant 0 : index
    %get3A_1906 = tpu.vector_load %arg11[%get3A_1904, %get3A_1905] {strides = array<i32>} : memref<64x128xf32, #tpu.memory_space<vmem>>, vector<1x16xf32>,
    %get3A_1907 = vector.shape_cast %get3A_1906 : vector<1x16xf32> to vector<16xf32>
    %get3A_1908 = arith.constant 60 : i32
    %get3A_1909 = arith.index_cast %get3A_1908 : i32 to index
    %get3A_1910 = arith.constant 16 : index
    %get3A_1911 = tpu.vector_load %arg11[%get3A_1909, %get3A_1910] {strides = array<i32>} : memref<64x128xf32, #tpu.memory_space<vmem>>, vector<1x16xf32>,
    %get3A_1912 = vector.shape_cast %get3A_1911 : vector<1x16xf32> to vector<16xf32>
    %get3A_1913 = arith.constant 0 : i32
    %get3A_1914 = arith.constant 60 : i32
    %get3A_1915 = arith.index_cast %get3A_1913 : i32 to index
    %get3A_1916 = arith.index_cast %get3A_1914 : i32 to index
    %get3A_1917 = arith.constant 0 : index
    %get3A_1918 = tpu.vector_load %arg12[%get3A_1915, %get3A_1916, %get3A_1917] {strides = array<i32>} : memref<2x64x16xf32, #tpu.memory_space<vmem>>, vector<1x1x16xf32>,
    %get3A_1919 = vector.shape_cast %get3A_1918 : vector<1x1x16xf32> to vector<16xf32>
    %add3A_1920 = arith.addf %get3A_1919, %get3A_1907 : vector<16xf32>
    %add3A_1921 = arith.constant 1.000000e+00 : f32
    %add3A_1922 = vector.broadcast %add3A_1921 : f32 to vector<16xf32>
    %add3A_1923 = arith.addf %get3A_1912, %add3A_1922 : vector<16xf32>
    %div3A_1924 = arith.divf %add3A_1920, %add3A_1923 : vector<16xf32>
    %swap3A_1925 = arith.constant 60 : i32
    %swap3A_1926 = arith.index_cast %swap3A_1925 : i32 to index
    %swap3A_1927 = arith.constant 0 : index
    %swap3A_1928 = tpu.vector_load %arg13[%swap3A_1926, %swap3A_1927] {strides = array<i32>} : memref<64x128xf32, #tpu.memory_space<vmem>>, vector<1x16xf32>,
    %swap3A_1929 = vector.shape_cast %swap3A_1928 : vector<1x16xf32> to vector<16xf32>
    %swap3A_1930 = vector.shape_cast %div3A_1924 : vector<16xf32> to vector<1x16xf32>
    tpu.vector_store %arg13[%swap3A_1926, %swap3A_1927], %swap3A_1930 {strides = array<i32>} : memref<64x128xf32, #tpu.memory_space<vmem>>, vector<1x16xf32>,
    %get3A_1931 = arith.constant 61 : i32
    %get3A_1932 = arith.index_cast %get3A_1931 : i32 to index
    %get3A_1933 = arith.constant 0 : index
    %get3A_1934 = tpu.vector_load %arg11[%get3A_1932, %get3A_1933] {strides = array<i32>} : memref<64x128xf32, #tpu.memory_space<vmem>>, vector<1x16xf32>,
    %get3A_1935 = vector.shape_cast %get3A_1934 : vector<1x16xf32> to vector<16xf32>
    %get3A_1936 = arith.constant 61 : i32
    %get3A_1937 = arith.index_cast %get3A_1936 : i32 to index
    %get3A_1938 = arith.constant 16 : index
    %get3A_1939 = tpu.vector_load %arg11[%get3A_1937, %get3A_1938] {strides = array<i32>} : memref<64x128xf32, #tpu.memory_space<vmem>>, vector<1x16xf32>,
    %get3A_1940 = vector.shape_cast %get3A_1939 : vector<1x16xf32> to vector<16xf32>
    %get3A_1941 = arith.constant 0 : i32
    %get3A_1942 = arith.constant 61 : i32
    %get3A_1943 = arith.index_cast %get3A_1941 : i32 to index
    %get3A_1944 = arith.index_cast %get3A_1942 : i32 to index
    %get3A_1945 = arith.constant 0 : index
    %get3A_1946 = tpu.vector_load %arg12[%get3A_1943, %get3A_1944, %get3A_1945] {strides = array<i32>} : memref<2x64x16xf32, #tpu.memory_space<vmem>>, vector<1x1x16xf32>,
    %get3A_1947 = vector.shape_cast %get3A_1946 : vector<1x1x16xf32> to vector<16xf32>
    %add3A_1948 = arith.addf %get3A_1947, %get3A_1935 : vector<16xf32>
    %add3A_1949 = arith.constant 1.000000e+00 : f32
    %add3A_1950 = vector.broadcast %add3A_1949 : f32 to vector<16xf32>
    %add3A_1951 = arith.addf %get3A_1940, %add3A_1950 : vector<16xf32>
    %div3A_1952 = arith.divf %add3A_1948, %add3A_1951 : vector<16xf32>
    %swap3A_1953 = arith.constant 61 : i32
    %swap3A_1954 = arith.index_cast %swap3A_1953 : i32 to index
    %swap3A_1955 = arith.constant 0 : index
    %swap3A_1956 = tpu.vector_load %arg13[%swap3A_1954, %swap3A_1955] {strides = array<i32>} : memref<64x128xf32, #tpu.memory_space<vmem>>, vector<1x16xf32>,
    %swap3A_1957 = vector.shape_cast %swap3A_1956 : vector<1x16xf32> to vector<16xf32>
    %swap3A_1958 = vector.shape_cast %div3A_1952 : vector<16xf32> to vector<1x16xf32>
    tpu.vector_store %arg13[%swap3A_1954, %swap3A_1955], %swap3A_1958 {strides = array<i32>} : memref<64x128xf32, #tpu.memory_space<vmem>>, vector<1x16xf32>,
    %get3A_1959 = arith.constant 62 : i32
    %get3A_1960 = arith.index_cast %get3A_1959 : i32 to index
    %get3A_1961 = arith.constant 0 : index
    %get3A_1962 = tpu.vector_load %arg11[%get3A_1960, %get3A_1961] {strides = array<i32>} : memref<64x128xf32, #tpu.memory_space<vmem>>, vector<1x16xf32>,
    %get3A_1963 = vector.shape_cast %get3A_1962 : vector<1x16xf32> to vector<16xf32>
    %get3A_1964 = arith.constant 62 : i32
    %get3A_1965 = arith.index_cast %get3A_1964 : i32 to index
    %get3A_1966 = arith.constant 16 : index
    %get3A_1967 = tpu.vector_load %arg11[%get3A_1965, %get3A_1966] {strides = array<i32>} : memref<64x128xf32, #tpu.memory_space<vmem>>, vector<1x16xf32>,
    %get3A_1968 = vector.shape_cast %get3A_1967 : vector<1x16xf32> to vector<16xf32>
    %get3A_1969 = arith.constant 0 : i32
    %get3A_1970 = arith.constant 62 : i32
    %get3A_1971 = arith.index_cast %get3A_1969 : i32 to index
    %get3A_1972 = arith.index_cast %get3A_1970 : i32 to index
    %get3A_1973 = arith.constant 0 : index
    %get3A_1974 = tpu.vector_load %arg12[%get3A_1971, %get3A_1972, %get3A_1973] {strides = array<i32>} : memref<2x64x16xf32, #tpu.memory_space<vmem>>, vector<1x1x16xf32>,
    %get3A_1975 = vector.shape_cast %get3A_1974 : vector<1x1x16xf32> to vector<16xf32>
    %add3A_1976 = arith.addf %get3A_1975, %get3A_1963 : vector<16xf32>
    %add3A_1977 = arith.constant 1.000000e+00 : f32
    %add3A_1978 = vector.broadcast %add3A_1977 : f32 to vector<16xf32>
    %add3A_1979 = arith.addf %get3A_1968, %add3A_1978 : vector<16xf32>
    %div3A_1980 = arith.divf %add3A_1976, %add3A_1979 : vector<16xf32>
    %swap3A_1981 = arith.constant 62 : i32
    %swap3A_1982 = arith.index_cast %swap3A_1981 : i32 to index
    %swap3A_1983 = arith.constant 0 : index
    %swap3A_1984 = tpu.vector_load %arg13[%swap3A_1982, %swap3A_1983] {strides = array<i32>} : memref<64x128xf32, #tpu.memory_space<vmem>>, vector<1x16xf32>,
    %swap3A_1985 = vector.shape_cast %swap3A_1984 : vector<1x16xf32> to vector<16xf32>
    %swap3A_1986 = vector.shape_cast %div3A_1980 : vector<16xf32> to vector<1x16xf32>
    tpu.vector_store %arg13[%swap3A_1982, %swap3A_1983], %swap3A_1986 {strides = array<i32>} : memref<64x128xf32, #tpu.memory_space<vmem>>, vector<1x16xf32>,
    %get3A_1987 = arith.constant 63 : i32
    %get3A_1988 = arith.index_cast %get3A_1987 : i32 to index
    %get3A_1989 = arith.constant 0 : index
    %get3A_1990 = tpu.vector_load %arg11[%get3A_1988, %get3A_1989] {strides = array<i32>} : memref<64x128xf32, #tpu.memory_space<vmem>>, vector<1x16xf32>,
    %get3A_1991 = vector.shape_cast %get3A_1990 : vector<1x16xf32> to vector<16xf32>
    %get3A_1992 = arith.constant 63 : i32
    %get3A_1993 = arith.index_cast %get3A_1992 : i32 to index
    %get3A_1994 = arith.constant 16 : index
    %get3A_1995 = tpu.vector_load %arg11[%get3A_1993, %get3A_1994] {strides = array<i32>} : memref<64x128xf32, #tpu.memory_space<vmem>>, vector<1x16xf32>,
    %get3A_1996 = vector.shape_cast %get3A_1995 : vector<1x16xf32> to vector<16xf32>
    %get3A_1997 = arith.constant 0 : i32
    %get3A_1998 = arith.constant 63 : i32
    %get3A_1999 = arith.index_cast %get3A_1997 : i32 to index
    %get3A_2000 = arith.index_cast %get3A_1998 : i32 to index
    %get3A_2001 = arith.constant 0 : index
    %get3A_2002 = tpu.vector_load %arg12[%get3A_1999, %get3A_2000, %get3A_2001] {strides = array<i32>} : memref<2x64x16xf32, #tpu.memory_space<vmem>>, vector<1x1x16xf32>,
    %get3A_2003 = vector.shape_cast %get3A_2002 : vector<1x1x16xf32> to vector<16xf32>
    %add3A_2004 = arith.addf %get3A_2003, %get3A_1991 : vector<16xf32>
    %add3A_2005 = arith.constant 1.000000e+00 : f32
    %add3A_2006 = vector.broadcast %add3A_2005 : f32 to vector<16xf32>
    %add3A_2007 = arith.addf %get3A_1996, %add3A_2006 : vector<16xf32>
    %div3A_2008 = arith.divf %add3A_2004, %add3A_2007 : vector<16xf32>
    %swap3A_2009 = arith.constant 63 : i32
    %swap3A_2010 = arith.index_cast %swap3A_2009 : i32 to index
    %swap3A_2011 = arith.constant 0 : index
    %swap3A_2012 = tpu.vector_load %arg13[%swap3A_2010, %swap3A_2011] {strides = array<i32>} : memref<64x128xf32, #tpu.memory_space<vmem>>, vector<1x16xf32>,
    %swap3A_2013 = vector.shape_cast %swap3A_2012 : vector<1x16xf32> to vector<16xf32>
    %swap3A_2014 = vector.shape_cast %div3A_2008 : vector<16xf32> to vector<1x16xf32>
    tpu.vector_store %arg13[%swap3A_2010, %swap3A_2011], %swap3A_2014 {strides = array<i32>} : memref<64x128xf32, #tpu.memory_space<vmem>>, vector<1x16xf32>,
    %mul3A_2015 = arith.constant 1024 : i32
    %mul3A_2016 = arith.muli %add3A_221, %mul3A_2015 : i32
    %mul3A_2017 = arith.constant 64 : i32
    %mul3A_2018 = arith.muli %arg1, %mul3A_2017 : i32
    %add3A_2019 = arith.addi %mul3A_2016, %mul3A_2018 : i32
    "tpu.region"() ({
      %run_scoped3A_3946 = tpu.sem_alloc : memref<!tpu.dma_semaphore, #tpu.memory_space<semaphore_mem>>
      %dma_start3A_3947 = arith.constant 0 : i32
      %dma_start3A_3948 = tpu.memref_slice %arg8[%add3A_2019, %dma_start3A_3947] : memref<4096x128xf32, #tpu.memory_space<hbm>> -> memref<64x128xf32, #tpu.memory_space<hbm>>
      %dma_start3A_3949 = arith.constant 0 : i32
      %dma_start3A_3950 = tpu.memref_slice %arg8[%add3A_2019, %dma_start3A_3949] : memref<4096x128xf32, #tpu.memory_space<hbm>> -> memref<64x128xf32, #tpu.memory_space<hbm>>
      tpu.enqueue_dma source(%arg13 : memref<64x128xf32, #tpu.memory_space<vmem>>) target(%dma_start3A_3950 : memref<64x128xf32, #tpu.memory_space<hbm>>) target_semaphore(%run_scoped3A_3946 : memref<!tpu.dma_semaphore, #tpu.memory_space<semaphore_mem>>)
      %dma_wait3A_3951 = arith.constant 0 : i32
      %dma_wait3A_3952 = tpu.memref_slice %arg8[%add3A_2019, %dma_wait3A_3951] : memref<4096x128xf32, #tpu.memory_space<hbm>> -> memref<64x128xf32, #tpu.memory_space<hbm>>
      %dma_wait3A_3953 = arith.constant 0 : i32
      %dma_wait3A_3954 = tpu.memref_slice %arg8[%add3A_2019, %dma_wait3A_3953] : memref<4096x128xf32, #tpu.memory_space<hbm>> -> memref<64x128xf32, #tpu.memory_space<hbm>>
      tpu.wait_dma2 semaphore(%run_scoped3A_3946 : memref<!tpu.dma_semaphore, #tpu.memory_space<semaphore_mem>>) src(%arg13 : memref<64x128xf32, #tpu.memory_space<vmem>>) dst(%dma_wait3A_3954 : memref<64x128xf32, #tpu.memory_space<hbm>>)
      tpu.yield
    }) : () -> ()
    %mul3A_2020 = arith.constant 2 : i32
    %mul3A_2021 = arith.muli %arg0, %mul3A_2020 : i32
    %add3A_2022 = arith.constant 1 : i32
    %add3A_2023 = arith.addi %mul3A_2021, %add3A_2022 : i32
    %mul3A_2024 = arith.constant 64 : i32
    %mul3A_2025 = arith.muli %arg1, %mul3A_2024 : i32
    %add3A_2026 = arith.constant 1024 : i32
    %add3A_2027 = arith.addi %add3A_2026, %mul3A_2025 : i32
    "tpu.region"() ({
      %run_scoped3A_3946 = tpu.sem_alloc : memref<!tpu.dma_semaphore, #tpu.memory_space<semaphore_mem>>
      %dma_start3A_3947 = arith.constant 0 : i32
      %dma_start3A_3948 = tpu.memref_slice %arg16[%add3A_2027, %dma_start3A_3947] : memref<2048x128xf32, #tpu.memory_space<vmem_shared>> -> memref<64x128xf32, #tpu.memory_space<vmem_shared>>
      %dma_start3A_3949 = arith.constant 0 : i32
      %dma_start3A_3950 = tpu.memref_slice %arg16[%add3A_2027, %dma_start3A_3949] : memref<2048x128xf32, #tpu.memory_space<vmem_shared>> -> memref<64x128xf32, #tpu.memory_space<vmem_shared>>
      tpu.enqueue_dma source(%dma_start3A_3950 : memref<64x128xf32, #tpu.memory_space<vmem_shared>>) target(%arg11 : memref<64x128xf32, #tpu.memory_space<vmem>>) target_semaphore(%run_scoped3A_3946 : memref<!tpu.dma_semaphore, #tpu.memory_space<semaphore_mem>>)
      %dma_wait3A_3951 = arith.constant 0 : i32
      %dma_wait3A_3952 = tpu.memref_slice %arg16[%add3A_2027, %dma_wait3A_3951] : memref<2048x128xf32, #tpu.memory_space<vmem_shared>> -> memref<64x128xf32, #tpu.memory_space<vmem_shared>>
      %dma_wait3A_3953 = arith.constant 0 : i32
      %dma_wait3A_3954 = tpu.memref_slice %arg16[%add3A_2027, %dma_wait3A_3953] : memref<2048x128xf32, #tpu.memory_space<vmem_shared>> -> memref<64x128xf32, #tpu.memory_space<vmem_shared>>
      tpu.wait_dma2 semaphore(%run_scoped3A_3946 : memref<!tpu.dma_semaphore, #tpu.memory_space<semaphore_mem>>) src(%dma_wait3A_3954 : memref<64x128xf32, #tpu.memory_space<vmem_shared>>) dst(%arg11 : memref<64x128xf32, #tpu.memory_space<vmem>>)
      tpu.yield
    }) : () -> ()
    %get3A_2028 = arith.constant 0 : i32
    %get3A_2029 = arith.index_cast %get3A_2028 : i32 to index
    %get3A_2030 = arith.constant 0 : index
    %get3A_2031 = tpu.vector_load %arg11[%get3A_2029, %get3A_2030] {strides = array<i32>} : memref<64x128xf32, #tpu.memory_space<vmem>>, vector<1x16xf32>,
    %get3A_2032 = vector.shape_cast %get3A_2031 : vector<1x16xf32> to vector<16xf32>
    %get3A_2033 = arith.constant 0 : i32
    %get3A_2034 = arith.index_cast %get3A_2033 : i32 to index
    %get3A_2035 = arith.constant 16 : index
    %get3A_2036 = tpu.vector_load %arg11[%get3A_2034, %get3A_2035] {strides = array<i32>} : memref<64x128xf32, #tpu.memory_space<vmem>>, vector<1x16xf32>,
    %get3A_2037 = vector.shape_cast %get3A_2036 : vector<1x16xf32> to vector<16xf32>
    %get3A_2038 = arith.constant 1 : i32
    %get3A_2039 = arith.constant 0 : i32
    %get3A_2040 = arith.index_cast %get3A_2038 : i32 to index
    %get3A_2041 = arith.index_cast %get3A_2039 : i32 to index
    %get3A_2042 = arith.constant 0 : index
    %get3A_2043 = tpu.vector_load %arg12[%get3A_2040, %get3A_2041, %get3A_2042] {strides = array<i32>} : memref<2x64x16xf32, #tpu.memory_space<vmem>>, vector<1x1x16xf32>,
    %get3A_2044 = vector.shape_cast %get3A_2043 : vector<1x1x16xf32> to vector<16xf32>
    %add3A_2045 = arith.addf %get3A_2044, %get3A_2032 : vector<16xf32>
    %add3A_2046 = arith.constant 1.000000e+00 : f32
    %add3A_2047 = vector.broadcast %add3A_2046 : f32 to vector<16xf32>
    %add3A_2048 = arith.addf %get3A_2037, %add3A_2047 : vector<16xf32>
    %div3A_2049 = arith.divf %add3A_2045, %add3A_2048 : vector<16xf32>
    %swap3A_2050 = arith.constant 0 : i32
    %swap3A_2051 = arith.index_cast %swap3A_2050 : i32 to index
    %swap3A_2052 = arith.constant 0 : index
    %swap3A_2053 = tpu.vector_load %arg13[%swap3A_2051, %swap3A_2052] {strides = array<i32>} : memref<64x128xf32, #tpu.memory_space<vmem>>, vector<1x16xf32>,
    %swap3A_2054 = vector.shape_cast %swap3A_2053 : vector<1x16xf32> to vector<16xf32>
    %swap3A_2055 = vector.shape_cast %div3A_2049 : vector<16xf32> to vector<1x16xf32>
    tpu.vector_store %arg13[%swap3A_2051, %swap3A_2052], %swap3A_2055 {strides = array<i32>} : memref<64x128xf32, #tpu.memory_space<vmem>>, vector<1x16xf32>,
    %get3A_2056 = arith.constant 1 : i32
    %get3A_2057 = arith.index_cast %get3A_2056 : i32 to index
    %get3A_2058 = arith.constant 0 : index
    %get3A_2059 = tpu.vector_load %arg11[%get3A_2057, %get3A_2058] {strides = array<i32>} : memref<64x128xf32, #tpu.memory_space<vmem>>, vector<1x16xf32>,
    %get3A_2060 = vector.shape_cast %get3A_2059 : vector<1x16xf32> to vector<16xf32>
    %get3A_2061 = arith.constant 1 : i32
    %get3A_2062 = arith.index_cast %get3A_2061 : i32 to index
    %get3A_2063 = arith.constant 16 : index
    %get3A_2064 = tpu.vector_load %arg11[%get3A_2062, %get3A_2063] {strides = array<i32>} : memref<64x128xf32, #tpu.memory_space<vmem>>, vector<1x16xf32>,
    %get3A_2065 = vector.shape_cast %get3A_2064 : vector<1x16xf32> to vector<16xf32>
    %get3A_2066 = arith.constant 1 : i32
    %get3A_2067 = arith.constant 1 : i32
    %get3A_2068 = arith.index_cast %get3A_2066 : i32 to index
    %get3A_2069 = arith.index_cast %get3A_2067 : i32 to index
    %get3A_2070 = arith.constant 0 : index
    %get3A_2071 = tpu.vector_load %arg12[%get3A_2068, %get3A_2069, %get3A_2070] {strides = array<i32>} : memref<2x64x16xf32, #tpu.memory_space<vmem>>, vector<1x1x16xf32>,
    %get3A_2072 = vector.shape_cast %get3A_2071 : vector<1x1x16xf32> to vector<16xf32>
    %add3A_2073 = arith.addf %get3A_2072, %get3A_2060 : vector<16xf32>
    %add3A_2074 = arith.constant 1.000000e+00 : f32
    %add3A_2075 = vector.broadcast %add3A_2074 : f32 to vector<16xf32>
    %add3A_2076 = arith.addf %get3A_2065, %add3A_2075 : vector<16xf32>
    %div3A_2077 = arith.divf %add3A_2073, %add3A_2076 : vector<16xf32>
    %swap3A_2078 = arith.constant 1 : i32
    %swap3A_2079 = arith.index_cast %swap3A_2078 : i32 to index
    %swap3A_2080 = arith.constant 0 : index
    %swap3A_2081 = tpu.vector_load %arg13[%swap3A_2079, %swap3A_2080] {strides = array<i32>} : memref<64x128xf32, #tpu.memory_space<vmem>>, vector<1x16xf32>,
    %swap3A_2082 = vector.shape_cast %swap3A_2081 : vector<1x16xf32> to vector<16xf32>
    %swap3A_2083 = vector.shape_cast %div3A_2077 : vector<16xf32> to vector<1x16xf32>
    tpu.vector_store %arg13[%swap3A_2079, %swap3A_2080], %swap3A_2083 {strides = array<i32>} : memref<64x128xf32, #tpu.memory_space<vmem>>, vector<1x16xf32>,
    %get3A_2084 = arith.constant 2 : i32
    %get3A_2085 = arith.index_cast %get3A_2084 : i32 to index
    %get3A_2086 = arith.constant 0 : index
    %get3A_2087 = tpu.vector_load %arg11[%get3A_2085, %get3A_2086] {strides = array<i32>} : memref<64x128xf32, #tpu.memory_space<vmem>>, vector<1x16xf32>,
    %get3A_2088 = vector.shape_cast %get3A_2087 : vector<1x16xf32> to vector<16xf32>
    %get3A_2089 = arith.constant 2 : i32
    %get3A_2090 = arith.index_cast %get3A_2089 : i32 to index
    %get3A_2091 = arith.constant 16 : index
    %get3A_2092 = tpu.vector_load %arg11[%get3A_2090, %get3A_2091] {strides = array<i32>} : memref<64x128xf32, #tpu.memory_space<vmem>>, vector<1x16xf32>,
    %get3A_2093 = vector.shape_cast %get3A_2092 : vector<1x16xf32> to vector<16xf32>
    %get3A_2094 = arith.constant 1 : i32
    %get3A_2095 = arith.constant 2 : i32
    %get3A_2096 = arith.index_cast %get3A_2094 : i32 to index
    %get3A_2097 = arith.index_cast %get3A_2095 : i32 to index
    %get3A_2098 = arith.constant 0 : index
    %get3A_2099 = tpu.vector_load %arg12[%get3A_2096, %get3A_2097, %get3A_2098] {strides = array<i32>} : memref<2x64x16xf32, #tpu.memory_space<vmem>>, vector<1x1x16xf32>,
    %get3A_2100 = vector.shape_cast %get3A_2099 : vector<1x1x16xf32> to vector<16xf32>
    %add3A_2101 = arith.addf %get3A_2100, %get3A_2088 : vector<16xf32>
    %add3A_2102 = arith.constant 1.000000e+00 : f32
    %add3A_2103 = vector.broadcast %add3A_2102 : f32 to vector<16xf32>
    %add3A_2104 = arith.addf %get3A_2093, %add3A_2103 : vector<16xf32>
    %div3A_2105 = arith.divf %add3A_2101, %add3A_2104 : vector<16xf32>
    %swap3A_2106 = arith.constant 2 : i32
    %swap3A_2107 = arith.index_cast %swap3A_2106 : i32 to index
    %swap3A_2108 = arith.constant 0 : index
    %swap3A_2109 = tpu.vector_load %arg13[%swap3A_2107, %swap3A_2108] {strides = array<i32>} : memref<64x128xf32, #tpu.memory_space<vmem>>, vector<1x16xf32>,
    %swap3A_2110 = vector.shape_cast %swap3A_2109 : vector<1x16xf32> to vector<16xf32>
    %swap3A_2111 = vector.shape_cast %div3A_2105 : vector<16xf32> to vector<1x16xf32>
    tpu.vector_store %arg13[%swap3A_2107, %swap3A_2108], %swap3A_2111 {strides = array<i32>} : memref<64x128xf32, #tpu.memory_space<vmem>>, vector<1x16xf32>,
    %get3A_2112 = arith.constant 3 : i32
    %get3A_2113 = arith.index_cast %get3A_2112 : i32 to index
    %get3A_2114 = arith.constant 0 : index
    %get3A_2115 = tpu.vector_load %arg11[%get3A_2113, %get3A_2114] {strides = array<i32>} : memref<64x128xf32, #tpu.memory_space<vmem>>, vector<1x16xf32>,
    %get3A_2116 = vector.shape_cast %get3A_2115 : vector<1x16xf32> to vector<16xf32>
    %get3A_2117 = arith.constant 3 : i32
    %get3A_2118 = arith.index_cast %get3A_2117 : i32 to index
    %get3A_2119 = arith.constant 16 : index
    %get3A_2120 = tpu.vector_load %arg11[%get3A_2118, %get3A_2119] {strides = array<i32>} : memref<64x128xf32, #tpu.memory_space<vmem>>, vector<1x16xf32>,
    %get3A_2121 = vector.shape_cast %get3A_2120 : vector<1x16xf32> to vector<16xf32>
    %get3A_2122 = arith.constant 1 : i32
    %get3A_2123 = arith.constant 3 : i32
    %get3A_2124 = arith.index_cast %get3A_2122 : i32 to index
    %get3A_2125 = arith.index_cast %get3A_2123 : i32 to index
    %get3A_2126 = arith.constant 0 : index
    %get3A_2127 = tpu.vector_load %arg12[%get3A_2124, %get3A_2125, %get3A_2126] {strides = array<i32>} : memref<2x64x16xf32, #tpu.memory_space<vmem>>, vector<1x1x16xf32>,
    %get3A_2128 = vector.shape_cast %get3A_2127 : vector<1x1x16xf32> to vector<16xf32>
    %add3A_2129 = arith.addf %get3A_2128, %get3A_2116 : vector<16xf32>
    %add3A_2130 = arith.constant 1.000000e+00 : f32
    %add3A_2131 = vector.broadcast %add3A_2130 : f32 to vector<16xf32>
    %add3A_2132 = arith.addf %get3A_2121, %add3A_2131 : vector<16xf32>
    %div3A_2133 = arith.divf %add3A_2129, %add3A_2132 : vector<16xf32>
    %swap3A_2134 = arith.constant 3 : i32
    %swap3A_2135 = arith.index_cast %swap3A_2134 : i32 to index
    %swap3A_2136 = arith.constant 0 : index
    %swap3A_2137 = tpu.vector_load %arg13[%swap3A_2135, %swap3A_2136] {strides = array<i32>} : memref<64x128xf32, #tpu.memory_space<vmem>>, vector<1x16xf32>,
    %swap3A_2138 = vector.shape_cast %swap3A_2137 : vector<1x16xf32> to vector<16xf32>
    %swap3A_2139 = vector.shape_cast %div3A_2133 : vector<16xf32> to vector<1x16xf32>
    tpu.vector_store %arg13[%swap3A_2135, %swap3A_2136], %swap3A_2139 {strides = array<i32>} : memref<64x128xf32, #tpu.memory_space<vmem>>, vector<1x16xf32>,
    %get3A_2140 = arith.constant 4 : i32
    %get3A_2141 = arith.index_cast %get3A_2140 : i32 to index
    %get3A_2142 = arith.constant 0 : index
    %get3A_2143 = tpu.vector_load %arg11[%get3A_2141, %get3A_2142] {strides = array<i32>} : memref<64x128xf32, #tpu.memory_space<vmem>>, vector<1x16xf32>,
    %get3A_2144 = vector.shape_cast %get3A_2143 : vector<1x16xf32> to vector<16xf32>
    %get3A_2145 = arith.constant 4 : i32
    %get3A_2146 = arith.index_cast %get3A_2145 : i32 to index
    %get3A_2147 = arith.constant 16 : index
    %get3A_2148 = tpu.vector_load %arg11[%get3A_2146, %get3A_2147] {strides = array<i32>} : memref<64x128xf32, #tpu.memory_space<vmem>>, vector<1x16xf32>,
    %get3A_2149 = vector.shape_cast %get3A_2148 : vector<1x16xf32> to vector<16xf32>
    %get3A_2150 = arith.constant 1 : i32
    %get3A_2151 = arith.constant 4 : i32
    %get3A_2152 = arith.index_cast %get3A_2150 : i32 to index
    %get3A_2153 = arith.index_cast %get3A_2151 : i32 to index
    %get3A_2154 = arith.constant 0 : index
    %get3A_2155 = tpu.vector_load %arg12[%get3A_2152, %get3A_2153, %get3A_2154] {strides = array<i32>} : memref<2x64x16xf32, #tpu.memory_space<vmem>>, vector<1x1x16xf32>,
    %get3A_2156 = vector.shape_cast %get3A_2155 : vector<1x1x16xf32> to vector<16xf32>
    %add3A_2157 = arith.addf %get3A_2156, %get3A_2144 : vector<16xf32>
    %add3A_2158 = arith.constant 1.000000e+00 : f32
    %add3A_2159 = vector.broadcast %add3A_2158 : f32 to vector<16xf32>
    %add3A_2160 = arith.addf %get3A_2149, %add3A_2159 : vector<16xf32>
    %div3A_2161 = arith.divf %add3A_2157, %add3A_2160 : vector<16xf32>
    %swap3A_2162 = arith.constant 4 : i32
    %swap3A_2163 = arith.index_cast %swap3A_2162 : i32 to index
    %swap3A_2164 = arith.constant 0 : index
    %swap3A_2165 = tpu.vector_load %arg13[%swap3A_2163, %swap3A_2164] {strides = array<i32>} : memref<64x128xf32, #tpu.memory_space<vmem>>, vector<1x16xf32>,
    %swap3A_2166 = vector.shape_cast %swap3A_2165 : vector<1x16xf32> to vector<16xf32>
    %swap3A_2167 = vector.shape_cast %div3A_2161 : vector<16xf32> to vector<1x16xf32>
    tpu.vector_store %arg13[%swap3A_2163, %swap3A_2164], %swap3A_2167 {strides = array<i32>} : memref<64x128xf32, #tpu.memory_space<vmem>>, vector<1x16xf32>,
    %get3A_2168 = arith.constant 5 : i32
    %get3A_2169 = arith.index_cast %get3A_2168 : i32 to index
    %get3A_2170 = arith.constant 0 : index
    %get3A_2171 = tpu.vector_load %arg11[%get3A_2169, %get3A_2170] {strides = array<i32>} : memref<64x128xf32, #tpu.memory_space<vmem>>, vector<1x16xf32>,
    %get3A_2172 = vector.shape_cast %get3A_2171 : vector<1x16xf32> to vector<16xf32>
    %get3A_2173 = arith.constant 5 : i32
    %get3A_2174 = arith.index_cast %get3A_2173 : i32 to index
    %get3A_2175 = arith.constant 16 : index
    %get3A_2176 = tpu.vector_load %arg11[%get3A_2174, %get3A_2175] {strides = array<i32>} : memref<64x128xf32, #tpu.memory_space<vmem>>, vector<1x16xf32>,
    %get3A_2177 = vector.shape_cast %get3A_2176 : vector<1x16xf32> to vector<16xf32>
    %get3A_2178 = arith.constant 1 : i32
    %get3A_2179 = arith.constant 5 : i32
    %get3A_2180 = arith.index_cast %get3A_2178 : i32 to index
    %get3A_2181 = arith.index_cast %get3A_2179 : i32 to index
    %get3A_2182 = arith.constant 0 : index
    %get3A_2183 = tpu.vector_load %arg12[%get3A_2180, %get3A_2181, %get3A_2182] {strides = array<i32>} : memref<2x64x16xf32, #tpu.memory_space<vmem>>, vector<1x1x16xf32>,
    %get3A_2184 = vector.shape_cast %get3A_2183 : vector<1x1x16xf32> to vector<16xf32>
    %add3A_2185 = arith.addf %get3A_2184, %get3A_2172 : vector<16xf32>
    %add3A_2186 = arith.constant 1.000000e+00 : f32
    %add3A_2187 = vector.broadcast %add3A_2186 : f32 to vector<16xf32>
    %add3A_2188 = arith.addf %get3A_2177, %add3A_2187 : vector<16xf32>
    %div3A_2189 = arith.divf %add3A_2185, %add3A_2188 : vector<16xf32>
    %swap3A_2190 = arith.constant 5 : i32
    %swap3A_2191 = arith.index_cast %swap3A_2190 : i32 to index
    %swap3A_2192 = arith.constant 0 : index
    %swap3A_2193 = tpu.vector_load %arg13[%swap3A_2191, %swap3A_2192] {strides = array<i32>} : memref<64x128xf32, #tpu.memory_space<vmem>>, vector<1x16xf32>,
    %swap3A_2194 = vector.shape_cast %swap3A_2193 : vector<1x16xf32> to vector<16xf32>
    %swap3A_2195 = vector.shape_cast %div3A_2189 : vector<16xf32> to vector<1x16xf32>
    tpu.vector_store %arg13[%swap3A_2191, %swap3A_2192], %swap3A_2195 {strides = array<i32>} : memref<64x128xf32, #tpu.memory_space<vmem>>, vector<1x16xf32>,
    %get3A_2196 = arith.constant 6 : i32
    %get3A_2197 = arith.index_cast %get3A_2196 : i32 to index
    %get3A_2198 = arith.constant 0 : index
    %get3A_2199 = tpu.vector_load %arg11[%get3A_2197, %get3A_2198] {strides = array<i32>} : memref<64x128xf32, #tpu.memory_space<vmem>>, vector<1x16xf32>,
    %get3A_2200 = vector.shape_cast %get3A_2199 : vector<1x16xf32> to vector<16xf32>
    %get3A_2201 = arith.constant 6 : i32
    %get3A_2202 = arith.index_cast %get3A_2201 : i32 to index
    %get3A_2203 = arith.constant 16 : index
    %get3A_2204 = tpu.vector_load %arg11[%get3A_2202, %get3A_2203] {strides = array<i32>} : memref<64x128xf32, #tpu.memory_space<vmem>>, vector<1x16xf32>,
    %get3A_2205 = vector.shape_cast %get3A_2204 : vector<1x16xf32> to vector<16xf32>
    %get3A_2206 = arith.constant 1 : i32
    %get3A_2207 = arith.constant 6 : i32
    %get3A_2208 = arith.index_cast %get3A_2206 : i32 to index
    %get3A_2209 = arith.index_cast %get3A_2207 : i32 to index
    %get3A_2210 = arith.constant 0 : index
    %get3A_2211 = tpu.vector_load %arg12[%get3A_2208, %get3A_2209, %get3A_2210] {strides = array<i32>} : memref<2x64x16xf32, #tpu.memory_space<vmem>>, vector<1x1x16xf32>,
    %get3A_2212 = vector.shape_cast %get3A_2211 : vector<1x1x16xf32> to vector<16xf32>
    %add3A_2213 = arith.addf %get3A_2212, %get3A_2200 : vector<16xf32>
    %add3A_2214 = arith.constant 1.000000e+00 : f32
    %add3A_2215 = vector.broadcast %add3A_2214 : f32 to vector<16xf32>
    %add3A_2216 = arith.addf %get3A_2205, %add3A_2215 : vector<16xf32>
    %div3A_2217 = arith.divf %add3A_2213, %add3A_2216 : vector<16xf32>
    %swap3A_2218 = arith.constant 6 : i32
    %swap3A_2219 = arith.index_cast %swap3A_2218 : i32 to index
    %swap3A_2220 = arith.constant 0 : index
    %swap3A_2221 = tpu.vector_load %arg13[%swap3A_2219, %swap3A_2220] {strides = array<i32>} : memref<64x128xf32, #tpu.memory_space<vmem>>, vector<1x16xf32>,
    %swap3A_2222 = vector.shape_cast %swap3A_2221 : vector<1x16xf32> to vector<16xf32>
    %swap3A_2223 = vector.shape_cast %div3A_2217 : vector<16xf32> to vector<1x16xf32>
    tpu.vector_store %arg13[%swap3A_2219, %swap3A_2220], %swap3A_2223 {strides = array<i32>} : memref<64x128xf32, #tpu.memory_space<vmem>>, vector<1x16xf32>,
    %get3A_2224 = arith.constant 7 : i32
    %get3A_2225 = arith.index_cast %get3A_2224 : i32 to index
    %get3A_2226 = arith.constant 0 : index
    %get3A_2227 = tpu.vector_load %arg11[%get3A_2225, %get3A_2226] {strides = array<i32>} : memref<64x128xf32, #tpu.memory_space<vmem>>, vector<1x16xf32>,
    %get3A_2228 = vector.shape_cast %get3A_2227 : vector<1x16xf32> to vector<16xf32>
    %get3A_2229 = arith.constant 7 : i32
    %get3A_2230 = arith.index_cast %get3A_2229 : i32 to index
    %get3A_2231 = arith.constant 16 : index
    %get3A_2232 = tpu.vector_load %arg11[%get3A_2230, %get3A_2231] {strides = array<i32>} : memref<64x128xf32, #tpu.memory_space<vmem>>, vector<1x16xf32>,
    %get3A_2233 = vector.shape_cast %get3A_2232 : vector<1x16xf32> to vector<16xf32>
    %get3A_2234 = arith.constant 1 : i32
    %get3A_2235 = arith.constant 7 : i32
    %get3A_2236 = arith.index_cast %get3A_2234 : i32 to index
    %get3A_2237 = arith.index_cast %get3A_2235 : i32 to index
    %get3A_2238 = arith.constant 0 : index
    %get3A_2239 = tpu.vector_load %arg12[%get3A_2236, %get3A_2237, %get3A_2238] {strides = array<i32>} : memref<2x64x16xf32, #tpu.memory_space<vmem>>, vector<1x1x16xf32>,
    %get3A_2240 = vector.shape_cast %get3A_2239 : vector<1x1x16xf32> to vector<16xf32>
    %add3A_2241 = arith.addf %get3A_2240, %get3A_2228 : vector<16xf32>
    %add3A_2242 = arith.constant 1.000000e+00 : f32
    %add3A_2243 = vector.broadcast %add3A_2242 : f32 to vector<16xf32>
    %add3A_2244 = arith.addf %get3A_2233, %add3A_2243 : vector<16xf32>
    %div3A_2245 = arith.divf %add3A_2241, %add3A_2244 : vector<16xf32>
    %swap3A_2246 = arith.constant 7 : i32
    %swap3A_2247 = arith.index_cast %swap3A_2246 : i32 to index
    %swap3A_2248 = arith.constant 0 : index
    %swap3A_2249 = tpu.vector_load %arg13[%swap3A_2247, %swap3A_2248] {strides = array<i32>} : memref<64x128xf32, #tpu.memory_space<vmem>>, vector<1x16xf32>,
    %swap3A_2250 = vector.shape_cast %swap3A_2249 : vector<1x16xf32> to vector<16xf32>
    %swap3A_2251 = vector.shape_cast %div3A_2245 : vector<16xf32> to vector<1x16xf32>
    tpu.vector_store %arg13[%swap3A_2247, %swap3A_2248], %swap3A_2251 {strides = array<i32>} : memref<64x128xf32, #tpu.memory_space<vmem>>, vector<1x16xf32>,
    %get3A_2252 = arith.constant 8 : i32
    %get3A_2253 = arith.index_cast %get3A_2252 : i32 to index
    %get3A_2254 = arith.constant 0 : index
    %get3A_2255 = tpu.vector_load %arg11[%get3A_2253, %get3A_2254] {strides = array<i32>} : memref<64x128xf32, #tpu.memory_space<vmem>>, vector<1x16xf32>,
    %get3A_2256 = vector.shape_cast %get3A_2255 : vector<1x16xf32> to vector<16xf32>
    %get3A_2257 = arith.constant 8 : i32
    %get3A_2258 = arith.index_cast %get3A_2257 : i32 to index
    %get3A_2259 = arith.constant 16 : index
    %get3A_2260 = tpu.vector_load %arg11[%get3A_2258, %get3A_2259] {strides = array<i32>} : memref<64x128xf32, #tpu.memory_space<vmem>>, vector<1x16xf32>,
    %get3A_2261 = vector.shape_cast %get3A_2260 : vector<1x16xf32> to vector<16xf32>
    %get3A_2262 = arith.constant 1 : i32
    %get3A_2263 = arith.constant 8 : i32
    %get3A_2264 = arith.index_cast %get3A_2262 : i32 to index
    %get3A_2265 = arith.index_cast %get3A_2263 : i32 to index
    %get3A_2266 = arith.constant 0 : index
    %get3A_2267 = tpu.vector_load %arg12[%get3A_2264, %get3A_2265, %get3A_2266] {strides = array<i32>} : memref<2x64x16xf32, #tpu.memory_space<vmem>>, vector<1x1x16xf32>,
    %get3A_2268 = vector.shape_cast %get3A_2267 : vector<1x1x16xf32> to vector<16xf32>
    %add3A_2269 = arith.addf %get3A_2268, %get3A_2256 : vector<16xf32>
    %add3A_2270 = arith.constant 1.000000e+00 : f32
    %add3A_2271 = vector.broadcast %add3A_2270 : f32 to vector<16xf32>
    %add3A_2272 = arith.addf %get3A_2261, %add3A_2271 : vector<16xf32>
    %div3A_2273 = arith.divf %add3A_2269, %add3A_2272 : vector<16xf32>
    %swap3A_2274 = arith.constant 8 : i32
    %swap3A_2275 = arith.index_cast %swap3A_2274 : i32 to index
    %swap3A_2276 = arith.constant 0 : index
    %swap3A_2277 = tpu.vector_load %arg13[%swap3A_2275, %swap3A_2276] {strides = array<i32>} : memref<64x128xf32, #tpu.memory_space<vmem>>, vector<1x16xf32>,
    %swap3A_2278 = vector.shape_cast %swap3A_2277 : vector<1x16xf32> to vector<16xf32>
    %swap3A_2279 = vector.shape_cast %div3A_2273 : vector<16xf32> to vector<1x16xf32>
    tpu.vector_store %arg13[%swap3A_2275, %swap3A_2276], %swap3A_2279 {strides = array<i32>} : memref<64x128xf32, #tpu.memory_space<vmem>>, vector<1x16xf32>,
    %get3A_2280 = arith.constant 9 : i32
    %get3A_2281 = arith.index_cast %get3A_2280 : i32 to index
    %get3A_2282 = arith.constant 0 : index
    %get3A_2283 = tpu.vector_load %arg11[%get3A_2281, %get3A_2282] {strides = array<i32>} : memref<64x128xf32, #tpu.memory_space<vmem>>, vector<1x16xf32>,
    %get3A_2284 = vector.shape_cast %get3A_2283 : vector<1x16xf32> to vector<16xf32>
    %get3A_2285 = arith.constant 9 : i32
    %get3A_2286 = arith.index_cast %get3A_2285 : i32 to index
    %get3A_2287 = arith.constant 16 : index
    %get3A_2288 = tpu.vector_load %arg11[%get3A_2286, %get3A_2287] {strides = array<i32>} : memref<64x128xf32, #tpu.memory_space<vmem>>, vector<1x16xf32>,
    %get3A_2289 = vector.shape_cast %get3A_2288 : vector<1x16xf32> to vector<16xf32>
    %get3A_2290 = arith.constant 1 : i32
    %get3A_2291 = arith.constant 9 : i32
    %get3A_2292 = arith.index_cast %get3A_2290 : i32 to index
    %get3A_2293 = arith.index_cast %get3A_2291 : i32 to index
    %get3A_2294 = arith.constant 0 : index
    %get3A_2295 = tpu.vector_load %arg12[%get3A_2292, %get3A_2293, %get3A_2294] {strides = array<i32>} : memref<2x64x16xf32, #tpu.memory_space<vmem>>, vector<1x1x16xf32>,
    %get3A_2296 = vector.shape_cast %get3A_2295 : vector<1x1x16xf32> to vector<16xf32>
    %add3A_2297 = arith.addf %get3A_2296, %get3A_2284 : vector<16xf32>
    %add3A_2298 = arith.constant 1.000000e+00 : f32
    %add3A_2299 = vector.broadcast %add3A_2298 : f32 to vector<16xf32>
    %add3A_2300 = arith.addf %get3A_2289, %add3A_2299 : vector<16xf32>
    %div3A_2301 = arith.divf %add3A_2297, %add3A_2300 : vector<16xf32>
    %swap3A_2302 = arith.constant 9 : i32
    %swap3A_2303 = arith.index_cast %swap3A_2302 : i32 to index
    %swap3A_2304 = arith.constant 0 : index
    %swap3A_2305 = tpu.vector_load %arg13[%swap3A_2303, %swap3A_2304] {strides = array<i32>} : memref<64x128xf32, #tpu.memory_space<vmem>>, vector<1x16xf32>,
    %swap3A_2306 = vector.shape_cast %swap3A_2305 : vector<1x16xf32> to vector<16xf32>
    %swap3A_2307 = vector.shape_cast %div3A_2301 : vector<16xf32> to vector<1x16xf32>
    tpu.vector_store %arg13[%swap3A_2303, %swap3A_2304], %swap3A_2307 {strides = array<i32>} : memref<64x128xf32, #tpu.memory_space<vmem>>, vector<1x16xf32>,
    %get3A_2308 = arith.constant 10 : i32
    %get3A_2309 = arith.index_cast %get3A_2308 : i32 to index
    %get3A_2310 = arith.constant 0 : index
    %get3A_2311 = tpu.vector_load %arg11[%get3A_2309, %get3A_2310] {strides = array<i32>} : memref<64x128xf32, #tpu.memory_space<vmem>>, vector<1x16xf32>,
    %get3A_2312 = vector.shape_cast %get3A_2311 : vector<1x16xf32> to vector<16xf32>
    %get3A_2313 = arith.constant 10 : i32
    %get3A_2314 = arith.index_cast %get3A_2313 : i32 to index
    %get3A_2315 = arith.constant 16 : index
    %get3A_2316 = tpu.vector_load %arg11[%get3A_2314, %get3A_2315] {strides = array<i32>} : memref<64x128xf32, #tpu.memory_space<vmem>>, vector<1x16xf32>,
    %get3A_2317 = vector.shape_cast %get3A_2316 : vector<1x16xf32> to vector<16xf32>
    %get3A_2318 = arith.constant 1 : i32
    %get3A_2319 = arith.constant 10 : i32
    %get3A_2320 = arith.index_cast %get3A_2318 : i32 to index
    %get3A_2321 = arith.index_cast %get3A_2319 : i32 to index
    %get3A_2322 = arith.constant 0 : index
    %get3A_2323 = tpu.vector_load %arg12[%get3A_2320, %get3A_2321, %get3A_2322] {strides = array<i32>} : memref<2x64x16xf32, #tpu.memory_space<vmem>>, vector<1x1x16xf32>,
    %get3A_2324 = vector.shape_cast %get3A_2323 : vector<1x1x16xf32> to vector<16xf32>
    %add3A_2325 = arith.addf %get3A_2324, %get3A_2312 : vector<16xf32>
    %add3A_2326 = arith.constant 1.000000e+00 : f32
    %add3A_2327 = vector.broadcast %add3A_2326 : f32 to vector<16xf32>
    %add3A_2328 = arith.addf %get3A_2317, %add3A_2327 : vector<16xf32>
    %div3A_2329 = arith.divf %add3A_2325, %add3A_2328 : vector<16xf32>
    %swap3A_2330 = arith.constant 10 : i32
    %swap3A_2331 = arith.index_cast %swap3A_2330 : i32 to index
    %swap3A_2332 = arith.constant 0 : index
    %swap3A_2333 = tpu.vector_load %arg13[%swap3A_2331, %swap3A_2332] {strides = array<i32>} : memref<64x128xf32, #tpu.memory_space<vmem>>, vector<1x16xf32>,
    %swap3A_2334 = vector.shape_cast %swap3A_2333 : vector<1x16xf32> to vector<16xf32>
    %swap3A_2335 = vector.shape_cast %div3A_2329 : vector<16xf32> to vector<1x16xf32>
    tpu.vector_store %arg13[%swap3A_2331, %swap3A_2332], %swap3A_2335 {strides = array<i32>} : memref<64x128xf32, #tpu.memory_space<vmem>>, vector<1x16xf32>,
    %get3A_2336 = arith.constant 11 : i32
    %get3A_2337 = arith.index_cast %get3A_2336 : i32 to index
    %get3A_2338 = arith.constant 0 : index
    %get3A_2339 = tpu.vector_load %arg11[%get3A_2337, %get3A_2338] {strides = array<i32>} : memref<64x128xf32, #tpu.memory_space<vmem>>, vector<1x16xf32>,
    %get3A_2340 = vector.shape_cast %get3A_2339 : vector<1x16xf32> to vector<16xf32>
    %get3A_2341 = arith.constant 11 : i32
    %get3A_2342 = arith.index_cast %get3A_2341 : i32 to index
    %get3A_2343 = arith.constant 16 : index
    %get3A_2344 = tpu.vector_load %arg11[%get3A_2342, %get3A_2343] {strides = array<i32>} : memref<64x128xf32, #tpu.memory_space<vmem>>, vector<1x16xf32>,
    %get3A_2345 = vector.shape_cast %get3A_2344 : vector<1x16xf32> to vector<16xf32>
    %get3A_2346 = arith.constant 1 : i32
    %get3A_2347 = arith.constant 11 : i32
    %get3A_2348 = arith.index_cast %get3A_2346 : i32 to index
    %get3A_2349 = arith.index_cast %get3A_2347 : i32 to index
    %get3A_2350 = arith.constant 0 : index
    %get3A_2351 = tpu.vector_load %arg12[%get3A_2348, %get3A_2349, %get3A_2350] {strides = array<i32>} : memref<2x64x16xf32, #tpu.memory_space<vmem>>, vector<1x1x16xf32>,
    %get3A_2352 = vector.shape_cast %get3A_2351 : vector<1x1x16xf32> to vector<16xf32>
    %add3A_2353 = arith.addf %get3A_2352, %get3A_2340 : vector<16xf32>
    %add3A_2354 = arith.constant 1.000000e+00 : f32
    %add3A_2355 = vector.broadcast %add3A_2354 : f32 to vector<16xf32>
    %add3A_2356 = arith.addf %get3A_2345, %add3A_2355 : vector<16xf32>
    %div3A_2357 = arith.divf %add3A_2353, %add3A_2356 : vector<16xf32>
    %swap3A_2358 = arith.constant 11 : i32
    %swap3A_2359 = arith.index_cast %swap3A_2358 : i32 to index
    %swap3A_2360 = arith.constant 0 : index
    %swap3A_2361 = tpu.vector_load %arg13[%swap3A_2359, %swap3A_2360] {strides = array<i32>} : memref<64x128xf32, #tpu.memory_space<vmem>>, vector<1x16xf32>,
    %swap3A_2362 = vector.shape_cast %swap3A_2361 : vector<1x16xf32> to vector<16xf32>
    %swap3A_2363 = vector.shape_cast %div3A_2357 : vector<16xf32> to vector<1x16xf32>
    tpu.vector_store %arg13[%swap3A_2359, %swap3A_2360], %swap3A_2363 {strides = array<i32>} : memref<64x128xf32, #tpu.memory_space<vmem>>, vector<1x16xf32>,
    %get3A_2364 = arith.constant 12 : i32
    %get3A_2365 = arith.index_cast %get3A_2364 : i32 to index
    %get3A_2366 = arith.constant 0 : index
    %get3A_2367 = tpu.vector_load %arg11[%get3A_2365, %get3A_2366] {strides = array<i32>} : memref<64x128xf32, #tpu.memory_space<vmem>>, vector<1x16xf32>,
    %get3A_2368 = vector.shape_cast %get3A_2367 : vector<1x16xf32> to vector<16xf32>
    %get3A_2369 = arith.constant 12 : i32
    %get3A_2370 = arith.index_cast %get3A_2369 : i32 to index
    %get3A_2371 = arith.constant 16 : index
    %get3A_2372 = tpu.vector_load %arg11[%get3A_2370, %get3A_2371] {strides = array<i32>} : memref<64x128xf32, #tpu.memory_space<vmem>>, vector<1x16xf32>,
    %get3A_2373 = vector.shape_cast %get3A_2372 : vector<1x16xf32> to vector<16xf32>
    %get3A_2374 = arith.constant 1 : i32
    %get3A_2375 = arith.constant 12 : i32
    %get3A_2376 = arith.index_cast %get3A_2374 : i32 to index
    %get3A_2377 = arith.index_cast %get3A_2375 : i32 to index
    %get3A_2378 = arith.constant 0 : index
    %get3A_2379 = tpu.vector_load %arg12[%get3A_2376, %get3A_2377, %get3A_2378] {strides = array<i32>} : memref<2x64x16xf32, #tpu.memory_space<vmem>>, vector<1x1x16xf32>,
    %get3A_2380 = vector.shape_cast %get3A_2379 : vector<1x1x16xf32> to vector<16xf32>
    %add3A_2381 = arith.addf %get3A_2380, %get3A_2368 : vector<16xf32>
    %add3A_2382 = arith.constant 1.000000e+00 : f32
    %add3A_2383 = vector.broadcast %add3A_2382 : f32 to vector<16xf32>
    %add3A_2384 = arith.addf %get3A_2373, %add3A_2383 : vector<16xf32>
    %div3A_2385 = arith.divf %add3A_2381, %add3A_2384 : vector<16xf32>
    %swap3A_2386 = arith.constant 12 : i32
    %swap3A_2387 = arith.index_cast %swap3A_2386 : i32 to index
    %swap3A_2388 = arith.constant 0 : index
    %swap3A_2389 = tpu.vector_load %arg13[%swap3A_2387, %swap3A_2388] {strides = array<i32>} : memref<64x128xf32, #tpu.memory_space<vmem>>, vector<1x16xf32>,
    %swap3A_2390 = vector.shape_cast %swap3A_2389 : vector<1x16xf32> to vector<16xf32>
    %swap3A_2391 = vector.shape_cast %div3A_2385 : vector<16xf32> to vector<1x16xf32>
    tpu.vector_store %arg13[%swap3A_2387, %swap3A_2388], %swap3A_2391 {strides = array<i32>} : memref<64x128xf32, #tpu.memory_space<vmem>>, vector<1x16xf32>,
    %get3A_2392 = arith.constant 13 : i32
    %get3A_2393 = arith.index_cast %get3A_2392 : i32 to index
    %get3A_2394 = arith.constant 0 : index
    %get3A_2395 = tpu.vector_load %arg11[%get3A_2393, %get3A_2394] {strides = array<i32>} : memref<64x128xf32, #tpu.memory_space<vmem>>, vector<1x16xf32>,
    %get3A_2396 = vector.shape_cast %get3A_2395 : vector<1x16xf32> to vector<16xf32>
    %get3A_2397 = arith.constant 13 : i32
    %get3A_2398 = arith.index_cast %get3A_2397 : i32 to index
    %get3A_2399 = arith.constant 16 : index
    %get3A_2400 = tpu.vector_load %arg11[%get3A_2398, %get3A_2399] {strides = array<i32>} : memref<64x128xf32, #tpu.memory_space<vmem>>, vector<1x16xf32>,
    %get3A_2401 = vector.shape_cast %get3A_2400 : vector<1x16xf32> to vector<16xf32>
    %get3A_2402 = arith.constant 1 : i32
    %get3A_2403 = arith.constant 13 : i32
    %get3A_2404 = arith.index_cast %get3A_2402 : i32 to index
    %get3A_2405 = arith.index_cast %get3A_2403 : i32 to index
    %get3A_2406 = arith.constant 0 : index
    %get3A_2407 = tpu.vector_load %arg12[%get3A_2404, %get3A_2405, %get3A_2406] {strides = array<i32>} : memref<2x64x16xf32, #tpu.memory_space<vmem>>, vector<1x1x16xf32>,
    %get3A_2408 = vector.shape_cast %get3A_2407 : vector<1x1x16xf32> to vector<16xf32>
    %add3A_2409 = arith.addf %get3A_2408, %get3A_2396 : vector<16xf32>
    %add3A_2410 = arith.constant 1.000000e+00 : f32
    %add3A_2411 = vector.broadcast %add3A_2410 : f32 to vector<16xf32>
    %add3A_2412 = arith.addf %get3A_2401, %add3A_2411 : vector<16xf32>
    %div3A_2413 = arith.divf %add3A_2409, %add3A_2412 : vector<16xf32>
    %swap3A_2414 = arith.constant 13 : i32
    %swap3A_2415 = arith.index_cast %swap3A_2414 : i32 to index
    %swap3A_2416 = arith.constant 0 : index
    %swap3A_2417 = tpu.vector_load %arg13[%swap3A_2415, %swap3A_2416] {strides = array<i32>} : memref<64x128xf32, #tpu.memory_space<vmem>>, vector<1x16xf32>,
    %swap3A_2418 = vector.shape_cast %swap3A_2417 : vector<1x16xf32> to vector<16xf32>
    %swap3A_2419 = vector.shape_cast %div3A_2413 : vector<16xf32> to vector<1x16xf32>
    tpu.vector_store %arg13[%swap3A_2415, %swap3A_2416], %swap3A_2419 {strides = array<i32>} : memref<64x128xf32, #tpu.memory_space<vmem>>, vector<1x16xf32>,
    %get3A_2420 = arith.constant 14 : i32
    %get3A_2421 = arith.index_cast %get3A_2420 : i32 to index
    %get3A_2422 = arith.constant 0 : index
    %get3A_2423 = tpu.vector_load %arg11[%get3A_2421, %get3A_2422] {strides = array<i32>} : memref<64x128xf32, #tpu.memory_space<vmem>>, vector<1x16xf32>,
    %get3A_2424 = vector.shape_cast %get3A_2423 : vector<1x16xf32> to vector<16xf32>
    %get3A_2425 = arith.constant 14 : i32
    %get3A_2426 = arith.index_cast %get3A_2425 : i32 to index
    %get3A_2427 = arith.constant 16 : index
    %get3A_2428 = tpu.vector_load %arg11[%get3A_2426, %get3A_2427] {strides = array<i32>} : memref<64x128xf32, #tpu.memory_space<vmem>>, vector<1x16xf32>,
    %get3A_2429 = vector.shape_cast %get3A_2428 : vector<1x16xf32> to vector<16xf32>
    %get3A_2430 = arith.constant 1 : i32
    %get3A_2431 = arith.constant 14 : i32
    %get3A_2432 = arith.index_cast %get3A_2430 : i32 to index
    %get3A_2433 = arith.index_cast %get3A_2431 : i32 to index
    %get3A_2434 = arith.constant 0 : index
    %get3A_2435 = tpu.vector_load %arg12[%get3A_2432, %get3A_2433, %get3A_2434] {strides = array<i32>} : memref<2x64x16xf32, #tpu.memory_space<vmem>>, vector<1x1x16xf32>,
    %get3A_2436 = vector.shape_cast %get3A_2435 : vector<1x1x16xf32> to vector<16xf32>
    %add3A_2437 = arith.addf %get3A_2436, %get3A_2424 : vector<16xf32>
    %add3A_2438 = arith.constant 1.000000e+00 : f32
    %add3A_2439 = vector.broadcast %add3A_2438 : f32 to vector<16xf32>
    %add3A_2440 = arith.addf %get3A_2429, %add3A_2439 : vector<16xf32>
    %div3A_2441 = arith.divf %add3A_2437, %add3A_2440 : vector<16xf32>
    %swap3A_2442 = arith.constant 14 : i32
    %swap3A_2443 = arith.index_cast %swap3A_2442 : i32 to index
    %swap3A_2444 = arith.constant 0 : index
    %swap3A_2445 = tpu.vector_load %arg13[%swap3A_2443, %swap3A_2444] {strides = array<i32>} : memref<64x128xf32, #tpu.memory_space<vmem>>, vector<1x16xf32>,
    %swap3A_2446 = vector.shape_cast %swap3A_2445 : vector<1x16xf32> to vector<16xf32>
    %swap3A_2447 = vector.shape_cast %div3A_2441 : vector<16xf32> to vector<1x16xf32>
    tpu.vector_store %arg13[%swap3A_2443, %swap3A_2444], %swap3A_2447 {strides = array<i32>} : memref<64x128xf32, #tpu.memory_space<vmem>>, vector<1x16xf32>,
    %get3A_2448 = arith.constant 15 : i32
    %get3A_2449 = arith.index_cast %get3A_2448 : i32 to index
    %get3A_2450 = arith.constant 0 : index
    %get3A_2451 = tpu.vector_load %arg11[%get3A_2449, %get3A_2450] {strides = array<i32>} : memref<64x128xf32, #tpu.memory_space<vmem>>, vector<1x16xf32>,
    %get3A_2452 = vector.shape_cast %get3A_2451 : vector<1x16xf32> to vector<16xf32>
    %get3A_2453 = arith.constant 15 : i32
    %get3A_2454 = arith.index_cast %get3A_2453 : i32 to index
    %get3A_2455 = arith.constant 16 : index
    %get3A_2456 = tpu.vector_load %arg11[%get3A_2454, %get3A_2455] {strides = array<i32>} : memref<64x128xf32, #tpu.memory_space<vmem>>, vector<1x16xf32>,
    %get3A_2457 = vector.shape_cast %get3A_2456 : vector<1x16xf32> to vector<16xf32>
    %get3A_2458 = arith.constant 1 : i32
    %get3A_2459 = arith.constant 15 : i32
    %get3A_2460 = arith.index_cast %get3A_2458 : i32 to index
    %get3A_2461 = arith.index_cast %get3A_2459 : i32 to index
    %get3A_2462 = arith.constant 0 : index
    %get3A_2463 = tpu.vector_load %arg12[%get3A_2460, %get3A_2461, %get3A_2462] {strides = array<i32>} : memref<2x64x16xf32, #tpu.memory_space<vmem>>, vector<1x1x16xf32>,
    %get3A_2464 = vector.shape_cast %get3A_2463 : vector<1x1x16xf32> to vector<16xf32>
    %add3A_2465 = arith.addf %get3A_2464, %get3A_2452 : vector<16xf32>
    %add3A_2466 = arith.constant 1.000000e+00 : f32
    %add3A_2467 = vector.broadcast %add3A_2466 : f32 to vector<16xf32>
    %add3A_2468 = arith.addf %get3A_2457, %add3A_2467 : vector<16xf32>
    %div3A_2469 = arith.divf %add3A_2465, %add3A_2468 : vector<16xf32>
    %swap3A_2470 = arith.constant 15 : i32
    %swap3A_2471 = arith.index_cast %swap3A_2470 : i32 to index
    %swap3A_2472 = arith.constant 0 : index
    %swap3A_2473 = tpu.vector_load %arg13[%swap3A_2471, %swap3A_2472] {strides = array<i32>} : memref<64x128xf32, #tpu.memory_space<vmem>>, vector<1x16xf32>,
    %swap3A_2474 = vector.shape_cast %swap3A_2473 : vector<1x16xf32> to vector<16xf32>
    %swap3A_2475 = vector.shape_cast %div3A_2469 : vector<16xf32> to vector<1x16xf32>
    tpu.vector_store %arg13[%swap3A_2471, %swap3A_2472], %swap3A_2475 {strides = array<i32>} : memref<64x128xf32, #tpu.memory_space<vmem>>, vector<1x16xf32>,
    %get3A_2476 = arith.constant 16 : i32
    %get3A_2477 = arith.index_cast %get3A_2476 : i32 to index
    %get3A_2478 = arith.constant 0 : index
    %get3A_2479 = tpu.vector_load %arg11[%get3A_2477, %get3A_2478] {strides = array<i32>} : memref<64x128xf32, #tpu.memory_space<vmem>>, vector<1x16xf32>,
    %get3A_2480 = vector.shape_cast %get3A_2479 : vector<1x16xf32> to vector<16xf32>
    %get3A_2481 = arith.constant 16 : i32
    %get3A_2482 = arith.index_cast %get3A_2481 : i32 to index
    %get3A_2483 = arith.constant 16 : index
    %get3A_2484 = tpu.vector_load %arg11[%get3A_2482, %get3A_2483] {strides = array<i32>} : memref<64x128xf32, #tpu.memory_space<vmem>>, vector<1x16xf32>,
    %get3A_2485 = vector.shape_cast %get3A_2484 : vector<1x16xf32> to vector<16xf32>
    %get3A_2486 = arith.constant 1 : i32
    %get3A_2487 = arith.constant 16 : i32
    %get3A_2488 = arith.index_cast %get3A_2486 : i32 to index
    %get3A_2489 = arith.index_cast %get3A_2487 : i32 to index
    %get3A_2490 = arith.constant 0 : index
    %get3A_2491 = tpu.vector_load %arg12[%get3A_2488, %get3A_2489, %get3A_2490] {strides = array<i32>} : memref<2x64x16xf32, #tpu.memory_space<vmem>>, vector<1x1x16xf32>,
    %get3A_2492 = vector.shape_cast %get3A_2491 : vector<1x1x16xf32> to vector<16xf32>
    %add3A_2493 = arith.addf %get3A_2492, %get3A_2480 : vector<16xf32>
    %add3A_2494 = arith.constant 1.000000e+00 : f32
    %add3A_2495 = vector.broadcast %add3A_2494 : f32 to vector<16xf32>
    %add3A_2496 = arith.addf %get3A_2485, %add3A_2495 : vector<16xf32>
    %div3A_2497 = arith.divf %add3A_2493, %add3A_2496 : vector<16xf32>
    %swap3A_2498 = arith.constant 16 : i32
    %swap3A_2499 = arith.index_cast %swap3A_2498 : i32 to index
    %swap3A_2500 = arith.constant 0 : index
    %swap3A_2501 = tpu.vector_load %arg13[%swap3A_2499, %swap3A_2500] {strides = array<i32>} : memref<64x128xf32, #tpu.memory_space<vmem>>, vector<1x16xf32>,
    %swap3A_2502 = vector.shape_cast %swap3A_2501 : vector<1x16xf32> to vector<16xf32>
    %swap3A_2503 = vector.shape_cast %div3A_2497 : vector<16xf32> to vector<1x16xf32>
    tpu.vector_store %arg13[%swap3A_2499, %swap3A_2500], %swap3A_2503 {strides = array<i32>} : memref<64x128xf32, #tpu.memory_space<vmem>>, vector<1x16xf32>,
    %get3A_2504 = arith.constant 17 : i32
    %get3A_2505 = arith.index_cast %get3A_2504 : i32 to index
    %get3A_2506 = arith.constant 0 : index
    %get3A_2507 = tpu.vector_load %arg11[%get3A_2505, %get3A_2506] {strides = array<i32>} : memref<64x128xf32, #tpu.memory_space<vmem>>, vector<1x16xf32>,
    %get3A_2508 = vector.shape_cast %get3A_2507 : vector<1x16xf32> to vector<16xf32>
    %get3A_2509 = arith.constant 17 : i32
    %get3A_2510 = arith.index_cast %get3A_2509 : i32 to index
    %get3A_2511 = arith.constant 16 : index
    %get3A_2512 = tpu.vector_load %arg11[%get3A_2510, %get3A_2511] {strides = array<i32>} : memref<64x128xf32, #tpu.memory_space<vmem>>, vector<1x16xf32>,
    %get3A_2513 = vector.shape_cast %get3A_2512 : vector<1x16xf32> to vector<16xf32>
    %get3A_2514 = arith.constant 1 : i32
    %get3A_2515 = arith.constant 17 : i32
    %get3A_2516 = arith.index_cast %get3A_2514 : i32 to index
    %get3A_2517 = arith.index_cast %get3A_2515 : i32 to index
    %get3A_2518 = arith.constant 0 : index
    %get3A_2519 = tpu.vector_load %arg12[%get3A_2516, %get3A_2517, %get3A_2518] {strides = array<i32>} : memref<2x64x16xf32, #tpu.memory_space<vmem>>, vector<1x1x16xf32>,
    %get3A_2520 = vector.shape_cast %get3A_2519 : vector<1x1x16xf32> to vector<16xf32>
    %add3A_2521 = arith.addf %get3A_2520, %get3A_2508 : vector<16xf32>
    %add3A_2522 = arith.constant 1.000000e+00 : f32
    %add3A_2523 = vector.broadcast %add3A_2522 : f32 to vector<16xf32>
    %add3A_2524 = arith.addf %get3A_2513, %add3A_2523 : vector<16xf32>
    %div3A_2525 = arith.divf %add3A_2521, %add3A_2524 : vector<16xf32>
    %swap3A_2526 = arith.constant 17 : i32
    %swap3A_2527 = arith.index_cast %swap3A_2526 : i32 to index
    %swap3A_2528 = arith.constant 0 : index
    %swap3A_2529 = tpu.vector_load %arg13[%swap3A_2527, %swap3A_2528] {strides = array<i32>} : memref<64x128xf32, #tpu.memory_space<vmem>>, vector<1x16xf32>,
    %swap3A_2530 = vector.shape_cast %swap3A_2529 : vector<1x16xf32> to vector<16xf32>
    %swap3A_2531 = vector.shape_cast %div3A_2525 : vector<16xf32> to vector<1x16xf32>
    tpu.vector_store %arg13[%swap3A_2527, %swap3A_2528], %swap3A_2531 {strides = array<i32>} : memref<64x128xf32, #tpu.memory_space<vmem>>, vector<1x16xf32>,
    %get3A_2532 = arith.constant 18 : i32
    %get3A_2533 = arith.index_cast %get3A_2532 : i32 to index
    %get3A_2534 = arith.constant 0 : index
    %get3A_2535 = tpu.vector_load %arg11[%get3A_2533, %get3A_2534] {strides = array<i32>} : memref<64x128xf32, #tpu.memory_space<vmem>>, vector<1x16xf32>,
    %get3A_2536 = vector.shape_cast %get3A_2535 : vector<1x16xf32> to vector<16xf32>
    %get3A_2537 = arith.constant 18 : i32
    %get3A_2538 = arith.index_cast %get3A_2537 : i32 to index
    %get3A_2539 = arith.constant 16 : index
    %get3A_2540 = tpu.vector_load %arg11[%get3A_2538, %get3A_2539] {strides = array<i32>} : memref<64x128xf32, #tpu.memory_space<vmem>>, vector<1x16xf32>,
    %get3A_2541 = vector.shape_cast %get3A_2540 : vector<1x16xf32> to vector<16xf32>
    %get3A_2542 = arith.constant 1 : i32
    %get3A_2543 = arith.constant 18 : i32
    %get3A_2544 = arith.index_cast %get3A_2542 : i32 to index
    %get3A_2545 = arith.index_cast %get3A_2543 : i32 to index
    %get3A_2546 = arith.constant 0 : index
    %get3A_2547 = tpu.vector_load %arg12[%get3A_2544, %get3A_2545, %get3A_2546] {strides = array<i32>} : memref<2x64x16xf32, #tpu.memory_space<vmem>>, vector<1x1x16xf32>,
    %get3A_2548 = vector.shape_cast %get3A_2547 : vector<1x1x16xf32> to vector<16xf32>
    %add3A_2549 = arith.addf %get3A_2548, %get3A_2536 : vector<16xf32>
    %add3A_2550 = arith.constant 1.000000e+00 : f32
    %add3A_2551 = vector.broadcast %add3A_2550 : f32 to vector<16xf32>
    %add3A_2552 = arith.addf %get3A_2541, %add3A_2551 : vector<16xf32>
    %div3A_2553 = arith.divf %add3A_2549, %add3A_2552 : vector<16xf32>
    %swap3A_2554 = arith.constant 18 : i32
    %swap3A_2555 = arith.index_cast %swap3A_2554 : i32 to index
    %swap3A_2556 = arith.constant 0 : index
    %swap3A_2557 = tpu.vector_load %arg13[%swap3A_2555, %swap3A_2556] {strides = array<i32>} : memref<64x128xf32, #tpu.memory_space<vmem>>, vector<1x16xf32>,
    %swap3A_2558 = vector.shape_cast %swap3A_2557 : vector<1x16xf32> to vector<16xf32>
    %swap3A_2559 = vector.shape_cast %div3A_2553 : vector<16xf32> to vector<1x16xf32>
    tpu.vector_store %arg13[%swap3A_2555, %swap3A_2556], %swap3A_2559 {strides = array<i32>} : memref<64x128xf32, #tpu.memory_space<vmem>>, vector<1x16xf32>,
    %get3A_2560 = arith.constant 19 : i32
    %get3A_2561 = arith.index_cast %get3A_2560 : i32 to index
    %get3A_2562 = arith.constant 0 : index
    %get3A_2563 = tpu.vector_load %arg11[%get3A_2561, %get3A_2562] {strides = array<i32>} : memref<64x128xf32, #tpu.memory_space<vmem>>, vector<1x16xf32>,
    %get3A_2564 = vector.shape_cast %get3A_2563 : vector<1x16xf32> to vector<16xf32>
    %get3A_2565 = arith.constant 19 : i32
    %get3A_2566 = arith.index_cast %get3A_2565 : i32 to index
    %get3A_2567 = arith.constant 16 : index
    %get3A_2568 = tpu.vector_load %arg11[%get3A_2566, %get3A_2567] {strides = array<i32>} : memref<64x128xf32, #tpu.memory_space<vmem>>, vector<1x16xf32>,
    %get3A_2569 = vector.shape_cast %get3A_2568 : vector<1x16xf32> to vector<16xf32>
    %get3A_2570 = arith.constant 1 : i32
    %get3A_2571 = arith.constant 19 : i32
    %get3A_2572 = arith.index_cast %get3A_2570 : i32 to index
    %get3A_2573 = arith.index_cast %get3A_2571 : i32 to index
    %get3A_2574 = arith.constant 0 : index
    %get3A_2575 = tpu.vector_load %arg12[%get3A_2572, %get3A_2573, %get3A_2574] {strides = array<i32>} : memref<2x64x16xf32, #tpu.memory_space<vmem>>, vector<1x1x16xf32>,
    %get3A_2576 = vector.shape_cast %get3A_2575 : vector<1x1x16xf32> to vector<16xf32>
    %add3A_2577 = arith.addf %get3A_2576, %get3A_2564 : vector<16xf32>
    %add3A_2578 = arith.constant 1.000000e+00 : f32
    %add3A_2579 = vector.broadcast %add3A_2578 : f32 to vector<16xf32>
    %add3A_2580 = arith.addf %get3A_2569, %add3A_2579 : vector<16xf32>
    %div3A_2581 = arith.divf %add3A_2577, %add3A_2580 : vector<16xf32>
    %swap3A_2582 = arith.constant 19 : i32
    %swap3A_2583 = arith.index_cast %swap3A_2582 : i32 to index
    %swap3A_2584 = arith.constant 0 : index
    %swap3A_2585 = tpu.vector_load %arg13[%swap3A_2583, %swap3A_2584] {strides = array<i32>} : memref<64x128xf32, #tpu.memory_space<vmem>>, vector<1x16xf32>,
    %swap3A_2586 = vector.shape_cast %swap3A_2585 : vector<1x16xf32> to vector<16xf32>
    %swap3A_2587 = vector.shape_cast %div3A_2581 : vector<16xf32> to vector<1x16xf32>
    tpu.vector_store %arg13[%swap3A_2583, %swap3A_2584], %swap3A_2587 {strides = array<i32>} : memref<64x128xf32, #tpu.memory_space<vmem>>, vector<1x16xf32>,
    %get3A_2588 = arith.constant 20 : i32
    %get3A_2589 = arith.index_cast %get3A_2588 : i32 to index
    %get3A_2590 = arith.constant 0 : index
    %get3A_2591 = tpu.vector_load %arg11[%get3A_2589, %get3A_2590] {strides = array<i32>} : memref<64x128xf32, #tpu.memory_space<vmem>>, vector<1x16xf32>,
    %get3A_2592 = vector.shape_cast %get3A_2591 : vector<1x16xf32> to vector<16xf32>
    %get3A_2593 = arith.constant 20 : i32
    %get3A_2594 = arith.index_cast %get3A_2593 : i32 to index
    %get3A_2595 = arith.constant 16 : index
    %get3A_2596 = tpu.vector_load %arg11[%get3A_2594, %get3A_2595] {strides = array<i32>} : memref<64x128xf32, #tpu.memory_space<vmem>>, vector<1x16xf32>,
    %get3A_2597 = vector.shape_cast %get3A_2596 : vector<1x16xf32> to vector<16xf32>
    %get3A_2598 = arith.constant 1 : i32
    %get3A_2599 = arith.constant 20 : i32
    %get3A_2600 = arith.index_cast %get3A_2598 : i32 to index
    %get3A_2601 = arith.index_cast %get3A_2599 : i32 to index
    %get3A_2602 = arith.constant 0 : index
    %get3A_2603 = tpu.vector_load %arg12[%get3A_2600, %get3A_2601, %get3A_2602] {strides = array<i32>} : memref<2x64x16xf32, #tpu.memory_space<vmem>>, vector<1x1x16xf32>,
    %get3A_2604 = vector.shape_cast %get3A_2603 : vector<1x1x16xf32> to vector<16xf32>
    %add3A_2605 = arith.addf %get3A_2604, %get3A_2592 : vector<16xf32>
    %add3A_2606 = arith.constant 1.000000e+00 : f32
    %add3A_2607 = vector.broadcast %add3A_2606 : f32 to vector<16xf32>
    %add3A_2608 = arith.addf %get3A_2597, %add3A_2607 : vector<16xf32>
    %div3A_2609 = arith.divf %add3A_2605, %add3A_2608 : vector<16xf32>
    %swap3A_2610 = arith.constant 20 : i32
    %swap3A_2611 = arith.index_cast %swap3A_2610 : i32 to index
    %swap3A_2612 = arith.constant 0 : index
    %swap3A_2613 = tpu.vector_load %arg13[%swap3A_2611, %swap3A_2612] {strides = array<i32>} : memref<64x128xf32, #tpu.memory_space<vmem>>, vector<1x16xf32>,
    %swap3A_2614 = vector.shape_cast %swap3A_2613 : vector<1x16xf32> to vector<16xf32>
    %swap3A_2615 = vector.shape_cast %div3A_2609 : vector<16xf32> to vector<1x16xf32>
    tpu.vector_store %arg13[%swap3A_2611, %swap3A_2612], %swap3A_2615 {strides = array<i32>} : memref<64x128xf32, #tpu.memory_space<vmem>>, vector<1x16xf32>,
    %get3A_2616 = arith.constant 21 : i32
    %get3A_2617 = arith.index_cast %get3A_2616 : i32 to index
    %get3A_2618 = arith.constant 0 : index
    %get3A_2619 = tpu.vector_load %arg11[%get3A_2617, %get3A_2618] {strides = array<i32>} : memref<64x128xf32, #tpu.memory_space<vmem>>, vector<1x16xf32>,
    %get3A_2620 = vector.shape_cast %get3A_2619 : vector<1x16xf32> to vector<16xf32>
    %get3A_2621 = arith.constant 21 : i32
    %get3A_2622 = arith.index_cast %get3A_2621 : i32 to index
    %get3A_2623 = arith.constant 16 : index
    %get3A_2624 = tpu.vector_load %arg11[%get3A_2622, %get3A_2623] {strides = array<i32>} : memref<64x128xf32, #tpu.memory_space<vmem>>, vector<1x16xf32>,
    %get3A_2625 = vector.shape_cast %get3A_2624 : vector<1x16xf32> to vector<16xf32>
    %get3A_2626 = arith.constant 1 : i32
    %get3A_2627 = arith.constant 21 : i32
    %get3A_2628 = arith.index_cast %get3A_2626 : i32 to index
    %get3A_2629 = arith.index_cast %get3A_2627 : i32 to index
    %get3A_2630 = arith.constant 0 : index
    %get3A_2631 = tpu.vector_load %arg12[%get3A_2628, %get3A_2629, %get3A_2630] {strides = array<i32>} : memref<2x64x16xf32, #tpu.memory_space<vmem>>, vector<1x1x16xf32>,
    %get3A_2632 = vector.shape_cast %get3A_2631 : vector<1x1x16xf32> to vector<16xf32>
    %add3A_2633 = arith.addf %get3A_2632, %get3A_2620 : vector<16xf32>
    %add3A_2634 = arith.constant 1.000000e+00 : f32
    %add3A_2635 = vector.broadcast %add3A_2634 : f32 to vector<16xf32>
    %add3A_2636 = arith.addf %get3A_2625, %add3A_2635 : vector<16xf32>
    %div3A_2637 = arith.divf %add3A_2633, %add3A_2636 : vector<16xf32>
    %swap3A_2638 = arith.constant 21 : i32
    %swap3A_2639 = arith.index_cast %swap3A_2638 : i32 to index
    %swap3A_2640 = arith.constant 0 : index
    %swap3A_2641 = tpu.vector_load %arg13[%swap3A_2639, %swap3A_2640] {strides = array<i32>} : memref<64x128xf32, #tpu.memory_space<vmem>>, vector<1x16xf32>,
    %swap3A_2642 = vector.shape_cast %swap3A_2641 : vector<1x16xf32> to vector<16xf32>
    %swap3A_2643 = vector.shape_cast %div3A_2637 : vector<16xf32> to vector<1x16xf32>
    tpu.vector_store %arg13[%swap3A_2639, %swap3A_2640], %swap3A_2643 {strides = array<i32>} : memref<64x128xf32, #tpu.memory_space<vmem>>, vector<1x16xf32>,
    %get3A_2644 = arith.constant 22 : i32
    %get3A_2645 = arith.index_cast %get3A_2644 : i32 to index
    %get3A_2646 = arith.constant 0 : index
    %get3A_2647 = tpu.vector_load %arg11[%get3A_2645, %get3A_2646] {strides = array<i32>} : memref<64x128xf32, #tpu.memory_space<vmem>>, vector<1x16xf32>,
    %get3A_2648 = vector.shape_cast %get3A_2647 : vector<1x16xf32> to vector<16xf32>
    %get3A_2649 = arith.constant 22 : i32
    %get3A_2650 = arith.index_cast %get3A_2649 : i32 to index
    %get3A_2651 = arith.constant 16 : index
    %get3A_2652 = tpu.vector_load %arg11[%get3A_2650, %get3A_2651] {strides = array<i32>} : memref<64x128xf32, #tpu.memory_space<vmem>>, vector<1x16xf32>,
    %get3A_2653 = vector.shape_cast %get3A_2652 : vector<1x16xf32> to vector<16xf32>
    %get3A_2654 = arith.constant 1 : i32
    %get3A_2655 = arith.constant 22 : i32
    %get3A_2656 = arith.index_cast %get3A_2654 : i32 to index
    %get3A_2657 = arith.index_cast %get3A_2655 : i32 to index
    %get3A_2658 = arith.constant 0 : index
    %get3A_2659 = tpu.vector_load %arg12[%get3A_2656, %get3A_2657, %get3A_2658] {strides = array<i32>} : memref<2x64x16xf32, #tpu.memory_space<vmem>>, vector<1x1x16xf32>,
    %get3A_2660 = vector.shape_cast %get3A_2659 : vector<1x1x16xf32> to vector<16xf32>
    %add3A_2661 = arith.addf %get3A_2660, %get3A_2648 : vector<16xf32>
    %add3A_2662 = arith.constant 1.000000e+00 : f32
    %add3A_2663 = vector.broadcast %add3A_2662 : f32 to vector<16xf32>
    %add3A_2664 = arith.addf %get3A_2653, %add3A_2663 : vector<16xf32>
    %div3A_2665 = arith.divf %add3A_2661, %add3A_2664 : vector<16xf32>
    %swap3A_2666 = arith.constant 22 : i32
    %swap3A_2667 = arith.index_cast %swap3A_2666 : i32 to index
    %swap3A_2668 = arith.constant 0 : index
    %swap3A_2669 = tpu.vector_load %arg13[%swap3A_2667, %swap3A_2668] {strides = array<i32>} : memref<64x128xf32, #tpu.memory_space<vmem>>, vector<1x16xf32>,
    %swap3A_2670 = vector.shape_cast %swap3A_2669 : vector<1x16xf32> to vector<16xf32>
    %swap3A_2671 = vector.shape_cast %div3A_2665 : vector<16xf32> to vector<1x16xf32>
    tpu.vector_store %arg13[%swap3A_2667, %swap3A_2668], %swap3A_2671 {strides = array<i32>} : memref<64x128xf32, #tpu.memory_space<vmem>>, vector<1x16xf32>,
    %get3A_2672 = arith.constant 23 : i32
    %get3A_2673 = arith.index_cast %get3A_2672 : i32 to index
    %get3A_2674 = arith.constant 0 : index
    %get3A_2675 = tpu.vector_load %arg11[%get3A_2673, %get3A_2674] {strides = array<i32>} : memref<64x128xf32, #tpu.memory_space<vmem>>, vector<1x16xf32>,
    %get3A_2676 = vector.shape_cast %get3A_2675 : vector<1x16xf32> to vector<16xf32>
    %get3A_2677 = arith.constant 23 : i32
    %get3A_2678 = arith.index_cast %get3A_2677 : i32 to index
    %get3A_2679 = arith.constant 16 : index
    %get3A_2680 = tpu.vector_load %arg11[%get3A_2678, %get3A_2679] {strides = array<i32>} : memref<64x128xf32, #tpu.memory_space<vmem>>, vector<1x16xf32>,
    %get3A_2681 = vector.shape_cast %get3A_2680 : vector<1x16xf32> to vector<16xf32>
    %get3A_2682 = arith.constant 1 : i32
    %get3A_2683 = arith.constant 23 : i32
    %get3A_2684 = arith.index_cast %get3A_2682 : i32 to index
    %get3A_2685 = arith.index_cast %get3A_2683 : i32 to index
    %get3A_2686 = arith.constant 0 : index
    %get3A_2687 = tpu.vector_load %arg12[%get3A_2684, %get3A_2685, %get3A_2686] {strides = array<i32>} : memref<2x64x16xf32, #tpu.memory_space<vmem>>, vector<1x1x16xf32>,
    %get3A_2688 = vector.shape_cast %get3A_2687 : vector<1x1x16xf32> to vector<16xf32>
    %add3A_2689 = arith.addf %get3A_2688, %get3A_2676 : vector<16xf32>
    %add3A_2690 = arith.constant 1.000000e+00 : f32
    %add3A_2691 = vector.broadcast %add3A_2690 : f32 to vector<16xf32>
    %add3A_2692 = arith.addf %get3A_2681, %add3A_2691 : vector<16xf32>
    %div3A_2693 = arith.divf %add3A_2689, %add3A_2692 : vector<16xf32>
    %swap3A_2694 = arith.constant 23 : i32
    %swap3A_2695 = arith.index_cast %swap3A_2694 : i32 to index
    %swap3A_2696 = arith.constant 0 : index
    %swap3A_2697 = tpu.vector_load %arg13[%swap3A_2695, %swap3A_2696] {strides = array<i32>} : memref<64x128xf32, #tpu.memory_space<vmem>>, vector<1x16xf32>,
    %swap3A_2698 = vector.shape_cast %swap3A_2697 : vector<1x16xf32> to vector<16xf32>
    %swap3A_2699 = vector.shape_cast %div3A_2693 : vector<16xf32> to vector<1x16xf32>
    tpu.vector_store %arg13[%swap3A_2695, %swap3A_2696], %swap3A_2699 {strides = array<i32>} : memref<64x128xf32, #tpu.memory_space<vmem>>, vector<1x16xf32>,
    %get3A_2700 = arith.constant 24 : i32
    %get3A_2701 = arith.index_cast %get3A_2700 : i32 to index
    %get3A_2702 = arith.constant 0 : index
    %get3A_2703 = tpu.vector_load %arg11[%get3A_2701, %get3A_2702] {strides = array<i32>} : memref<64x128xf32, #tpu.memory_space<vmem>>, vector<1x16xf32>,
    %get3A_2704 = vector.shape_cast %get3A_2703 : vector<1x16xf32> to vector<16xf32>
    %get3A_2705 = arith.constant 24 : i32
    %get3A_2706 = arith.index_cast %get3A_2705 : i32 to index
    %get3A_2707 = arith.constant 16 : index
    %get3A_2708 = tpu.vector_load %arg11[%get3A_2706, %get3A_2707] {strides = array<i32>} : memref<64x128xf32, #tpu.memory_space<vmem>>, vector<1x16xf32>,
    %get3A_2709 = vector.shape_cast %get3A_2708 : vector<1x16xf32> to vector<16xf32>
    %get3A_2710 = arith.constant 1 : i32
    %get3A_2711 = arith.constant 24 : i32
    %get3A_2712 = arith.index_cast %get3A_2710 : i32 to index
    %get3A_2713 = arith.index_cast %get3A_2711 : i32 to index
    %get3A_2714 = arith.constant 0 : index
    %get3A_2715 = tpu.vector_load %arg12[%get3A_2712, %get3A_2713, %get3A_2714] {strides = array<i32>} : memref<2x64x16xf32, #tpu.memory_space<vmem>>, vector<1x1x16xf32>,
    %get3A_2716 = vector.shape_cast %get3A_2715 : vector<1x1x16xf32> to vector<16xf32>
    %add3A_2717 = arith.addf %get3A_2716, %get3A_2704 : vector<16xf32>
    %add3A_2718 = arith.constant 1.000000e+00 : f32
    %add3A_2719 = vector.broadcast %add3A_2718 : f32 to vector<16xf32>
    %add3A_2720 = arith.addf %get3A_2709, %add3A_2719 : vector<16xf32>
    %div3A_2721 = arith.divf %add3A_2717, %add3A_2720 : vector<16xf32>
    %swap3A_2722 = arith.constant 24 : i32
    %swap3A_2723 = arith.index_cast %swap3A_2722 : i32 to index
    %swap3A_2724 = arith.constant 0 : index
    %swap3A_2725 = tpu.vector_load %arg13[%swap3A_2723, %swap3A_2724] {strides = array<i32>} : memref<64x128xf32, #tpu.memory_space<vmem>>, vector<1x16xf32>,
    %swap3A_2726 = vector.shape_cast %swap3A_2725 : vector<1x16xf32> to vector<16xf32>
    %swap3A_2727 = vector.shape_cast %div3A_2721 : vector<16xf32> to vector<1x16xf32>
    tpu.vector_store %arg13[%swap3A_2723, %swap3A_2724], %swap3A_2727 {strides = array<i32>} : memref<64x128xf32, #tpu.memory_space<vmem>>, vector<1x16xf32>,
    %get3A_2728 = arith.constant 25 : i32
    %get3A_2729 = arith.index_cast %get3A_2728 : i32 to index
    %get3A_2730 = arith.constant 0 : index
    %get3A_2731 = tpu.vector_load %arg11[%get3A_2729, %get3A_2730] {strides = array<i32>} : memref<64x128xf32, #tpu.memory_space<vmem>>, vector<1x16xf32>,
    %get3A_2732 = vector.shape_cast %get3A_2731 : vector<1x16xf32> to vector<16xf32>
    %get3A_2733 = arith.constant 25 : i32
    %get3A_2734 = arith.index_cast %get3A_2733 : i32 to index
    %get3A_2735 = arith.constant 16 : index
    %get3A_2736 = tpu.vector_load %arg11[%get3A_2734, %get3A_2735] {strides = array<i32>} : memref<64x128xf32, #tpu.memory_space<vmem>>, vector<1x16xf32>,
    %get3A_2737 = vector.shape_cast %get3A_2736 : vector<1x16xf32> to vector<16xf32>
    %get3A_2738 = arith.constant 1 : i32
    %get3A_2739 = arith.constant 25 : i32
    %get3A_2740 = arith.index_cast %get3A_2738 : i32 to index
    %get3A_2741 = arith.index_cast %get3A_2739 : i32 to index
    %get3A_2742 = arith.constant 0 : index
    %get3A_2743 = tpu.vector_load %arg12[%get3A_2740, %get3A_2741, %get3A_2742] {strides = array<i32>} : memref<2x64x16xf32, #tpu.memory_space<vmem>>, vector<1x1x16xf32>,
    %get3A_2744 = vector.shape_cast %get3A_2743 : vector<1x1x16xf32> to vector<16xf32>
    %add3A_2745 = arith.addf %get3A_2744, %get3A_2732 : vector<16xf32>
    %add3A_2746 = arith.constant 1.000000e+00 : f32
    %add3A_2747 = vector.broadcast %add3A_2746 : f32 to vector<16xf32>
    %add3A_2748 = arith.addf %get3A_2737, %add3A_2747 : vector<16xf32>
    %div3A_2749 = arith.divf %add3A_2745, %add3A_2748 : vector<16xf32>
    %swap3A_2750 = arith.constant 25 : i32
    %swap3A_2751 = arith.index_cast %swap3A_2750 : i32 to index
    %swap3A_2752 = arith.constant 0 : index
    %swap3A_2753 = tpu.vector_load %arg13[%swap3A_2751, %swap3A_2752] {strides = array<i32>} : memref<64x128xf32, #tpu.memory_space<vmem>>, vector<1x16xf32>,
    %swap3A_2754 = vector.shape_cast %swap3A_2753 : vector<1x16xf32> to vector<16xf32>
    %swap3A_2755 = vector.shape_cast %div3A_2749 : vector<16xf32> to vector<1x16xf32>
    tpu.vector_store %arg13[%swap3A_2751, %swap3A_2752], %swap3A_2755 {strides = array<i32>} : memref<64x128xf32, #tpu.memory_space<vmem>>, vector<1x16xf32>,
    %get3A_2756 = arith.constant 26 : i32
    %get3A_2757 = arith.index_cast %get3A_2756 : i32 to index
    %get3A_2758 = arith.constant 0 : index
    %get3A_2759 = tpu.vector_load %arg11[%get3A_2757, %get3A_2758] {strides = array<i32>} : memref<64x128xf32, #tpu.memory_space<vmem>>, vector<1x16xf32>,
    %get3A_2760 = vector.shape_cast %get3A_2759 : vector<1x16xf32> to vector<16xf32>
    %get3A_2761 = arith.constant 26 : i32
    %get3A_2762 = arith.index_cast %get3A_2761 : i32 to index
    %get3A_2763 = arith.constant 16 : index
    %get3A_2764 = tpu.vector_load %arg11[%get3A_2762, %get3A_2763] {strides = array<i32>} : memref<64x128xf32, #tpu.memory_space<vmem>>, vector<1x16xf32>,
    %get3A_2765 = vector.shape_cast %get3A_2764 : vector<1x16xf32> to vector<16xf32>
    %get3A_2766 = arith.constant 1 : i32
    %get3A_2767 = arith.constant 26 : i32
    %get3A_2768 = arith.index_cast %get3A_2766 : i32 to index
    %get3A_2769 = arith.index_cast %get3A_2767 : i32 to index
    %get3A_2770 = arith.constant 0 : index
    %get3A_2771 = tpu.vector_load %arg12[%get3A_2768, %get3A_2769, %get3A_2770] {strides = array<i32>} : memref<2x64x16xf32, #tpu.memory_space<vmem>>, vector<1x1x16xf32>,
    %get3A_2772 = vector.shape_cast %get3A_2771 : vector<1x1x16xf32> to vector<16xf32>
    %add3A_2773 = arith.addf %get3A_2772, %get3A_2760 : vector<16xf32>
    %add3A_2774 = arith.constant 1.000000e+00 : f32
    %add3A_2775 = vector.broadcast %add3A_2774 : f32 to vector<16xf32>
    %add3A_2776 = arith.addf %get3A_2765, %add3A_2775 : vector<16xf32>
    %div3A_2777 = arith.divf %add3A_2773, %add3A_2776 : vector<16xf32>
    %swap3A_2778 = arith.constant 26 : i32
    %swap3A_2779 = arith.index_cast %swap3A_2778 : i32 to index
    %swap3A_2780 = arith.constant 0 : index
    %swap3A_2781 = tpu.vector_load %arg13[%swap3A_2779, %swap3A_2780] {strides = array<i32>} : memref<64x128xf32, #tpu.memory_space<vmem>>, vector<1x16xf32>,
    %swap3A_2782 = vector.shape_cast %swap3A_2781 : vector<1x16xf32> to vector<16xf32>
    %swap3A_2783 = vector.shape_cast %div3A_2777 : vector<16xf32> to vector<1x16xf32>
    tpu.vector_store %arg13[%swap3A_2779, %swap3A_2780], %swap3A_2783 {strides = array<i32>} : memref<64x128xf32, #tpu.memory_space<vmem>>, vector<1x16xf32>,
    %get3A_2784 = arith.constant 27 : i32
    %get3A_2785 = arith.index_cast %get3A_2784 : i32 to index
    %get3A_2786 = arith.constant 0 : index
    %get3A_2787 = tpu.vector_load %arg11[%get3A_2785, %get3A_2786] {strides = array<i32>} : memref<64x128xf32, #tpu.memory_space<vmem>>, vector<1x16xf32>,
    %get3A_2788 = vector.shape_cast %get3A_2787 : vector<1x16xf32> to vector<16xf32>
    %get3A_2789 = arith.constant 27 : i32
    %get3A_2790 = arith.index_cast %get3A_2789 : i32 to index
    %get3A_2791 = arith.constant 16 : index
    %get3A_2792 = tpu.vector_load %arg11[%get3A_2790, %get3A_2791] {strides = array<i32>} : memref<64x128xf32, #tpu.memory_space<vmem>>, vector<1x16xf32>,
    %get3A_2793 = vector.shape_cast %get3A_2792 : vector<1x16xf32> to vector<16xf32>
    %get3A_2794 = arith.constant 1 : i32
    %get3A_2795 = arith.constant 27 : i32
    %get3A_2796 = arith.index_cast %get3A_2794 : i32 to index
    %get3A_2797 = arith.index_cast %get3A_2795 : i32 to index
    %get3A_2798 = arith.constant 0 : index
    %get3A_2799 = tpu.vector_load %arg12[%get3A_2796, %get3A_2797, %get3A_2798] {strides = array<i32>} : memref<2x64x16xf32, #tpu.memory_space<vmem>>, vector<1x1x16xf32>,
    %get3A_2800 = vector.shape_cast %get3A_2799 : vector<1x1x16xf32> to vector<16xf32>
    %add3A_2801 = arith.addf %get3A_2800, %get3A_2788 : vector<16xf32>
    %add3A_2802 = arith.constant 1.000000e+00 : f32
    %add3A_2803 = vector.broadcast %add3A_2802 : f32 to vector<16xf32>
    %add3A_2804 = arith.addf %get3A_2793, %add3A_2803 : vector<16xf32>
    %div3A_2805 = arith.divf %add3A_2801, %add3A_2804 : vector<16xf32>
    %swap3A_2806 = arith.constant 27 : i32
    %swap3A_2807 = arith.index_cast %swap3A_2806 : i32 to index
    %swap3A_2808 = arith.constant 0 : index
    %swap3A_2809 = tpu.vector_load %arg13[%swap3A_2807, %swap3A_2808] {strides = array<i32>} : memref<64x128xf32, #tpu.memory_space<vmem>>, vector<1x16xf32>,
    %swap3A_2810 = vector.shape_cast %swap3A_2809 : vector<1x16xf32> to vector<16xf32>
    %swap3A_2811 = vector.shape_cast %div3A_2805 : vector<16xf32> to vector<1x16xf32>
    tpu.vector_store %arg13[%swap3A_2807, %swap3A_2808], %swap3A_2811 {strides = array<i32>} : memref<64x128xf32, #tpu.memory_space<vmem>>, vector<1x16xf32>,
    %get3A_2812 = arith.constant 28 : i32
    %get3A_2813 = arith.index_cast %get3A_2812 : i32 to index
    %get3A_2814 = arith.constant 0 : index
    %get3A_2815 = tpu.vector_load %arg11[%get3A_2813, %get3A_2814] {strides = array<i32>} : memref<64x128xf32, #tpu.memory_space<vmem>>, vector<1x16xf32>,
    %get3A_2816 = vector.shape_cast %get3A_2815 : vector<1x16xf32> to vector<16xf32>
    %get3A_2817 = arith.constant 28 : i32
    %get3A_2818 = arith.index_cast %get3A_2817 : i32 to index
    %get3A_2819 = arith.constant 16 : index
    %get3A_2820 = tpu.vector_load %arg11[%get3A_2818, %get3A_2819] {strides = array<i32>} : memref<64x128xf32, #tpu.memory_space<vmem>>, vector<1x16xf32>,
    %get3A_2821 = vector.shape_cast %get3A_2820 : vector<1x16xf32> to vector<16xf32>
    %get3A_2822 = arith.constant 1 : i32
    %get3A_2823 = arith.constant 28 : i32
    %get3A_2824 = arith.index_cast %get3A_2822 : i32 to index
    %get3A_2825 = arith.index_cast %get3A_2823 : i32 to index
    %get3A_2826 = arith.constant 0 : index
    %get3A_2827 = tpu.vector_load %arg12[%get3A_2824, %get3A_2825, %get3A_2826] {strides = array<i32>} : memref<2x64x16xf32, #tpu.memory_space<vmem>>, vector<1x1x16xf32>,
    %get3A_2828 = vector.shape_cast %get3A_2827 : vector<1x1x16xf32> to vector<16xf32>
    %add3A_2829 = arith.addf %get3A_2828, %get3A_2816 : vector<16xf32>
    %add3A_2830 = arith.constant 1.000000e+00 : f32
    %add3A_2831 = vector.broadcast %add3A_2830 : f32 to vector<16xf32>
    %add3A_2832 = arith.addf %get3A_2821, %add3A_2831 : vector<16xf32>
    %div3A_2833 = arith.divf %add3A_2829, %add3A_2832 : vector<16xf32>
    %swap3A_2834 = arith.constant 28 : i32
    %swap3A_2835 = arith.index_cast %swap3A_2834 : i32 to index
    %swap3A_2836 = arith.constant 0 : index
    %swap3A_2837 = tpu.vector_load %arg13[%swap3A_2835, %swap3A_2836] {strides = array<i32>} : memref<64x128xf32, #tpu.memory_space<vmem>>, vector<1x16xf32>,
    %swap3A_2838 = vector.shape_cast %swap3A_2837 : vector<1x16xf32> to vector<16xf32>
    %swap3A_2839 = vector.shape_cast %div3A_2833 : vector<16xf32> to vector<1x16xf32>
    tpu.vector_store %arg13[%swap3A_2835, %swap3A_2836], %swap3A_2839 {strides = array<i32>} : memref<64x128xf32, #tpu.memory_space<vmem>>, vector<1x16xf32>,
    %get3A_2840 = arith.constant 29 : i32
    %get3A_2841 = arith.index_cast %get3A_2840 : i32 to index
    %get3A_2842 = arith.constant 0 : index
    %get3A_2843 = tpu.vector_load %arg11[%get3A_2841, %get3A_2842] {strides = array<i32>} : memref<64x128xf32, #tpu.memory_space<vmem>>, vector<1x16xf32>,
    %get3A_2844 = vector.shape_cast %get3A_2843 : vector<1x16xf32> to vector<16xf32>
    %get3A_2845 = arith.constant 29 : i32
    %get3A_2846 = arith.index_cast %get3A_2845 : i32 to index
    %get3A_2847 = arith.constant 16 : index
    %get3A_2848 = tpu.vector_load %arg11[%get3A_2846, %get3A_2847] {strides = array<i32>} : memref<64x128xf32, #tpu.memory_space<vmem>>, vector<1x16xf32>,
    %get3A_2849 = vector.shape_cast %get3A_2848 : vector<1x16xf32> to vector<16xf32>
    %get3A_2850 = arith.constant 1 : i32
    %get3A_2851 = arith.constant 29 : i32
    %get3A_2852 = arith.index_cast %get3A_2850 : i32 to index
    %get3A_2853 = arith.index_cast %get3A_2851 : i32 to index
    %get3A_2854 = arith.constant 0 : index
    %get3A_2855 = tpu.vector_load %arg12[%get3A_2852, %get3A_2853, %get3A_2854] {strides = array<i32>} : memref<2x64x16xf32, #tpu.memory_space<vmem>>, vector<1x1x16xf32>,
    %get3A_2856 = vector.shape_cast %get3A_2855 : vector<1x1x16xf32> to vector<16xf32>
    %add3A_2857 = arith.addf %get3A_2856, %get3A_2844 : vector<16xf32>
    %add3A_2858 = arith.constant 1.000000e+00 : f32
    %add3A_2859 = vector.broadcast %add3A_2858 : f32 to vector<16xf32>
    %add3A_2860 = arith.addf %get3A_2849, %add3A_2859 : vector<16xf32>
    %div3A_2861 = arith.divf %add3A_2857, %add3A_2860 : vector<16xf32>
    %swap3A_2862 = arith.constant 29 : i32
    %swap3A_2863 = arith.index_cast %swap3A_2862 : i32 to index
    %swap3A_2864 = arith.constant 0 : index
    %swap3A_2865 = tpu.vector_load %arg13[%swap3A_2863, %swap3A_2864] {strides = array<i32>} : memref<64x128xf32, #tpu.memory_space<vmem>>, vector<1x16xf32>,
    %swap3A_2866 = vector.shape_cast %swap3A_2865 : vector<1x16xf32> to vector<16xf32>
    %swap3A_2867 = vector.shape_cast %div3A_2861 : vector<16xf32> to vector<1x16xf32>
    tpu.vector_store %arg13[%swap3A_2863, %swap3A_2864], %swap3A_2867 {strides = array<i32>} : memref<64x128xf32, #tpu.memory_space<vmem>>, vector<1x16xf32>,
    %get3A_2868 = arith.constant 30 : i32
    %get3A_2869 = arith.index_cast %get3A_2868 : i32 to index
    %get3A_2870 = arith.constant 0 : index
    %get3A_2871 = tpu.vector_load %arg11[%get3A_2869, %get3A_2870] {strides = array<i32>} : memref<64x128xf32, #tpu.memory_space<vmem>>, vector<1x16xf32>,
    %get3A_2872 = vector.shape_cast %get3A_2871 : vector<1x16xf32> to vector<16xf32>
    %get3A_2873 = arith.constant 30 : i32
    %get3A_2874 = arith.index_cast %get3A_2873 : i32 to index
    %get3A_2875 = arith.constant 16 : index
    %get3A_2876 = tpu.vector_load %arg11[%get3A_2874, %get3A_2875] {strides = array<i32>} : memref<64x128xf32, #tpu.memory_space<vmem>>, vector<1x16xf32>,
    %get3A_2877 = vector.shape_cast %get3A_2876 : vector<1x16xf32> to vector<16xf32>
    %get3A_2878 = arith.constant 1 : i32
    %get3A_2879 = arith.constant 30 : i32
    %get3A_2880 = arith.index_cast %get3A_2878 : i32 to index
    %get3A_2881 = arith.index_cast %get3A_2879 : i32 to index
    %get3A_2882 = arith.constant 0 : index
    %get3A_2883 = tpu.vector_load %arg12[%get3A_2880, %get3A_2881, %get3A_2882] {strides = array<i32>} : memref<2x64x16xf32, #tpu.memory_space<vmem>>, vector<1x1x16xf32>,
    %get3A_2884 = vector.shape_cast %get3A_2883 : vector<1x1x16xf32> to vector<16xf32>
    %add3A_2885 = arith.addf %get3A_2884, %get3A_2872 : vector<16xf32>
    %add3A_2886 = arith.constant 1.000000e+00 : f32
    %add3A_2887 = vector.broadcast %add3A_2886 : f32 to vector<16xf32>
    %add3A_2888 = arith.addf %get3A_2877, %add3A_2887 : vector<16xf32>
    %div3A_2889 = arith.divf %add3A_2885, %add3A_2888 : vector<16xf32>
    %swap3A_2890 = arith.constant 30 : i32
    %swap3A_2891 = arith.index_cast %swap3A_2890 : i32 to index
    %swap3A_2892 = arith.constant 0 : index
    %swap3A_2893 = tpu.vector_load %arg13[%swap3A_2891, %swap3A_2892] {strides = array<i32>} : memref<64x128xf32, #tpu.memory_space<vmem>>, vector<1x16xf32>,
    %swap3A_2894 = vector.shape_cast %swap3A_2893 : vector<1x16xf32> to vector<16xf32>
    %swap3A_2895 = vector.shape_cast %div3A_2889 : vector<16xf32> to vector<1x16xf32>
    tpu.vector_store %arg13[%swap3A_2891, %swap3A_2892], %swap3A_2895 {strides = array<i32>} : memref<64x128xf32, #tpu.memory_space<vmem>>, vector<1x16xf32>,
    %get3A_2896 = arith.constant 31 : i32
    %get3A_2897 = arith.index_cast %get3A_2896 : i32 to index
    %get3A_2898 = arith.constant 0 : index
    %get3A_2899 = tpu.vector_load %arg11[%get3A_2897, %get3A_2898] {strides = array<i32>} : memref<64x128xf32, #tpu.memory_space<vmem>>, vector<1x16xf32>,
    %get3A_2900 = vector.shape_cast %get3A_2899 : vector<1x16xf32> to vector<16xf32>
    %get3A_2901 = arith.constant 31 : i32
    %get3A_2902 = arith.index_cast %get3A_2901 : i32 to index
    %get3A_2903 = arith.constant 16 : index
    %get3A_2904 = tpu.vector_load %arg11[%get3A_2902, %get3A_2903] {strides = array<i32>} : memref<64x128xf32, #tpu.memory_space<vmem>>, vector<1x16xf32>,
    %get3A_2905 = vector.shape_cast %get3A_2904 : vector<1x16xf32> to vector<16xf32>
    %get3A_2906 = arith.constant 1 : i32
    %get3A_2907 = arith.constant 31 : i32
    %get3A_2908 = arith.index_cast %get3A_2906 : i32 to index
    %get3A_2909 = arith.index_cast %get3A_2907 : i32 to index
    %get3A_2910 = arith.constant 0 : index
    %get3A_2911 = tpu.vector_load %arg12[%get3A_2908, %get3A_2909, %get3A_2910] {strides = array<i32>} : memref<2x64x16xf32, #tpu.memory_space<vmem>>, vector<1x1x16xf32>,
    %get3A_2912 = vector.shape_cast %get3A_2911 : vector<1x1x16xf32> to vector<16xf32>
    %add3A_2913 = arith.addf %get3A_2912, %get3A_2900 : vector<16xf32>
    %add3A_2914 = arith.constant 1.000000e+00 : f32
    %add3A_2915 = vector.broadcast %add3A_2914 : f32 to vector<16xf32>
    %add3A_2916 = arith.addf %get3A_2905, %add3A_2915 : vector<16xf32>
    %div3A_2917 = arith.divf %add3A_2913, %add3A_2916 : vector<16xf32>
    %swap3A_2918 = arith.constant 31 : i32
    %swap3A_2919 = arith.index_cast %swap3A_2918 : i32 to index
    %swap3A_2920 = arith.constant 0 : index
    %swap3A_2921 = tpu.vector_load %arg13[%swap3A_2919, %swap3A_2920] {strides = array<i32>} : memref<64x128xf32, #tpu.memory_space<vmem>>, vector<1x16xf32>,
    %swap3A_2922 = vector.shape_cast %swap3A_2921 : vector<1x16xf32> to vector<16xf32>
    %swap3A_2923 = vector.shape_cast %div3A_2917 : vector<16xf32> to vector<1x16xf32>
    tpu.vector_store %arg13[%swap3A_2919, %swap3A_2920], %swap3A_2923 {strides = array<i32>} : memref<64x128xf32, #tpu.memory_space<vmem>>, vector<1x16xf32>,
    %get3A_2924 = arith.constant 32 : i32
    %get3A_2925 = arith.index_cast %get3A_2924 : i32 to index
    %get3A_2926 = arith.constant 0 : index
    %get3A_2927 = tpu.vector_load %arg11[%get3A_2925, %get3A_2926] {strides = array<i32>} : memref<64x128xf32, #tpu.memory_space<vmem>>, vector<1x16xf32>,
    %get3A_2928 = vector.shape_cast %get3A_2927 : vector<1x16xf32> to vector<16xf32>
    %get3A_2929 = arith.constant 32 : i32
    %get3A_2930 = arith.index_cast %get3A_2929 : i32 to index
    %get3A_2931 = arith.constant 16 : index
    %get3A_2932 = tpu.vector_load %arg11[%get3A_2930, %get3A_2931] {strides = array<i32>} : memref<64x128xf32, #tpu.memory_space<vmem>>, vector<1x16xf32>,
    %get3A_2933 = vector.shape_cast %get3A_2932 : vector<1x16xf32> to vector<16xf32>
    %get3A_2934 = arith.constant 1 : i32
    %get3A_2935 = arith.constant 32 : i32
    %get3A_2936 = arith.index_cast %get3A_2934 : i32 to index
    %get3A_2937 = arith.index_cast %get3A_2935 : i32 to index
    %get3A_2938 = arith.constant 0 : index
    %get3A_2939 = tpu.vector_load %arg12[%get3A_2936, %get3A_2937, %get3A_2938] {strides = array<i32>} : memref<2x64x16xf32, #tpu.memory_space<vmem>>, vector<1x1x16xf32>,
    %get3A_2940 = vector.shape_cast %get3A_2939 : vector<1x1x16xf32> to vector<16xf32>
    %add3A_2941 = arith.addf %get3A_2940, %get3A_2928 : vector<16xf32>
    %add3A_2942 = arith.constant 1.000000e+00 : f32
    %add3A_2943 = vector.broadcast %add3A_2942 : f32 to vector<16xf32>
    %add3A_2944 = arith.addf %get3A_2933, %add3A_2943 : vector<16xf32>
    %div3A_2945 = arith.divf %add3A_2941, %add3A_2944 : vector<16xf32>
    %swap3A_2946 = arith.constant 32 : i32
    %swap3A_2947 = arith.index_cast %swap3A_2946 : i32 to index
    %swap3A_2948 = arith.constant 0 : index
    %swap3A_2949 = tpu.vector_load %arg13[%swap3A_2947, %swap3A_2948] {strides = array<i32>} : memref<64x128xf32, #tpu.memory_space<vmem>>, vector<1x16xf32>,
    %swap3A_2950 = vector.shape_cast %swap3A_2949 : vector<1x16xf32> to vector<16xf32>
    %swap3A_2951 = vector.shape_cast %div3A_2945 : vector<16xf32> to vector<1x16xf32>
    tpu.vector_store %arg13[%swap3A_2947, %swap3A_2948], %swap3A_2951 {strides = array<i32>} : memref<64x128xf32, #tpu.memory_space<vmem>>, vector<1x16xf32>,
    %get3A_2952 = arith.constant 33 : i32
    %get3A_2953 = arith.index_cast %get3A_2952 : i32 to index
    %get3A_2954 = arith.constant 0 : index
    %get3A_2955 = tpu.vector_load %arg11[%get3A_2953, %get3A_2954] {strides = array<i32>} : memref<64x128xf32, #tpu.memory_space<vmem>>, vector<1x16xf32>,
    %get3A_2956 = vector.shape_cast %get3A_2955 : vector<1x16xf32> to vector<16xf32>
    %get3A_2957 = arith.constant 33 : i32
    %get3A_2958 = arith.index_cast %get3A_2957 : i32 to index
    %get3A_2959 = arith.constant 16 : index
    %get3A_2960 = tpu.vector_load %arg11[%get3A_2958, %get3A_2959] {strides = array<i32>} : memref<64x128xf32, #tpu.memory_space<vmem>>, vector<1x16xf32>,
    %get3A_2961 = vector.shape_cast %get3A_2960 : vector<1x16xf32> to vector<16xf32>
    %get3A_2962 = arith.constant 1 : i32
    %get3A_2963 = arith.constant 33 : i32
    %get3A_2964 = arith.index_cast %get3A_2962 : i32 to index
    %get3A_2965 = arith.index_cast %get3A_2963 : i32 to index
    %get3A_2966 = arith.constant 0 : index
    %get3A_2967 = tpu.vector_load %arg12[%get3A_2964, %get3A_2965, %get3A_2966] {strides = array<i32>} : memref<2x64x16xf32, #tpu.memory_space<vmem>>, vector<1x1x16xf32>,
    %get3A_2968 = vector.shape_cast %get3A_2967 : vector<1x1x16xf32> to vector<16xf32>
    %add3A_2969 = arith.addf %get3A_2968, %get3A_2956 : vector<16xf32>
    %add3A_2970 = arith.constant 1.000000e+00 : f32
    %add3A_2971 = vector.broadcast %add3A_2970 : f32 to vector<16xf32>
    %add3A_2972 = arith.addf %get3A_2961, %add3A_2971 : vector<16xf32>
    %div3A_2973 = arith.divf %add3A_2969, %add3A_2972 : vector<16xf32>
    %swap3A_2974 = arith.constant 33 : i32
    %swap3A_2975 = arith.index_cast %swap3A_2974 : i32 to index
    %swap3A_2976 = arith.constant 0 : index
    %swap3A_2977 = tpu.vector_load %arg13[%swap3A_2975, %swap3A_2976] {strides = array<i32>} : memref<64x128xf32, #tpu.memory_space<vmem>>, vector<1x16xf32>,
    %swap3A_2978 = vector.shape_cast %swap3A_2977 : vector<1x16xf32> to vector<16xf32>
    %swap3A_2979 = vector.shape_cast %div3A_2973 : vector<16xf32> to vector<1x16xf32>
    tpu.vector_store %arg13[%swap3A_2975, %swap3A_2976], %swap3A_2979 {strides = array<i32>} : memref<64x128xf32, #tpu.memory_space<vmem>>, vector<1x16xf32>,
    %get3A_2980 = arith.constant 34 : i32
    %get3A_2981 = arith.index_cast %get3A_2980 : i32 to index
    %get3A_2982 = arith.constant 0 : index
    %get3A_2983 = tpu.vector_load %arg11[%get3A_2981, %get3A_2982] {strides = array<i32>} : memref<64x128xf32, #tpu.memory_space<vmem>>, vector<1x16xf32>,
    %get3A_2984 = vector.shape_cast %get3A_2983 : vector<1x16xf32> to vector<16xf32>
    %get3A_2985 = arith.constant 34 : i32
    %get3A_2986 = arith.index_cast %get3A_2985 : i32 to index
    %get3A_2987 = arith.constant 16 : index
    %get3A_2988 = tpu.vector_load %arg11[%get3A_2986, %get3A_2987] {strides = array<i32>} : memref<64x128xf32, #tpu.memory_space<vmem>>, vector<1x16xf32>,
    %get3A_2989 = vector.shape_cast %get3A_2988 : vector<1x16xf32> to vector<16xf32>
    %get3A_2990 = arith.constant 1 : i32
    %get3A_2991 = arith.constant 34 : i32
    %get3A_2992 = arith.index_cast %get3A_2990 : i32 to index
    %get3A_2993 = arith.index_cast %get3A_2991 : i32 to index
    %get3A_2994 = arith.constant 0 : index
    %get3A_2995 = tpu.vector_load %arg12[%get3A_2992, %get3A_2993, %get3A_2994] {strides = array<i32>} : memref<2x64x16xf32, #tpu.memory_space<vmem>>, vector<1x1x16xf32>,
    %get3A_2996 = vector.shape_cast %get3A_2995 : vector<1x1x16xf32> to vector<16xf32>
    %add3A_2997 = arith.addf %get3A_2996, %get3A_2984 : vector<16xf32>
    %add3A_2998 = arith.constant 1.000000e+00 : f32
    %add3A_2999 = vector.broadcast %add3A_2998 : f32 to vector<16xf32>
    %add3A_3000 = arith.addf %get3A_2989, %add3A_2999 : vector<16xf32>
    %div3A_3001 = arith.divf %add3A_2997, %add3A_3000 : vector<16xf32>
    %swap3A_3002 = arith.constant 34 : i32
    %swap3A_3003 = arith.index_cast %swap3A_3002 : i32 to index
    %swap3A_3004 = arith.constant 0 : index
    %swap3A_3005 = tpu.vector_load %arg13[%swap3A_3003, %swap3A_3004] {strides = array<i32>} : memref<64x128xf32, #tpu.memory_space<vmem>>, vector<1x16xf32>,
    %swap3A_3006 = vector.shape_cast %swap3A_3005 : vector<1x16xf32> to vector<16xf32>
    %swap3A_3007 = vector.shape_cast %div3A_3001 : vector<16xf32> to vector<1x16xf32>
    tpu.vector_store %arg13[%swap3A_3003, %swap3A_3004], %swap3A_3007 {strides = array<i32>} : memref<64x128xf32, #tpu.memory_space<vmem>>, vector<1x16xf32>,
    %get3A_3008 = arith.constant 35 : i32
    %get3A_3009 = arith.index_cast %get3A_3008 : i32 to index
    %get3A_3010 = arith.constant 0 : index
    %get3A_3011 = tpu.vector_load %arg11[%get3A_3009, %get3A_3010] {strides = array<i32>} : memref<64x128xf32, #tpu.memory_space<vmem>>, vector<1x16xf32>,
    %get3A_3012 = vector.shape_cast %get3A_3011 : vector<1x16xf32> to vector<16xf32>
    %get3A_3013 = arith.constant 35 : i32
    %get3A_3014 = arith.index_cast %get3A_3013 : i32 to index
    %get3A_3015 = arith.constant 16 : index
    %get3A_3016 = tpu.vector_load %arg11[%get3A_3014, %get3A_3015] {strides = array<i32>} : memref<64x128xf32, #tpu.memory_space<vmem>>, vector<1x16xf32>,
    %get3A_3017 = vector.shape_cast %get3A_3016 : vector<1x16xf32> to vector<16xf32>
    %get3A_3018 = arith.constant 1 : i32
    %get3A_3019 = arith.constant 35 : i32
    %get3A_3020 = arith.index_cast %get3A_3018 : i32 to index
    %get3A_3021 = arith.index_cast %get3A_3019 : i32 to index
    %get3A_3022 = arith.constant 0 : index
    %get3A_3023 = tpu.vector_load %arg12[%get3A_3020, %get3A_3021, %get3A_3022] {strides = array<i32>} : memref<2x64x16xf32, #tpu.memory_space<vmem>>, vector<1x1x16xf32>,
    %get3A_3024 = vector.shape_cast %get3A_3023 : vector<1x1x16xf32> to vector<16xf32>
    %add3A_3025 = arith.addf %get3A_3024, %get3A_3012 : vector<16xf32>
    %add3A_3026 = arith.constant 1.000000e+00 : f32
    %add3A_3027 = vector.broadcast %add3A_3026 : f32 to vector<16xf32>
    %add3A_3028 = arith.addf %get3A_3017, %add3A_3027 : vector<16xf32>
    %div3A_3029 = arith.divf %add3A_3025, %add3A_3028 : vector<16xf32>
    %swap3A_3030 = arith.constant 35 : i32
    %swap3A_3031 = arith.index_cast %swap3A_3030 : i32 to index
    %swap3A_3032 = arith.constant 0 : index
    %swap3A_3033 = tpu.vector_load %arg13[%swap3A_3031, %swap3A_3032] {strides = array<i32>} : memref<64x128xf32, #tpu.memory_space<vmem>>, vector<1x16xf32>,
    %swap3A_3034 = vector.shape_cast %swap3A_3033 : vector<1x16xf32> to vector<16xf32>
    %swap3A_3035 = vector.shape_cast %div3A_3029 : vector<16xf32> to vector<1x16xf32>
    tpu.vector_store %arg13[%swap3A_3031, %swap3A_3032], %swap3A_3035 {strides = array<i32>} : memref<64x128xf32, #tpu.memory_space<vmem>>, vector<1x16xf32>,
    %get3A_3036 = arith.constant 36 : i32
    %get3A_3037 = arith.index_cast %get3A_3036 : i32 to index
    %get3A_3038 = arith.constant 0 : index
    %get3A_3039 = tpu.vector_load %arg11[%get3A_3037, %get3A_3038] {strides = array<i32>} : memref<64x128xf32, #tpu.memory_space<vmem>>, vector<1x16xf32>,
    %get3A_3040 = vector.shape_cast %get3A_3039 : vector<1x16xf32> to vector<16xf32>
    %get3A_3041 = arith.constant 36 : i32
    %get3A_3042 = arith.index_cast %get3A_3041 : i32 to index
    %get3A_3043 = arith.constant 16 : index
    %get3A_3044 = tpu.vector_load %arg11[%get3A_3042, %get3A_3043] {strides = array<i32>} : memref<64x128xf32, #tpu.memory_space<vmem>>, vector<1x16xf32>,
    %get3A_3045 = vector.shape_cast %get3A_3044 : vector<1x16xf32> to vector<16xf32>
    %get3A_3046 = arith.constant 1 : i32
    %get3A_3047 = arith.constant 36 : i32
    %get3A_3048 = arith.index_cast %get3A_3046 : i32 to index
    %get3A_3049 = arith.index_cast %get3A_3047 : i32 to index
    %get3A_3050 = arith.constant 0 : index
    %get3A_3051 = tpu.vector_load %arg12[%get3A_3048, %get3A_3049, %get3A_3050] {strides = array<i32>} : memref<2x64x16xf32, #tpu.memory_space<vmem>>, vector<1x1x16xf32>,
    %get3A_3052 = vector.shape_cast %get3A_3051 : vector<1x1x16xf32> to vector<16xf32>
    %add3A_3053 = arith.addf %get3A_3052, %get3A_3040 : vector<16xf32>
    %add3A_3054 = arith.constant 1.000000e+00 : f32
    %add3A_3055 = vector.broadcast %add3A_3054 : f32 to vector<16xf32>
    %add3A_3056 = arith.addf %get3A_3045, %add3A_3055 : vector<16xf32>
    %div3A_3057 = arith.divf %add3A_3053, %add3A_3056 : vector<16xf32>
    %swap3A_3058 = arith.constant 36 : i32
    %swap3A_3059 = arith.index_cast %swap3A_3058 : i32 to index
    %swap3A_3060 = arith.constant 0 : index
    %swap3A_3061 = tpu.vector_load %arg13[%swap3A_3059, %swap3A_3060] {strides = array<i32>} : memref<64x128xf32, #tpu.memory_space<vmem>>, vector<1x16xf32>,
    %swap3A_3062 = vector.shape_cast %swap3A_3061 : vector<1x16xf32> to vector<16xf32>
    %swap3A_3063 = vector.shape_cast %div3A_3057 : vector<16xf32> to vector<1x16xf32>
    tpu.vector_store %arg13[%swap3A_3059, %swap3A_3060], %swap3A_3063 {strides = array<i32>} : memref<64x128xf32, #tpu.memory_space<vmem>>, vector<1x16xf32>,
    %get3A_3064 = arith.constant 37 : i32
    %get3A_3065 = arith.index_cast %get3A_3064 : i32 to index
    %get3A_3066 = arith.constant 0 : index
    %get3A_3067 = tpu.vector_load %arg11[%get3A_3065, %get3A_3066] {strides = array<i32>} : memref<64x128xf32, #tpu.memory_space<vmem>>, vector<1x16xf32>,
    %get3A_3068 = vector.shape_cast %get3A_3067 : vector<1x16xf32> to vector<16xf32>
    %get3A_3069 = arith.constant 37 : i32
    %get3A_3070 = arith.index_cast %get3A_3069 : i32 to index
    %get3A_3071 = arith.constant 16 : index
    %get3A_3072 = tpu.vector_load %arg11[%get3A_3070, %get3A_3071] {strides = array<i32>} : memref<64x128xf32, #tpu.memory_space<vmem>>, vector<1x16xf32>,
    %get3A_3073 = vector.shape_cast %get3A_3072 : vector<1x16xf32> to vector<16xf32>
    %get3A_3074 = arith.constant 1 : i32
    %get3A_3075 = arith.constant 37 : i32
    %get3A_3076 = arith.index_cast %get3A_3074 : i32 to index
    %get3A_3077 = arith.index_cast %get3A_3075 : i32 to index
    %get3A_3078 = arith.constant 0 : index
    %get3A_3079 = tpu.vector_load %arg12[%get3A_3076, %get3A_3077, %get3A_3078] {strides = array<i32>} : memref<2x64x16xf32, #tpu.memory_space<vmem>>, vector<1x1x16xf32>,
    %get3A_3080 = vector.shape_cast %get3A_3079 : vector<1x1x16xf32> to vector<16xf32>
    %add3A_3081 = arith.addf %get3A_3080, %get3A_3068 : vector<16xf32>
    %add3A_3082 = arith.constant 1.000000e+00 : f32
    %add3A_3083 = vector.broadcast %add3A_3082 : f32 to vector<16xf32>
    %add3A_3084 = arith.addf %get3A_3073, %add3A_3083 : vector<16xf32>
    %div3A_3085 = arith.divf %add3A_3081, %add3A_3084 : vector<16xf32>
    %swap3A_3086 = arith.constant 37 : i32
    %swap3A_3087 = arith.index_cast %swap3A_3086 : i32 to index
    %swap3A_3088 = arith.constant 0 : index
    %swap3A_3089 = tpu.vector_load %arg13[%swap3A_3087, %swap3A_3088] {strides = array<i32>} : memref<64x128xf32, #tpu.memory_space<vmem>>, vector<1x16xf32>,
    %swap3A_3090 = vector.shape_cast %swap3A_3089 : vector<1x16xf32> to vector<16xf32>
    %swap3A_3091 = vector.shape_cast %div3A_3085 : vector<16xf32> to vector<1x16xf32>
    tpu.vector_store %arg13[%swap3A_3087, %swap3A_3088], %swap3A_3091 {strides = array<i32>} : memref<64x128xf32, #tpu.memory_space<vmem>>, vector<1x16xf32>,
    %get3A_3092 = arith.constant 38 : i32
    %get3A_3093 = arith.index_cast %get3A_3092 : i32 to index
    %get3A_3094 = arith.constant 0 : index
    %get3A_3095 = tpu.vector_load %arg11[%get3A_3093, %get3A_3094] {strides = array<i32>} : memref<64x128xf32, #tpu.memory_space<vmem>>, vector<1x16xf32>,
    %get3A_3096 = vector.shape_cast %get3A_3095 : vector<1x16xf32> to vector<16xf32>
    %get3A_3097 = arith.constant 38 : i32
    %get3A_3098 = arith.index_cast %get3A_3097 : i32 to index
    %get3A_3099 = arith.constant 16 : index
    %get3A_3100 = tpu.vector_load %arg11[%get3A_3098, %get3A_3099] {strides = array<i32>} : memref<64x128xf32, #tpu.memory_space<vmem>>, vector<1x16xf32>,
    %get3A_3101 = vector.shape_cast %get3A_3100 : vector<1x16xf32> to vector<16xf32>
    %get3A_3102 = arith.constant 1 : i32
    %get3A_3103 = arith.constant 38 : i32
    %get3A_3104 = arith.index_cast %get3A_3102 : i32 to index
    %get3A_3105 = arith.index_cast %get3A_3103 : i32 to index
    %get3A_3106 = arith.constant 0 : index
    %get3A_3107 = tpu.vector_load %arg12[%get3A_3104, %get3A_3105, %get3A_3106] {strides = array<i32>} : memref<2x64x16xf32, #tpu.memory_space<vmem>>, vector<1x1x16xf32>,
    %get3A_3108 = vector.shape_cast %get3A_3107 : vector<1x1x16xf32> to vector<16xf32>
    %add3A_3109 = arith.addf %get3A_3108, %get3A_3096 : vector<16xf32>
    %add3A_3110 = arith.constant 1.000000e+00 : f32
    %add3A_3111 = vector.broadcast %add3A_3110 : f32 to vector<16xf32>
    %add3A_3112 = arith.addf %get3A_3101, %add3A_3111 : vector<16xf32>
    %div3A_3113 = arith.divf %add3A_3109, %add3A_3112 : vector<16xf32>
    %swap3A_3114 = arith.constant 38 : i32
    %swap3A_3115 = arith.index_cast %swap3A_3114 : i32 to index
    %swap3A_3116 = arith.constant 0 : index
    %swap3A_3117 = tpu.vector_load %arg13[%swap3A_3115, %swap3A_3116] {strides = array<i32>} : memref<64x128xf32, #tpu.memory_space<vmem>>, vector<1x16xf32>,
    %swap3A_3118 = vector.shape_cast %swap3A_3117 : vector<1x16xf32> to vector<16xf32>
    %swap3A_3119 = vector.shape_cast %div3A_3113 : vector<16xf32> to vector<1x16xf32>
    tpu.vector_store %arg13[%swap3A_3115, %swap3A_3116], %swap3A_3119 {strides = array<i32>} : memref<64x128xf32, #tpu.memory_space<vmem>>, vector<1x16xf32>,
    %get3A_3120 = arith.constant 39 : i32
    %get3A_3121 = arith.index_cast %get3A_3120 : i32 to index
    %get3A_3122 = arith.constant 0 : index
    %get3A_3123 = tpu.vector_load %arg11[%get3A_3121, %get3A_3122] {strides = array<i32>} : memref<64x128xf32, #tpu.memory_space<vmem>>, vector<1x16xf32>,
    %get3A_3124 = vector.shape_cast %get3A_3123 : vector<1x16xf32> to vector<16xf32>
    %get3A_3125 = arith.constant 39 : i32
    %get3A_3126 = arith.index_cast %get3A_3125 : i32 to index
    %get3A_3127 = arith.constant 16 : index
    %get3A_3128 = tpu.vector_load %arg11[%get3A_3126, %get3A_3127] {strides = array<i32>} : memref<64x128xf32, #tpu.memory_space<vmem>>, vector<1x16xf32>,
    %get3A_3129 = vector.shape_cast %get3A_3128 : vector<1x16xf32> to vector<16xf32>
    %get3A_3130 = arith.constant 1 : i32
    %get3A_3131 = arith.constant 39 : i32
    %get3A_3132 = arith.index_cast %get3A_3130 : i32 to index
    %get3A_3133 = arith.index_cast %get3A_3131 : i32 to index
    %get3A_3134 = arith.constant 0 : index
    %get3A_3135 = tpu.vector_load %arg12[%get3A_3132, %get3A_3133, %get3A_3134] {strides = array<i32>} : memref<2x64x16xf32, #tpu.memory_space<vmem>>, vector<1x1x16xf32>,
    %get3A_3136 = vector.shape_cast %get3A_3135 : vector<1x1x16xf32> to vector<16xf32>
    %add3A_3137 = arith.addf %get3A_3136, %get3A_3124 : vector<16xf32>
    %add3A_3138 = arith.constant 1.000000e+00 : f32
    %add3A_3139 = vector.broadcast %add3A_3138 : f32 to vector<16xf32>
    %add3A_3140 = arith.addf %get3A_3129, %add3A_3139 : vector<16xf32>
    %div3A_3141 = arith.divf %add3A_3137, %add3A_3140 : vector<16xf32>
    %swap3A_3142 = arith.constant 39 : i32
    %swap3A_3143 = arith.index_cast %swap3A_3142 : i32 to index
    %swap3A_3144 = arith.constant 0 : index
    %swap3A_3145 = tpu.vector_load %arg13[%swap3A_3143, %swap3A_3144] {strides = array<i32>} : memref<64x128xf32, #tpu.memory_space<vmem>>, vector<1x16xf32>,
    %swap3A_3146 = vector.shape_cast %swap3A_3145 : vector<1x16xf32> to vector<16xf32>
    %swap3A_3147 = vector.shape_cast %div3A_3141 : vector<16xf32> to vector<1x16xf32>
    tpu.vector_store %arg13[%swap3A_3143, %swap3A_3144], %swap3A_3147 {strides = array<i32>} : memref<64x128xf32, #tpu.memory_space<vmem>>, vector<1x16xf32>,
    %get3A_3148 = arith.constant 40 : i32
    %get3A_3149 = arith.index_cast %get3A_3148 : i32 to index
    %get3A_3150 = arith.constant 0 : index
    %get3A_3151 = tpu.vector_load %arg11[%get3A_3149, %get3A_3150] {strides = array<i32>} : memref<64x128xf32, #tpu.memory_space<vmem>>, vector<1x16xf32>,
    %get3A_3152 = vector.shape_cast %get3A_3151 : vector<1x16xf32> to vector<16xf32>
    %get3A_3153 = arith.constant 40 : i32
    %get3A_3154 = arith.index_cast %get3A_3153 : i32 to index
    %get3A_3155 = arith.constant 16 : index
    %get3A_3156 = tpu.vector_load %arg11[%get3A_3154, %get3A_3155] {strides = array<i32>} : memref<64x128xf32, #tpu.memory_space<vmem>>, vector<1x16xf32>,
    %get3A_3157 = vector.shape_cast %get3A_3156 : vector<1x16xf32> to vector<16xf32>
    %get3A_3158 = arith.constant 1 : i32
    %get3A_3159 = arith.constant 40 : i32
    %get3A_3160 = arith.index_cast %get3A_3158 : i32 to index
    %get3A_3161 = arith.index_cast %get3A_3159 : i32 to index
    %get3A_3162 = arith.constant 0 : index
    %get3A_3163 = tpu.vector_load %arg12[%get3A_3160, %get3A_3161, %get3A_3162] {strides = array<i32>} : memref<2x64x16xf32, #tpu.memory_space<vmem>>, vector<1x1x16xf32>,
    %get3A_3164 = vector.shape_cast %get3A_3163 : vector<1x1x16xf32> to vector<16xf32>
    %add3A_3165 = arith.addf %get3A_3164, %get3A_3152 : vector<16xf32>
    %add3A_3166 = arith.constant 1.000000e+00 : f32
    %add3A_3167 = vector.broadcast %add3A_3166 : f32 to vector<16xf32>
    %add3A_3168 = arith.addf %get3A_3157, %add3A_3167 : vector<16xf32>
    %div3A_3169 = arith.divf %add3A_3165, %add3A_3168 : vector<16xf32>
    %swap3A_3170 = arith.constant 40 : i32
    %swap3A_3171 = arith.index_cast %swap3A_3170 : i32 to index
    %swap3A_3172 = arith.constant 0 : index
    %swap3A_3173 = tpu.vector_load %arg13[%swap3A_3171, %swap3A_3172] {strides = array<i32>} : memref<64x128xf32, #tpu.memory_space<vmem>>, vector<1x16xf32>,
    %swap3A_3174 = vector.shape_cast %swap3A_3173 : vector<1x16xf32> to vector<16xf32>
    %swap3A_3175 = vector.shape_cast %div3A_3169 : vector<16xf32> to vector<1x16xf32>
    tpu.vector_store %arg13[%swap3A_3171, %swap3A_3172], %swap3A_3175 {strides = array<i32>} : memref<64x128xf32, #tpu.memory_space<vmem>>, vector<1x16xf32>,
    %get3A_3176 = arith.constant 41 : i32
    %get3A_3177 = arith.index_cast %get3A_3176 : i32 to index
    %get3A_3178 = arith.constant 0 : index
    %get3A_3179 = tpu.vector_load %arg11[%get3A_3177, %get3A_3178] {strides = array<i32>} : memref<64x128xf32, #tpu.memory_space<vmem>>, vector<1x16xf32>,
    %get3A_3180 = vector.shape_cast %get3A_3179 : vector<1x16xf32> to vector<16xf32>
    %get3A_3181 = arith.constant 41 : i32
    %get3A_3182 = arith.index_cast %get3A_3181 : i32 to index
    %get3A_3183 = arith.constant 16 : index
    %get3A_3184 = tpu.vector_load %arg11[%get3A_3182, %get3A_3183] {strides = array<i32>} : memref<64x128xf32, #tpu.memory_space<vmem>>, vector<1x16xf32>,
    %get3A_3185 = vector.shape_cast %get3A_3184 : vector<1x16xf32> to vector<16xf32>
    %get3A_3186 = arith.constant 1 : i32
    %get3A_3187 = arith.constant 41 : i32
    %get3A_3188 = arith.index_cast %get3A_3186 : i32 to index
    %get3A_3189 = arith.index_cast %get3A_3187 : i32 to index
    %get3A_3190 = arith.constant 0 : index
    %get3A_3191 = tpu.vector_load %arg12[%get3A_3188, %get3A_3189, %get3A_3190] {strides = array<i32>} : memref<2x64x16xf32, #tpu.memory_space<vmem>>, vector<1x1x16xf32>,
    %get3A_3192 = vector.shape_cast %get3A_3191 : vector<1x1x16xf32> to vector<16xf32>
    %add3A_3193 = arith.addf %get3A_3192, %get3A_3180 : vector<16xf32>
    %add3A_3194 = arith.constant 1.000000e+00 : f32
    %add3A_3195 = vector.broadcast %add3A_3194 : f32 to vector<16xf32>
    %add3A_3196 = arith.addf %get3A_3185, %add3A_3195 : vector<16xf32>
    %div3A_3197 = arith.divf %add3A_3193, %add3A_3196 : vector<16xf32>
    %swap3A_3198 = arith.constant 41 : i32
    %swap3A_3199 = arith.index_cast %swap3A_3198 : i32 to index
    %swap3A_3200 = arith.constant 0 : index
    %swap3A_3201 = tpu.vector_load %arg13[%swap3A_3199, %swap3A_3200] {strides = array<i32>} : memref<64x128xf32, #tpu.memory_space<vmem>>, vector<1x16xf32>,
    %swap3A_3202 = vector.shape_cast %swap3A_3201 : vector<1x16xf32> to vector<16xf32>
    %swap3A_3203 = vector.shape_cast %div3A_3197 : vector<16xf32> to vector<1x16xf32>
    tpu.vector_store %arg13[%swap3A_3199, %swap3A_3200], %swap3A_3203 {strides = array<i32>} : memref<64x128xf32, #tpu.memory_space<vmem>>, vector<1x16xf32>,
    %get3A_3204 = arith.constant 42 : i32
    %get3A_3205 = arith.index_cast %get3A_3204 : i32 to index
    %get3A_3206 = arith.constant 0 : index
    %get3A_3207 = tpu.vector_load %arg11[%get3A_3205, %get3A_3206] {strides = array<i32>} : memref<64x128xf32, #tpu.memory_space<vmem>>, vector<1x16xf32>,
    %get3A_3208 = vector.shape_cast %get3A_3207 : vector<1x16xf32> to vector<16xf32>
    %get3A_3209 = arith.constant 42 : i32
    %get3A_3210 = arith.index_cast %get3A_3209 : i32 to index
    %get3A_3211 = arith.constant 16 : index
    %get3A_3212 = tpu.vector_load %arg11[%get3A_3210, %get3A_3211] {strides = array<i32>} : memref<64x128xf32, #tpu.memory_space<vmem>>, vector<1x16xf32>,
    %get3A_3213 = vector.shape_cast %get3A_3212 : vector<1x16xf32> to vector<16xf32>
    %get3A_3214 = arith.constant 1 : i32
    %get3A_3215 = arith.constant 42 : i32
    %get3A_3216 = arith.index_cast %get3A_3214 : i32 to index
    %get3A_3217 = arith.index_cast %get3A_3215 : i32 to index
    %get3A_3218 = arith.constant 0 : index
    %get3A_3219 = tpu.vector_load %arg12[%get3A_3216, %get3A_3217, %get3A_3218] {strides = array<i32>} : memref<2x64x16xf32, #tpu.memory_space<vmem>>, vector<1x1x16xf32>,
    %get3A_3220 = vector.shape_cast %get3A_3219 : vector<1x1x16xf32> to vector<16xf32>
    %add3A_3221 = arith.addf %get3A_3220, %get3A_3208 : vector<16xf32>
    %add3A_3222 = arith.constant 1.000000e+00 : f32
    %add3A_3223 = vector.broadcast %add3A_3222 : f32 to vector<16xf32>
    %add3A_3224 = arith.addf %get3A_3213, %add3A_3223 : vector<16xf32>
    %div3A_3225 = arith.divf %add3A_3221, %add3A_3224 : vector<16xf32>
    %swap3A_3226 = arith.constant 42 : i32
    %swap3A_3227 = arith.index_cast %swap3A_3226 : i32 to index
    %swap3A_3228 = arith.constant 0 : index
    %swap3A_3229 = tpu.vector_load %arg13[%swap3A_3227, %swap3A_3228] {strides = array<i32>} : memref<64x128xf32, #tpu.memory_space<vmem>>, vector<1x16xf32>,
    %swap3A_3230 = vector.shape_cast %swap3A_3229 : vector<1x16xf32> to vector<16xf32>
    %swap3A_3231 = vector.shape_cast %div3A_3225 : vector<16xf32> to vector<1x16xf32>
    tpu.vector_store %arg13[%swap3A_3227, %swap3A_3228], %swap3A_3231 {strides = array<i32>} : memref<64x128xf32, #tpu.memory_space<vmem>>, vector<1x16xf32>,
    %get3A_3232 = arith.constant 43 : i32
    %get3A_3233 = arith.index_cast %get3A_3232 : i32 to index
    %get3A_3234 = arith.constant 0 : index
    %get3A_3235 = tpu.vector_load %arg11[%get3A_3233, %get3A_3234] {strides = array<i32>} : memref<64x128xf32, #tpu.memory_space<vmem>>, vector<1x16xf32>,
    %get3A_3236 = vector.shape_cast %get3A_3235 : vector<1x16xf32> to vector<16xf32>
    %get3A_3237 = arith.constant 43 : i32
    %get3A_3238 = arith.index_cast %get3A_3237 : i32 to index
    %get3A_3239 = arith.constant 16 : index
    %get3A_3240 = tpu.vector_load %arg11[%get3A_3238, %get3A_3239] {strides = array<i32>} : memref<64x128xf32, #tpu.memory_space<vmem>>, vector<1x16xf32>,
    %get3A_3241 = vector.shape_cast %get3A_3240 : vector<1x16xf32> to vector<16xf32>
    %get3A_3242 = arith.constant 1 : i32
    %get3A_3243 = arith.constant 43 : i32
    %get3A_3244 = arith.index_cast %get3A_3242 : i32 to index
    %get3A_3245 = arith.index_cast %get3A_3243 : i32 to index
    %get3A_3246 = arith.constant 0 : index
    %get3A_3247 = tpu.vector_load %arg12[%get3A_3244, %get3A_3245, %get3A_3246] {strides = array<i32>} : memref<2x64x16xf32, #tpu.memory_space<vmem>>, vector<1x1x16xf32>,
    %get3A_3248 = vector.shape_cast %get3A_3247 : vector<1x1x16xf32> to vector<16xf32>
    %add3A_3249 = arith.addf %get3A_3248, %get3A_3236 : vector<16xf32>
    %add3A_3250 = arith.constant 1.000000e+00 : f32
    %add3A_3251 = vector.broadcast %add3A_3250 : f32 to vector<16xf32>
    %add3A_3252 = arith.addf %get3A_3241, %add3A_3251 : vector<16xf32>
    %div3A_3253 = arith.divf %add3A_3249, %add3A_3252 : vector<16xf32>
    %swap3A_3254 = arith.constant 43 : i32
    %swap3A_3255 = arith.index_cast %swap3A_3254 : i32 to index
    %swap3A_3256 = arith.constant 0 : index
    %swap3A_3257 = tpu.vector_load %arg13[%swap3A_3255, %swap3A_3256] {strides = array<i32>} : memref<64x128xf32, #tpu.memory_space<vmem>>, vector<1x16xf32>,
    %swap3A_3258 = vector.shape_cast %swap3A_3257 : vector<1x16xf32> to vector<16xf32>
    %swap3A_3259 = vector.shape_cast %div3A_3253 : vector<16xf32> to vector<1x16xf32>
    tpu.vector_store %arg13[%swap3A_3255, %swap3A_3256], %swap3A_3259 {strides = array<i32>} : memref<64x128xf32, #tpu.memory_space<vmem>>, vector<1x16xf32>,
    %get3A_3260 = arith.constant 44 : i32
    %get3A_3261 = arith.index_cast %get3A_3260 : i32 to index
    %get3A_3262 = arith.constant 0 : index
    %get3A_3263 = tpu.vector_load %arg11[%get3A_3261, %get3A_3262] {strides = array<i32>} : memref<64x128xf32, #tpu.memory_space<vmem>>, vector<1x16xf32>,
    %get3A_3264 = vector.shape_cast %get3A_3263 : vector<1x16xf32> to vector<16xf32>
    %get3A_3265 = arith.constant 44 : i32
    %get3A_3266 = arith.index_cast %get3A_3265 : i32 to index
    %get3A_3267 = arith.constant 16 : index
    %get3A_3268 = tpu.vector_load %arg11[%get3A_3266, %get3A_3267] {strides = array<i32>} : memref<64x128xf32, #tpu.memory_space<vmem>>, vector<1x16xf32>,
    %get3A_3269 = vector.shape_cast %get3A_3268 : vector<1x16xf32> to vector<16xf32>
    %get3A_3270 = arith.constant 1 : i32
    %get3A_3271 = arith.constant 44 : i32
    %get3A_3272 = arith.index_cast %get3A_3270 : i32 to index
    %get3A_3273 = arith.index_cast %get3A_3271 : i32 to index
    %get3A_3274 = arith.constant 0 : index
    %get3A_3275 = tpu.vector_load %arg12[%get3A_3272, %get3A_3273, %get3A_3274] {strides = array<i32>} : memref<2x64x16xf32, #tpu.memory_space<vmem>>, vector<1x1x16xf32>,
    %get3A_3276 = vector.shape_cast %get3A_3275 : vector<1x1x16xf32> to vector<16xf32>
    %add3A_3277 = arith.addf %get3A_3276, %get3A_3264 : vector<16xf32>
    %add3A_3278 = arith.constant 1.000000e+00 : f32
    %add3A_3279 = vector.broadcast %add3A_3278 : f32 to vector<16xf32>
    %add3A_3280 = arith.addf %get3A_3269, %add3A_3279 : vector<16xf32>
    %div3A_3281 = arith.divf %add3A_3277, %add3A_3280 : vector<16xf32>
    %swap3A_3282 = arith.constant 44 : i32
    %swap3A_3283 = arith.index_cast %swap3A_3282 : i32 to index
    %swap3A_3284 = arith.constant 0 : index
    %swap3A_3285 = tpu.vector_load %arg13[%swap3A_3283, %swap3A_3284] {strides = array<i32>} : memref<64x128xf32, #tpu.memory_space<vmem>>, vector<1x16xf32>,
    %swap3A_3286 = vector.shape_cast %swap3A_3285 : vector<1x16xf32> to vector<16xf32>
    %swap3A_3287 = vector.shape_cast %div3A_3281 : vector<16xf32> to vector<1x16xf32>
    tpu.vector_store %arg13[%swap3A_3283, %swap3A_3284], %swap3A_3287 {strides = array<i32>} : memref<64x128xf32, #tpu.memory_space<vmem>>, vector<1x16xf32>,
    %get3A_3288 = arith.constant 45 : i32
    %get3A_3289 = arith.index_cast %get3A_3288 : i32 to index
    %get3A_3290 = arith.constant 0 : index
    %get3A_3291 = tpu.vector_load %arg11[%get3A_3289, %get3A_3290] {strides = array<i32>} : memref<64x128xf32, #tpu.memory_space<vmem>>, vector<1x16xf32>,
    %get3A_3292 = vector.shape_cast %get3A_3291 : vector<1x16xf32> to vector<16xf32>
    %get3A_3293 = arith.constant 45 : i32
    %get3A_3294 = arith.index_cast %get3A_3293 : i32 to index
    %get3A_3295 = arith.constant 16 : index
    %get3A_3296 = tpu.vector_load %arg11[%get3A_3294, %get3A_3295] {strides = array<i32>} : memref<64x128xf32, #tpu.memory_space<vmem>>, vector<1x16xf32>,
    %get3A_3297 = vector.shape_cast %get3A_3296 : vector<1x16xf32> to vector<16xf32>
    %get3A_3298 = arith.constant 1 : i32
    %get3A_3299 = arith.constant 45 : i32
    %get3A_3300 = arith.index_cast %get3A_3298 : i32 to index
    %get3A_3301 = arith.index_cast %get3A_3299 : i32 to index
    %get3A_3302 = arith.constant 0 : index
    %get3A_3303 = tpu.vector_load %arg12[%get3A_3300, %get3A_3301, %get3A_3302] {strides = array<i32>} : memref<2x64x16xf32, #tpu.memory_space<vmem>>, vector<1x1x16xf32>,
    %get3A_3304 = vector.shape_cast %get3A_3303 : vector<1x1x16xf32> to vector<16xf32>
    %add3A_3305 = arith.addf %get3A_3304, %get3A_3292 : vector<16xf32>
    %add3A_3306 = arith.constant 1.000000e+00 : f32
    %add3A_3307 = vector.broadcast %add3A_3306 : f32 to vector<16xf32>
    %add3A_3308 = arith.addf %get3A_3297, %add3A_3307 : vector<16xf32>
    %div3A_3309 = arith.divf %add3A_3305, %add3A_3308 : vector<16xf32>
    %swap3A_3310 = arith.constant 45 : i32
    %swap3A_3311 = arith.index_cast %swap3A_3310 : i32 to index
    %swap3A_3312 = arith.constant 0 : index
    %swap3A_3313 = tpu.vector_load %arg13[%swap3A_3311, %swap3A_3312] {strides = array<i32>} : memref<64x128xf32, #tpu.memory_space<vmem>>, vector<1x16xf32>,
    %swap3A_3314 = vector.shape_cast %swap3A_3313 : vector<1x16xf32> to vector<16xf32>
    %swap3A_3315 = vector.shape_cast %div3A_3309 : vector<16xf32> to vector<1x16xf32>
    tpu.vector_store %arg13[%swap3A_3311, %swap3A_3312], %swap3A_3315 {strides = array<i32>} : memref<64x128xf32, #tpu.memory_space<vmem>>, vector<1x16xf32>,
    %get3A_3316 = arith.constant 46 : i32
    %get3A_3317 = arith.index_cast %get3A_3316 : i32 to index
    %get3A_3318 = arith.constant 0 : index
    %get3A_3319 = tpu.vector_load %arg11[%get3A_3317, %get3A_3318] {strides = array<i32>} : memref<64x128xf32, #tpu.memory_space<vmem>>, vector<1x16xf32>,
    %get3A_3320 = vector.shape_cast %get3A_3319 : vector<1x16xf32> to vector<16xf32>
    %get3A_3321 = arith.constant 46 : i32
    %get3A_3322 = arith.index_cast %get3A_3321 : i32 to index
    %get3A_3323 = arith.constant 16 : index
    %get3A_3324 = tpu.vector_load %arg11[%get3A_3322, %get3A_3323] {strides = array<i32>} : memref<64x128xf32, #tpu.memory_space<vmem>>, vector<1x16xf32>,
    %get3A_3325 = vector.shape_cast %get3A_3324 : vector<1x16xf32> to vector<16xf32>
    %get3A_3326 = arith.constant 1 : i32
    %get3A_3327 = arith.constant 46 : i32
    %get3A_3328 = arith.index_cast %get3A_3326 : i32 to index
    %get3A_3329 = arith.index_cast %get3A_3327 : i32 to index
    %get3A_3330 = arith.constant 0 : index
    %get3A_3331 = tpu.vector_load %arg12[%get3A_3328, %get3A_3329, %get3A_3330] {strides = array<i32>} : memref<2x64x16xf32, #tpu.memory_space<vmem>>, vector<1x1x16xf32>,
    %get3A_3332 = vector.shape_cast %get3A_3331 : vector<1x1x16xf32> to vector<16xf32>
    %add3A_3333 = arith.addf %get3A_3332, %get3A_3320 : vector<16xf32>
    %add3A_3334 = arith.constant 1.000000e+00 : f32
    %add3A_3335 = vector.broadcast %add3A_3334 : f32 to vector<16xf32>
    %add3A_3336 = arith.addf %get3A_3325, %add3A_3335 : vector<16xf32>
    %div3A_3337 = arith.divf %add3A_3333, %add3A_3336 : vector<16xf32>
    %swap3A_3338 = arith.constant 46 : i32
    %swap3A_3339 = arith.index_cast %swap3A_3338 : i32 to index
    %swap3A_3340 = arith.constant 0 : index
    %swap3A_3341 = tpu.vector_load %arg13[%swap3A_3339, %swap3A_3340] {strides = array<i32>} : memref<64x128xf32, #tpu.memory_space<vmem>>, vector<1x16xf32>,
    %swap3A_3342 = vector.shape_cast %swap3A_3341 : vector<1x16xf32> to vector<16xf32>
    %swap3A_3343 = vector.shape_cast %div3A_3337 : vector<16xf32> to vector<1x16xf32>
    tpu.vector_store %arg13[%swap3A_3339, %swap3A_3340], %swap3A_3343 {strides = array<i32>} : memref<64x128xf32, #tpu.memory_space<vmem>>, vector<1x16xf32>,
    %get3A_3344 = arith.constant 47 : i32
    %get3A_3345 = arith.index_cast %get3A_3344 : i32 to index
    %get3A_3346 = arith.constant 0 : index
    %get3A_3347 = tpu.vector_load %arg11[%get3A_3345, %get3A_3346] {strides = array<i32>} : memref<64x128xf32, #tpu.memory_space<vmem>>, vector<1x16xf32>,
    %get3A_3348 = vector.shape_cast %get3A_3347 : vector<1x16xf32> to vector<16xf32>
    %get3A_3349 = arith.constant 47 : i32
    %get3A_3350 = arith.index_cast %get3A_3349 : i32 to index
    %get3A_3351 = arith.constant 16 : index
    %get3A_3352 = tpu.vector_load %arg11[%get3A_3350, %get3A_3351] {strides = array<i32>} : memref<64x128xf32, #tpu.memory_space<vmem>>, vector<1x16xf32>,
    %get3A_3353 = vector.shape_cast %get3A_3352 : vector<1x16xf32> to vector<16xf32>
    %get3A_3354 = arith.constant 1 : i32
    %get3A_3355 = arith.constant 47 : i32
    %get3A_3356 = arith.index_cast %get3A_3354 : i32 to index
    %get3A_3357 = arith.index_cast %get3A_3355 : i32 to index
    %get3A_3358 = arith.constant 0 : index
    %get3A_3359 = tpu.vector_load %arg12[%get3A_3356, %get3A_3357, %get3A_3358] {strides = array<i32>} : memref<2x64x16xf32, #tpu.memory_space<vmem>>, vector<1x1x16xf32>,
    %get3A_3360 = vector.shape_cast %get3A_3359 : vector<1x1x16xf32> to vector<16xf32>
    %add3A_3361 = arith.addf %get3A_3360, %get3A_3348 : vector<16xf32>
    %add3A_3362 = arith.constant 1.000000e+00 : f32
    %add3A_3363 = vector.broadcast %add3A_3362 : f32 to vector<16xf32>
    %add3A_3364 = arith.addf %get3A_3353, %add3A_3363 : vector<16xf32>
    %div3A_3365 = arith.divf %add3A_3361, %add3A_3364 : vector<16xf32>
    %swap3A_3366 = arith.constant 47 : i32
    %swap3A_3367 = arith.index_cast %swap3A_3366 : i32 to index
    %swap3A_3368 = arith.constant 0 : index
    %swap3A_3369 = tpu.vector_load %arg13[%swap3A_3367, %swap3A_3368] {strides = array<i32>} : memref<64x128xf32, #tpu.memory_space<vmem>>, vector<1x16xf32>,
    %swap3A_3370 = vector.shape_cast %swap3A_3369 : vector<1x16xf32> to vector<16xf32>
    %swap3A_3371 = vector.shape_cast %div3A_3365 : vector<16xf32> to vector<1x16xf32>
    tpu.vector_store %arg13[%swap3A_3367, %swap3A_3368], %swap3A_3371 {strides = array<i32>} : memref<64x128xf32, #tpu.memory_space<vmem>>, vector<1x16xf32>,
    %get3A_3372 = arith.constant 48 : i32
    %get3A_3373 = arith.index_cast %get3A_3372 : i32 to index
    %get3A_3374 = arith.constant 0 : index
    %get3A_3375 = tpu.vector_load %arg11[%get3A_3373, %get3A_3374] {strides = array<i32>} : memref<64x128xf32, #tpu.memory_space<vmem>>, vector<1x16xf32>,
    %get3A_3376 = vector.shape_cast %get3A_3375 : vector<1x16xf32> to vector<16xf32>
    %get3A_3377 = arith.constant 48 : i32
    %get3A_3378 = arith.index_cast %get3A_3377 : i32 to index
    %get3A_3379 = arith.constant 16 : index
    %get3A_3380 = tpu.vector_load %arg11[%get3A_3378, %get3A_3379] {strides = array<i32>} : memref<64x128xf32, #tpu.memory_space<vmem>>, vector<1x16xf32>,
    %get3A_3381 = vector.shape_cast %get3A_3380 : vector<1x16xf32> to vector<16xf32>
    %get3A_3382 = arith.constant 1 : i32
    %get3A_3383 = arith.constant 48 : i32
    %get3A_3384 = arith.index_cast %get3A_3382 : i32 to index
    %get3A_3385 = arith.index_cast %get3A_3383 : i32 to index
    %get3A_3386 = arith.constant 0 : index
    %get3A_3387 = tpu.vector_load %arg12[%get3A_3384, %get3A_3385, %get3A_3386] {strides = array<i32>} : memref<2x64x16xf32, #tpu.memory_space<vmem>>, vector<1x1x16xf32>,
    %get3A_3388 = vector.shape_cast %get3A_3387 : vector<1x1x16xf32> to vector<16xf32>
    %add3A_3389 = arith.addf %get3A_3388, %get3A_3376 : vector<16xf32>
    %add3A_3390 = arith.constant 1.000000e+00 : f32
    %add3A_3391 = vector.broadcast %add3A_3390 : f32 to vector<16xf32>
    %add3A_3392 = arith.addf %get3A_3381, %add3A_3391 : vector<16xf32>
    %div3A_3393 = arith.divf %add3A_3389, %add3A_3392 : vector<16xf32>
    %swap3A_3394 = arith.constant 48 : i32
    %swap3A_3395 = arith.index_cast %swap3A_3394 : i32 to index
    %swap3A_3396 = arith.constant 0 : index
    %swap3A_3397 = tpu.vector_load %arg13[%swap3A_3395, %swap3A_3396] {strides = array<i32>} : memref<64x128xf32, #tpu.memory_space<vmem>>, vector<1x16xf32>,
    %swap3A_3398 = vector.shape_cast %swap3A_3397 : vector<1x16xf32> to vector<16xf32>
    %swap3A_3399 = vector.shape_cast %div3A_3393 : vector<16xf32> to vector<1x16xf32>
    tpu.vector_store %arg13[%swap3A_3395, %swap3A_3396], %swap3A_3399 {strides = array<i32>} : memref<64x128xf32, #tpu.memory_space<vmem>>, vector<1x16xf32>,
    %get3A_3400 = arith.constant 49 : i32
    %get3A_3401 = arith.index_cast %get3A_3400 : i32 to index
    %get3A_3402 = arith.constant 0 : index
    %get3A_3403 = tpu.vector_load %arg11[%get3A_3401, %get3A_3402] {strides = array<i32>} : memref<64x128xf32, #tpu.memory_space<vmem>>, vector<1x16xf32>,
    %get3A_3404 = vector.shape_cast %get3A_3403 : vector<1x16xf32> to vector<16xf32>
    %get3A_3405 = arith.constant 49 : i32
    %get3A_3406 = arith.index_cast %get3A_3405 : i32 to index
    %get3A_3407 = arith.constant 16 : index
    %get3A_3408 = tpu.vector_load %arg11[%get3A_3406, %get3A_3407] {strides = array<i32>} : memref<64x128xf32, #tpu.memory_space<vmem>>, vector<1x16xf32>,
    %get3A_3409 = vector.shape_cast %get3A_3408 : vector<1x16xf32> to vector<16xf32>
    %get3A_3410 = arith.constant 1 : i32
    %get3A_3411 = arith.constant 49 : i32
    %get3A_3412 = arith.index_cast %get3A_3410 : i32 to index
    %get3A_3413 = arith.index_cast %get3A_3411 : i32 to index
    %get3A_3414 = arith.constant 0 : index
    %get3A_3415 = tpu.vector_load %arg12[%get3A_3412, %get3A_3413, %get3A_3414] {strides = array<i32>} : memref<2x64x16xf32, #tpu.memory_space<vmem>>, vector<1x1x16xf32>,
    %get3A_3416 = vector.shape_cast %get3A_3415 : vector<1x1x16xf32> to vector<16xf32>
    %add3A_3417 = arith.addf %get3A_3416, %get3A_3404 : vector<16xf32>
    %add3A_3418 = arith.constant 1.000000e+00 : f32
    %add3A_3419 = vector.broadcast %add3A_3418 : f32 to vector<16xf32>
    %add3A_3420 = arith.addf %get3A_3409, %add3A_3419 : vector<16xf32>
    %div3A_3421 = arith.divf %add3A_3417, %add3A_3420 : vector<16xf32>
    %swap3A_3422 = arith.constant 49 : i32
    %swap3A_3423 = arith.index_cast %swap3A_3422 : i32 to index
    %swap3A_3424 = arith.constant 0 : index
    %swap3A_3425 = tpu.vector_load %arg13[%swap3A_3423, %swap3A_3424] {strides = array<i32>} : memref<64x128xf32, #tpu.memory_space<vmem>>, vector<1x16xf32>,
    %swap3A_3426 = vector.shape_cast %swap3A_3425 : vector<1x16xf32> to vector<16xf32>
    %swap3A_3427 = vector.shape_cast %div3A_3421 : vector<16xf32> to vector<1x16xf32>
    tpu.vector_store %arg13[%swap3A_3423, %swap3A_3424], %swap3A_3427 {strides = array<i32>} : memref<64x128xf32, #tpu.memory_space<vmem>>, vector<1x16xf32>,
    %get3A_3428 = arith.constant 50 : i32
    %get3A_3429 = arith.index_cast %get3A_3428 : i32 to index
    %get3A_3430 = arith.constant 0 : index
    %get3A_3431 = tpu.vector_load %arg11[%get3A_3429, %get3A_3430] {strides = array<i32>} : memref<64x128xf32, #tpu.memory_space<vmem>>, vector<1x16xf32>,
    %get3A_3432 = vector.shape_cast %get3A_3431 : vector<1x16xf32> to vector<16xf32>
    %get3A_3433 = arith.constant 50 : i32
    %get3A_3434 = arith.index_cast %get3A_3433 : i32 to index
    %get3A_3435 = arith.constant 16 : index
    %get3A_3436 = tpu.vector_load %arg11[%get3A_3434, %get3A_3435] {strides = array<i32>} : memref<64x128xf32, #tpu.memory_space<vmem>>, vector<1x16xf32>,
    %get3A_3437 = vector.shape_cast %get3A_3436 : vector<1x16xf32> to vector<16xf32>
    %get3A_3438 = arith.constant 1 : i32
    %get3A_3439 = arith.constant 50 : i32
    %get3A_3440 = arith.index_cast %get3A_3438 : i32 to index
    %get3A_3441 = arith.index_cast %get3A_3439 : i32 to index
    %get3A_3442 = arith.constant 0 : index
    %get3A_3443 = tpu.vector_load %arg12[%get3A_3440, %get3A_3441, %get3A_3442] {strides = array<i32>} : memref<2x64x16xf32, #tpu.memory_space<vmem>>, vector<1x1x16xf32>,
    %get3A_3444 = vector.shape_cast %get3A_3443 : vector<1x1x16xf32> to vector<16xf32>
    %add3A_3445 = arith.addf %get3A_3444, %get3A_3432 : vector<16xf32>
    %add3A_3446 = arith.constant 1.000000e+00 : f32
    %add3A_3447 = vector.broadcast %add3A_3446 : f32 to vector<16xf32>
    %add3A_3448 = arith.addf %get3A_3437, %add3A_3447 : vector<16xf32>
    %div3A_3449 = arith.divf %add3A_3445, %add3A_3448 : vector<16xf32>
    %swap3A_3450 = arith.constant 50 : i32
    %swap3A_3451 = arith.index_cast %swap3A_3450 : i32 to index
    %swap3A_3452 = arith.constant 0 : index
    %swap3A_3453 = tpu.vector_load %arg13[%swap3A_3451, %swap3A_3452] {strides = array<i32>} : memref<64x128xf32, #tpu.memory_space<vmem>>, vector<1x16xf32>,
    %swap3A_3454 = vector.shape_cast %swap3A_3453 : vector<1x16xf32> to vector<16xf32>
    %swap3A_3455 = vector.shape_cast %div3A_3449 : vector<16xf32> to vector<1x16xf32>
    tpu.vector_store %arg13[%swap3A_3451, %swap3A_3452], %swap3A_3455 {strides = array<i32>} : memref<64x128xf32, #tpu.memory_space<vmem>>, vector<1x16xf32>,
    %get3A_3456 = arith.constant 51 : i32
    %get3A_3457 = arith.index_cast %get3A_3456 : i32 to index
    %get3A_3458 = arith.constant 0 : index
    %get3A_3459 = tpu.vector_load %arg11[%get3A_3457, %get3A_3458] {strides = array<i32>} : memref<64x128xf32, #tpu.memory_space<vmem>>, vector<1x16xf32>,
    %get3A_3460 = vector.shape_cast %get3A_3459 : vector<1x16xf32> to vector<16xf32>
    %get3A_3461 = arith.constant 51 : i32
    %get3A_3462 = arith.index_cast %get3A_3461 : i32 to index
    %get3A_3463 = arith.constant 16 : index
    %get3A_3464 = tpu.vector_load %arg11[%get3A_3462, %get3A_3463] {strides = array<i32>} : memref<64x128xf32, #tpu.memory_space<vmem>>, vector<1x16xf32>,
    %get3A_3465 = vector.shape_cast %get3A_3464 : vector<1x16xf32> to vector<16xf32>
    %get3A_3466 = arith.constant 1 : i32
    %get3A_3467 = arith.constant 51 : i32
    %get3A_3468 = arith.index_cast %get3A_3466 : i32 to index
    %get3A_3469 = arith.index_cast %get3A_3467 : i32 to index
    %get3A_3470 = arith.constant 0 : index
    %get3A_3471 = tpu.vector_load %arg12[%get3A_3468, %get3A_3469, %get3A_3470] {strides = array<i32>} : memref<2x64x16xf32, #tpu.memory_space<vmem>>, vector<1x1x16xf32>,
    %get3A_3472 = vector.shape_cast %get3A_3471 : vector<1x1x16xf32> to vector<16xf32>
    %add3A_3473 = arith.addf %get3A_3472, %get3A_3460 : vector<16xf32>
    %add3A_3474 = arith.constant 1.000000e+00 : f32
    %add3A_3475 = vector.broadcast %add3A_3474 : f32 to vector<16xf32>
    %add3A_3476 = arith.addf %get3A_3465, %add3A_3475 : vector<16xf32>
    %div3A_3477 = arith.divf %add3A_3473, %add3A_3476 : vector<16xf32>
    %swap3A_3478 = arith.constant 51 : i32
    %swap3A_3479 = arith.index_cast %swap3A_3478 : i32 to index
    %swap3A_3480 = arith.constant 0 : index
    %swap3A_3481 = tpu.vector_load %arg13[%swap3A_3479, %swap3A_3480] {strides = array<i32>} : memref<64x128xf32, #tpu.memory_space<vmem>>, vector<1x16xf32>,
    %swap3A_3482 = vector.shape_cast %swap3A_3481 : vector<1x16xf32> to vector<16xf32>
    %swap3A_3483 = vector.shape_cast %div3A_3477 : vector<16xf32> to vector<1x16xf32>
    tpu.vector_store %arg13[%swap3A_3479, %swap3A_3480], %swap3A_3483 {strides = array<i32>} : memref<64x128xf32, #tpu.memory_space<vmem>>, vector<1x16xf32>,
    %get3A_3484 = arith.constant 52 : i32
    %get3A_3485 = arith.index_cast %get3A_3484 : i32 to index
    %get3A_3486 = arith.constant 0 : index
    %get3A_3487 = tpu.vector_load %arg11[%get3A_3485, %get3A_3486] {strides = array<i32>} : memref<64x128xf32, #tpu.memory_space<vmem>>, vector<1x16xf32>,
    %get3A_3488 = vector.shape_cast %get3A_3487 : vector<1x16xf32> to vector<16xf32>
    %get3A_3489 = arith.constant 52 : i32
    %get3A_3490 = arith.index_cast %get3A_3489 : i32 to index
    %get3A_3491 = arith.constant 16 : index
    %get3A_3492 = tpu.vector_load %arg11[%get3A_3490, %get3A_3491] {strides = array<i32>} : memref<64x128xf32, #tpu.memory_space<vmem>>, vector<1x16xf32>,
    %get3A_3493 = vector.shape_cast %get3A_3492 : vector<1x16xf32> to vector<16xf32>
    %get3A_3494 = arith.constant 1 : i32
    %get3A_3495 = arith.constant 52 : i32
    %get3A_3496 = arith.index_cast %get3A_3494 : i32 to index
    %get3A_3497 = arith.index_cast %get3A_3495 : i32 to index
    %get3A_3498 = arith.constant 0 : index
    %get3A_3499 = tpu.vector_load %arg12[%get3A_3496, %get3A_3497, %get3A_3498] {strides = array<i32>} : memref<2x64x16xf32, #tpu.memory_space<vmem>>, vector<1x1x16xf32>,
    %get3A_3500 = vector.shape_cast %get3A_3499 : vector<1x1x16xf32> to vector<16xf32>
    %add3A_3501 = arith.addf %get3A_3500, %get3A_3488 : vector<16xf32>
    %add3A_3502 = arith.constant 1.000000e+00 : f32
    %add3A_3503 = vector.broadcast %add3A_3502 : f32 to vector<16xf32>
    %add3A_3504 = arith.addf %get3A_3493, %add3A_3503 : vector<16xf32>
    %div3A_3505 = arith.divf %add3A_3501, %add3A_3504 : vector<16xf32>
    %swap3A_3506 = arith.constant 52 : i32
    %swap3A_3507 = arith.index_cast %swap3A_3506 : i32 to index
    %swap3A_3508 = arith.constant 0 : index
    %swap3A_3509 = tpu.vector_load %arg13[%swap3A_3507, %swap3A_3508] {strides = array<i32>} : memref<64x128xf32, #tpu.memory_space<vmem>>, vector<1x16xf32>,
    %swap3A_3510 = vector.shape_cast %swap3A_3509 : vector<1x16xf32> to vector<16xf32>
    %swap3A_3511 = vector.shape_cast %div3A_3505 : vector<16xf32> to vector<1x16xf32>
    tpu.vector_store %arg13[%swap3A_3507, %swap3A_3508], %swap3A_3511 {strides = array<i32>} : memref<64x128xf32, #tpu.memory_space<vmem>>, vector<1x16xf32>,
    %get3A_3512 = arith.constant 53 : i32
    %get3A_3513 = arith.index_cast %get3A_3512 : i32 to index
    %get3A_3514 = arith.constant 0 : index
    %get3A_3515 = tpu.vector_load %arg11[%get3A_3513, %get3A_3514] {strides = array<i32>} : memref<64x128xf32, #tpu.memory_space<vmem>>, vector<1x16xf32>,
    %get3A_3516 = vector.shape_cast %get3A_3515 : vector<1x16xf32> to vector<16xf32>
    %get3A_3517 = arith.constant 53 : i32
    %get3A_3518 = arith.index_cast %get3A_3517 : i32 to index
    %get3A_3519 = arith.constant 16 : index
    %get3A_3520 = tpu.vector_load %arg11[%get3A_3518, %get3A_3519] {strides = array<i32>} : memref<64x128xf32, #tpu.memory_space<vmem>>, vector<1x16xf32>,
    %get3A_3521 = vector.shape_cast %get3A_3520 : vector<1x16xf32> to vector<16xf32>
    %get3A_3522 = arith.constant 1 : i32
    %get3A_3523 = arith.constant 53 : i32
    %get3A_3524 = arith.index_cast %get3A_3522 : i32 to index
    %get3A_3525 = arith.index_cast %get3A_3523 : i32 to index
    %get3A_3526 = arith.constant 0 : index
    %get3A_3527 = tpu.vector_load %arg12[%get3A_3524, %get3A_3525, %get3A_3526] {strides = array<i32>} : memref<2x64x16xf32, #tpu.memory_space<vmem>>, vector<1x1x16xf32>,
    %get3A_3528 = vector.shape_cast %get3A_3527 : vector<1x1x16xf32> to vector<16xf32>
    %add3A_3529 = arith.addf %get3A_3528, %get3A_3516 : vector<16xf32>
    %add3A_3530 = arith.constant 1.000000e+00 : f32
    %add3A_3531 = vector.broadcast %add3A_3530 : f32 to vector<16xf32>
    %add3A_3532 = arith.addf %get3A_3521, %add3A_3531 : vector<16xf32>
    %div3A_3533 = arith.divf %add3A_3529, %add3A_3532 : vector<16xf32>
    %swap3A_3534 = arith.constant 53 : i32
    %swap3A_3535 = arith.index_cast %swap3A_3534 : i32 to index
    %swap3A_3536 = arith.constant 0 : index
    %swap3A_3537 = tpu.vector_load %arg13[%swap3A_3535, %swap3A_3536] {strides = array<i32>} : memref<64x128xf32, #tpu.memory_space<vmem>>, vector<1x16xf32>,
    %swap3A_3538 = vector.shape_cast %swap3A_3537 : vector<1x16xf32> to vector<16xf32>
    %swap3A_3539 = vector.shape_cast %div3A_3533 : vector<16xf32> to vector<1x16xf32>
    tpu.vector_store %arg13[%swap3A_3535, %swap3A_3536], %swap3A_3539 {strides = array<i32>} : memref<64x128xf32, #tpu.memory_space<vmem>>, vector<1x16xf32>,
    %get3A_3540 = arith.constant 54 : i32
    %get3A_3541 = arith.index_cast %get3A_3540 : i32 to index
    %get3A_3542 = arith.constant 0 : index
    %get3A_3543 = tpu.vector_load %arg11[%get3A_3541, %get3A_3542] {strides = array<i32>} : memref<64x128xf32, #tpu.memory_space<vmem>>, vector<1x16xf32>,
    %get3A_3544 = vector.shape_cast %get3A_3543 : vector<1x16xf32> to vector<16xf32>
    %get3A_3545 = arith.constant 54 : i32
    %get3A_3546 = arith.index_cast %get3A_3545 : i32 to index
    %get3A_3547 = arith.constant 16 : index
    %get3A_3548 = tpu.vector_load %arg11[%get3A_3546, %get3A_3547] {strides = array<i32>} : memref<64x128xf32, #tpu.memory_space<vmem>>, vector<1x16xf32>,
    %get3A_3549 = vector.shape_cast %get3A_3548 : vector<1x16xf32> to vector<16xf32>
    %get3A_3550 = arith.constant 1 : i32
    %get3A_3551 = arith.constant 54 : i32
    %get3A_3552 = arith.index_cast %get3A_3550 : i32 to index
    %get3A_3553 = arith.index_cast %get3A_3551 : i32 to index
    %get3A_3554 = arith.constant 0 : index
    %get3A_3555 = tpu.vector_load %arg12[%get3A_3552, %get3A_3553, %get3A_3554] {strides = array<i32>} : memref<2x64x16xf32, #tpu.memory_space<vmem>>, vector<1x1x16xf32>,
    %get3A_3556 = vector.shape_cast %get3A_3555 : vector<1x1x16xf32> to vector<16xf32>
    %add3A_3557 = arith.addf %get3A_3556, %get3A_3544 : vector<16xf32>
    %add3A_3558 = arith.constant 1.000000e+00 : f32
    %add3A_3559 = vector.broadcast %add3A_3558 : f32 to vector<16xf32>
    %add3A_3560 = arith.addf %get3A_3549, %add3A_3559 : vector<16xf32>
    %div3A_3561 = arith.divf %add3A_3557, %add3A_3560 : vector<16xf32>
    %swap3A_3562 = arith.constant 54 : i32
    %swap3A_3563 = arith.index_cast %swap3A_3562 : i32 to index
    %swap3A_3564 = arith.constant 0 : index
    %swap3A_3565 = tpu.vector_load %arg13[%swap3A_3563, %swap3A_3564] {strides = array<i32>} : memref<64x128xf32, #tpu.memory_space<vmem>>, vector<1x16xf32>,
    %swap3A_3566 = vector.shape_cast %swap3A_3565 : vector<1x16xf32> to vector<16xf32>
    %swap3A_3567 = vector.shape_cast %div3A_3561 : vector<16xf32> to vector<1x16xf32>
    tpu.vector_store %arg13[%swap3A_3563, %swap3A_3564], %swap3A_3567 {strides = array<i32>} : memref<64x128xf32, #tpu.memory_space<vmem>>, vector<1x16xf32>,
    %get3A_3568 = arith.constant 55 : i32
    %get3A_3569 = arith.index_cast %get3A_3568 : i32 to index
    %get3A_3570 = arith.constant 0 : index
    %get3A_3571 = tpu.vector_load %arg11[%get3A_3569, %get3A_3570] {strides = array<i32>} : memref<64x128xf32, #tpu.memory_space<vmem>>, vector<1x16xf32>,
    %get3A_3572 = vector.shape_cast %get3A_3571 : vector<1x16xf32> to vector<16xf32>
    %get3A_3573 = arith.constant 55 : i32
    %get3A_3574 = arith.index_cast %get3A_3573 : i32 to index
    %get3A_3575 = arith.constant 16 : index
    %get3A_3576 = tpu.vector_load %arg11[%get3A_3574, %get3A_3575] {strides = array<i32>} : memref<64x128xf32, #tpu.memory_space<vmem>>, vector<1x16xf32>,
    %get3A_3577 = vector.shape_cast %get3A_3576 : vector<1x16xf32> to vector<16xf32>
    %get3A_3578 = arith.constant 1 : i32
    %get3A_3579 = arith.constant 55 : i32
    %get3A_3580 = arith.index_cast %get3A_3578 : i32 to index
    %get3A_3581 = arith.index_cast %get3A_3579 : i32 to index
    %get3A_3582 = arith.constant 0 : index
    %get3A_3583 = tpu.vector_load %arg12[%get3A_3580, %get3A_3581, %get3A_3582] {strides = array<i32>} : memref<2x64x16xf32, #tpu.memory_space<vmem>>, vector<1x1x16xf32>,
    %get3A_3584 = vector.shape_cast %get3A_3583 : vector<1x1x16xf32> to vector<16xf32>
    %add3A_3585 = arith.addf %get3A_3584, %get3A_3572 : vector<16xf32>
    %add3A_3586 = arith.constant 1.000000e+00 : f32
    %add3A_3587 = vector.broadcast %add3A_3586 : f32 to vector<16xf32>
    %add3A_3588 = arith.addf %get3A_3577, %add3A_3587 : vector<16xf32>
    %div3A_3589 = arith.divf %add3A_3585, %add3A_3588 : vector<16xf32>
    %swap3A_3590 = arith.constant 55 : i32
    %swap3A_3591 = arith.index_cast %swap3A_3590 : i32 to index
    %swap3A_3592 = arith.constant 0 : index
    %swap3A_3593 = tpu.vector_load %arg13[%swap3A_3591, %swap3A_3592] {strides = array<i32>} : memref<64x128xf32, #tpu.memory_space<vmem>>, vector<1x16xf32>,
    %swap3A_3594 = vector.shape_cast %swap3A_3593 : vector<1x16xf32> to vector<16xf32>
    %swap3A_3595 = vector.shape_cast %div3A_3589 : vector<16xf32> to vector<1x16xf32>
    tpu.vector_store %arg13[%swap3A_3591, %swap3A_3592], %swap3A_3595 {strides = array<i32>} : memref<64x128xf32, #tpu.memory_space<vmem>>, vector<1x16xf32>,
    %get3A_3596 = arith.constant 56 : i32
    %get3A_3597 = arith.index_cast %get3A_3596 : i32 to index
    %get3A_3598 = arith.constant 0 : index
    %get3A_3599 = tpu.vector_load %arg11[%get3A_3597, %get3A_3598] {strides = array<i32>} : memref<64x128xf32, #tpu.memory_space<vmem>>, vector<1x16xf32>,
    %get3A_3600 = vector.shape_cast %get3A_3599 : vector<1x16xf32> to vector<16xf32>
    %get3A_3601 = arith.constant 56 : i32
    %get3A_3602 = arith.index_cast %get3A_3601 : i32 to index
    %get3A_3603 = arith.constant 16 : index
    %get3A_3604 = tpu.vector_load %arg11[%get3A_3602, %get3A_3603] {strides = array<i32>} : memref<64x128xf32, #tpu.memory_space<vmem>>, vector<1x16xf32>,
    %get3A_3605 = vector.shape_cast %get3A_3604 : vector<1x16xf32> to vector<16xf32>
    %get3A_3606 = arith.constant 1 : i32
    %get3A_3607 = arith.constant 56 : i32
    %get3A_3608 = arith.index_cast %get3A_3606 : i32 to index
    %get3A_3609 = arith.index_cast %get3A_3607 : i32 to index
    %get3A_3610 = arith.constant 0 : index
    %get3A_3611 = tpu.vector_load %arg12[%get3A_3608, %get3A_3609, %get3A_3610] {strides = array<i32>} : memref<2x64x16xf32, #tpu.memory_space<vmem>>, vector<1x1x16xf32>,
    %get3A_3612 = vector.shape_cast %get3A_3611 : vector<1x1x16xf32> to vector<16xf32>
    %add3A_3613 = arith.addf %get3A_3612, %get3A_3600 : vector<16xf32>
    %add3A_3614 = arith.constant 1.000000e+00 : f32
    %add3A_3615 = vector.broadcast %add3A_3614 : f32 to vector<16xf32>
    %add3A_3616 = arith.addf %get3A_3605, %add3A_3615 : vector<16xf32>
    %div3A_3617 = arith.divf %add3A_3613, %add3A_3616 : vector<16xf32>
    %swap3A_3618 = arith.constant 56 : i32
    %swap3A_3619 = arith.index_cast %swap3A_3618 : i32 to index
    %swap3A_3620 = arith.constant 0 : index
    %swap3A_3621 = tpu.vector_load %arg13[%swap3A_3619, %swap3A_3620] {strides = array<i32>} : memref<64x128xf32, #tpu.memory_space<vmem>>, vector<1x16xf32>,
    %swap3A_3622 = vector.shape_cast %swap3A_3621 : vector<1x16xf32> to vector<16xf32>
    %swap3A_3623 = vector.shape_cast %div3A_3617 : vector<16xf32> to vector<1x16xf32>
    tpu.vector_store %arg13[%swap3A_3619, %swap3A_3620], %swap3A_3623 {strides = array<i32>} : memref<64x128xf32, #tpu.memory_space<vmem>>, vector<1x16xf32>,
    %get3A_3624 = arith.constant 57 : i32
    %get3A_3625 = arith.index_cast %get3A_3624 : i32 to index
    %get3A_3626 = arith.constant 0 : index
    %get3A_3627 = tpu.vector_load %arg11[%get3A_3625, %get3A_3626] {strides = array<i32>} : memref<64x128xf32, #tpu.memory_space<vmem>>, vector<1x16xf32>,
    %get3A_3628 = vector.shape_cast %get3A_3627 : vector<1x16xf32> to vector<16xf32>
    %get3A_3629 = arith.constant 57 : i32
    %get3A_3630 = arith.index_cast %get3A_3629 : i32 to index
    %get3A_3631 = arith.constant 16 : index
    %get3A_3632 = tpu.vector_load %arg11[%get3A_3630, %get3A_3631] {strides = array<i32>} : memref<64x128xf32, #tpu.memory_space<vmem>>, vector<1x16xf32>,
    %get3A_3633 = vector.shape_cast %get3A_3632 : vector<1x16xf32> to vector<16xf32>
    %get3A_3634 = arith.constant 1 : i32
    %get3A_3635 = arith.constant 57 : i32
    %get3A_3636 = arith.index_cast %get3A_3634 : i32 to index
    %get3A_3637 = arith.index_cast %get3A_3635 : i32 to index
    %get3A_3638 = arith.constant 0 : index
    %get3A_3639 = tpu.vector_load %arg12[%get3A_3636, %get3A_3637, %get3A_3638] {strides = array<i32>} : memref<2x64x16xf32, #tpu.memory_space<vmem>>, vector<1x1x16xf32>,
    %get3A_3640 = vector.shape_cast %get3A_3639 : vector<1x1x16xf32> to vector<16xf32>
    %add3A_3641 = arith.addf %get3A_3640, %get3A_3628 : vector<16xf32>
    %add3A_3642 = arith.constant 1.000000e+00 : f32
    %add3A_3643 = vector.broadcast %add3A_3642 : f32 to vector<16xf32>
    %add3A_3644 = arith.addf %get3A_3633, %add3A_3643 : vector<16xf32>
    %div3A_3645 = arith.divf %add3A_3641, %add3A_3644 : vector<16xf32>
    %swap3A_3646 = arith.constant 57 : i32
    %swap3A_3647 = arith.index_cast %swap3A_3646 : i32 to index
    %swap3A_3648 = arith.constant 0 : index
    %swap3A_3649 = tpu.vector_load %arg13[%swap3A_3647, %swap3A_3648] {strides = array<i32>} : memref<64x128xf32, #tpu.memory_space<vmem>>, vector<1x16xf32>,
    %swap3A_3650 = vector.shape_cast %swap3A_3649 : vector<1x16xf32> to vector<16xf32>
    %swap3A_3651 = vector.shape_cast %div3A_3645 : vector<16xf32> to vector<1x16xf32>
    tpu.vector_store %arg13[%swap3A_3647, %swap3A_3648], %swap3A_3651 {strides = array<i32>} : memref<64x128xf32, #tpu.memory_space<vmem>>, vector<1x16xf32>,
    %get3A_3652 = arith.constant 58 : i32
    %get3A_3653 = arith.index_cast %get3A_3652 : i32 to index
    %get3A_3654 = arith.constant 0 : index
    %get3A_3655 = tpu.vector_load %arg11[%get3A_3653, %get3A_3654] {strides = array<i32>} : memref<64x128xf32, #tpu.memory_space<vmem>>, vector<1x16xf32>,
    %get3A_3656 = vector.shape_cast %get3A_3655 : vector<1x16xf32> to vector<16xf32>
    %get3A_3657 = arith.constant 58 : i32
    %get3A_3658 = arith.index_cast %get3A_3657 : i32 to index
    %get3A_3659 = arith.constant 16 : index
    %get3A_3660 = tpu.vector_load %arg11[%get3A_3658, %get3A_3659] {strides = array<i32>} : memref<64x128xf32, #tpu.memory_space<vmem>>, vector<1x16xf32>,
    %get3A_3661 = vector.shape_cast %get3A_3660 : vector<1x16xf32> to vector<16xf32>
    %get3A_3662 = arith.constant 1 : i32
    %get3A_3663 = arith.constant 58 : i32
    %get3A_3664 = arith.index_cast %get3A_3662 : i32 to index
    %get3A_3665 = arith.index_cast %get3A_3663 : i32 to index
    %get3A_3666 = arith.constant 0 : index
    %get3A_3667 = tpu.vector_load %arg12[%get3A_3664, %get3A_3665, %get3A_3666] {strides = array<i32>} : memref<2x64x16xf32, #tpu.memory_space<vmem>>, vector<1x1x16xf32>,
    %get3A_3668 = vector.shape_cast %get3A_3667 : vector<1x1x16xf32> to vector<16xf32>
    %add3A_3669 = arith.addf %get3A_3668, %get3A_3656 : vector<16xf32>
    %add3A_3670 = arith.constant 1.000000e+00 : f32
    %add3A_3671 = vector.broadcast %add3A_3670 : f32 to vector<16xf32>
    %add3A_3672 = arith.addf %get3A_3661, %add3A_3671 : vector<16xf32>
    %div3A_3673 = arith.divf %add3A_3669, %add3A_3672 : vector<16xf32>
    %swap3A_3674 = arith.constant 58 : i32
    %swap3A_3675 = arith.index_cast %swap3A_3674 : i32 to index
    %swap3A_3676 = arith.constant 0 : index
    %swap3A_3677 = tpu.vector_load %arg13[%swap3A_3675, %swap3A_3676] {strides = array<i32>} : memref<64x128xf32, #tpu.memory_space<vmem>>, vector<1x16xf32>,
    %swap3A_3678 = vector.shape_cast %swap3A_3677 : vector<1x16xf32> to vector<16xf32>
    %swap3A_3679 = vector.shape_cast %div3A_3673 : vector<16xf32> to vector<1x16xf32>
    tpu.vector_store %arg13[%swap3A_3675, %swap3A_3676], %swap3A_3679 {strides = array<i32>} : memref<64x128xf32, #tpu.memory_space<vmem>>, vector<1x16xf32>,
    %get3A_3680 = arith.constant 59 : i32
    %get3A_3681 = arith.index_cast %get3A_3680 : i32 to index
    %get3A_3682 = arith.constant 0 : index
    %get3A_3683 = tpu.vector_load %arg11[%get3A_3681, %get3A_3682] {strides = array<i32>} : memref<64x128xf32, #tpu.memory_space<vmem>>, vector<1x16xf32>,
    %get3A_3684 = vector.shape_cast %get3A_3683 : vector<1x16xf32> to vector<16xf32>
    %get3A_3685 = arith.constant 59 : i32
    %get3A_3686 = arith.index_cast %get3A_3685 : i32 to index
    %get3A_3687 = arith.constant 16 : index
    %get3A_3688 = tpu.vector_load %arg11[%get3A_3686, %get3A_3687] {strides = array<i32>} : memref<64x128xf32, #tpu.memory_space<vmem>>, vector<1x16xf32>,
    %get3A_3689 = vector.shape_cast %get3A_3688 : vector<1x16xf32> to vector<16xf32>
    %get3A_3690 = arith.constant 1 : i32
    %get3A_3691 = arith.constant 59 : i32
    %get3A_3692 = arith.index_cast %get3A_3690 : i32 to index
    %get3A_3693 = arith.index_cast %get3A_3691 : i32 to index
    %get3A_3694 = arith.constant 0 : index
    %get3A_3695 = tpu.vector_load %arg12[%get3A_3692, %get3A_3693, %get3A_3694] {strides = array<i32>} : memref<2x64x16xf32, #tpu.memory_space<vmem>>, vector<1x1x16xf32>,
    %get3A_3696 = vector.shape_cast %get3A_3695 : vector<1x1x16xf32> to vector<16xf32>
    %add3A_3697 = arith.addf %get3A_3696, %get3A_3684 : vector<16xf32>
    %add3A_3698 = arith.constant 1.000000e+00 : f32
    %add3A_3699 = vector.broadcast %add3A_3698 : f32 to vector<16xf32>
    %add3A_3700 = arith.addf %get3A_3689, %add3A_3699 : vector<16xf32>
    %div3A_3701 = arith.divf %add3A_3697, %add3A_3700 : vector<16xf32>
    %swap3A_3702 = arith.constant 59 : i32
    %swap3A_3703 = arith.index_cast %swap3A_3702 : i32 to index
    %swap3A_3704 = arith.constant 0 : index
    %swap3A_3705 = tpu.vector_load %arg13[%swap3A_3703, %swap3A_3704] {strides = array<i32>} : memref<64x128xf32, #tpu.memory_space<vmem>>, vector<1x16xf32>,
    %swap3A_3706 = vector.shape_cast %swap3A_3705 : vector<1x16xf32> to vector<16xf32>
    %swap3A_3707 = vector.shape_cast %div3A_3701 : vector<16xf32> to vector<1x16xf32>
    tpu.vector_store %arg13[%swap3A_3703, %swap3A_3704], %swap3A_3707 {strides = array<i32>} : memref<64x128xf32, #tpu.memory_space<vmem>>, vector<1x16xf32>,
    %get3A_3708 = arith.constant 60 : i32
    %get3A_3709 = arith.index_cast %get3A_3708 : i32 to index
    %get3A_3710 = arith.constant 0 : index
    %get3A_3711 = tpu.vector_load %arg11[%get3A_3709, %get3A_3710] {strides = array<i32>} : memref<64x128xf32, #tpu.memory_space<vmem>>, vector<1x16xf32>,
    %get3A_3712 = vector.shape_cast %get3A_3711 : vector<1x16xf32> to vector<16xf32>
    %get3A_3713 = arith.constant 60 : i32
    %get3A_3714 = arith.index_cast %get3A_3713 : i32 to index
    %get3A_3715 = arith.constant 16 : index
    %get3A_3716 = tpu.vector_load %arg11[%get3A_3714, %get3A_3715] {strides = array<i32>} : memref<64x128xf32, #tpu.memory_space<vmem>>, vector<1x16xf32>,
    %get3A_3717 = vector.shape_cast %get3A_3716 : vector<1x16xf32> to vector<16xf32>
    %get3A_3718 = arith.constant 1 : i32
    %get3A_3719 = arith.constant 60 : i32
    %get3A_3720 = arith.index_cast %get3A_3718 : i32 to index
    %get3A_3721 = arith.index_cast %get3A_3719 : i32 to index
    %get3A_3722 = arith.constant 0 : index
    %get3A_3723 = tpu.vector_load %arg12[%get3A_3720, %get3A_3721, %get3A_3722] {strides = array<i32>} : memref<2x64x16xf32, #tpu.memory_space<vmem>>, vector<1x1x16xf32>,
    %get3A_3724 = vector.shape_cast %get3A_3723 : vector<1x1x16xf32> to vector<16xf32>
    %add3A_3725 = arith.addf %get3A_3724, %get3A_3712 : vector<16xf32>
    %add3A_3726 = arith.constant 1.000000e+00 : f32
    %add3A_3727 = vector.broadcast %add3A_3726 : f32 to vector<16xf32>
    %add3A_3728 = arith.addf %get3A_3717, %add3A_3727 : vector<16xf32>
    %div3A_3729 = arith.divf %add3A_3725, %add3A_3728 : vector<16xf32>
    %swap3A_3730 = arith.constant 60 : i32
    %swap3A_3731 = arith.index_cast %swap3A_3730 : i32 to index
    %swap3A_3732 = arith.constant 0 : index
    %swap3A_3733 = tpu.vector_load %arg13[%swap3A_3731, %swap3A_3732] {strides = array<i32>} : memref<64x128xf32, #tpu.memory_space<vmem>>, vector<1x16xf32>,
    %swap3A_3734 = vector.shape_cast %swap3A_3733 : vector<1x16xf32> to vector<16xf32>
    %swap3A_3735 = vector.shape_cast %div3A_3729 : vector<16xf32> to vector<1x16xf32>
    tpu.vector_store %arg13[%swap3A_3731, %swap3A_3732], %swap3A_3735 {strides = array<i32>} : memref<64x128xf32, #tpu.memory_space<vmem>>, vector<1x16xf32>,
    %get3A_3736 = arith.constant 61 : i32
    %get3A_3737 = arith.index_cast %get3A_3736 : i32 to index
    %get3A_3738 = arith.constant 0 : index
    %get3A_3739 = tpu.vector_load %arg11[%get3A_3737, %get3A_3738] {strides = array<i32>} : memref<64x128xf32, #tpu.memory_space<vmem>>, vector<1x16xf32>,
    %get3A_3740 = vector.shape_cast %get3A_3739 : vector<1x16xf32> to vector<16xf32>
    %get3A_3741 = arith.constant 61 : i32
    %get3A_3742 = arith.index_cast %get3A_3741 : i32 to index
    %get3A_3743 = arith.constant 16 : index
    %get3A_3744 = tpu.vector_load %arg11[%get3A_3742, %get3A_3743] {strides = array<i32>} : memref<64x128xf32, #tpu.memory_space<vmem>>, vector<1x16xf32>,
    %get3A_3745 = vector.shape_cast %get3A_3744 : vector<1x16xf32> to vector<16xf32>
    %get3A_3746 = arith.constant 1 : i32
    %get3A_3747 = arith.constant 61 : i32
    %get3A_3748 = arith.index_cast %get3A_3746 : i32 to index
    %get3A_3749 = arith.index_cast %get3A_3747 : i32 to index
    %get3A_3750 = arith.constant 0 : index
    %get3A_3751 = tpu.vector_load %arg12[%get3A_3748, %get3A_3749, %get3A_3750] {strides = array<i32>} : memref<2x64x16xf32, #tpu.memory_space<vmem>>, vector<1x1x16xf32>,
    %get3A_3752 = vector.shape_cast %get3A_3751 : vector<1x1x16xf32> to vector<16xf32>
    %add3A_3753 = arith.addf %get3A_3752, %get3A_3740 : vector<16xf32>
    %add3A_3754 = arith.constant 1.000000e+00 : f32
    %add3A_3755 = vector.broadcast %add3A_3754 : f32 to vector<16xf32>
    %add3A_3756 = arith.addf %get3A_3745, %add3A_3755 : vector<16xf32>
    %div3A_3757 = arith.divf %add3A_3753, %add3A_3756 : vector<16xf32>
    %swap3A_3758 = arith.constant 61 : i32
    %swap3A_3759 = arith.index_cast %swap3A_3758 : i32 to index
    %swap3A_3760 = arith.constant 0 : index
    %swap3A_3761 = tpu.vector_load %arg13[%swap3A_3759, %swap3A_3760] {strides = array<i32>} : memref<64x128xf32, #tpu.memory_space<vmem>>, vector<1x16xf32>,
    %swap3A_3762 = vector.shape_cast %swap3A_3761 : vector<1x16xf32> to vector<16xf32>
    %swap3A_3763 = vector.shape_cast %div3A_3757 : vector<16xf32> to vector<1x16xf32>
    tpu.vector_store %arg13[%swap3A_3759, %swap3A_3760], %swap3A_3763 {strides = array<i32>} : memref<64x128xf32, #tpu.memory_space<vmem>>, vector<1x16xf32>,
    %get3A_3764 = arith.constant 62 : i32
    %get3A_3765 = arith.index_cast %get3A_3764 : i32 to index
    %get3A_3766 = arith.constant 0 : index
    %get3A_3767 = tpu.vector_load %arg11[%get3A_3765, %get3A_3766] {strides = array<i32>} : memref<64x128xf32, #tpu.memory_space<vmem>>, vector<1x16xf32>,
    %get3A_3768 = vector.shape_cast %get3A_3767 : vector<1x16xf32> to vector<16xf32>
    %get3A_3769 = arith.constant 62 : i32
    %get3A_3770 = arith.index_cast %get3A_3769 : i32 to index
    %get3A_3771 = arith.constant 16 : index
    %get3A_3772 = tpu.vector_load %arg11[%get3A_3770, %get3A_3771] {strides = array<i32>} : memref<64x128xf32, #tpu.memory_space<vmem>>, vector<1x16xf32>,
    %get3A_3773 = vector.shape_cast %get3A_3772 : vector<1x16xf32> to vector<16xf32>
    %get3A_3774 = arith.constant 1 : i32
    %get3A_3775 = arith.constant 62 : i32
    %get3A_3776 = arith.index_cast %get3A_3774 : i32 to index
    %get3A_3777 = arith.index_cast %get3A_3775 : i32 to index
    %get3A_3778 = arith.constant 0 : index
    %get3A_3779 = tpu.vector_load %arg12[%get3A_3776, %get3A_3777, %get3A_3778] {strides = array<i32>} : memref<2x64x16xf32, #tpu.memory_space<vmem>>, vector<1x1x16xf32>,
    %get3A_3780 = vector.shape_cast %get3A_3779 : vector<1x1x16xf32> to vector<16xf32>
    %add3A_3781 = arith.addf %get3A_3780, %get3A_3768 : vector<16xf32>
    %add3A_3782 = arith.constant 1.000000e+00 : f32
    %add3A_3783 = vector.broadcast %add3A_3782 : f32 to vector<16xf32>
    %add3A_3784 = arith.addf %get3A_3773, %add3A_3783 : vector<16xf32>
    %div3A_3785 = arith.divf %add3A_3781, %add3A_3784 : vector<16xf32>
    %swap3A_3786 = arith.constant 62 : i32
    %swap3A_3787 = arith.index_cast %swap3A_3786 : i32 to index
    %swap3A_3788 = arith.constant 0 : index
    %swap3A_3789 = tpu.vector_load %arg13[%swap3A_3787, %swap3A_3788] {strides = array<i32>} : memref<64x128xf32, #tpu.memory_space<vmem>>, vector<1x16xf32>,
    %swap3A_3790 = vector.shape_cast %swap3A_3789 : vector<1x16xf32> to vector<16xf32>
    %swap3A_3791 = vector.shape_cast %div3A_3785 : vector<16xf32> to vector<1x16xf32>
    tpu.vector_store %arg13[%swap3A_3787, %swap3A_3788], %swap3A_3791 {strides = array<i32>} : memref<64x128xf32, #tpu.memory_space<vmem>>, vector<1x16xf32>,
    %get3A_3792 = arith.constant 63 : i32
    %get3A_3793 = arith.index_cast %get3A_3792 : i32 to index
    %get3A_3794 = arith.constant 0 : index
    %get3A_3795 = tpu.vector_load %arg11[%get3A_3793, %get3A_3794] {strides = array<i32>} : memref<64x128xf32, #tpu.memory_space<vmem>>, vector<1x16xf32>,
    %get3A_3796 = vector.shape_cast %get3A_3795 : vector<1x16xf32> to vector<16xf32>
    %get3A_3797 = arith.constant 63 : i32
    %get3A_3798 = arith.index_cast %get3A_3797 : i32 to index
    %get3A_3799 = arith.constant 16 : index
    %get3A_3800 = tpu.vector_load %arg11[%get3A_3798, %get3A_3799] {strides = array<i32>} : memref<64x128xf32, #tpu.memory_space<vmem>>, vector<1x16xf32>,
    %get3A_3801 = vector.shape_cast %get3A_3800 : vector<1x16xf32> to vector<16xf32>
    %get3A_3802 = arith.constant 1 : i32
    %get3A_3803 = arith.constant 63 : i32
    %get3A_3804 = arith.index_cast %get3A_3802 : i32 to index
    %get3A_3805 = arith.index_cast %get3A_3803 : i32 to index
    %get3A_3806 = arith.constant 0 : index
    %get3A_3807 = tpu.vector_load %arg12[%get3A_3804, %get3A_3805, %get3A_3806] {strides = array<i32>} : memref<2x64x16xf32, #tpu.memory_space<vmem>>, vector<1x1x16xf32>,
    %get3A_3808 = vector.shape_cast %get3A_3807 : vector<1x1x16xf32> to vector<16xf32>
    %add3A_3809 = arith.addf %get3A_3808, %get3A_3796 : vector<16xf32>
    %add3A_3810 = arith.constant 1.000000e+00 : f32
    %add3A_3811 = vector.broadcast %add3A_3810 : f32 to vector<16xf32>
    %add3A_3812 = arith.addf %get3A_3801, %add3A_3811 : vector<16xf32>
    %div3A_3813 = arith.divf %add3A_3809, %add3A_3812 : vector<16xf32>
    %swap3A_3814 = arith.constant 63 : i32
    %swap3A_3815 = arith.index_cast %swap3A_3814 : i32 to index
    %swap3A_3816 = arith.constant 0 : index
    %swap3A_3817 = tpu.vector_load %arg13[%swap3A_3815, %swap3A_3816] {strides = array<i32>} : memref<64x128xf32, #tpu.memory_space<vmem>>, vector<1x16xf32>,
    %swap3A_3818 = vector.shape_cast %swap3A_3817 : vector<1x16xf32> to vector<16xf32>
    %swap3A_3819 = vector.shape_cast %div3A_3813 : vector<16xf32> to vector<1x16xf32>
    tpu.vector_store %arg13[%swap3A_3815, %swap3A_3816], %swap3A_3819 {strides = array<i32>} : memref<64x128xf32, #tpu.memory_space<vmem>>, vector<1x16xf32>,
    %mul3A_3820 = arith.constant 1024 : i32
    %mul3A_3821 = arith.muli %add3A_2023, %mul3A_3820 : i32
    %mul3A_3822 = arith.constant 64 : i32
    %mul3A_3823 = arith.muli %arg1, %mul3A_3822 : i32
    %add3A_3824 = arith.addi %mul3A_3821, %mul3A_3823 : i32
    "tpu.region"() ({
      %run_scoped3A_3946 = tpu.sem_alloc : memref<!tpu.dma_semaphore, #tpu.memory_space<semaphore_mem>>
      %dma_start3A_3947 = arith.constant 0 : i32
      %dma_start3A_3948 = tpu.memref_slice %arg8[%add3A_3824, %dma_start3A_3947] : memref<4096x128xf32, #tpu.memory_space<hbm>> -> memref<64x128xf32, #tpu.memory_space<hbm>>
      %dma_start3A_3949 = arith.constant 0 : i32
      %dma_start3A_3950 = tpu.memref_slice %arg8[%add3A_3824, %dma_start3A_3949] : memref<4096x128xf32, #tpu.memory_space<hbm>> -> memref<64x128xf32, #tpu.memory_space<hbm>>
      tpu.enqueue_dma source(%arg13 : memref<64x128xf32, #tpu.memory_space<vmem>>) target(%dma_start3A_3950 : memref<64x128xf32, #tpu.memory_space<hbm>>) target_semaphore(%run_scoped3A_3946 : memref<!tpu.dma_semaphore, #tpu.memory_space<semaphore_mem>>)
      %dma_wait3A_3951 = arith.constant 0 : i32
      %dma_wait3A_3952 = tpu.memref_slice %arg8[%add3A_3824, %dma_wait3A_3951] : memref<4096x128xf32, #tpu.memory_space<hbm>> -> memref<64x128xf32, #tpu.memory_space<hbm>>
      %dma_wait3A_3953 = arith.constant 0 : i32
      %dma_wait3A_3954 = tpu.memref_slice %arg8[%add3A_3824, %dma_wait3A_3953] : memref<4096x128xf32, #tpu.memory_space<hbm>> -> memref<64x128xf32, #tpu.memory_space<hbm>>
      tpu.wait_dma2 semaphore(%run_scoped3A_3946 : memref<!tpu.dma_semaphore, #tpu.memory_space<semaphore_mem>>) src(%arg13 : memref<64x128xf32, #tpu.memory_space<vmem>>) dst(%dma_wait3A_3954 : memref<64x128xf32, #tpu.memory_space<hbm>>)
      tpu.yield
    }) : () -> ()
    %barrier3A_3825 = arith.constant 0 : index
    tpu.barrier barrier_id(%barrier3A_3825)
    %dma_start3A_3826 = arith.constant 0 : i32
    %dma_start3A_3827 = arith.constant 0 : i32
    %dma_start3A_3828 = arith.constant 0 : i32
    %dma_start3A_3829 = arith.constant 0 : i32
    %dma_start3A_3830 = tpu.memref_slice %arg15[%dma_start3A_3827, %dma_start3A_3828, %dma_start3A_3829] : memref<2x128x128xf32, #tpu.memory_space<vmem>> -> memref<1x128x128xf32, #tpu.memory_space<vmem>>
    %dma_start3A_3831 = tpu.memref_squeeze %dma_start3A_3830 : memref<1x128x128xf32, #tpu.memory_space<vmem>> -> memref<128x128xf32, #tpu.memory_space<vmem>>
    %dma_start3A_3832 = arith.constant 0 : i32
    %dma_start3A_3833 = tpu.memref_slice %arg14[%dma_start3A_3826, %dma_start3A_3832] : memref<2x128xi32, #tpu.memory_space<vmem>> -> memref<1x128xi32, #tpu.memory_space<vmem>>
    %dma_start3A_3834 = tpu.memref_squeeze %dma_start3A_3833 : memref<1x128xi32, #tpu.memory_space<vmem>> -> memref<128xi32, #tpu.memory_space<vmem>>
    %dma_start3A_3835 = arith.constant 0 : i32
    %dma_start3A_3836 = arith.constant 0 : i32
    %dma_start3A_3837 = tpu.memref_slice %arg8[%dma_start3A_3835, %dma_start3A_3836] : memref<4096x128xf32, #tpu.memory_space<hbm>> -> memref<4096x128xf32, #tpu.memory_space<hbm>>
    tpu.enqueue_indirect_dma source(%dma_start3A_3837 : memref<4096x128xf32, #tpu.memory_space<hbm>>) target(%dma_start3A_3831 : memref<128x128xf32, #tpu.memory_space<vmem>>) offsets(%dma_start3A_3834 : memref<128xi32, #tpu.memory_space<vmem>>) semaphore(%arg17 : memref<!tpu.dma_semaphore, #tpu.memory_space<semaphore_mem>>)
    %dma_start3A_3838 = arith.constant 1 : i32
    %dma_start3A_3839 = arith.constant 1 : i32
    %dma_start3A_3840 = arith.constant 0 : i32
    %dma_start3A_3841 = arith.constant 0 : i32
    %dma_start3A_3842 = tpu.memref_slice %arg15[%dma_start3A_3839, %dma_start3A_3840, %dma_start3A_3841] : memref<2x128x128xf32, #tpu.memory_space<vmem>> -> memref<1x128x128xf32, #tpu.memory_space<vmem>>
    %dma_start3A_3843 = tpu.memref_squeeze %dma_start3A_3842 : memref<1x128x128xf32, #tpu.memory_space<vmem>> -> memref<128x128xf32, #tpu.memory_space<vmem>>
    %dma_start3A_3844 = arith.constant 0 : i32
    %dma_start3A_3845 = tpu.memref_slice %arg14[%dma_start3A_3838, %dma_start3A_3844] : memref<2x128xi32, #tpu.memory_space<vmem>> -> memref<1x128xi32, #tpu.memory_space<vmem>>
    %dma_start3A_3846 = tpu.memref_squeeze %dma_start3A_3845 : memref<1x128xi32, #tpu.memory_space<vmem>> -> memref<128xi32, #tpu.memory_space<vmem>>
    %dma_start3A_3847 = arith.constant 0 : i32
    %dma_start3A_3848 = arith.constant 0 : i32
    %dma_start3A_3849 = tpu.memref_slice %arg8[%dma_start3A_3847, %dma_start3A_3848] : memref<4096x128xf32, #tpu.memory_space<hbm>> -> memref<4096x128xf32, #tpu.memory_space<hbm>>
    tpu.enqueue_indirect_dma source(%dma_start3A_3849 : memref<4096x128xf32, #tpu.memory_space<hbm>>) target(%dma_start3A_3843 : memref<128x128xf32, #tpu.memory_space<vmem>>) offsets(%dma_start3A_3846 : memref<128xi32, #tpu.memory_space<vmem>>) semaphore(%arg17 : memref<!tpu.dma_semaphore, #tpu.memory_space<semaphore_mem>>)
    %dma_wait3A_3850 = arith.constant 0 : i32
    %dma_wait3A_3851 = arith.constant 0 : i32
    %dma_wait3A_3852 = arith.constant 0 : i32
    %dma_wait3A_3853 = arith.constant 0 : i32
    %dma_wait3A_3854 = tpu.memref_slice %arg15[%dma_wait3A_3851, %dma_wait3A_3852, %dma_wait3A_3853] : memref<2x128x128xf32, #tpu.memory_space<vmem>> -> memref<1x128x128xf32, #tpu.memory_space<vmem>>
    %dma_wait3A_3855 = tpu.memref_squeeze %dma_wait3A_3854 : memref<1x128x128xf32, #tpu.memory_space<vmem>> -> memref<128x128xf32, #tpu.memory_space<vmem>>
    %dma_wait3A_3856 = arith.constant 0 : i32
    %dma_wait3A_3857 = tpu.memref_slice %arg14[%dma_wait3A_3850, %dma_wait3A_3856] : memref<2x128xi32, #tpu.memory_space<vmem>> -> memref<1x128xi32, #tpu.memory_space<vmem>>
    %dma_wait3A_3858 = tpu.memref_squeeze %dma_wait3A_3857 : memref<1x128xi32, #tpu.memory_space<vmem>> -> memref<128xi32, #tpu.memory_space<vmem>>
    %dma_wait3A_3859 = arith.constant 0 : i32
    %dma_wait3A_3860 = arith.constant 0 : i32
    %dma_wait3A_3861 = tpu.memref_slice %arg8[%dma_wait3A_3859, %dma_wait3A_3860] : memref<4096x128xf32, #tpu.memory_space<hbm>> -> memref<4096x128xf32, #tpu.memory_space<hbm>>
    tpu.wait_indirect_dma semaphore(%arg17 : memref<!tpu.dma_semaphore, #tpu.memory_space<semaphore_mem>>) src(%dma_wait3A_3861 : memref<4096x128xf32, #tpu.memory_space<hbm>>) dst(%dma_wait3A_3855 : memref<128x128xf32, #tpu.memory_space<vmem>>)
    %dma_wait3A_3862 = arith.constant 1 : i32
    %dma_wait3A_3863 = arith.constant 1 : i32
    %dma_wait3A_3864 = arith.constant 0 : i32
    %dma_wait3A_3865 = arith.constant 0 : i32
    %dma_wait3A_3866 = tpu.memref_slice %arg15[%dma_wait3A_3863, %dma_wait3A_3864, %dma_wait3A_3865] : memref<2x128x128xf32, #tpu.memory_space<vmem>> -> memref<1x128x128xf32, #tpu.memory_space<vmem>>
    %dma_wait3A_3867 = tpu.memref_squeeze %dma_wait3A_3866 : memref<1x128x128xf32, #tpu.memory_space<vmem>> -> memref<128x128xf32, #tpu.memory_space<vmem>>
    %dma_wait3A_3868 = arith.constant 0 : i32
    %dma_wait3A_3869 = tpu.memref_slice %arg14[%dma_wait3A_3862, %dma_wait3A_3868] : memref<2x128xi32, #tpu.memory_space<vmem>> -> memref<1x128xi32, #tpu.memory_space<vmem>>
    %dma_wait3A_3870 = tpu.memref_squeeze %dma_wait3A_3869 : memref<1x128xi32, #tpu.memory_space<vmem>> -> memref<128xi32, #tpu.memory_space<vmem>>
    %dma_wait3A_3871 = arith.constant 0 : i32
    %dma_wait3A_3872 = arith.constant 0 : i32
    %dma_wait3A_3873 = tpu.memref_slice %arg8[%dma_wait3A_3871, %dma_wait3A_3872] : memref<4096x128xf32, #tpu.memory_space<hbm>> -> memref<4096x128xf32, #tpu.memory_space<hbm>>
    tpu.wait_indirect_dma semaphore(%arg17 : memref<!tpu.dma_semaphore, #tpu.memory_space<semaphore_mem>>) src(%dma_wait3A_3873 : memref<4096x128xf32, #tpu.memory_space<hbm>>) dst(%dma_wait3A_3867 : memref<128x128xf32, #tpu.memory_space<vmem>>)
    %mul3A_3874 = arith.constant 2 : i32
    %mul3A_3875 = arith.muli %arg0, %mul3A_3874 : i32
    %add3A_3876 = arith.constant 0 : i32
    %add3A_3877 = arith.addi %mul3A_3875, %add3A_3876 : i32
    %mul3A_3878 = arith.constant 128 : i32
    %mul3A_3879 = arith.muli %arg1, %mul3A_3878 : i32
    %dma_start3A_3880 = arith.constant 0 : i32
    %dma_start3A_3881 = arith.constant 0 : i32
    %dma_start3A_3882 = arith.constant 0 : i32
    %dma_start3A_3883 = tpu.memref_slice %arg15[%dma_start3A_3880, %dma_start3A_3881, %dma_start3A_3882] : memref<2x128x128xf32, #tpu.memory_space<vmem>> -> memref<1x128x128xf32, #tpu.memory_space<vmem>>
    %dma_start3A_3884 = tpu.memref_squeeze %dma_start3A_3883 : memref<1x128x128xf32, #tpu.memory_space<vmem>> -> memref<128x128xf32, #tpu.memory_space<vmem>>
    %dma_start3A_3885 = arith.constant 0 : i32
    %dma_start3A_3886 = tpu.memref_slice %arg7[%add3A_3877, %mul3A_3879, %dma_start3A_3885] : memref<4x2048x128xf32, #tpu.memory_space<hbm>> -> memref<1x128x128xf32, #tpu.memory_space<hbm>>
    %dma_start3A_3887 = tpu.memref_squeeze %dma_start3A_3886 : memref<1x128x128xf32, #tpu.memory_space<hbm>> -> memref<128x128xf32, #tpu.memory_space<hbm>>
    %dma_start3A_3888 = arith.constant 0 : i32
    %dma_start3A_3889 = tpu.memref_slice %arg7[%add3A_3877, %mul3A_3879, %dma_start3A_3888] : memref<4x2048x128xf32, #tpu.memory_space<hbm>> -> memref<1x128x128xf32, #tpu.memory_space<hbm>>
    %dma_start3A_3890 = tpu.memref_squeeze %dma_start3A_3889 : memref<1x128x128xf32, #tpu.memory_space<hbm>> -> memref<128x128xf32, #tpu.memory_space<hbm>>
    %dma_start3A_3891 = arith.constant 0 : i32
    %dma_start3A_3892 = arith.constant 0 : i32
    %dma_start3A_3893 = tpu.memref_slice %arg15[%dma_start3A_3880, %dma_start3A_3891, %dma_start3A_3892] : memref<2x128x128xf32, #tpu.memory_space<vmem>> -> memref<1x128x128xf32, #tpu.memory_space<vmem>>
    %dma_start3A_3894 = tpu.memref_squeeze %dma_start3A_3893 : memref<1x128x128xf32, #tpu.memory_space<vmem>> -> memref<128x128xf32, #tpu.memory_space<vmem>>
    tpu.enqueue_dma source(%dma_start3A_3894 : memref<128x128xf32, #tpu.memory_space<vmem>>) target(%dma_start3A_3890 : memref<128x128xf32, #tpu.memory_space<hbm>>) target_semaphore(%arg17 : memref<!tpu.dma_semaphore, #tpu.memory_space<semaphore_mem>>)
    %mul3A_3895 = arith.constant 2 : i32
    %mul3A_3896 = arith.muli %arg0, %mul3A_3895 : i32
    %add3A_3897 = arith.constant 1 : i32
    %add3A_3898 = arith.addi %mul3A_3896, %add3A_3897 : i32
    %mul3A_3899 = arith.constant 128 : i32
    %mul3A_3900 = arith.muli %arg1, %mul3A_3899 : i32
    %dma_start3A_3901 = arith.constant 1 : i32
    %dma_start3A_3902 = arith.constant 0 : i32
    %dma_start3A_3903 = arith.constant 0 : i32
    %dma_start3A_3904 = tpu.memref_slice %arg15[%dma_start3A_3901, %dma_start3A_3902, %dma_start3A_3903] : memref<2x128x128xf32, #tpu.memory_space<vmem>> -> memref<1x128x128xf32, #tpu.memory_space<vmem>>
    %dma_start3A_3905 = tpu.memref_squeeze %dma_start3A_3904 : memref<1x128x128xf32, #tpu.memory_space<vmem>> -> memref<128x128xf32, #tpu.memory_space<vmem>>
    %dma_start3A_3906 = arith.constant 0 : i32
    %dma_start3A_3907 = tpu.memref_slice %arg7[%add3A_3898, %mul3A_3900, %dma_start3A_3906] : memref<4x2048x128xf32, #tpu.memory_space<hbm>> -> memref<1x128x128xf32, #tpu.memory_space<hbm>>
    %dma_start3A_3908 = tpu.memref_squeeze %dma_start3A_3907 : memref<1x128x128xf32, #tpu.memory_space<hbm>> -> memref<128x128xf32, #tpu.memory_space<hbm>>
    %dma_start3A_3909 = arith.constant 0 : i32
    %dma_start3A_3910 = tpu.memref_slice %arg7[%add3A_3898, %mul3A_3900, %dma_start3A_3909] : memref<4x2048x128xf32, #tpu.memory_space<hbm>> -> memref<1x128x128xf32, #tpu.memory_space<hbm>>
    %dma_start3A_3911 = tpu.memref_squeeze %dma_start3A_3910 : memref<1x128x128xf32, #tpu.memory_space<hbm>> -> memref<128x128xf32, #tpu.memory_space<hbm>>
    %dma_start3A_3912 = arith.constant 0 : i32
    %dma_start3A_3913 = arith.constant 0 : i32
    %dma_start3A_3914 = tpu.memref_slice %arg15[%dma_start3A_3901, %dma_start3A_3912, %dma_start3A_3913] : memref<2x128x128xf32, #tpu.memory_space<vmem>> -> memref<1x128x128xf32, #tpu.memory_space<vmem>>
    %dma_start3A_3915 = tpu.memref_squeeze %dma_start3A_3914 : memref<1x128x128xf32, #tpu.memory_space<vmem>> -> memref<128x128xf32, #tpu.memory_space<vmem>>
    tpu.enqueue_dma source(%dma_start3A_3915 : memref<128x128xf32, #tpu.memory_space<vmem>>) target(%dma_start3A_3911 : memref<128x128xf32, #tpu.memory_space<hbm>>) target_semaphore(%arg17 : memref<!tpu.dma_semaphore, #tpu.memory_space<semaphore_mem>>)
    %dma_wait3A_3916 = arith.constant 0 : i32
    %dma_wait3A_3917 = arith.constant 0 : i32
    %dma_wait3A_3918 = arith.constant 0 : i32
    %dma_wait3A_3919 = tpu.memref_slice %arg15[%dma_wait3A_3916, %dma_wait3A_3917, %dma_wait3A_3918] : memref<2x128x128xf32, #tpu.memory_space<vmem>> -> memref<1x128x128xf32, #tpu.memory_space<vmem>>
    %dma_wait3A_3920 = tpu.memref_squeeze %dma_wait3A_3919 : memref<1x128x128xf32, #tpu.memory_space<vmem>> -> memref<128x128xf32, #tpu.memory_space<vmem>>
    %dma_wait3A_3921 = arith.constant 0 : i32
    %dma_wait3A_3922 = tpu.memref_slice %arg7[%add3A_3877, %mul3A_3879, %dma_wait3A_3921] : memref<4x2048x128xf32, #tpu.memory_space<hbm>> -> memref<1x128x128xf32, #tpu.memory_space<hbm>>
    %dma_wait3A_3923 = tpu.memref_squeeze %dma_wait3A_3922 : memref<1x128x128xf32, #tpu.memory_space<hbm>> -> memref<128x128xf32, #tpu.memory_space<hbm>>
    %dma_wait3A_3924 = arith.constant 0 : i32
    %dma_wait3A_3925 = tpu.memref_slice %arg7[%add3A_3877, %mul3A_3879, %dma_wait3A_3924] : memref<4x2048x128xf32, #tpu.memory_space<hbm>> -> memref<1x128x128xf32, #tpu.memory_space<hbm>>
    %dma_wait3A_3926 = tpu.memref_squeeze %dma_wait3A_3925 : memref<1x128x128xf32, #tpu.memory_space<hbm>> -> memref<128x128xf32, #tpu.memory_space<hbm>>
    %dma_wait3A_3927 = arith.constant 0 : i32
    %dma_wait3A_3928 = arith.constant 0 : i32
    %dma_wait3A_3929 = tpu.memref_slice %arg15[%dma_wait3A_3916, %dma_wait3A_3927, %dma_wait3A_3928] : memref<2x128x128xf32, #tpu.memory_space<vmem>> -> memref<1x128x128xf32, #tpu.memory_space<vmem>>
    %dma_wait3A_3930 = tpu.memref_squeeze %dma_wait3A_3929 : memref<1x128x128xf32, #tpu.memory_space<vmem>> -> memref<128x128xf32, #tpu.memory_space<vmem>>
    tpu.wait_dma2 semaphore(%arg17 : memref<!tpu.dma_semaphore, #tpu.memory_space<semaphore_mem>>) src(%dma_wait3A_3930 : memref<128x128xf32, #tpu.memory_space<vmem>>) dst(%dma_wait3A_3926 : memref<128x128xf32, #tpu.memory_space<hbm>>)
    %dma_wait3A_3931 = arith.constant 1 : i32
    %dma_wait3A_3932 = arith.constant 0 : i32
    %dma_wait3A_3933 = arith.constant 0 : i32
    %dma_wait3A_3934 = tpu.memref_slice %arg15[%dma_wait3A_3931, %dma_wait3A_3932, %dma_wait3A_3933] : memref<2x128x128xf32, #tpu.memory_space<vmem>> -> memref<1x128x128xf32, #tpu.memory_space<vmem>>
    %dma_wait3A_3935 = tpu.memref_squeeze %dma_wait3A_3934 : memref<1x128x128xf32, #tpu.memory_space<vmem>> -> memref<128x128xf32, #tpu.memory_space<vmem>>
    %dma_wait3A_3936 = arith.constant 0 : i32
    %dma_wait3A_3937 = tpu.memref_slice %arg7[%add3A_3898, %mul3A_3900, %dma_wait3A_3936] : memref<4x2048x128xf32, #tpu.memory_space<hbm>> -> memref<1x128x128xf32, #tpu.memory_space<hbm>>
    %dma_wait3A_3938 = tpu.memref_squeeze %dma_wait3A_3937 : memref<1x128x128xf32, #tpu.memory_space<hbm>> -> memref<128x128xf32, #tpu.memory_space<hbm>>
    %dma_wait3A_3939 = arith.constant 0 : i32
    %dma_wait3A_3940 = tpu.memref_slice %arg7[%add3A_3898, %mul3A_3900, %dma_wait3A_3939] : memref<4x2048x128xf32, #tpu.memory_space<hbm>> -> memref<1x128x128xf32, #tpu.memory_space<hbm>>
    %dma_wait3A_3941 = tpu.memref_squeeze %dma_wait3A_3940 : memref<1x128x128xf32, #tpu.memory_space<hbm>> -> memref<128x128xf32, #tpu.memory_space<hbm>>
    %dma_wait3A_3942 = arith.constant 0 : i32
    %dma_wait3A_3943 = arith.constant 0 : i32
    %dma_wait3A_3944 = tpu.memref_slice %arg15[%dma_wait3A_3931, %dma_wait3A_3942, %dma_wait3A_3943] : memref<2x128x128xf32, #tpu.memory_space<vmem>> -> memref<1x128x128xf32, #tpu.memory_space<vmem>>
    %dma_wait3A_3945 = tpu.memref_squeeze %dma_wait3A_3944 : memref<1x128x128xf32, #tpu.memory_space<vmem>> -> memref<128x128xf32, #tpu.memory_space<vmem>>
    tpu.wait_dma2 semaphore(%arg17 : memref<!tpu.dma_semaphore, #tpu.memory_space<semaphore_mem>>) src(%dma_wait3A_3945 : memref<128x128xf32, #tpu.memory_space<vmem>>) dst(%dma_wait3A_3941 : memref<128x128xf32, #tpu.memory_space<hbm>>)
    return
  }
}

module attributes {stable_mosaic.version = 14 : i64} {
  func.func @_coarsen_body(%arg0: i32, %arg1: memref<1x64x128xf32, #tpu.memory_space<vmem>>, %arg2: memref<1x64x512xf32, #tpu.memory_space<vmem>>, %arg3: memref<1x2048x8xf32, #tpu.memory_space<vmem>>, %arg4: memref<1x32x64xf32, #tpu.memory_space<vmem>>, %arg5: memref<1x32x512xf32, #tpu.memory_space<vmem>>, %arg6: memref<1x2048x128xf32, #tpu.memory_space<vmem>>) attributes {dimension_semantics = [#tpu.dimension_semantics<arbitrary>], iteration_bounds = array<i64: 4>, scalar_prefetch = 0 : i64, scratch_operands = 0 : i64, tpu.core_type = #tpu.core_type<tc>, window_params = [{transform_indices = @transform_0, window_bounds = array<i64: 1, 64, 128>}, {transform_indices = @transform_1, window_bounds = array<i64: 1, 64, 512>}, {transform_indices = @transform_2, window_bounds = array<i64: 1, 2048, 8>}, {transform_indices = @transform_3, window_bounds = array<i64: 1, 32, 64>}, {transform_indices = @transform_4, window_bounds = array<i64: 1, 32, 512>}, {transform_indices = @transform_5, window_bounds = array<i64: 1, 2048, 128>}]} {
    %get3A = arith.constant 0 : index
    %get3A_0 = arith.constant 0 : index
    %get3A_1 = arith.constant 0 : index
    %get3A_2 = vector.load %arg1[%get3A, %get3A_0, %get3A_1] : memref<1x64x128xf32, #tpu.memory_space<vmem>>, vector<1x64x128xf32>
    %get3A_3 = vector.shape_cast %get3A_2 : vector<1x64x128xf32> to vector<64x128xf32>
    %get3A_4 = arith.constant 0 : index
    %get3A_5 = arith.constant 0 : index
    %get3A_6 = arith.constant 0 : index
    %get3A_7 = vector.load %arg2[%get3A_4, %get3A_5, %get3A_6] : memref<1x64x512xf32, #tpu.memory_space<vmem>>, vector<1x64x512xf32>
    %get3A_8 = vector.shape_cast %get3A_7 : vector<1x64x512xf32> to vector<64x512xf32>
    %iota3A = tpu.iota {dimensions = array<i32: 0>} : vector<32x64xi32>
    %iota3A_9 = tpu.iota {dimensions = array<i32: 1>} : vector<32x64xi32>
    %shift_right_arithmetic3A = arith.constant 1 : i32
    %shift_right_arithmetic3A_10 = vector.broadcast %shift_right_arithmetic3A : i32 to vector<32x64xi32>
    %shift_right_arithmetic3A_11 = arith.shrsi %iota3A_9, %shift_right_arithmetic3A_10 : vector<32x64xi32>
    %eq3A = arith.cmpi eq, %shift_right_arithmetic3A_11, %iota3A : vector<32x64xi32>
    %convert_element_type3A = arith.extui %eq3A : vector<32x64xi1> to vector<32x64xi32>
    %convert_element_type3A_12 = arith.sitofp %convert_element_type3A : vector<32x64xi32> to vector<32x64xf32>
    %dot_general3A = arith.constant dense<0.000000e+00> : vector<32x128xf32>
    %dot_general3A_13 = tpu.matmul %convert_element_type3A_12, %get3A_3, %dot_general3A {dimension_numbers = #tpu.dot_dimension_numbers<[1], [0], [0], [1], [0, 0, 1, 1], [], []>, precision = #tpu.contract_precision<fp32>, transpose_lhs_hint = false} : vector<32x64xf32>, vector<64x128xf32>, vector<32x128xf32> -> vector<32x128xf32>
    %dot_general3A_14 = arith.constant dense<0.000000e+00> : vector<32x512xf32>
    %dot_general3A_15 = tpu.matmul %convert_element_type3A_12, %get3A_8, %dot_general3A_14 {dimension_numbers = #tpu.dot_dimension_numbers<[1], [0], [0], [1], [0, 0, 1, 1], [], []>, precision = #tpu.contract_precision<fp32>, transpose_lhs_hint = false} : vector<32x64xf32>, vector<64x512xf32>, vector<32x512xf32> -> vector<32x512xf32>
    %iota3A_16 = tpu.iota {dimensions = array<i32: 0>} : vector<128x64xi32>
    %iota3A_17 = tpu.iota {dimensions = array<i32: 1>} : vector<128x64xi32>
    %shift_right_arithmetic3A_18 = arith.constant 2 : i32
    %shift_right_arithmetic3A_19 = vector.broadcast %shift_right_arithmetic3A_18 : i32 to vector<128x64xi32>
    %shift_right_arithmetic3A_20 = arith.shrsi %iota3A_16, %shift_right_arithmetic3A_19 : vector<128x64xi32>
    %mul3A = arith.constant 2 : i32
    %mul3A_21 = vector.broadcast %mul3A : i32 to vector<128x64xi32>
    %mul3A_22 = arith.muli %shift_right_arithmetic3A_20, %mul3A_21 : vector<128x64xi32>
    %and3A = arith.constant 1 : i32
    %and3A_23 = vector.broadcast %and3A : i32 to vector<128x64xi32>
    %and3A_24 = arith.andi %iota3A_16, %and3A_23 : vector<128x64xi32>
    %add3A = arith.addi %mul3A_22, %and3A_24 : vector<128x64xi32>
    %eq3A_25 = arith.cmpi eq, %iota3A_17, %add3A : vector<128x64xi32>
    %convert_element_type3A_26 = arith.extui %eq3A_25 : vector<128x64xi1> to vector<128x64xi32>
    %convert_element_type3A_27 = arith.sitofp %convert_element_type3A_26 : vector<128x64xi32> to vector<128x64xf32>
    %dot_general3A_28 = arith.constant dense<0.000000e+00> : vector<32x64xf32>
    %dot_general3A_29 = tpu.matmul %dot_general3A_13, %convert_element_type3A_27, %dot_general3A_28 {dimension_numbers = #tpu.dot_dimension_numbers<[1], [0], [0], [1], [0, 0, 1, 1], [], []>, precision = #tpu.contract_precision<fp32>, transpose_lhs_hint = false} : vector<32x128xf32>, vector<128x64xf32>, vector<32x64xf32> -> vector<32x64xf32>
    %mul3A_30 = arith.constant 2.500000e-01 : f32
    %mul3A_31 = vector.broadcast %mul3A_30 : f32 to vector<32x64xf32>
    %mul3A_32 = arith.mulf %dot_general3A_29, %mul3A_31 : vector<32x64xf32>
    %swap3A = arith.constant 0 : index
    %swap3A_33 = arith.constant 0 : index
    %swap3A_34 = arith.constant 0 : index
    %swap3A_35 = vector.load %arg4[%swap3A, %swap3A_33, %swap3A_34] : memref<1x32x64xf32, #tpu.memory_space<vmem>>, vector<1x32x64xf32>
    %swap3A_36 = vector.shape_cast %swap3A_35 : vector<1x32x64xf32> to vector<32x64xf32>
    %swap3A_37 = vector.shape_cast %mul3A_32 : vector<32x64xf32> to vector<1x32x64xf32>
    tpu.vector_store %arg4[%swap3A, %swap3A_33, %swap3A_34], %swap3A_37 {strides = array<i32>} : memref<1x32x64xf32, #tpu.memory_space<vmem>>, vector<1x32x64xf32>,
    %iota3A_38 = tpu.iota {dimensions = array<i32: 0>} : vector<512x512xi32>
    %iota3A_39 = tpu.iota {dimensions = array<i32: 1>} : vector<512x512xi32>
    %shift_right_arithmetic3A_40 = arith.constant 4 : i32
    %shift_right_arithmetic3A_41 = vector.broadcast %shift_right_arithmetic3A_40 : i32 to vector<512x512xi32>
    %shift_right_arithmetic3A_42 = arith.shrsi %iota3A_39, %shift_right_arithmetic3A_41 : vector<512x512xi32>
    %shift_right_arithmetic3A_43 = arith.constant 4 : i32
    %shift_right_arithmetic3A_44 = vector.broadcast %shift_right_arithmetic3A_43 : i32 to vector<512x512xi32>
    %shift_right_arithmetic3A_45 = arith.shrsi %iota3A_38, %shift_right_arithmetic3A_44 : vector<512x512xi32>
    %eq3A_46 = arith.cmpi eq, %shift_right_arithmetic3A_42, %shift_right_arithmetic3A_45 : vector<512x512xi32>
    %and3A_47 = arith.constant 15 : i32
    %and3A_48 = vector.broadcast %and3A_47 : i32 to vector<512x512xi32>
    %and3A_49 = arith.andi %iota3A_39, %and3A_48 : vector<512x512xi32>
    %and3A_50 = arith.constant 7 : i32
    %and3A_51 = vector.broadcast %and3A_50 : i32 to vector<512x512xi32>
    %and3A_52 = arith.andi %iota3A_38, %and3A_51 : vector<512x512xi32>
    %eq3A_53 = arith.cmpi eq, %and3A_49, %and3A_52 : vector<512x512xi32>
    %and3A_54 = arith.andi %eq3A_46, %eq3A_53 : vector<512x512xi1>
    %convert_element_type3A_55 = arith.extui %and3A_54 : vector<512x512xi1> to vector<512x512xi32>
    %convert_element_type3A_56 = arith.sitofp %convert_element_type3A_55 : vector<512x512xi32> to vector<512x512xf32>
    %dot_general3A_57 = arith.constant dense<0.000000e+00> : vector<32x512xf32>
    %dot_general3A_58 = tpu.matmul %dot_general3A_15, %convert_element_type3A_56, %dot_general3A_57 {dimension_numbers = #tpu.dot_dimension_numbers<[1], [0], [0], [1], [0, 0, 1, 1], [], []>, precision = #tpu.contract_precision<fp32>, transpose_lhs_hint = false} : vector<32x512xf32>, vector<512x512xf32>, vector<32x512xf32> -> vector<32x512xf32>
    %mul3A_59 = arith.constant 2.500000e-01 : f32
    %mul3A_60 = vector.broadcast %mul3A_59 : f32 to vector<32x512xf32>
    %mul3A_61 = arith.mulf %dot_general3A_58, %mul3A_60 : vector<32x512xf32>
    %swap3A_62 = arith.constant 0 : index
    %swap3A_63 = arith.constant 0 : index
    %swap3A_64 = arith.constant 0 : index
    %swap3A_65 = vector.load %arg5[%swap3A_62, %swap3A_63, %swap3A_64] : memref<1x32x512xf32, #tpu.memory_space<vmem>>, vector<1x32x512xf32>
    %swap3A_66 = vector.shape_cast %swap3A_65 : vector<1x32x512xf32> to vector<32x512xf32>
    %swap3A_67 = vector.shape_cast %mul3A_61 : vector<32x512xf32> to vector<1x32x512xf32>
    tpu.vector_store %arg5[%swap3A_62, %swap3A_63, %swap3A_64], %swap3A_67 {strides = array<i32>} : memref<1x32x512xf32, #tpu.memory_space<vmem>>, vector<1x32x512xf32>,
    %get3A_68 = arith.constant 0 : index
    %get3A_69 = arith.constant 0 : index
    %get3A_70 = arith.constant 0 : index
    %get3A_71 = vector.load %arg3[%get3A_68, %get3A_69, %get3A_70] : memref<1x2048x8xf32, #tpu.memory_space<vmem>>, vector<1x2048x8xf32>
    %get3A_72 = vector.shape_cast %get3A_71 : vector<1x2048x8xf32> to vector<2048x8xf32>
    %broadcast_in_dim3A = arith.constant 0.000000e+00 : f32
    %broadcast_in_dim3A_73 = vector.broadcast %broadcast_in_dim3A : f32 to vector<2048x8xf32>
    %broadcast_in_dim3A_74 = arith.constant 1.000000e+00 : f32
    %broadcast_in_dim3A_75 = vector.broadcast %broadcast_in_dim3A_74 : f32 to vector<2048x16xf32>
    %broadcast_in_dim3A_76 = arith.constant 0.000000e+00 : f32
    %broadcast_in_dim3A_77 = vector.broadcast %broadcast_in_dim3A_76 : f32 to vector<2048x96xf32>
    %concatenate3A = tpu.concatenate %get3A_72, %broadcast_in_dim3A_73, %broadcast_in_dim3A_75, %broadcast_in_dim3A_77 in 1 : vector<2048x8xf32>, vector<2048x8xf32>, vector<2048x16xf32>, vector<2048x96xf32> -> vector<2048x128xf32>
    %swap3A_78 = arith.constant 0 : index
    %swap3A_79 = arith.constant 0 : index
    %swap3A_80 = arith.constant 0 : index
    %swap3A_81 = vector.load %arg6[%swap3A_78, %swap3A_79, %swap3A_80] : memref<1x2048x128xf32, #tpu.memory_space<vmem>>, vector<1x2048x128xf32>
    %swap3A_82 = vector.shape_cast %swap3A_81 : vector<1x2048x128xf32> to vector<2048x128xf32>
    %swap3A_83 = vector.shape_cast %concatenate3A : vector<2048x128xf32> to vector<1x2048x128xf32>
    tpu.vector_store %arg6[%swap3A_78, %swap3A_79, %swap3A_80], %swap3A_83 {strides = array<i32>} : memref<1x2048x128xf32, #tpu.memory_space<vmem>>, vector<1x2048x128xf32>,
    return
  }
  func.func @transform_0(%arg0: i32) -> (i32, i32, i32) {
    %c0_i32 = arith.constant 0 : i32
    %c0_i32_0 = arith.constant 0 : i32
    %c0_i32_1 = arith.constant 0 : i32
    return %arg0, %c0_i32, %c0_i32_0 : i32, i32, i32
  }
  func.func @transform_1(%arg0: i32) -> (i32, i32, i32) {
    %c0_i32 = arith.constant 0 : i32
    %c0_i32_0 = arith.constant 0 : i32
    %c0_i32_1 = arith.constant 0 : i32
    return %arg0, %c0_i32, %c0_i32_0 : i32, i32, i32
  }
  func.func @transform_2(%arg0: i32) -> (i32, i32, i32) {
    %c0_i32 = arith.constant 0 : i32
    %c0_i32_0 = arith.constant 0 : i32
    %c0_i32_1 = arith.constant 0 : i32
    return %arg0, %c0_i32, %c0_i32_0 : i32, i32, i32
  }
  func.func @transform_3(%arg0: i32) -> (i32, i32, i32) {
    %c0_i32 = arith.constant 0 : i32
    %c0_i32_0 = arith.constant 0 : i32
    %c0_i32_1 = arith.constant 0 : i32
    return %arg0, %c0_i32, %c0_i32_0 : i32, i32, i32
  }
  func.func @transform_4(%arg0: i32) -> (i32, i32, i32) {
    %c0_i32 = arith.constant 0 : i32
    %c0_i32_0 = arith.constant 0 : i32
    %c0_i32_1 = arith.constant 0 : i32
    return %arg0, %c0_i32, %c0_i32_0 : i32, i32, i32
  }
  func.func @transform_5(%arg0: i32) -> (i32, i32, i32) {
    %c0_i32 = arith.constant 0 : i32
    %c0_i32_0 = arith.constant 0 : i32
    %c0_i32_1 = arith.constant 0 : i32
    return %arg0, %c0_i32, %c0_i32_0 : i32, i32, i32
  }
}

module attributes {stable_mosaic.version = 14 : i64} {
  func.func @_tc_body(%arg0: i32, %arg1: memref<1x1024x2xf32, #tpu.memory_space<vmem>>, %arg2: memref<1x2x4096xf32, #tpu.memory_space<vmem>>, %arg3: memref<1x1x2048xi32, #tpu.memory_space<vmem>>, %arg4: memref<1x1x2048xi32, #tpu.memory_space<vmem>>) attributes {dimension_semantics = [#tpu.dimension_semantics<arbitrary>], iteration_bounds = array<i64: 4>, scalar_prefetch = 0 : i64, scratch_operands = 0 : i64, tpu.core_type = #tpu.core_type<tc>, window_params = [{transform_indices = @transform_0, window_bounds = array<i64: 1, 1024, 2>}, {transform_indices = @transform_1, window_bounds = array<i64: 1, 2, 4096>}, {transform_indices = @transform_2, window_bounds = array<i64: 1, 1, 2048>}, {transform_indices = @transform_3, window_bounds = array<i64: 1, 1, 2048>}]} {
    %get3A = arith.constant 0 : index
    %get3A_0 = arith.constant 0 : index
    %get3A_1 = arith.constant 0 : index
    %get3A_2 = vector.load %arg1[%get3A, %get3A_0, %get3A_1] : memref<1x1024x2xf32, #tpu.memory_space<vmem>>, vector<1x1024x2xf32>
    %get3A_3 = vector.shape_cast %get3A_2 : vector<1x1024x2xf32> to vector<1024x2xf32>
    %slice3A = vector.extract_strided_slice %get3A_3 {offsets = [0, 0], sizes = [1024, 1], strides = [1, 1]} : vector<1024x2xf32> to vector<1024x1xf32>
    %slice3A_4 = vector.extract_strided_slice %get3A_3 {offsets = [0, 1], sizes = [1024, 1], strides = [1, 1]} : vector<1024x2xf32> to vector<1024x1xf32>
    %get3A_5 = arith.constant 0 : index
    %get3A_6 = arith.constant 0 : index
    %get3A_7 = arith.constant 0 : index
    %get3A_8 = vector.load %arg2[%get3A_5, %get3A_6, %get3A_7] : memref<1x2x4096xf32, #tpu.memory_space<vmem>>, vector<1x2x4096xf32>
    %get3A_9 = vector.shape_cast %get3A_8 : vector<1x2x4096xf32> to vector<2x4096xf32>
    %slice3A_10 = vector.extract_strided_slice %get3A_9 {offsets = [0, 0], sizes = [1, 4096], strides = [1, 1]} : vector<2x4096xf32> to vector<1x4096xf32>
    %get3A_11 = arith.constant 0 : index
    %get3A_12 = arith.constant 0 : index
    %get3A_13 = arith.constant 0 : index
    %get3A_14 = vector.load %arg2[%get3A_11, %get3A_12, %get3A_13] : memref<1x2x4096xf32, #tpu.memory_space<vmem>>, vector<1x2x4096xf32>
    %get3A_15 = vector.shape_cast %get3A_14 : vector<1x2x4096xf32> to vector<2x4096xf32>
    %slice3A_16 = vector.extract_strided_slice %get3A_15 {offsets = [1, 0], sizes = [1, 4096], strides = [1, 1]} : vector<2x4096xf32> to vector<1x4096xf32>
    %sub3A = vector.broadcast %slice3A : vector<1024x1xf32> to vector<1024x4096xf32>
    %sub3A_17 = vector.broadcast %slice3A_10 : vector<1x4096xf32> to vector<1024x4096xf32>
    %sub3A_18 = arith.subf %sub3A, %sub3A_17 : vector<1024x4096xf32>
    %abs3A = math.absf %sub3A_18 : vector<1024x4096xf32>
    %sub3A_19 = vector.broadcast %slice3A_4 : vector<1024x1xf32> to vector<1024x4096xf32>
    %sub3A_20 = vector.broadcast %slice3A_16 : vector<1x4096xf32> to vector<1024x4096xf32>
    %sub3A_21 = arith.subf %sub3A_19, %sub3A_20 : vector<1024x4096xf32>
    %abs3A_22 = math.absf %sub3A_21 : vector<1024x4096xf32>
    %add3A = arith.addf %abs3A, %abs3A_22 : vector<1024x4096xf32>
    %argmin3A = tpu.reduce_index %add3A {axis = 0 : i32, kind = #tpu.reduction_kind<arg_min>} : vector<1024x4096xf32> -> vector<4096xi32>
    %broadcast_in_dim3A = vector.shape_cast %argmin3A : vector<4096xi32> to vector<1x4096xi32>
    %slice3A_23 = vector.extract_strided_slice %broadcast_in_dim3A {offsets = [0, 0], sizes = [1, 2048], strides = [1, 1]} : vector<1x4096xi32> to vector<1x2048xi32>
    %jit3A = arith.constant 2 : i32
    %eq3A = arith.constant 0 : i32
    %eq3A_24 = arith.cmpi eq, %jit3A, %eq3A : i32
    %jit3A_25 = arith.constant 1 : i32
    %select_n3A = arith.select %eq3A_24, %jit3A_25, %jit3A : i32
    %rem3A = arith.remsi %arg0, %select_n3A : i32
    %ne3A = arith.constant 0 : i32
    %ne3A_26 = arith.cmpi ne, %rem3A, %ne3A : i32
    %lt3A = arith.constant 0 : i32
    %lt3A_27 = arith.cmpi slt, %rem3A, %lt3A : i32
    %lt3A_28 = arith.constant 0 : i32
    %lt3A_29 = arith.cmpi slt, %select_n3A, %lt3A_28 : i32
    %ne3A_30 = arith.xori %lt3A_27, %lt3A_29 : i1
    %and3A = arith.andi %ne3A_30, %ne3A_26 : i1
    %add3A_31 = arith.addi %rem3A, %select_n3A : i32
    %select_n3A_32 = arith.select %and3A, %add3A_31, %rem3A : i32
    %mul3A = arith.constant 1024 : i32
    %mul3A_33 = arith.muli %select_n3A_32, %mul3A : i32
    %add3A_34 = vector.broadcast %mul3A_33 : i32 to vector<1x2048xi32>
    %add3A_35 = arith.addi %slice3A_23, %add3A_34 : vector<1x2048xi32>
    %swap3A = arith.constant 0 : index
    %swap3A_36 = arith.constant 0 : index
    %swap3A_37 = arith.constant 0 : index
    %swap3A_38 = vector.load %arg3[%swap3A, %swap3A_36, %swap3A_37] : memref<1x1x2048xi32, #tpu.memory_space<vmem>>, vector<1x1x2048xi32>
    %swap3A_39 = vector.shape_cast %swap3A_38 : vector<1x1x2048xi32> to vector<1x2048xi32>
    %swap3A_40 = vector.shape_cast %add3A_35 : vector<1x2048xi32> to vector<1x1x2048xi32>
    tpu.vector_store %arg3[%swap3A, %swap3A_36, %swap3A_37], %swap3A_40 {strides = array<i32>} : memref<1x1x2048xi32, #tpu.memory_space<vmem>>, vector<1x1x2048xi32>,
    %slice3A_41 = vector.extract_strided_slice %broadcast_in_dim3A {offsets = [0, 2048], sizes = [1, 2048], strides = [1, 1]} : vector<1x4096xi32> to vector<1x2048xi32>
    %mul3A_42 = arith.constant 1024 : i32
    %mul3A_43 = arith.muli %arg0, %mul3A_42 : i32
    %add3A_44 = vector.broadcast %mul3A_43 : i32 to vector<1x2048xi32>
    %add3A_45 = arith.addi %slice3A_41, %add3A_44 : vector<1x2048xi32>
    %swap3A_46 = arith.constant 0 : index
    %swap3A_47 = arith.constant 0 : index
    %swap3A_48 = arith.constant 0 : index
    %swap3A_49 = vector.load %arg4[%swap3A_46, %swap3A_47, %swap3A_48] : memref<1x1x2048xi32, #tpu.memory_space<vmem>>, vector<1x1x2048xi32>
    %swap3A_50 = vector.shape_cast %swap3A_49 : vector<1x1x2048xi32> to vector<1x2048xi32>
    %swap3A_51 = vector.shape_cast %add3A_45 : vector<1x2048xi32> to vector<1x1x2048xi32>
    tpu.vector_store %arg4[%swap3A_46, %swap3A_47, %swap3A_48], %swap3A_51 {strides = array<i32>} : memref<1x1x2048xi32, #tpu.memory_space<vmem>>, vector<1x1x2048xi32>,
    return
  }
  func.func @transform_0(%arg0: i32) -> (i32, i32, i32) {
    %c0_i32 = arith.constant 0 : i32
    %c0_i32_0 = arith.constant 0 : i32
    %c0_i32_1 = arith.constant 0 : i32
    return %arg0, %c0_i32, %c0_i32_0 : i32, i32, i32
  }
  func.func @transform_1(%arg0: i32) -> (i32, i32, i32) {
    %c0_i32 = arith.constant 0 : i32
    %c0_i32_0 = arith.constant 0 : i32
    %c0_i32_1 = arith.constant 0 : i32
    return %arg0, %c0_i32, %c0_i32_0 : i32, i32, i32
  }
  func.func @transform_2(%arg0: i32) -> (i32, i32, i32) {
    %c0_i32 = arith.constant 0 : i32
    %c0_i32_0 = arith.constant 0 : i32
    %c0_i32_1 = arith.constant 0 : i32
    return %arg0, %c0_i32, %c0_i32_0 : i32, i32, i32
  }
  func.func @transform_3(%arg0: i32) -> (i32, i32, i32) {
    %c0_i32 = arith.constant 0 : i32
    %c0_i32_0 = arith.constant 0 : i32
    %c0_i32_1 = arith.constant 0 : i32
    return %arg0, %c0_i32, %c0_i32_0 : i32, i32, i32
  }
}

</mosaic_0001>

<sc_bundles>
// kernel: kernel.5.cloned.1.call-start
scs
__scs_entry_jumppad:
0x0: {  	(pc) =	sbr.rel $0x88, $3  }
0x1: {  	(tag) =	ssettag $0x0;
	lr =	simm.s32 $0x1  }
0x2: {  	[smem:$0x3F9C] =	sst lr;
	_ =	strace $0xD0000000  }
0x3: {  	_ = 	snop  }
0x4: {  	_ = 	snop  }
0x5: {  	_ = 	snop  }
0x6: {  	_ = 	snop  }
0x7: {  	_ = 	snop  }
__scs_overlays_trampoline_lowered:
0x8: {  	[smem:$0x3FAB] =	sst s0  }
0x9: {  	[smem:$0x3FAC] =	sst s1  }
0xa: {  	[smem:$0x3FAD] =	sst s2  }
0xb: {  	[smem:$0x3FAE] =	sst s3  }
0xc: {  	[smem:$0x3FAF] =	sst s4  }
0xd: {  	[smem:$0x3FB0] =	sst s5  }
0xe: {  	[smem:$0x3FB1] =	sst s6  }
0xf: {  	[smem:$0x3FB2] =	sst s7  }
0x10: {  	[smem:$0x3FB3] =	sst s8  }
0x11: {  	[smem:$0x3FB4] =	sst s9;
	s0 =	simm.s32 @!p0 $0x0  }
0x12: {  	s1 =	sld [smem:$0x3F9A];
	s0 =	simm.s32 @p0 $0x1  }
0x13: {  	[smem:$0x3FB5] =	sst s0;
	s0 =	simm.s32 @!p1 $0x0  }
0x14: {  	s2 =	sld [smem:$0x3F99];
	s0 =	simm.s32 @p1 $0x1  }
0x15: {  	[smem:$0x3FB6] =	sst s0;
	s0 =	simm.s32 @!p2 $0x0  }
0x16: {  	s3 =	sld [smem:$0x3FDB];
	s0 =	simm.s32 @p2 $0x1  }
0x17: {  	s4 =	simm.s32 $0x1BF5;
	[smem:$0x3FB8] =	sst s0  }
0x18: {  	s0 =	sld [smem:$0x3F9B];
	_ =	swait.ge [sflag:s4], $0x0  }
0x19: {  	s7 =	sld [smem:$0x3F9C]  }
0x1a: {  	s8 =	sadd.s32 $0xFFFFE003, lr  }
0x1b: {  	s9 =	sadd.s32 $0xFFFFFEF7, lr;
	s5 =	simm.s32 $0xFFFFFFFF;
	p2 =	slt.u32 s8, $0xFFFFF086  }
0x1c: {  	p1 =	slt.u32 s9, $0xF7A;
	s5 =	simm.s32 @!p2 $0x0  }
0x1d: {  	s5 =	simm.s32 @p1 $0x1;
	p0 =	seq.s32 s7, s2  }
0x1e: {  	s7 =	smul.u32 @!p0 $0xF7A, s2;
	p2 =	seq.s32 @!p0 s5, $0x0  }
0x1f: {  	s9 =	smul.u32 $0xF7A, s1;
	s8 =	simm.s32 @!p0 $0x1BF5;
	p2 =	por !p2, p0  }
0x20: {  	[sflag:s8] =	ssyncset.s32 @!p0 $0xFFFFF086;
	s6 =	sadd.s32 @!p0 s3, s7;
	s7 =	simm.s32 @!p0 $0x108  }
0x21: {  	s3 =	sadd.s32 s3, s9;
	s6 =	sadd.s32 @!p0 $0x88, s6;
	s7 =	simm.s32 @p2 $0x1082  }
0x22: {  	[simem:s7], [sflag:s8] =	dma.local @!p0 [hbm:s6], $0xF7A  }
0x23: {  	s9 =	sor.u32 $0xD0000000, s2;
	s6 =	simm.s32 $0x108;
	_ =	swait.ge @!p0 [sflag:s8], $0x0  }
0x24: {  	s3 =	sadd.s32 $0x88, s3;
	s6 =	simm.s32 @!p1 $0x1082;
	[sflag:s4] =	ssyncset.s32 $0xFFFFF086  }
0x25: {  	[simem:s6], [sflag:s4] =	dma.local [hbm:s3], $0xF7A  }
0x26: {  	[smem:$0x3F9C] =	sst s1;
	(tag) =	ssettag s2;
	_ =	strace s9  }
0x27: {  	s1 =	sld [smem:$0x3FAC]  }
0x28: {  	s2 =	sld [smem:$0x3FAD]  }
0x29: {  	s4 =	sld [smem:$0x3FAF]  }
0x2a: {  	p0 =	seq.s32 s5, $0x0;
	s5 =	sld [smem:$0x3FB0]  }
0x2b: {  	s6 =	sld [smem:$0x3FB1]  }
0x2c: {  	s7 =	sld [smem:$0x3FB2]  }
0x2d: {  	s3 =	simm.s32 $0x108;
	s8 =	sld [smem:$0x3FB3]  }
0x2e: {  	s3 =	simm.s32 @!p0 $0x1082;
	s9 =	sld [smem:$0x3FB4]  }
0x2f: {  	lr =	sadd.s32 s0, s3;
	s0 =	sld [smem:$0x3FAB]  }
0x30: {  	s3 =	sld [smem:$0x3FAE]  }
0x31: {  	[smem:$0x3FB7] =	sst s10  }
0x32: {  	s10 =	sld [smem:$0x3FB5];
	_ =	sdelay $0x3  }
0x33: {  	p0 =	seq.s32 s10, $0x1;
	s10 =	sld [smem:$0x3FB7];
	_ =	sdelay $0x3  }
0x34: {  	[smem:$0x3FB7] =	sst s10  }
0x35: {  	s10 =	sld [smem:$0x3FB6];
	_ =	sdelay $0x3  }
0x36: {  	p1 =	seq.s32 s10, $0x1;
	s10 =	sld [smem:$0x3FB7];
	_ =	sdelay $0x3  }
0x37: {  	[smem:$0x3FB7] =	sst s10  }
0x38: {  	s10 =	sld [smem:$0x3FB8]  }
0x39: {  	_ = 	snop;
	(pc) =	sbr.ind lr, $3  }
0x3a: {  	_ = 	snop  }
0x3b: {  	_ = 	snop  }
0x3c: {  	p2 =	seq.s32 s10, $0x1;
	s10 =	sld [smem:$0x3FB7]  }
0x3d: {  	_ =	shalt  }
0x3e: {  	_ =	shalt  }
0x3f: {  	_ =	shalt  }
0x40: {  	_ =	shalt  }
0x41: {  	_ =	shalt  }
0x42: {  	_ =	shalt  }
0x43: {  	_ =	shalt  }
0x44: {  	_ =	shalt  }
0x45: {  	_ =	shalt  }
0x46: {  	_ =	shalt  }
0x47: {  	_ =	shalt  }
0x48: {  	_ =	shalt  }
0x49: {  	_ =	shalt  }
0x4a: {  	_ =	shalt  }
0x4b: {  	_ =	shalt  }
0x4c: {  	_ =	shalt  }
0x4d: {  	_ =	shalt  }
0x4e: {  	_ =	shalt  }
0x4f: {  	_ =	shalt  }
0x50: {  	_ =	shalt  }
0x51: {  	_ =	shalt  }
0x52: {  	_ =	shalt  }
0x53: {  	_ =	shalt  }
0x54: {  	_ =	shalt  }
0x55: {  	_ =	shalt  }
0x56: {  	_ =	shalt  }
0x57: {  	_ =	shalt  }
0x58: {  	_ =	shalt  }
0x59: {  	_ =	shalt  }
0x5a: {  	_ =	shalt  }
0x5b: {  	_ =	shalt  }
0x5c: {  	_ =	shalt  }
0x5d: {  	_ =	shalt  }
0x5e: {  	_ =	shalt  }
0x5f: {  	_ =	shalt  }
0x60: {  	_ =	shalt  }
0x61: {  	_ =	shalt  }
0x62: {  	_ =	shalt  }
0x63: {  	_ =	shalt  }
0x64: {  	_ =	shalt  }
0x65: {  	_ =	shalt  }
0x66: {  	_ =	shalt  }
0x67: {  	_ =	shalt  }
0x68: {  	_ =	shalt  }
0x69: {  	_ =	shalt  }
0x6a: {  	_ =	shalt  }
0x6b: {  	_ =	shalt  }
0x6c: {  	_ =	shalt  }
0x6d: {  	_ =	shalt  }
0x6e: {  	_ =	shalt  }
0x6f: {  	_ =	shalt  }
0x70: {  	_ =	shalt  }
0x71: {  	_ =	shalt  }
0x72: {  	_ =	shalt  }
0x73: {  	_ =	shalt  }
0x74: {  	_ =	shalt  }
0x75: {  	_ =	shalt  }
0x76: {  	_ =	shalt  }
0x77: {  	_ =	shalt  }
0x78: {  	_ =	shalt  }
0x79: {  	_ =	shalt  }
0x7a: {  	_ =	shalt  }
0x7b: {  	_ =	shalt  }
0x7c: {  	_ =	shalt  }
0x7d: {  	_ =	shalt  }
0x7e: {  	_ =	shalt  }
0x7f: {  	_ =	shalt  }
0x80: {  	_ =	shalt  }
0x81: {  	_ =	shalt  }
0x82: {  	_ =	shalt  }
0x83: {  	_ =	shalt  }
0x84: {  	_ =	shalt  }
0x85: {  	_ =	shalt  }
0x86: {  	_ =	shalt  }
0x87: {  	_ =	shalt  }
.Lfunc_end0:
.L_simem_size_0:
called_computation_lowered:
.L_overlay_start_0:
0x88: {  	s2 =	sld [smem:$0x3FD9]  }
0x89: {  	s3 =	sld [smem:$0x3FFE];
	_ =	sdelay $0x1  }
0x8a: {  	s1 =	srdreg.scid  }
0x8b: {  	s0 =	sand.u32 $0x1, s1  }
0x8c: {  	s17 =	sshll.u32 s0, $0xA;
	s2 =	sadd.s32 s3, s2  }
0x8d: {  	s2 =	sadd.s32 s2, s17  }
0x8e: {  	[smem:$0x3FC3] =	sst s2  }
0x8f: {  	_ = 	snop  }
0x90: {  	s2 =	sld [smem:$0x3FD0];
	(tm) =	ssettm $0x1  }
0x91: {  	s18 =	sld [smem:$0x3FFB];
	_ =	sdelay $0x3  }
0x92: {  	_ =	strace s18  }
0x93: {  	s3 =	sld [smem:$0x3FFC];
	_ =	sdelay $0x3  }
0x94: {  	_ =	strace s3  }
0x95: {  	s3 =	sld [smem:$0x3FFD];
	_ =	sdelay $0x3  }
0x96: {  	_ =	strace s3  }
0x97: {  	_ =	strace $0x8FFFFFFF  }
0x98: {  	s19 =	sld [smem:$0x3FDB];
	_ =	sdelay $0x1  }
0x99: {  	s4 =	simm.s32 $_scs_section_size  }
0x9a: {  	s5 =	simm.s32 $_size__tile_overlayer_lowered;
	s6 =	simm.s32 $_tile_overlayer_lowered  }
0x9b: {  	s22 =	simm.s32 $0x1BFF;
	s21 =	sshll.u32 s6, $0x1;
	s3 =	sadd.s32 s4, s19  }
0x9c: {  	s7 =	simm.s32 $0x0;
	s20 =	sshll.u32 s5, $0x1;
	s5 =	sadd.s32 s21, s3  }
0x9d: {  	[timem:s7], [sflag:s22] =	dma.local [hbm:s5], s20  }
0x9e: {  	_ =	swait.ge [sflag:s22], s20  }
0x9f: {  	s4 =	ssub.s32 $0x0, s20;
	[sflag:s22] =	ssyncset.done $0x0  }
0xa0: {  	[sflag:s22] =	ssyncadd.s32 s4;
	_ =	sdelay $0x1  }
0xa1: {  	s23 =	simm.s32 $0x1B8B  }
0xa2: {  	_ =	swait.ge [sflag:s23], $0x1  }
0xa3: {  	[sflag:s23] =	ssyncset.done $0x0  }
0xa4: {  	s25 =	simm.s32 $0x1B8E;
	s24 =	sld [smem:$0x3FFE];
	[sflag:s23] =	ssyncadd.s32 $0xFFFFFFFF  }
0xa5: {  	s26 =	simm.s32 $execute0_lowered;
	[smem:$0x3FD2] =	sst s25  }
0xa6: {  	s5 =	sshll.u32 s26, $0x1;
	_ =	strace $0x80000046;
	[dreg:$0x1] =	wrdreg $0xFFFFFFFF  }
0xa7: {  	s28 =	simm.s32 $_size_execute0_lowered;
	s3 =	sadd.s32 s3, s5;
	[dreg:$0x0] =	wrdreg $0x0  }
0xa8: {  	s5 =	sshll.u32 s28, $0x1;
	[dreg:$0x2] =	wrdreg s3  }
0xa9: {  	[dreg:$0x3] =	wrdreg s5  }
0xaa: {  	[dreg:$0x4] =	wrdreg $0xC0  }
0xab: {  	_ =	task [dreg:s7], $0x5FFFF  }
0xac: {  	[dreg:$0x1] =	wrdreg $0xFFFFFFFF  }
0xad: {  	[dreg:$0x0] =	wrdreg $0x60  }
0xae: {  	[dreg:$0x2] =	wrdreg s24  }
0xaf: {  	[dreg:$0x3] =	wrdreg s2  }
0xb0: {  	[dreg:$0x4] =	wrdreg $0x142000  }
0xb1: {  	[dreg:$0x5] =	wrdreg $0x9  }
0xb2: {  	_ =	task.clear_ibuf [dreg:s7], $0x6FFFF;
	_ =	strace $0x90000046  }
0xb3: {  	s29 =	simm.s32 $0x9;
	_ =	strace $0x80000048  }
0xb4: {  	_ =	swait.ge [sflag:s29], $0x1  }
0xb5: {  	[sflag:s29] =	ssyncadd.s32 $0xFFFFFFFF  }
0xb6: {  	_ =	strace $0x90000048  }
0xb7: {  	_ =	sfence  }
0xb8: {  	s30 =	sld [smem:$0x0];
	_ =	sdelay $0x2  }
0xb9: {  	s31 =	sshll.u32 s1, $0xD;
	s1 =	sshrl.u32 s1, $0x2  }
0xba: {  	s3 =	sand.u32 $0x4000, s31;
	s1 =	sadd.s32 s1, s30  }
0xbb: {  	s0 =	sor.u32 s3, s0;
	s1 =	sshll.u32 s1, $0x11  }
0xbc: {  	s0 =	sor.u32 s1, s0  }
0xbd: {  	s0 =	sadd.s32 $0x8F2B, s0  }
0xbe: {  	[sflag:s0] =	ssyncadd.remote.s32 $0x1  }
0xbf: {  	_ =	sfence.sel $0xFFFF  }
0xc0: {  	[dreg:$0x0] =	wrdreg $0xFFFFFFFF;
	(pc) =	sbr.abs _section_cstart, $3  }
0xc1: {  	[dreg:$0x1] =	wrdreg $0xFFFFFFFF  }
0xc2: {  	_ =	task.clear_ibuf [dreg:s7], $0x2FFFF;
	_ =	strace $0x9FFFFFFF  }
0xc3: {  	(tm) =	ssettm $0x7FFFFFFF  }
tec
execute0_lowered:
.L_overlay_start_1:
0x0: {  	(tag) =	ssettag $0x1  }
0x1: {  	s4 =	rddreg [dreg:$0x0]  }
0x2: {  	s10 =	rddreg [dreg:$0x1]  }
0x3: {  	s1 =	rddreg [dreg:$0x2]  }
0x4: {  	s3 =	simm.s32 $0x0;
	s2 =	stileid.u32;
	s5 =	srdreg.scid  }
0x5: {  	s28 =	simm.s32 $0xA100;
	s29 =	simm.s32 $0xC200;
	s30 =	simm.s32 $0x10200  }
0x6: {  	[smem:$0x7FF] =	sst s3;
	s8 =	sadd.s32 $0x31600, s4;
	s12 =	sadd.s32 $0x1600, s4  }
0x7: {  	s6 =	sshll.u32 s2, $0xA;
	s9 =	sand.u32 $0x1, s5;
	s11 =	sadd.s32 $0x21600, s4  }
0x8: {  	s16 =	sadd.s32 $0x45A00, s4;
	s13 =	sshll.u32 s2, $0xD;
	s26 =	sshll.u32 s2, $0x9  }
0x9: {  	s15 =	sshll.u32 s2, $0x6;
	s23 =	sshll.u32 s2, $0xE;
	_ =	strace $0x80000047  }
0xa: {  	s6 =	sadd.s32 s6, s4;
	s5 =	ssub.s32 $0x2, s9;
	s4 =	sadd.s32 $0x35A00, s4  }
0xb: {  	s14 =	sshll.u32 s9, $0x8;
	s18 =	sshll.u32 s9, $0x12;
	s19 =	sshllo.u32 s9, $0x1  }
0xc: {  	s9 =	sshll.u32 s9, $0x13;
	s7 =	sshrl.u32 s5, $0x1;
	s6 =	sadd.s32 $0x31A00, s6  }
0xd: {  	s14 =	sor.u32 s14, s26;
	s18 =	sor.u32 s13, s18;
	s21 =	sshll.u32 s19, $0x7  }
0xe: {  	s22 =	sshll.u32 s19, $0x11;
	s25 =	sor.u32 s23, s9;
	s19 =	sshll.u32 s19, $0x12  }
0xf: {  	s17 =	ssub.s32 s5, s7;
	s5 =	sadd.s32 s13, s1;
	s14 =	sshrl.u32 s14, $0x3  }
0x10: {  	s18 =	sshrl.u32 s18, $0x3;
	s7 =	sor.u32 s26, s21;
	s13 =	sor.u32 s13, s22  }
0x11: {  	s26 =	sshrl.u32 s25, $0x3;
	s22 =	simm.s32 $0xC180;
	s25 =	simm.s32 $0x2  }
0x12: {  	s20 =	sadd.s32 s8, s14;
	s31 =	sadd.s32 s11, s18;
	s14 =	sadd.s32 s10, s14  }
0x13: {  	s0 =	sshrl.u32 s7, $0x3;
	s7 =	sor.u32 $0x1C01, s15;
	s24 =	sshrl.u32 s13, $0x3  }
0x14: {  	s13 =	sadd.s32 s4, s18;
	s15 =	sadd.s32 s16, s26;
	[dreg:$0x4] =	wrdreg s20  }
0x15: {  	s17 =	smax.u32 s17, $0x1;
	s18 =	simm.s32 $0x6100;
	[dreg:$0x5] =	wrdreg s31  }
0x16: {  	[dreg:$0x6] =	wrdreg s14;
	s21 =	sadd.s32 s8, s0;
	s8 =	sadd.s32 $0x20000, s5  }
0x17: {  	s9 =	sadd.s32 s11, s24;
	s31 =	sor.u32 s23, s19;
	s10 =	sadd.s32 s10, s0  }
0x18: {  	s11 =	sadd.s32 s12, s26;
	s14 =	sadd.s32 s4, s24;
	s20 =	simm.s32 $0x80  }
0x19: {  	s23 =	simm.s32 $0x100;
	s24 =	simm.s32 $0x1;
	s26 =	simm.s32 $0x4100  }
0x1a: {  	[dreg:$0x7] =	wrdreg s21;
	s19 =	sshrl.u32 s31, $0x3;
	s21 =	simm.s32 $0x8100  }
0x1b: {  	s12 =	sadd.s32 s12, s19;
	s16 =	sadd.s32 s16, s19;
	s19 =	simm.s32 $0xC100  }
.LBB2_1:
0x1c: {  	s31 =	sshrl.u32 s5, $0x3  }
0x1d: {  	[spmem:s31], [sflag:s7] =	dma.local [hbm:s6], $0x400  }
0x1e: {  	s31 =	rddreg [dreg:$0x4]  }
0x1f: {  	[tilespmem:s3], [sflag:$0x1] =	stream.linear.gather [hbm4b:s31+s3], $0x80, $0x38;
	[tilespmem:$0x18200] =	vst v63  }
0x20: {  	s0 =	rddreg [dreg:$0x5]  }
0x21: {  	[tilespmem:s18], [sflag:$0x1] =	stream.linear.gather [hbm4b:s0+s3], $0x2000, $0x38;
	[tilespmem:$0x18200] =	vst v63  }
0x22: {  	s31 =	rddreg [dreg:$0x6]  }
0x23: {  	[tilespmem:s19], [sflag:$0x1] =	stream.linear.gather [hbm4b:s31+s3], $0x80, $0x38;
	[tilespmem:$0x18200] =	vst v63  }
0x24: {  	s31 =	sshrl.u32 s8, $0x3  }
0x25: {  	[spmem:s31], [sflag:s7] =	dma.local [hbm:s6], $0x400  }
0x26: {  	s0 =	rddreg [dreg:$0x7]  }
0x27: {  	[tilespmem:s20], [sflag:$0x1] =	stream.linear.gather [hbm4b:s0+s3], $0x80, $0x38;
	[tilespmem:$0x18200] =	vst v63  }
0x28: {  	_ = 	snop  }
0x29: {  	[tilespmem:s21], [sflag:$0x1] =	stream.linear.gather [hbm4b:s9+s3], $0x2000, $0x38;
	[tilespmem:$0x18200] =	vst v63  }
0x2a: {  	_ = 	snop  }
0x2b: {  	[tilespmem:s22], [sflag:$0x1] =	stream.linear.gather [hbm4b:s10+s3], $0x80, $0x38;
	[tilespmem:$0x18200] =	vst v63  }
0x2c: {  	_ = 	snop  }
0x2d: {  	[tilespmem:s23], [sflag:$0x1] =	stream.linear.gather [hbm4b:s11+s3], $0x4000, $0x38;
	[tilespmem:$0x18200] =	vst v63  }
0x2e: {  	_ =	swait.ge [sflag:s24], $0x400  }
0x2f: {  	[sflag:s24] =	ssyncset.done $0x0  }
0x30: {  	[sflag:s24] =	ssyncadd.s32 $0xFFFFFC00  }
0x31: {  	_ =	swait.ge [sflag:s24], $0x80  }
0x32: {  	[sflag:s24] =	ssyncset.done $0x0  }
0x33: {  	[sflag:s24] =	ssyncadd.s32 $0xFFFFFF80  }
0x34: {  	_ =	swait.ge [sflag:s24], $0x2000  }
0x35: {  	[sflag:s24] =	ssyncset.done $0x0  }
0x36: {  	[sflag:s24] =	ssyncadd.s32 $0xFFFFE000  }
0x37: {  	_ =	swait.ge [sflag:s24], $0x80  }
0x38: {  	[sflag:s24] =	ssyncset.done $0x0  }
0x39: {  	[sflag:s24] =	ssyncadd.s32 $0xFFFFFF80  }
0x3a: {  	_ =	swait.ge [sflag:s24], $0x400  }
0x3b: {  	[sflag:s24] =	ssyncset.done $0x0  }
0x3c: {  	[sflag:s24] =	ssyncadd.s32 $0xFFFFFC00  }
0x3d: {  	_ =	swait.ge [sflag:s24], $0x80  }
0x3e: {  	[sflag:s24] =	ssyncset.done $0x0  }
0x3f: {  	[sflag:s24] =	ssyncadd.s32 $0xFFFFFF80  }
0x40: {  	_ =	swait.ge [sflag:s24], $0x2000  }
0x41: {  	[sflag:s24] =	ssyncset.done $0x0  }
0x42: {  	[sflag:s24] =	ssyncadd.s32 $0xFFFFE000  }
0x43: {  	_ =	swait.ge [sflag:s24], $0x80  }
0x44: {  	[sflag:s24] =	ssyncset.done $0x0  }
0x45: {  	[sflag:s24] =	ssyncadd.s32 $0xFFFFFF80  }
0x46: {  	_ =	swait.ge [sflag:s24], $0x4000  }
0x47: {  	[sflag:s24] =	ssyncset.done $0x0  }
0x48: {  	[sflag:s24] =	ssyncadd.s32 $0xFFFFC000  }
0x49: {  	[bflag:$0x0] =	sbarrier.arrive $0xFFFF  }
0x4a: {  	[spmem:s1] =	stream.indirect.scatter.add.f32 [tilespmem:s23], [sflag:$0x2], $0x80, s3, s20, $0xb8;
	[tilespmem:$0x18200] =	vst v63  }
0x4b: {  	_ =	swait.ge [sflag:s25], $0x4000  }
0x4c: {  	[sflag:s25] =	ssyncset.done $0x0  }
0x4d: {  	[sflag:s25] =	ssyncadd.s32 $0xFFFFC000  }
0x4e: {  	[tilespmem:s23], [sflag:$0x2] =	stream.linear.gather [hbm4b:s12+s3], $0x4000, $0x38;
	[tilespmem:$0x18200] =	vst v63  }
0x4f: {  	_ =	swait.ge [sflag:s25], $0x4000  }
0x50: {  	[sflag:s25] =	ssyncset.done $0x0  }
0x51: {  	[sflag:s25] =	ssyncadd.s32 $0xFFFFC000  }
0x52: {  	[spmem:s1] =	stream.indirect.scatter.add.f32 [tilespmem:s23], [sflag:$0x2], $0x80, s20, s20, $0xb8;
	[tilespmem:$0x18200] =	vst v63  }
0x53: {  	_ =	swait.ge [sflag:s25], $0x4000  }
0x54: {  	[sflag:s25] =	ssyncset.done $0x0  }
0x55: {  	[sflag:s25] =	ssyncadd.s32 $0xFFFFC000  }
0x56: {  	[bflag:$0x0] =	sbarrier.arrive $0xFFFF  }
0x57: {  	[tilespmem:s26], [sflag:$0x2] =	stream.linear.gather [spmem:s5], $0x2000, $0x38;
	[tilespmem:$0x18200] =	vst v63  }
0x58: {  	_ =	swait.ge [sflag:s25], $0x2000  }
0x59: {  	[sflag:s25] =	ssyncset.done $0x0  }
0x5a: {  	[sflag:s25] =	ssyncadd.s32 $0xFFFFE000  }
0x5b: {  	v14 =	vld [tilespmem:$0x4100]  }
0x5c: {  	v8 =	vld [tilespmem:$0x4110]  }
0x5d: {  	v15 =	vld [tilespmem:$0x6100]  }
0x5e: {  	v21 =	vld [tilespmem:$0x4180]  }
0x5f: {  	v6 =	vld [tilespmem:$0x4190]  }
0x60: {  	v23 =	vld [tilespmem:$0x6180]  }
0x61: {  	v24 =	vld [tilespmem:$0x4200]  }
0x62: {  	v7 =	vld [tilespmem:$0x4210]  }
0x63: {  	v29 =	vld [tilespmem:$0x6200]  }
0x64: {  	v30 =	vld [tilespmem:$0x4280]  }
0x65: {  	v9 =	vld [tilespmem:$0x4290]  }
0x66: {  	v31 =	vld [tilespmem:$0x6280]  }
0x67: {  	v56 =	vld [tilespmem:$0x4300]  }
0x68: {  	v10 =	vld [tilespmem:$0x4310]  }
0x69: {  	v57 =	vld [tilespmem:$0x6300]  }
0x6a: {  	v58 =	vld [tilespmem:$0x4380]  }
0x6b: {  	v47 =	vld [tilespmem:$0x4390]  }
0x6c: {  	v59 =	vld [tilespmem:$0x6380]  }
0x6d: {  	v60 =	vld [tilespmem:$0x4400]  }
0x6e: {  	v53 =	vld [tilespmem:$0x4410]  }
0x6f: {  	v61 =	vld [tilespmem:$0x6400]  }
0x70: {  	v62 =	vld [tilespmem:$0x4480]  }
0x71: {  	v63 =	vld [tilespmem:$0x4490]  }
0x72: {  	v19 =	vld [tilespmem:$0x6480]  }
0x73: {  	v26 =	vld [tilespmem:$0x4500]  }
0x74: {  	v0 =	vld [tilespmem:$0x4510]  }
0x75: {  	v22 =	vld [tilespmem:$0x6500]  }
0x76: {  	v20 =	vld [tilespmem:$0x4580]  }
0x77: {  	v1 =	vld [tilespmem:$0x4590]  }
0x78: {  	v17 =	vld [tilespmem:$0x6580]  }
0x79: {  	v28 =	vld [tilespmem:$0x4600]  }
0x7a: {  	v2 =	vld [tilespmem:$0x4610]  }
0x7b: {  	v38 =	vld [tilespmem:$0x6600]  }
0x7c: {  	v48 =	vld [tilespmem:$0x4680]  }
0x7d: {  	v3 =	vld [tilespmem:$0x4690]  }
0x7e: {  	v51 =	vld [tilespmem:$0x6680]  }
0x7f: {  	v34 =	vld [tilespmem:$0x4700]  }
0x80: {  	v4 =	vld [tilespmem:$0x4710]  }
0x81: {  	v49 =	vld [tilespmem:$0x6700]  }
0x82: {  	v50 =	vld [tilespmem:$0x4780]  }
0x83: {  	v5 =	vld [tilespmem:$0x4790]  }
0x84: {  	v54 =	vld [tilespmem:$0x6780]  }
0x85: {  	v32 =	vld [tilespmem:$0x4800]  }
0x86: {  	v11 =	vld [tilespmem:$0x4810]  }
0x87: {  	v41 =	vld [tilespmem:$0x6800]  }
0x88: {  	v35 =	vld [tilespmem:$0x4880]  }
0x89: {  	v12 =	vld [tilespmem:$0x4890]  }
0x8a: {  	v40 =	vld [tilespmem:$0x6880]  }
0x8b: {  	v36 =	vld [tilespmem:$0x4900]  }
0x8c: {  	v13 =	vld [tilespmem:$0x4910]  }
0x8d: {  	v39 =	vld [tilespmem:$0x6900]  }
0x8e: {  	v33 =	vld [tilespmem:$0x4980]  }
0x8f: {  	v16 =	vld [tilespmem:$0x4990]  }
0x90: {  	v37 =	vld [tilespmem:$0x6980]  }
0x91: {  	v18 =	vld [tilespmem:$0x4A00]  }
0x92: {  	v25 =	vld [tilespmem:$0x6A00]  }
0x93: {  	v43 =	vld [tilespmem:$0x4A80]  }
0x94: {  	v27 =	vld [tilespmem:$0x6A80]  }
0x95: {  	v44 =	vld [tilespmem:$0x4B00]  }
0x96: {  	v42 =	vld [tilespmem:$0x6B00]  }
0x97: {  	v45 =	vld [tilespmem:$0x4B80]  }
0x98: {  	v55 =	vld [tilespmem:$0x4B90]  }
0x99: {  	v52 =	vld [tilespmem:$0x4C00]  }
0x9a: {  	v46 =	vld [tilespmem:$0x6B80]  }
0x9b: {  	[tilespmem:$0x1FB30] =	vst v18;
	v18 =	vld [tilespmem:$0x4A10]  }
0x9c: {  	[tilespmem:$0x1FB40] =	vst v25;
	v25 =	vld [tilespmem:$0x4A90]  }
0x9d: {  	[tilespmem:$0x1FB60] =	vst v27;
	v27 =	vld [tilespmem:$0x4B10]  }
0x9e: {  	[tilespmem:$0x1FBB0] =	vst v52;
	v52 =	vld [tilespmem:$0x4C10]  }
0x9f: {  	[tilespmem:$0x1FB90] =	vst v45;
	v45 =	vld [tilespmem:$0x6C00]  }
0xa0: {  	[tilespmem:$0x1FBA0] =	vst v46;
	v46 =	vld [tilespmem:$0x4C80]  }
0xa1: {  	[tilespmem:$0x1FB80] =	vst v42;
	v42 =	vld [tilespmem:$0x6D00]  }
0xa2: {  	[tilespmem:$0x1FB50] =	vst v43;
	v43 =	vld [tilespmem:$0x4D90]  }
0xa3: {  	[tilespmem:$0x1FB70] =	vst v44;
	v44 =	vadd.f32 $1.000000000e+00, v6;
	v6 =	vld [tilespmem:$0x6E00]  }
0xa4: {  	v8 =	vadd.f32 $1.000000000e+00, v8;
	v34 =	vadd.f32 v49, v34;
	v49 =	vld [tilespmem:$0x5210]  }
0xa5: {  	v35 =	vadd.f32 v40, v35;
	v40 =	vld [tilespmem:$0x7280]  }
0xa6: {  	v7 =	vadd.f32 $1.000000000e+00, v7;
	(erf) = vrcp.f32 v8;
	v8 =	vld [tilespmem:$0x4E80]  }
0xa7: {  	(erf) = vrcp.f32 v44;
	v44 =	vld [tilespmem:$0x4E90]  }
0xa8: {  	(erf) = vrcp.f32 v7;
	v7 =	vadd.f32 $1.000000000e+00, v10;
	v10 =	vld [tilespmem:$0x6E80]  }
0xa9: {  	[tilespmem:$0x1FBD0] =	vst v46;
	v46 =	vld [tilespmem:$0x4C90]  }
0xaa: {  	v9 =	vadd.f32 $1.000000000e+00, v9;
	[tilespmem:$0x1FBC0] =	vst v45;
	v45 =	vld [tilespmem:$0x6C80]  }
0xab: {  	[tilespmem:$0x1FC00] =	vst v42;
	v42 =	vld [tilespmem:$0x4D80]  }
0xac: {  	(erf) = vrcp.f32 v9;
	v9 =	vadd.f32 $1.000000000e+00, v47;
	v47 =	vld [tilespmem:$0x4F00]  }
0xad: {  	v53 =	vadd.f32 $1.000000000e+00, v53;
	(erf) = vrcp.f32 v7;
	v7 =	vld [tilespmem:$0x6F00]  }
0xae: {  	v63 =	vadd.f32 $1.000000000e+00, v63;
	(erf) = vrcp.f32 v9;
	v9 =	vld [tilespmem:$0x4F80]  }
0xaf: {  	(erf) = vrcp.f32 v53;
	v53 =	vld [tilespmem:$0x4F90]  }
0xb0: {  	(erf) = vrcp.f32 v63;
	v63 =	vadd.f32 v15, v14;
	v14 =	vld [tilespmem:$0x6F80]  }
0xb1: {  	v15 =	vld [tilespmem:$0x5000]  }
0xb2: {  	v8 =	vadd.f32 v10, v8;
	v10 =	vld [tilespmem:$0x7500]  }
0xb3: {  	v0 =	vadd.f32 $1.000000000e+00, v0;
	[tilespmem:$0x1FBE0] =	vst v45;
	v45 =	vld [tilespmem:$0x4D00]  }
0xb4: {  	v1 =	vadd.f32 $1.000000000e+00, v1;
	[tilespmem:$0x1FC10] =	vst v42;
	v42 =	vld [tilespmem:$0x6D80]  }
0xb5: {  	[tilespmem:$0x1FC40] =	vst v47;
	v47 =	vld [tilespmem:$0x4F10];
	(erf) = vrcp.f32 v0;
	v0 =	vadd.f32 $1.000000000e+00, v2;
	v2 =	vadd.f32 v23, v21;
	v21 =	vpop (erf)  }
0xb6: {  	(erf) = vrcp.f32 v1;
	v1 =	vadd.f32 $1.000000000e+00, v3;
	v3 =	vmul.f32 v21, v63;
	v63 =	vld [tilespmem:$0x5010]  }
0xb7: {  	(erf) = vrcp.f32 v0;
	v0 =	vadd.f32 $1.000000000e+00, v4;
	v23 =	vpop (erf);
	v21 =	vld [tilespmem:$0x7000]  }
0xb8: {  	v2 =	vmul.f32 v23, v2;
	(erf) = vrcp.f32 v1;
	v1 =	vadd.f32 $1.000000000e+00, v5;
	v23 =	vld [tilespmem:$0x5080]  }
0xb9: {  	v5 =	vadd.f32 v29, v24;
	v29 =	vadd.f32 v57, v56;
	v56 =	vld [tilespmem:$0x5090]  }
0xba: {  	v24 =	vadd.f32 v31, v30;
	v30 =	vld [tilespmem:$0x7080]  }
0xbb: {  	v31 =	vadd.f32 v59, v58;
	v58 =	vld [tilespmem:$0x5110]  }
0xbc: {  	v4 =	vpop (erf);
	[tilespmem:$0x1FBF0] =	vst v45;
	v45 =	vld [tilespmem:$0x4D10]  }
0xbd: {  	(erf) = vrcp.f32 v0;
	[tilespmem:$0x1FC20] =	vst v42;
	v42 =	vld [tilespmem:$0x4E00];
	v0 =	vpop (erf)  }
0xbe: {  	[tilespmem:$0xA180] =	vst v2;
	v2 =	vld [tilespmem:$0x5490];
	(erf) = vrcp.f32 v1;
	v1 =	vpop (erf)  }
0xbf: {  	v0 =	vmul.f32 v0, v24;
	v24 =	vld [tilespmem:$0x5100];
	v59 =	vpop (erf)  }
0xc0: {  	v4 =	vmul.f32 v4, v5;
	v5 =	vadd.f32 $1.000000000e+00, v11;
	v11 =	vmul.f32 v59, v31;
	v31 =	vld [tilespmem:$0x7100]  }
0xc1: {  	v61 =	vadd.f32 v61, v60;
	v59 =	vadd.f32 v38, v28;
	v38 =	vld [tilespmem:$0x7180]  }
0xc2: {  	v12 =	vadd.f32 $1.000000000e+00, v12;
	v1 =	vmul.f32 v1, v29;
	v29 =	vpop (erf);
	v28 =	vld [tilespmem:$0x5200]  }
0xc3: {  	v19 =	vadd.f32 v19, v62;
	v17 =	vadd.f32 v17, v20;
	[tilespmem:$0x1FC30] =	vst v42;
	v42 =	vld [tilespmem:$0x4E10];
	v20 =	vmul.f32 v29, v61  }
0xc4: {  	v22 =	vadd.f32 v22, v26;
	(erf) = vrcp.f32 v5;
	v62 =	vpop (erf);
	v29 =	vld [tilespmem:$0x5180]  }
0xc5: {  	v13 =	vadd.f32 $1.000000000e+00, v13;
	(erf) = vrcp.f32 v12;
	v26 =	vpop (erf);
	[tilespmem:$0xA400] =	vst v20;
	v20 =	vld [tilespmem:$0x5390]  }
0xc6: {  	v57 =	vpop (erf);
	v12 =	vmul.f32 v26, v22;
	v26 =	vadd.f32 $1.000000000e+00, v43;
	v43 =	vadd.f32 $1.000000000e+00, v44;
	v44 =	vld [tilespmem:$0x1FB30]  }
0xc7: {  	v16 =	vadd.f32 $1.000000000e+00, v16;
	v60 =	vadd.f32 v51, v48;
	v5 =	vmul.f32 v62, v19;
	v22 =	vld [tilespmem:$0x5400];
	v19 =	vpop (erf)  }
0xc8: {  	v18 =	vadd.f32 $1.000000000e+00, v18;
	(erf) = vrcp.f32 v13;
	v17 =	vmul.f32 v57, v17;
	v57 =	vld [tilespmem:$0x5190];
	v61 =	vpop (erf)  }
0xc9: {  	(erf) = vrcp.f32 v16;
	v13 =	vmul.f32 v61, v60;
	v61 =	vadd.f32 v41, v32;
	v32 =	vld [tilespmem:$0x5280]  }
0xca: {  	(erf) = vrcp.f32 v18;
	v18 =	vld [tilespmem:$0x5310]  }
0xcb: {  	v15 =	vadd.f32 v21, v15;
	v21 =	vadd.f32 v38, v29;
	v29 =	vld [tilespmem:$0x5790]  }
0xcc: {  	v62 =	vadd.f32 v54, v50;
	v19 =	vmul.f32 v19, v59;
	v54 =	vpop (erf);
	v38 =	vld [tilespmem:$0x5890]  }
0xcd: {  	v16 =	vmul.f32 v54, v34;
	v34 =	vld [tilespmem:$0x7200]  }
0xce: {  	v60 =	vadd.f32 $1.000000000e+00, v25;
	v59 =	vpop (erf);
	[tilespmem:$0xA600] =	vst v19;
	v19 =	vld [tilespmem:$0x5410]  }
0xcf: {  	v48 =	vmul.f32 v59, v62;
	v62 =	vadd.f32 $1.000000000e+00, v27;
	v27 =	vld [tilespmem:$0x5290]  }
0xd0: {  	(erf) = vrcp.f32 v60;
	v60 =	vadd.f32 v39, v36;
	v36 =	vld [tilespmem:$0x5380]  }
0xd1: {  	v51 =	vpop (erf);
	v39 =	vld [tilespmem:$0x7480]  }
0xd2: {  	[tilespmem:$0xA100] =	vst v3;
	v3 =	vmul.f32 v51, v61;
	v61 =	vadd.f32 $1.000000000e+00, v45;
	v45 =	vld [tilespmem:$0x1FB40]  }
0xd3: {  	v50 =	vadd.f32 $1.000000000e+00, v55;
	v55 =	vpop (erf);
	v51 =	vld [tilespmem:$0x1FB60]  }
0xd4: {  	[tilespmem:$0xA280] =	vst v0;
	v0 =	vmul.f32 v55, v35;
	v35 =	vld [tilespmem:$0x5300]  }
0xd5: {  	(erf) = vrcp.f32 v62;
	v62 =	vadd.f32 v37, v33;
	v33 =	vld [tilespmem:$0x7300]  }
0xd6: {  	[tilespmem:$0xA780] =	vst v48;
	v48 =	vld [tilespmem:$0x1FBE0]  }
0xd7: {  	v54 =	vadd.f32 $1.000000000e+00, v52;
	(erf) = vrcp.f32 v50;
	v25 =	vpop (erf);
	v50 =	vld [tilespmem:$0x1FB50]  }
0xd8: {  	[tilespmem:$0xA300] =	vst v1;
	v59 =	vadd.f32 $1.000000000e+00, v46;
	v1 =	vmul.f32 v25, v60;
	v25 =	vld [tilespmem:$0x7400]  }
0xd9: {  	(erf) = vrcp.f32 v54;
	v60 =	vld [tilespmem:$0x1FB80]  }
0xda: {  	(erf) = vrcp.f32 v59;
	v59 =	vld [tilespmem:$0x1FB70]  }
0xdb: {  	(erf) = vrcp.f32 v61;
	v61 =	vld [tilespmem:$0x1FB90]  }
0xdc: {  	[tilespmem:$0xA380] =	vst v11;
	v11 =	vadd.f32 v45, v44;
	v44 =	vld [tilespmem:$0x1FBB0]  }
0xdd: {  	v45 =	vld [tilespmem:$0x1FBC0]  }
0xde: {  	v42 =	vadd.f32 $1.000000000e+00, v42;
	v41 =	vpop (erf);
	(erf) = vrcp.f32 v26;
	v26 =	vld [tilespmem:$0x7380]  }
0xdf: {  	[tilespmem:$0xA480] =	vst v5;
	v46 =	vadd.f32 $1.000000000e+00, v47;
	v5 =	vmul.f32 v41, v62;
	v47 =	vpop (erf);
	v62 =	vld [tilespmem:$0x1FBA0]  }
0xe0: {  	[tilespmem:$0xA500] =	vst v12;
	(erf) = vrcp.f32 v42;
	v12 =	vmul.f32 v47, v11;
	v11 =	vld [tilespmem:$0x5480]  }
0xe1: {  	[tilespmem:$0xA580] =	vst v17;
	v52 =	vadd.f32 $1.000000000e+00, v53;
	v47 =	vld [tilespmem:$0x1FBD0];
	(erf) = vrcp.f32 v43  }
0xe2: {  	[tilespmem:$0xA700] =	vst v16;
	v17 =	vadd.f32 v51, v50;
	v53 =	vpop (erf);
	(erf) = vrcp.f32 v46;
	v16 =	vadd.f32 v60, v59;
	v60 =	vld [tilespmem:$0x1FC30]  }
0xe3: {  	v54 =	vadd.f32 $1.000000000e+00, v63;
	v55 =	vpop (erf);
	(erf) = vrcp.f32 v52;
	v52 =	vadd.f32 $1.000000000e+00, v58;
	v58 =	vld [tilespmem:$0x1FC20]  }
0xe4: {  	[tilespmem:$0xA680] =	vst v13;
	v13 =	vmul.f32 v53, v17;
	v50 =	vmul.f32 v55, v16;
	v55 =	vld [tilespmem:$0x1FBF0]  }
0xe5: {  	v56 =	vadd.f32 $1.000000000e+00, v56;
	(erf) = vrcp.f32 v54;
	v54 =	vadd.f32 $1.000000000e+00, v57;
	v57 =	vld [tilespmem:$0x1FC10]  }
0xe6: {  	v63 =	vpop (erf);
	[tilespmem:$0xAA80] =	vst v13;
	v13 =	vld [tilespmem:$0x5600]  }
0xe7: {  	v46 =	vpop (erf);
	(erf) = vrcp.f32 v56;
	v56 =	vld [tilespmem:$0x1FC00]  }
0xe8: {  	v37 =	vadd.f32 v62, v61;
	v42 =	vadd.f32 v48, v47;
	v47 =	vld [tilespmem:$0x5590]  }
0xe9: {  	v48 =	vld [tilespmem:$0x1FC40]  }
0xea: {  	[tilespmem:$0xA200] =	vst v4;
	v4 =	vadd.f32 v45, v44;
	v16 =	vmul.f32 v63, v37;
	v37 =	vld [tilespmem:$0x5510]  }
0xeb: {  	v51 =	vpop (erf);
	v63 =	vadd.f32 $1.000000000e+00, v49;
	v49 =	vadd.f32 v14, v9;
	v14 =	vld [tilespmem:$0x7580]  }
0xec: {  	[tilespmem:$0xA880] =	vst v0;
	v0 =	vmul.f32 v46, v4;
	v4 =	vmul.f32 v51, v42;
	v42 =	vld [tilespmem:$0x5500]  }
0xed: {  	[tilespmem:$0xA980] =	vst v5;
	v5 =	vadd.f32 v6, v60;
	v60 =	vadd.f32 v31, v24;
	v31 =	vld [tilespmem:$0x5810]  }
0xee: {  	v53 =	vpop (erf);
	[tilespmem:$0xAB80] =	vst v16;
	v16 =	vld [tilespmem:$0x7600]  }
0xef: {  	v59 =	vpop (erf);
	(erf) = vrcp.f32 v52;
	v52 =	vadd.f32 v30, v23;
	v23 =	vld [tilespmem:$0x5710]  }
0xf0: {  	v43 =	vadd.f32 v58, v57;
	v57 =	vld [tilespmem:$0x5610]  }
0xf1: {  	[tilespmem:$0xA800] =	vst v3;
	v61 =	vpop (erf);
	v30 =	vadd.f32 $1.000000000e+00, v47;
	v47 =	vld [tilespmem:$0x7680]  }
0xf2: {  	[tilespmem:$0xA900] =	vst v1;
	v5 =	vmul.f32 v61, v5;
	v61 =	vadd.f32 $1.000000000e+00, v19;
	v19 =	vld [tilespmem:$0x7800]  }
0xf3: {  	[tilespmem:$0xAA00] =	vst v12;
	v1 =	vadd.f32 v56, v55;
	v62 =	vpop (erf);
	v3 =	vadd.f32 v7, v48;
	v12 =	vmul.f32 v59, v43;
	v43 =	vld [tilespmem:$0x5580]  }
0xf4: {  	v44 =	vmul.f32 v62, v8;
	v45 =	vpop (erf);
	v62 =	vld [tilespmem:$0x5690]  }
0xf5: {  	[tilespmem:$0xAB00] =	vst v50;
	v1 =	vmul.f32 v53, v1;
	v50 =	vpop (erf);
	v53 =	vmul.f32 v45, v3;
	v45 =	vld [tilespmem:$0x5680]  }
0xf6: {  	v46 =	vadd.f32 $1.000000000e+00, v27;
	(erf) = vrcp.f32 v54;
	v54 =	vmul.f32 v50, v49;
	v49 =	vld [tilespmem:$0x5700]  }
0xf7: {  	(erf) = vrcp.f32 v63;
	v51 =	vpop (erf);
	v48 =	vadd.f32 $1.000000000e+00, v23;
	v23 =	vld [tilespmem:$0x5880]  }
0xf8: {  	v56 =	vadd.f32 $1.000000000e+00, v18;
	(erf) = vrcp.f32 v46;
	v58 =	vmul.f32 v51, v15;
	v51 =	vld [tilespmem:$0x7700]  }
0xf9: {  	v59 =	vadd.f32 $1.000000000e+00, v20;
	v15 =	vld [tilespmem:$0x5B80]  }
0xfa: {  	(erf) = vrcp.f32 v56;
	[tilespmem:$0xAF80] =	vst v54;
	v54 =	vld [tilespmem:$0x5780]  }
0xfb: {  	v2 =	vadd.f32 $1.000000000e+00, v2;
	v55 =	vpop (erf);
	(erf) = vrcp.f32 v59;
	[tilespmem:$0xB000] =	vst v58;
	v58 =	vld [tilespmem:$0x7780]  }
0xfc: {  	v63 =	vpop (erf);
	(erf) = vrcp.f32 v61;
	v61 =	vld [tilespmem:$0x5800]  }
0xfd: {  	v27 =	vadd.f32 $1.000000000e+00, v37;
	(erf) = vrcp.f32 v2;
	v2 =	vadd.f32 v47, v45;
	v45 =	vld [tilespmem:$0x5900]  }
0xfe: {  	v47 =	vld [tilespmem:$0x7900]  }
0xff: {  	v24 =	vpop (erf);
	(erf) = vrcp.f32 v27;
	v27 =	vld [tilespmem:$0x7880]  }
0x100: {  	[tilespmem:$0xAE80] =	vst v44;
	v44 =	vadd.f32 v40, v32;
	v41 =	vpop (erf);
	v32 =	vadd.f32 v51, v49;
	v49 =	vld [tilespmem:$0x5990]  }
0x101: {  	v51 =	vld [tilespmem:$0x5A00];
	v46 =	vpop (erf)  }
0x102: {  	v50 =	vadd.f32 v33, v35;
	v37 =	vadd.f32 $1.000000000e+00, v57;
	v3 =	vmul.f32 v46, v44;
	v46 =	vld [tilespmem:$0x5910]  }
0x103: {  	v18 =	vadd.f32 $1.000000000e+00, v62;
	(erf) = vrcp.f32 v30;
	v35 =	vadd.f32 v58, v54;
	v54 =	vld [tilespmem:$0x5A80]  }
0x104: {  	(erf) = vrcp.f32 v37;
	v58 =	vld [tilespmem:$0x5B10]  }
0x105: {  	v9 =	vadd.f32 $1.000000000e+00, v38;
	(erf) = vrcp.f32 v18;
	v38 =	vadd.f32 v19, v61;
	v61 =	vld [tilespmem:$0x7B80]  }
0x106: {  	[tilespmem:$0xAD00] =	vst v1;
	v7 =	vmul.f32 v55, v52;
	v52 =	vpop (erf);
	(erf) = vrcp.f32 v48;
	v48 =	vld [tilespmem:$0x5980]  }
0x107: {  	[tilespmem:$0xAF00] =	vst v53;
	v53 =	vadd.f32 v26, v36;
	v1 =	vmul.f32 v63, v60;
	v55 =	vmul.f32 v52, v50;
	v50 =	vld [tilespmem:$0x7980]  }
0x108: {  	v56 =	vpop (erf);
	v52 =	vld [tilespmem:$0x5A10]  }
0x109: {  	v34 =	vadd.f32 v34, v28;
	[tilespmem:$0xB100] =	vst v1;
	v1 =	vmul.f32 v56, v53;
	v53 =	vld [tilespmem:$0x7A00]  }
0x10a: {  	v56 =	vld [tilespmem:$0x7A80]  }
0x10b: {  	[tilespmem:$0xAC00] =	vst v0;
	v0 =	vmul.f32 v41, v34;
	v41 =	vadd.f32 v27, v23;
	v23 =	vld [tilespmem:$0x7C80]  }
0x10c: {  	[tilespmem:$0xAD80] =	vst v12;
	v27 =	vld [tilespmem:$0x6080]  }
0x10d: {  	v12 =	vadd.f32 $1.000000000e+00, v29;
	[tilespmem:$0xB300] =	vst v55;
	v55 =	vld [tilespmem:$0x5A90]  }
0x10e: {  	v57 =	vadd.f32 v25, v22;
	[tilespmem:$0xB380] =	vst v1;
	v1 =	vadd.f32 $1.000000000e+00, v46;
	v46 =	vld [tilespmem:$0x5F90]  }
0x10f: {  	v26 =	vadd.f32 v16, v13;
	v59 =	vpop (erf);
	v13 =	vadd.f32 $1.000000000e+00, v58;
	v58 =	vld [tilespmem:$0x7F00]  }
0x110: {  	v6 =	vadd.f32 $1.000000000e+00, v31;
	v60 =	vadd.f32 v39, v11;
	v62 =	vmul.f32 v59, v57;
	v57 =	vld [tilespmem:$0x5B00]  }
0x111: {  	(erf) = vrcp.f32 v12;
	v63 =	vpop (erf);
	v59 =	vld [tilespmem:$0x7B00]  }
0x112: {  	(erf) = vrcp.f32 v6;
	v20 =	vmul.f32 v63, v60;
	v60 =	vld [tilespmem:$0x5B90]  }
0x113: {  	(erf) = vrcp.f32 v9;
	v63 =	vld [tilespmem:$0x5C90]  }
0x114: {  	[tilespmem:$0xB280] =	vst v3;
	v3 =	vadd.f32 v50, v48;
	v48 =	vld [tilespmem:$0x6010]  }
0x115: {  	[tilespmem:$0xAE00] =	vst v5;
	v5 =	vmul.f32 v24, v21;
	v18 =	vadd.f32 v10, v42;
	v21 =	vpop (erf);
	v50 =	vld [tilespmem:$0x6090]  }
0x116: {  	[tilespmem:$0xB080] =	vst v7;
	v7 =	vadd.f32 $1.000000000e+00, v52;
	v52 =	vld [tilespmem:$0x5E80];
	v25 =	vpop (erf)  }
0x117: {  	[tilespmem:$0xAC80] =	vst v4;
	v24 =	vmul.f32 v21, v18;
	v18 =	vld [tilespmem:$0x5C00];
	v29 =	vpop (erf)  }
0x118: {  	v4 =	vadd.f32 $1.000000000e+00, v49;
	[tilespmem:$0xB400] =	vst v62;
	v62 =	vld [tilespmem:$0x5C10];
	v31 =	vpop (erf)  }
0x119: {  	(erf) = vrcp.f32 v1;
	v21 =	vld [tilespmem:$0x5C80];
	v34 =	vpop (erf)  }
0x11a: {  	v9 =	vadd.f32 v56, v54;
	v56 =	vld [tilespmem:$0x5F00];
	(erf) = vrcp.f32 v4;
	v10 =	vadd.f32 $1.000000000e+00, v55;
	v37 =	vpop (erf)  }
0x11b: {  	v22 =	vadd.f32 v14, v43;
	[tilespmem:$0xB180] =	vst v5;
	(erf) = vrcp.f32 v7;
	v36 =	vmul.f32 v34, v32;
	v32 =	vld [tilespmem:$0x5D10];
	v40 =	vpop (erf)  }
0x11c: {  	[tilespmem:$0xB200] =	vst v0;
	v0 =	vadd.f32 v47, v45;
	(erf) = vrcp.f32 v10;
	v39 =	vmul.f32 v37, v35;
	v35 =	vld [tilespmem:$0x5D90];
	v43 =	vpop (erf)  }
0x11d: {  	[tilespmem:$0xB480] =	vst v20;
	v16 =	vadd.f32 $1.000000000e+00, v60;
	v42 =	vmul.f32 v40, v38;
	v38 =	vld [tilespmem:$0x5E10];
	v44 =	vmul.f32 v43, v41  }
0x11e: {  	v28 =	vmul.f32 v25, v22;
	[tilespmem:$0xB500] =	vst v24;
	(erf) = vrcp.f32 v13;
	v40 =	vadd.f32 $1.000000000e+00, v62;
	v41 =	vld [tilespmem:$0x5E90]  }
0x11f: {  	v30 =	vmul.f32 v29, v26;
	(erf) = vrcp.f32 v16;
	v43 =	vadd.f32 $1.000000000e+00, v63;
	[tilespmem:$0xB880] =	vst v44;
	v44 =	vld [tilespmem:$0x5F10]  }
0x120: {  	v61 =	vadd.f32 v61, v15;
	v20 =	vld [tilespmem:$0x7C00];
	[tilespmem:$0xB580] =	vst v28;
	(erf) = vrcp.f32 v40;
	v1 =	vadd.f32 $1.000000000e+00, v32  }
0x121: {  	v55 =	vld [tilespmem:$0x7E80];
	v33 =	vmul.f32 v31, v2;
	[tilespmem:$0xB600] =	vst v30;
	(erf) = vrcp.f32 v43;
	v47 =	vadd.f32 $1.000000000e+00, v35  }
0x122: {  	v6 =	vadd.f32 v53, v51;
	v24 =	vld [tilespmem:$0x5D00];
	[tilespmem:$0xB800] =	vst v42;
	v42 =	vpop (erf);
	(erf) = vrcp.f32 v1;
	v49 =	vadd.f32 $1.000000000e+00, v38  }
0x123: {  	v2 =	vadd.f32 $1.000000000e+00, v46;
	v34 =	vld [tilespmem:$0x5D80];
	[tilespmem:$0xB680] =	vst v33;
	(erf) = vrcp.f32 v47;
	v53 =	vadd.f32 $1.000000000e+00, v41  }
0x124: {  	v33 =	vld [tilespmem:$0x7D00];
	[tilespmem:$0xB700] =	vst v36;
	v0 =	vmul.f32 v42, v0;
	v45 =	vpop (erf);
	(erf) = vrcp.f32 v49;
	v16 =	vadd.f32 $1.000000000e+00, v44  }
0x125: {  	v57 =	vadd.f32 v59, v57;
	v37 =	vld [tilespmem:$0x5E00];
	[tilespmem:$0xB780] =	vst v39;
	v3 =	vmul.f32 v45, v3;
	v51 =	vpop (erf);
	(erf) = vrcp.f32 v53  }
0x126: {  	v59 =	vadd.f32 $1.000000000e+00, v48;
	v36 =	vld [tilespmem:$0x7D80];
	v6 =	vmul.f32 v51, v6;
	v54 =	vpop (erf);
	[tilespmem:$0xB900] =	vst v0;
	(erf) = vrcp.f32 v16  }
0x127: {  	v39 =	vld [tilespmem:$0x7E00];
	v63 =	vadd.f32 $1.000000000e+00, v50;
	v9 =	vmul.f32 v54, v9;
	[tilespmem:$0xB980] =	vst v3;
	v60 =	vpop (erf);
	(erf) = vrcp.f32 v2  }
0x128: {  	v62 =	vld [tilespmem:$0x5F80];
	v17 =	vadd.f32 v20, v18;
	[tilespmem:$0xBA00] =	vst v6;
	v0 =	vmul.f32 v60, v57;
	v16 =	vpop (erf);
	(erf) = vrcp.f32 v59  }
0x129: {  	v18 =	vld [tilespmem:$0x7F80];
	v20 =	vadd.f32 v23, v21;
	[tilespmem:$0xBA80] =	vst v9;
	v3 =	vmul.f32 v16, v61;
	v19 =	vpop (erf);
	(erf) = vrcp.f32 v63  }
0x12a: {  	v21 =	vld [tilespmem:$0x6000];
	v4 =	vadd.f32 v33, v24;
	[tilespmem:$0xBB00] =	vst v0;
	v22 =	vmul.f32 v19, v17;
	v23 =	vpop (erf)  }
0x12b: {  	v24 =	vld [tilespmem:$0x8000];
	v7 =	vadd.f32 v36, v34;
	[tilespmem:$0xBB80] =	vst v3;
	v2 =	vmul.f32 v23, v20;
	v26 =	vpop (erf)  }
0x12c: {  	v32 =	vld [tilespmem:$0x8080];
	v31 =	vadd.f32 v39, v37;
	[tilespmem:$0xBC00] =	vst v22;
	v29 =	vmul.f32 v26, v4;
	v30 =	vpop (erf)  }
0x12d: {  	v1 =	vadd.f32 v55, v52;
	[tilespmem:$0xBC80] =	vst v2;
	v33 =	vmul.f32 v30, v7;
	v34 =	vpop (erf)  }
0x12e: {  	v37 =	vadd.f32 v58, v56;
	[tilespmem:$0xBD00] =	vst v29;
	v35 =	vmul.f32 v34, v31;
	v36 =	vpop (erf)  }
0x12f: {  	v39 =	vadd.f32 v18, v62;
	[tilespmem:$0xBD80] =	vst v33;
	v1 =	vmul.f32 v36, v1;
	v38 =	vpop (erf)  }
0x130: {  	v42 =	vadd.f32 v24, v21;
	[tilespmem:$0xBE00] =	vst v35;
	v40 =	vmul.f32 v38, v37;
	v41 =	vpop (erf)  }
0x131: {  	v45 =	vadd.f32 v32, v27;
	[tilespmem:$0xBE80] =	vst v1;
	v43 =	vmul.f32 v41, v39;
	v44 =	vpop (erf)  }
0x132: {  	[tilespmem:$0xBF00] =	vst v40;
	v46 =	vmul.f32 v44, v42;
	v47 =	vpop (erf)  }
0x133: {  	[tilespmem:$0xBF80] =	vst v43;
	v48 =	vmul.f32 v47, v45  }
0x134: {  	[tilespmem:$0xC000] =	vst v46  }
0x135: {  	[tilespmem:$0xC080] =	vst v48  }
0x136: {  	[hbm4b:s13+s3] =	stream.linear.scatter [tilespmem:s28], [sflag:$0x2], $0x2000, $0x38;
	[tilespmem:$0x18200] =	vst v63  }
0x137: {  	_ =	swait.ge [sflag:s25], $0x2000  }
0x138: {  	[sflag:s25] =	ssyncset.done $0x0  }
0x139: {  	[sflag:s25] =	ssyncadd.s32 $0xFFFFE000  }
0x13a: {  	[tilespmem:s26], [sflag:$0x2] =	stream.linear.gather [spmem:s8], $0x2000, $0x38;
	[tilespmem:$0x18200] =	vst v63  }
0x13b: {  	_ =	swait.ge [sflag:s25], $0x2000  }
0x13c: {  	[sflag:s25] =	ssyncset.done $0x0  }
0x13d: {  	[sflag:s25] =	ssyncadd.s32 $0xFFFFE000  }
0x13e: {  	v40 =	vld [tilespmem:$0x4100]  }
0x13f: {  	v11 =	vld [tilespmem:$0x4110]  }
0x140: {  	v20 =	vld [tilespmem:$0x8100]  }
0x141: {  	v21 =	vld [tilespmem:$0x4180]  }
0x142: {  	v0 =	vld [tilespmem:$0x4190]  }
0x143: {  	v17 =	vld [tilespmem:$0x8180]  }
0x144: {  	v22 =	vld [tilespmem:$0x4200]  }
0x145: {  	v1 =	vld [tilespmem:$0x4210]  }
0x146: {  	v18 =	vld [tilespmem:$0x8200]  }
0x147: {  	v19 =	vld [tilespmem:$0x4280]  }
0x148: {  	v2 =	vld [tilespmem:$0x4290]  }
0x149: {  	v16 =	vld [tilespmem:$0x8280]  }
0x14a: {  	v34 =	vld [tilespmem:$0x4300]  }
0x14b: {  	v3 =	vld [tilespmem:$0x4310]  }
0x14c: {  	v29 =	vld [tilespmem:$0x8300]  }
0x14d: {  	v31 =	vld [tilespmem:$0x4380]  }
0x14e: {  	v4 =	vld [tilespmem:$0x4390]  }
0x14f: {  	v25 =	vld [tilespmem:$0x8380]  }
0x150: {  	v63 =	vld [tilespmem:$0x4A80];
	_ =	sdelay $0x4  }
0x151: {  	[tilespmem:$0x1FCB0] =	vst v63;
	v63 =	vld [tilespmem:$0x8D00];
	_ =	sdelay $0x4  }
0x152: {  	[tilespmem:$0x1FD70] =	vst v63;
	v63 =	vld [tilespmem:$0x8E00]  }
0x153: {  	v33 =	vld [tilespmem:$0x4400]  }
0x154: {  	v5 =	vld [tilespmem:$0x4410]  }
0x155: {  	v27 =	vld [tilespmem:$0x8400]  }
0x156: {  	v28 =	vld [tilespmem:$0x4480]  }
0x157: {  	[tilespmem:$0x1FDD0] =	vst v63;
	v63 =	vld [tilespmem:$0x8F00]  }
0x158: {  	v6 =	vld [tilespmem:$0x4490]  }
0x159: {  	v24 =	vld [tilespmem:$0x8480]  }
0x15a: {  	v48 =	vld [tilespmem:$0x4500]  }
0x15b: {  	v7 =	vld [tilespmem:$0x4510]  }
0x15c: {  	[tilespmem:$0x1FE10] =	vst v63;
	v63 =	vld [tilespmem:$0x9000]  }
0x15d: {  	v44 =	vld [tilespmem:$0x8500]  }
0x15e: {  	v45 =	vld [tilespmem:$0x4580]  }
0x15f: {  	v8 =	vld [tilespmem:$0x4590]  }
0x160: {  	v38 =	vld [tilespmem:$0x8580]  }
0x161: {  	[tilespmem:$0x1FE70] =	vst v63;
	v63 =	vld [tilespmem:$0x5080]  }
0x162: {  	v47 =	vld [tilespmem:$0x4600]  }
0x163: {  	v9 =	vld [tilespmem:$0x4610]  }
0x164: {  	v42 =	vld [tilespmem:$0x8600]  }
0x165: {  	v43 =	vld [tilespmem:$0x4680]  }
0x166: {  	[tilespmem:$0x1FE90] =	vst v63;
	v63 =	vld [tilespmem:$0x5090]  }
0x167: {  	v10 =	vld [tilespmem:$0x4690]  }
0x168: {  	v36 =	vld [tilespmem:$0x8680]  }
0x169: {  	v54 =	vld [tilespmem:$0x4700]  }
0x16a: {  	v12 =	vld [tilespmem:$0x4710]  }
0x16b: {  	[tilespmem:$0x1FD10] =	vst v63;
	v63 =	vld [tilespmem:$0x9080]  }
0x16c: {  	v52 =	vld [tilespmem:$0x8700]  }
0x16d: {  	v56 =	vld [tilespmem:$0x4780]  }
0x16e: {  	v13 =	vld [tilespmem:$0x4790]  }
0x16f: {  	v53 =	vld [tilespmem:$0x8780]  }
0x170: {  	[tilespmem:$0x1FEA0] =	vst v63;
	v63 =	vld [tilespmem:$0x5100]  }
0x171: {  	v60 =	vld [tilespmem:$0x4800]  }
0x172: {  	v14 =	vld [tilespmem:$0x4810]  }
0x173: {  	v58 =	vld [tilespmem:$0x8800]  }
0x174: {  	v61 =	vld [tilespmem:$0x4880]  }
0x175: {  	[tilespmem:$0x1FED0] =	vst v63;
	v63 =	vld [tilespmem:$0x5110]  }
0x176: {  	v15 =	vld [tilespmem:$0x4890]  }
0x177: {  	v59 =	vld [tilespmem:$0x8880]  }
0x178: {  	v49 =	vld [tilespmem:$0x4900]  }
0x179: {  	v23 =	vld [tilespmem:$0x4910]  }
0x17a: {  	[tilespmem:$0x1FDA0] =	vst v63;
	v63 =	vld [tilespmem:$0x9100]  }
0x17b: {  	v50 =	vld [tilespmem:$0x8900]  }
0x17c: {  	v51 =	vld [tilespmem:$0x4980]  }
0x17d: {  	v26 =	vld [tilespmem:$0x4990]  }
0x17e: {  	v55 =	vld [tilespmem:$0x8980]  }
0x17f: {  	[tilespmem:$0x1FEE0] =	vst v63;
	v63 =	vld [tilespmem:$0x5180]  }
0x180: {  	v57 =	vld [tilespmem:$0x4A00]  }
0x181: {  	v30 =	vld [tilespmem:$0x4A10]  }
0x182: {  	v62 =	vld [tilespmem:$0x8A00]  }
0x183: {  	v32 =	vld [tilespmem:$0x4A90]  }
0x184: {  	[tilespmem:$0x1FEF0] =	vst v63;
	v63 =	vld [tilespmem:$0x5190]  }
0x185: {  	v37 =	vld [tilespmem:$0x8A80]  }
0x186: {  	v39 =	vld [tilespmem:$0x4B00]  }
0x187: {  	v35 =	vld [tilespmem:$0x4B10]  }
0x188: {  	v41 =	vld [tilespmem:$0x8B00]  }
0x189: {  	[tilespmem:$0x1FDB0] =	vst v63;
	v63 =	vld [tilespmem:$0x9180]  }
0x18a: {  	v46 =	vld [tilespmem:$0x4B80]  }
0x18b: {  	[tilespmem:$0x1FCC0] =	vst v37;
	v37 =	vld [tilespmem:$0x4B90]  }
0x18c: {  	[tilespmem:$0x1FC50] =	vst v49;
	v49 =	vld [tilespmem:$0x8B80]  }
0x18d: {  	[tilespmem:$0x1FC60] =	vst v50;
	v50 =	vld [tilespmem:$0x4C00]  }
0x18e: {  	[tilespmem:$0x1FF00] =	vst v63;
	v63 =	vld [tilespmem:$0x5200]  }
0x18f: {  	[tilespmem:$0x1FCD0] =	vst v39;
	v39 =	vld [tilespmem:$0x4C10]  }
0x190: {  	[tilespmem:$0x1FC70] =	vst v51;
	v51 =	vld [tilespmem:$0x8C00]  }
0x191: {  	[tilespmem:$0x1FC80] =	vst v55;
	v55 =	vld [tilespmem:$0x4C80]  }
0x192: {  	[tilespmem:$0x1FCE0] =	vst v41;
	v41 =	vld [tilespmem:$0x4C90]  }
0x193: {  	[tilespmem:$0x1FF10] =	vst v63;
	v63 =	vld [tilespmem:$0x5210]  }
0x194: {  	[tilespmem:$0x1FC90] =	vst v57;
	v57 =	vld [tilespmem:$0x8C80]  }
0x195: {  	[tilespmem:$0x1FCA0] =	vst v62;
	v62 =	vld [tilespmem:$0x4D00]  }
0x196: {  	[tilespmem:$0x1FCF0] =	vst v46;
	v46 =	vld [tilespmem:$0x4D10]  }
0x197: {  	v11 =	vadd.f32 $1.000000000e+00, v11;
	v20 =	vadd.f32 v20, v40;
	v40 =	vld [tilespmem:$0x5490]  }
0x198: {  	[tilespmem:$0x1FE40] =	vst v63;
	v63 =	vld [tilespmem:$0x9200]  }
0x199: {  	(erf) = vrcp.f32 v11;
	v11 =	vld [tilespmem:$0x5310]  }
0x19a: {  	[tilespmem:$0x1FD40] =	vst v55;
	v55 =	vld [tilespmem:$0x4D80]  }
0x19b: {  	[tilespmem:$0x1FD00] =	vst v49;
	v49 =	vld [tilespmem:$0x4D90]  }
0x19c: {  	[tilespmem:$0x1FD60] =	vst v62;
	v62 =	vld [tilespmem:$0x4E00]  }
0x19d: {  	[tilespmem:$0x1FF20] =	vst v63;
	v63 =	vld [tilespmem:$0x5280]  }
0x19e: {  	[tilespmem:$0x1FD50] =	vst v57;
	v57 =	vld [tilespmem:$0x8D80]  }
0x19f: {  	v0 =	vadd.f32 $1.000000000e+00, v0;
	[tilespmem:$0x1FD20] =	vst v50;
	v50 =	vld [tilespmem:$0x4E10]  }
0x1a0: {  	v1 =	vadd.f32 $1.000000000e+00, v1;
	[tilespmem:$0x1FD30] =	vst v51;
	v51 =	vld [tilespmem:$0x4E90]  }
0x1a1: {  	(erf) = vrcp.f32 v0;
	v0 =	vadd.f32 $1.000000000e+00, v2;
	[tilespmem:$0x1FDC0] =	vst v62;
	v62 =	vld [tilespmem:$0x4F00]  }
0x1a2: {  	(erf) = vrcp.f32 v1;
	[tilespmem:$0x1FF30] =	vst v63;
	v63 =	vld [tilespmem:$0x5290]  }
0x1a3: {  	(erf) = vrcp.f32 v0;
	v0 =	vadd.f32 $1.000000000e+00, v10;
	v10 =	vld [tilespmem:$0x5480]  }
0x1a4: {  	[tilespmem:$0x1FE80] =	vst v11;
	v11 =	vld [tilespmem:$0x5380]  }
0x1a5: {  	[tilespmem:$0x1FD80] =	vst v55;
	v55 =	vld [tilespmem:$0x4E80]  }
0x1a6: {  	[tilespmem:$0x1FE00] =	vst v62;
	v62 =	vld [tilespmem:$0x4F80]  }
0x1a7: {  	[tilespmem:$0x1FE50] =	vst v63;
	v63 =	vld [tilespmem:$0x9280]  }
0x1a8: {  	[tilespmem:$0x1FD90] =	vst v57;
	v57 =	vld [tilespmem:$0x8E80]  }
0x1a9: {  	v2 =	vpop (erf);
	[tilespmem:$0x1FF70] =	vst v11;
	v11 =	vld [tilespmem:$0x9400]  }
0x1aa: {  	v2 =	vmul.f32 v2, v20;
	v20 =	vld [tilespmem:$0x9480];
	[tilespmem:$0x1FDE0] =	vst v55  }
0x1ab: {  	[tilespmem:$0x1FE20] =	vst v62;
	v62 =	vld [tilespmem:$0x8F80]  }
0x1ac: {  	[tilespmem:$0x1FF40] =	vst v63;
	v63 =	vld [tilespmem:$0x5300]  }
0x1ad: {  	[tilespmem:$0x1FDF0] =	vst v57;
	v55 =	vld [tilespmem:$0x4F10]  }
0x1ae: {  	v5 =	vadd.f32 $1.000000000e+00, v5;
	v57 =	vld [tilespmem:$0x4F90];
	[tilespmem:$0x1FF90] =	vst v11;
	v11 =	vadd.f32 v18, v22  }
0x1af: {  	v18 =	vadd.f32 $1.000000000e+00, v12;
	[tilespmem:$0x1FFB0] =	vst v20;
	v12 =	vadd.f32 v29, v34;
	v29 =	vld [tilespmem:$0x5510]  }
0x1b0: {  	v1 =	vadd.f32 $1.000000000e+00, v3;
	v20 =	vld [tilespmem:$0x9500];
	v34 =	vadd.f32 v38, v45;
	[tilespmem:$0x1FE30] =	vst v62  }
0x1b1: {  	v45 =	vadd.f32 v42, v47;
	v62 =	vld [tilespmem:$0x5000];
	[tilespmem:$0x1FF50] =	vst v63;
	v63 =	vadd.f32 $1.000000000e+00, v4  }
0x1b2: {  	(erf) = vrcp.f32 v1;
	v47 =	vadd.f32 v36, v43;
	v43 =	vadd.f32 $1.000000000e+00, v41;
	v41 =	vld [tilespmem:$0x1FC90]  }
0x1b3: {  	v4 =	vld [tilespmem:$0x9300];
	(erf) = vrcp.f32 v63  }
0x1b4: {  	v63 =	vadd.f32 $1.000000000e+00, v6;
	v6 =	vld [tilespmem:$0x9380];
	(erf) = vrcp.f32 v5;
	v5 =	vadd.f32 $1.000000000e+00, v7  }
0x1b5: {  	v7 =	vadd.f32 $1.000000000e+00, v8;
	v8 =	vadd.f32 $1.000000000e+00, v9;
	v9 =	vld [tilespmem:$0x5410]  }
0x1b6: {  	[tilespmem:$0x1FE60] =	vst v62;
	v62 =	vld [tilespmem:$0x5010];
	(erf) = vrcp.f32 v63  }
0x1b7: {  	v63 =	vld [tilespmem:$0x5400];
	(erf) = vrcp.f32 v5  }
0x1b8: {  	[tilespmem:$0x1FF60] =	vst v4;
	v4 =	vld [tilespmem:$0x5390];
	(erf) = vrcp.f32 v7  }
0x1b9: {  	[tilespmem:$0x1FF80] =	vst v6;
	(erf) = vrcp.f32 v8;
	v6 =	vld [tilespmem:$0x9800]  }
0x1ba: {  	v21 =	vadd.f32 v17, v21;
	[tilespmem:$0x1FEC0] =	vst v9;
	v9 =	vpop (erf);
	(erf) = vrcp.f32 v0;
	v0 =	vld [tilespmem:$0x5610]  }
0x1bb: {  	v17 =	vpop (erf);
	(erf) = vrcp.f32 v18;
	v18 =	vadd.f32 v24, v28;
	v24 =	vld [tilespmem:$0x5580]  }
0x1bc: {  	v1 =	vmul.f32 v9, v21;
	v21 =	vadd.f32 $1.000000000e+00, v13;
	v13 =	vadd.f32 v25, v31;
	v31 =	vld [tilespmem:$0x5600]  }
0x1bd: {  	v28 =	vld [tilespmem:$0x9600]  }
0x1be: {  	v16 =	vadd.f32 v16, v19;
	v25 =	vadd.f32 $1.000000000e+00, v15;
	v15 =	vld [tilespmem:$0x5710]  }
0x1bf: {  	v5 =	vmul.f32 v17, v11;
	v11 =	vld [tilespmem:$0x5500]  }
0x1c0: {  	v19 =	vpop (erf);
	v17 =	vadd.f32 v27, v33;
	v33 =	vadd.f32 v44, v48;
	v44 =	vld [tilespmem:$0x9580]  }
0x1c1: {  	[tilespmem:$0x1FEB0] =	vst v4;
	v22 =	vpop (erf);
	(erf) = vrcp.f32 v21;
	v21 =	vadd.f32 $1.000000000e+00, v14;
	v14 =	vld [tilespmem:$0x5690]  }
0x1c2: {  	v4 =	vmul.f32 v19, v16;
	v16 =	vpop (erf);
	[tilespmem:$0xA200] =	vst v5;
	v5 =	vld [tilespmem:$0x9880]  }
0x1c3: {  	v3 =	vmul.f32 v16, v13;
	v16 =	vld [tilespmem:$0x5680]  }
0x1c4: {  	v13 =	vld [tilespmem:$0x5790]  }
0x1c5: {  	v19 =	vpop (erf);
	[tilespmem:$0xA280] =	vst v4;
	v4 =	vld [tilespmem:$0x5980]  }
0x1c6: {  	v9 =	vmul.f32 v19, v17;
	v19 =	vadd.f32 $1.000000000e+00, v23;
	v17 =	vld [tilespmem:$0x9700]  }
0x1c7: {  	v23 =	vadd.f32 $1.000000000e+00, v30;
	v30 =	vadd.f32 v53, v56;
	v53 =	vld [tilespmem:$0x1FC80]  }
0x1c8: {  	(erf) = vrcp.f32 v21;
	[tilespmem:$0x1FFE0] =	vst v24;
	v24 =	vld [tilespmem:$0x5800]  }
0x1c9: {  	(erf) = vrcp.f32 v25;
	v25 =	vld [tilespmem:$0x5880]  }
0x1ca: {  	v7 =	vmul.f32 v22, v12;
	v22 =	vpop (erf);
	v28 =	vadd.f32 v28, v31;
	v31 =	vld [tilespmem:$0x9D00]  }
0x1cb: {  	v8 =	vmul.f32 v22, v18;
	v18 =	vld [tilespmem:$0x5590]  }
0x1cc: {  	v21 =	vadd.f32 $1.000000000e+00, v26;
	v22 =	vadd.f32 v52, v54;
	v52 =	vld [tilespmem:$0x1FC70]  }
0x1cd: {  	(erf) = vrcp.f32 v19;
	v19 =	vld [tilespmem:$0x5810]  }
0x1ce: {  	v27 =	vpop (erf);
	(erf) = vrcp.f32 v21;
	v21 =	vld [tilespmem:$0x9680]  }
0x1cf: {  	v38 =	vpop (erf);
	[tilespmem:$0xA480] =	vst v8;
	v8 =	vld [tilespmem:$0x9980]  }
0x1d0: {  	[tilespmem:$0x1FFA0] =	vst v10;
	v48 =	vpop (erf);
	(erf) = vrcp.f32 v23;
	v23 =	vld [tilespmem:$0x5700]  }
0x1d1: {  	[tilespmem:$0x1FFD0] =	vst v20;
	v10 =	vmul.f32 v27, v33;
	v20 =	vpop (erf);
	v27 =	vmul.f32 v48, v45;
	v48 =	vld [tilespmem:$0x1FC50]  }
0x1d2: {  	v12 =	vmul.f32 v20, v47;
	v20 =	vld [tilespmem:$0x5780]  }
0x1d3: {  	v47 =	vadd.f32 $1.000000000e+00, v49;
	v49 =	vld [tilespmem:$0x1FC60]  }
0x1d4: {  	v5 =	vadd.f32 v5, v25;
	v25 =	vld [tilespmem:$0x5E00]  }
0x1d5: {  	[tilespmem:$0x1FFC0] =	vst v11;
	v33 =	vadd.f32 $1.000000000e+00, v32;
	v11 =	vmul.f32 v38, v34;
	v34 =	vpop (erf);
	v6 =	vadd.f32 v6, v24;
	v24 =	vld [tilespmem:$0x9E00]  }
0x1d6: {  	v35 =	vadd.f32 $1.000000000e+00, v35;
	v26 =	vmul.f32 v34, v22;
	v22 =	vld [tilespmem:$0x9780]  }
0x1d7: {  	v37 =	vadd.f32 $1.000000000e+00, v37;
	[tilespmem:$0xA180] =	vst v1;
	(erf) = vrcp.f32 v33;
	v1 =	vadd.f32 v53, v52;
	v52 =	vld [tilespmem:$0x1FDC0]  }
0x1d8: {  	v39 =	vadd.f32 $1.000000000e+00, v39;
	(erf) = vrcp.f32 v35;
	v53 =	vld [tilespmem:$0x1FDD0]  }
0x1d9: {  	v36 =	vpop (erf);
	(erf) = vrcp.f32 v37;
	v37 =	vld [tilespmem:$0x5890]  }
0x1da: {  	[tilespmem:$0x1FFF0] =	vst v44;
	v38 =	vadd.f32 v58, v60;
	v44 =	vpop (erf);
	(erf) = vrcp.f32 v39;
	v39 =	vld [tilespmem:$0x5910]  }
0x1db: {  	v45 =	vadd.f32 $1.000000000e+00, v46;
	v46 =	vpop (erf);
	(erf) = vrcp.f32 v43;
	v43 =	vld [tilespmem:$0x1FCB0]  }
0x1dc: {  	v42 =	vadd.f32 v59, v61;
	v32 =	vmul.f32 v44, v38;
	v44 =	vld [tilespmem:$0x1FCC0]  }
0x1dd: {  	v17 =	vadd.f32 v17, v23;
	v23 =	vld [tilespmem:$0x9D80]  }
0x1de: {  	v33 =	vmul.f32 v46, v42;
	v42 =	vld [tilespmem:$0x1FCA0]  }
0x1df: {  	v46 =	vld [tilespmem:$0x1FCD0]  }
0x1e0: {  	[tilespmem:$0xA100] =	vst v2;
	v2 =	vadd.f32 v49, v48;
	v48 =	vld [tilespmem:$0x1FCF0]  }
0x1e1: {  	(erf) = vrcp.f32 v45;
	v49 =	vld [tilespmem:$0x1FD00]  }
0x1e2: {  	v50 =	vadd.f32 $1.000000000e+00, v50;
	(erf) = vrcp.f32 v47;
	v56 =	vpop (erf);
	v47 =	vld [tilespmem:$0x1FCE0]  }
0x1e3: {  	v54 =	vadd.f32 $1.000000000e+00, v51;
	v2 =	vmul.f32 v56, v2;
	v59 =	vpop (erf);
	v56 =	vld [tilespmem:$0x1FD10]  }
0x1e4: {  	v58 =	vadd.f32 $1.000000000e+00, v55;
	(erf) = vrcp.f32 v50;
	v34 =	vmul.f32 v59, v1;
	v59 =	vld [tilespmem:$0x1FD30]  }
0x1e5: {  	(erf) = vrcp.f32 v54;
	v54 =	vld [tilespmem:$0x1FDE0]  }
0x1e6: {  	(erf) = vrcp.f32 v58;
	v58 =	vld [tilespmem:$0x1FD20]  }
0x1e7: {  	v60 =	vadd.f32 $1.000000000e+00, v57;
	v35 =	vadd.f32 v44, v43;
	v43 =	vld [tilespmem:$0x1FD70]  }
0x1e8: {  	v44 =	vld [tilespmem:$0x1FD80]  }
0x1e9: {  	v61 =	vpop (erf);
	(erf) = vrcp.f32 v60;
	v60 =	vld [tilespmem:$0x1FD40]  }
0x1ea: {  	[tilespmem:$0xA300] =	vst v7;
	v45 =	vpop (erf);
	v7 =	vadd.f32 v42, v41;
	v42 =	vld [tilespmem:$0x1FD60]  }
0x1eb: {  	v30 =	vmul.f32 v36, v30;
	v36 =	vadd.f32 v49, v48;
	v50 =	vpop (erf);
	v35 =	vmul.f32 v45, v35;
	v45 =	vld [tilespmem:$0x1FD90]  }
0x1ec: {  	[tilespmem:$0xA380] =	vst v3;
	v3 =	vadd.f32 v47, v46;
	v55 =	vpop (erf);
	v47 =	vld [tilespmem:$0x1FDA0]  }
0x1ed: {  	v36 =	vmul.f32 v55, v36;
	v55 =	vld [tilespmem:$0x5900]  }
0x1ee: {  	v7 =	vmul.f32 v61, v7;
	v61 =	vld [tilespmem:$0x1FD50]  }
0x1ef: {  	v1 =	vadd.f32 $1.000000000e+00, v56;
	v56 =	vld [tilespmem:$0x1FDF0]  }
0x1f0: {  	v38 =	vmul.f32 v50, v3;
	v3 =	vld [tilespmem:$0x9900]  }
0x1f1: {  	v50 =	vld [tilespmem:$0x1FDB0]  }
0x1f2: {  	[tilespmem:$0xA400] =	vst v9;
	v9 =	vadd.f32 v59, v58;
	v58 =	vld [tilespmem:$0x1FE00]  }
0x1f3: {  	v59 =	vld [tilespmem:$0x1FE10]  }
0x1f4: {  	[tilespmem:$0xAA00] =	vst v7;
	v7 =	vld [tilespmem:$0x9B00]  }
0x1f5: {  	v41 =	vadd.f32 v45, v44;
	v44 =	vld [tilespmem:$0x5990]  }
0x1f6: {  	v57 =	vpop (erf);
	v48 =	vadd.f32 $1.000000000e+00, v47;
	v47 =	vld [tilespmem:$0x5A10]  }
0x1f7: {  	[tilespmem:$0xA600] =	vst v27;
	v27 =	vmul.f32 v57, v9;
	v9 =	vld [tilespmem:$0x9A00]  }
0x1f8: {  	v51 =	vadd.f32 $1.000000000e+00, v62;
	[tilespmem:$0xA500] =	vst v10;
	v45 =	vld [tilespmem:$0x5A90]  }
0x1f9: {  	[tilespmem:$0xA580] =	vst v11;
	v62 =	vpop (erf);
	v11 =	vadd.f32 v43, v42;
	v10 =	vadd.f32 v61, v60;
	v60 =	vld [tilespmem:$0x1FE20]  }
0x1fa: {  	v46 =	vpop (erf);
	v61 =	vld [tilespmem:$0x1FE30]  }
0x1fb: {  	(erf) = vrcp.f32 v51;
	v43 =	vmul.f32 v46, v11;
	v11 =	vadd.f32 v56, v54;
	v54 =	vld [tilespmem:$0x1FE70]  }
0x1fc: {  	(erf) = vrcp.f32 v1;
	v49 =	vpop (erf);
	v56 =	vld [tilespmem:$0x1FE80]  }
0x1fd: {  	v51 =	vpop (erf);
	(erf) = vrcp.f32 v48;
	v48 =	vld [tilespmem:$0x1FE40]  }
0x1fe: {  	v42 =	vmul.f32 v62, v10;
	v10 =	vadd.f32 v53, v52;
	v53 =	vld [tilespmem:$0x1FE60]  }
0x1ff: {  	[tilespmem:$0xA700] =	vst v26;
	v26 =	vadd.f32 v59, v58;
	v58 =	vld [tilespmem:$0x1FE90]  }
0x200: {  	v57 =	vpop (erf);
	v1 =	vadd.f32 $1.000000000e+00, v50;
	v59 =	vld [tilespmem:$0x1FEA0]  }
0x201: {  	v41 =	vmul.f32 v49, v41;
	v46 =	vmul.f32 v57, v11;
	v11 =	vld [tilespmem:$0x1FEC0]  }
0x202: {  	(erf) = vrcp.f32 v1;
	v1 =	vld [tilespmem:$0x5A00]  }
0x203: {  	[tilespmem:$0xAD80] =	vst v41;
	v41 =	vld [tilespmem:$0x9C80]  }
0x204: {  	[tilespmem:$0xA800] =	vst v32;
	v32 =	vmul.f32 v51, v10;
	v51 =	vld [tilespmem:$0x1FE50]  }
0x205: {  	[tilespmem:$0xA780] =	vst v30;
	v10 =	vld [tilespmem:$0x5A80]  }
0x206: {  	[tilespmem:$0xAC80] =	vst v42;
	v42 =	vld [tilespmem:$0x5D00]  }
0x207: {  	v62 =	vpop (erf);
	[tilespmem:$0xAE80] =	vst v46;
	v46 =	vld [tilespmem:$0x1FFC0];
	v30 =	vadd.f32 v61, v60  }
0x208: {  	v50 =	vpop (erf);
	v60 =	vld [tilespmem:$0x1FEB0]  }
0x209: {  	v30 =	vmul.f32 v50, v30;
	v50 =	vld [tilespmem:$0x1FEE0]  }
0x20a: {  	[tilespmem:$0xA900] =	vst v2;
	v2 =	vadd.f32 v54, v53;
	v53 =	vld [tilespmem:$0x1FF00]  }
0x20b: {  	[tilespmem:$0xA880] =	vst v33;
	v49 =	vadd.f32 $1.000000000e+00, v48;
	v33 =	vadd.f32 v59, v58;
	v58 =	vld [tilespmem:$0x1FF10]  }
0x20c: {  	v59 =	vld [tilespmem:$0x1FF20]  }
0x20d: {  	v26 =	vmul.f32 v62, v26;
	v62 =	vpop (erf);
	(erf) = vrcp.f32 v49;
	v49 =	vld [tilespmem:$0x1FED0]  }
0x20e: {  	[tilespmem:$0xA680] =	vst v12;
	v12 =	vpop (erf);
	v48 =	vmul.f32 v62, v2;
	v2 =	vadd.f32 $1.000000000e+00, v11;
	v11 =	vld [tilespmem:$0x9A80]  }
0x20f: {  	v33 =	vmul.f32 v12, v33;
	v12 =	vld [tilespmem:$0x5B00]  }
0x210: {  	v52 =	vadd.f32 $1.000000000e+00, v51;
	v51 =	vadd.f32 $1.000000000e+00, v29;
	v29 =	vld [tilespmem:$0x5B10]  }
0x211: {  	v61 =	vadd.f32 $1.000000000e+00, v60;
	v60 =	vld [tilespmem:$0x1FF30]  }
0x212: {  	v57 =	vadd.f32 $1.000000000e+00, v56;
	(erf) = vrcp.f32 v52;
	v52 =	vld [tilespmem:$0x1FEF0]  }
0x213: {  	[tilespmem:$0xB000] =	vst v48;
	v48 =	vld [tilespmem:$0x1FFD0]  }
0x214: {  	(erf) = vrcp.f32 v57;
	v57 =	vadd.f32 $1.000000000e+00, v14;
	v14 =	vld [tilespmem:$0x9B80]  }
0x215: {  	v40 =	vadd.f32 $1.000000000e+00, v40;
	[tilespmem:$0xAB80] =	vst v36;
	v36 =	vadd.f32 v59, v58;
	v58 =	vld [tilespmem:$0x1FFA0];
	(erf) = vrcp.f32 v61  }
0x216: {  	v59 =	vld [tilespmem:$0x1FFB0];
	(erf) = vrcp.f32 v2  }
0x217: {  	v18 =	vadd.f32 $1.000000000e+00, v18;
	[tilespmem:$0xA980] =	vst v34;
	v54 =	vpop (erf);
	v34 =	vadd.f32 v50, v49;
	v61 =	vld [tilespmem:$0x1FF40];
	(erf) = vrcp.f32 v40  }
0x218: {  	v0 =	vadd.f32 $1.000000000e+00, v0;
	v56 =	vpop (erf);
	v2 =	vld [tilespmem:$0x5B80];
	(erf) = vrcp.f32 v51  }
0x219: {  	[tilespmem:$0xAC00] =	vst v27;
	v27 =	vmul.f32 v54, v34;
	v54 =	vld [tilespmem:$0x1FF80];
	(erf) = vrcp.f32 v18  }
0x21a: {  	v15 =	vadd.f32 $1.000000000e+00, v15;
	v13 =	vadd.f32 $1.000000000e+00, v13;
	v51 =	vld [tilespmem:$0x1FF50];
	(erf) = vrcp.f32 v0  }
0x21b: {  	v19 =	vadd.f32 $1.000000000e+00, v19;
	[tilespmem:$0xAA80] =	vst v35;
	v35 =	vadd.f32 v53, v52;
	v52 =	vld [tilespmem:$0x1FF60];
	v62 =	vpop (erf)  }
0x21c: {  	v16 =	vadd.f32 v21, v16;
	v4 =	vadd.f32 v8, v4;
	[tilespmem:$0xAB00] =	vst v38;
	(erf) = vrcp.f32 v57;
	v57 =	vld [tilespmem:$0x1FF90];
	v49 =	vpop (erf)  }
0x21d: {  	v37 =	vadd.f32 $1.000000000e+00, v37;
	v53 =	vld [tilespmem:$0x1FF70];
	[tilespmem:$0xB100] =	vst v27;
	v27 =	vadd.f32 v48, v46;
	v50 =	vpop (erf)  }
0x21e: {  	[tilespmem:$0xAD00] =	vst v43;
	v46 =	vld [tilespmem:$0x5E90];
	v34 =	vmul.f32 v56, v35;
	v38 =	vadd.f32 v61, v60;
	(erf) = vrcp.f32 v15;
	v56 =	vpop (erf)  }
0x21f: {  	v39 =	vadd.f32 $1.000000000e+00, v39;
	[tilespmem:$0xAE00] =	vst v32;
	v35 =	vld [tilespmem:$0x5B90];
	v18 =	vmul.f32 v62, v36;
	(erf) = vrcp.f32 v13;
	v60 =	vpop (erf)  }
0x220: {  	[tilespmem:$0xAF00] =	vst v26;
	v0 =	vld [tilespmem:$0x5C00];
	v32 =	vmul.f32 v49, v38;
	v26 =	vadd.f32 v52, v51;
	(erf) = vrcp.f32 v19;
	v61 =	vpop (erf)  }
0x221: {  	[tilespmem:$0xAF80] =	vst v30;
	v49 =	vld [tilespmem:$0x1FFE0];
	(erf) = vrcp.f32 v37;
	v19 =	vadd.f32 v57, v63;
	v63 =	vadd.f32 $1.000000000e+00, v44;
	v62 =	vpop (erf)  }
0x222: {  	v20 =	vadd.f32 v22, v20;
	[tilespmem:$0xB080] =	vst v33;
	v26 =	vmul.f32 v50, v26;
	v50 =	vld [tilespmem:$0x1FFF0];
	v51 =	vpop (erf);
	(erf) = vrcp.f32 v39  }
0x223: {  	v3 =	vadd.f32 v3, v55;
	v36 =	vld [tilespmem:$0x5C10];
	[tilespmem:$0xB180] =	vst v34;
	v40 =	vadd.f32 v54, v53;
	v53 =	vpop (erf);
	(erf) = vrcp.f32 v63  }
0x224: {  	v1 =	vadd.f32 v9, v1;
	v30 =	vadd.f32 v59, v58;
	v15 =	vld [tilespmem:$0x9C00];
	[tilespmem:$0xB200] =	vst v18  }
0x225: {  	v10 =	vadd.f32 v11, v10;
	v58 =	vadd.f32 $1.000000000e+00, v47;
	v52 =	vld [tilespmem:$0x5D10];
	v38 =	vmul.f32 v56, v40;
	[tilespmem:$0xB280] =	vst v32  }
0x226: {  	v2 =	vadd.f32 v14, v2;
	v37 =	vld [tilespmem:$0x5C90];
	v30 =	vmul.f32 v61, v30;
	[tilespmem:$0xB300] =	vst v26;
	v19 =	vmul.f32 v60, v19;
	v57 =	vpop (erf)  }
0x227: {  	v61 =	vld [tilespmem:$0x5D90];
	[tilespmem:$0xB380] =	vst v38;
	v54 =	vmul.f32 v62, v27;
	v60 =	vadd.f32 $1.000000000e+00, v45;
	v43 =	vadd.f32 v50, v49;
	v59 =	vpop (erf)  }
0x228: {  	v18 =	vld [tilespmem:$0x5F00];
	v38 =	vadd.f32 $1.000000000e+00, v29;
	[tilespmem:$0xB480] =	vst v30;
	v21 =	vmul.f32 v53, v28;
	(erf) = vrcp.f32 v58;
	v62 =	vpop (erf)  }
0x229: {  	v44 =	vadd.f32 $1.000000000e+00, v35;
	[tilespmem:$0xB400] =	vst v19;
	(erf) = vrcp.f32 v60;
	v56 =	vmul.f32 v51, v43;
	v43 =	vld [tilespmem:$0x5E10];
	v63 =	vpop (erf)  }
0x22a: {  	v13 =	vld [tilespmem:$0x5C80];
	v45 =	vadd.f32 $1.000000000e+00, v36;
	[tilespmem:$0xB500] =	vst v54;
	v16 =	vmul.f32 v57, v16;
	(erf) = vrcp.f32 v38;
	v34 =	vpop (erf)  }
0x22b: {  	v48 =	vadd.f32 $1.000000000e+00, v37;
	v49 =	vld [tilespmem:$0x5F10];
	v17 =	vmul.f32 v59, v17;
	[tilespmem:$0xB600] =	vst v21;
	v47 =	vpop (erf);
	(erf) = vrcp.f32 v44  }
0x22c: {  	v51 =	vadd.f32 $1.000000000e+00, v52;
	v52 =	vld [tilespmem:$0x5F90];
	v53 =	vadd.f32 $1.000000000e+00, v61;
	[tilespmem:$0xB680] =	vst v16;
	v50 =	vpop (erf);
	(erf) = vrcp.f32 v45  }
0x22d: {  	v54 =	vld [tilespmem:$0x6010];
	v59 =	vadd.f32 $1.000000000e+00, v46;
	v32 =	vmul.f32 v62, v20;
	[tilespmem:$0xB580] =	vst v56;
	(erf) = vrcp.f32 v48  }
0x22e: {  	v6 =	vmul.f32 v63, v6;
	[tilespmem:$0xB700] =	vst v17;
	v56 =	vld [tilespmem:$0x6090];
	v55 =	vadd.f32 $1.000000000e+00, v43;
	(erf) = vrcp.f32 v51  }
0x22f: {  	v40 =	vld [tilespmem:$0x5D80];
	v20 =	vadd.f32 v7, v12;
	v5 =	vmul.f32 v34, v5;
	[tilespmem:$0xB780] =	vst v32;
	(erf) = vrcp.f32 v53  }
0x230: {  	v35 =	vld [tilespmem:$0x6000];
	v62 =	vadd.f32 $1.000000000e+00, v49;
	[tilespmem:$0xB800] =	vst v6;
	v3 =	vmul.f32 v47, v3;
	(erf) = vrcp.f32 v55  }
0x231: {  	v27 =	vld [tilespmem:$0x5F80];
	[tilespmem:$0xB880] =	vst v5;
	v19 =	vadd.f32 $1.000000000e+00, v52;
	v4 =	vmul.f32 v50, v4;
	v57 =	vpop (erf);
	(erf) = vrcp.f32 v59  }
0x232: {  	v58 =	vld [tilespmem:$0x5E80];
	v22 =	vadd.f32 $1.000000000e+00, v54;
	v1 =	vmul.f32 v57, v1;
	v60 =	vpop (erf);
	[tilespmem:$0xB900] =	vst v3;
	(erf) = vrcp.f32 v62  }
0x233: {  	v61 =	vld [tilespmem:$0x9E80];
	v28 =	vadd.f32 $1.000000000e+00, v56;
	v63 =	vmul.f32 v60, v10;
	[tilespmem:$0xB980] =	vst v4;
	v26 =	vpop (erf);
	(erf) = vrcp.f32 v19  }
0x234: {  	v0 =	vadd.f32 v15, v0;
	v21 =	vld [tilespmem:$0x9F00];
	[tilespmem:$0xBA00] =	vst v1;
	v29 =	vmul.f32 v26, v20;
	v30 =	vpop (erf);
	(erf) = vrcp.f32 v22  }
0x235: {  	v38 =	vld [tilespmem:$0xA000];
	v34 =	vadd.f32 v41, v13;
	[tilespmem:$0xBA80] =	vst v63;
	v2 =	vmul.f32 v30, v2;
	v33 =	vpop (erf);
	(erf) = vrcp.f32 v28  }
0x236: {  	v37 =	vadd.f32 v31, v42;
	v32 =	vld [tilespmem:$0x9F80];
	[tilespmem:$0xBB00] =	vst v29;
	v36 =	vpop (erf);
	v0 =	vmul.f32 v33, v0  }
0x237: {  	v42 =	vadd.f32 v23, v40;
	v43 =	vld [tilespmem:$0x6080];
	v39 =	vpop (erf);
	[tilespmem:$0xBB80] =	vst v2;
	v41 =	vmul.f32 v36, v34  }
0x238: {  	v46 =	vadd.f32 v24, v25;
	v47 =	vld [tilespmem:$0xA080];
	v44 =	vpop (erf);
	[tilespmem:$0xBC00] =	vst v0;
	v45 =	vmul.f32 v39, v37  }
0x239: {  	v50 =	vadd.f32 v61, v58;
	v48 =	vpop (erf);
	[tilespmem:$0xBC80] =	vst v41;
	v49 =	vmul.f32 v44, v42  }
0x23a: {  	v53 =	vadd.f32 v21, v18;
	v51 =	vpop (erf);
	[tilespmem:$0xBD00] =	vst v45;
	v52 =	vmul.f32 v48, v46  }
0x23b: {  	v4 =	vadd.f32 v32, v27;
	v54 =	vpop (erf);
	[tilespmem:$0xBD80] =	vst v49;
	v55 =	vmul.f32 v51, v50  }
0x23c: {  	v58 =	vadd.f32 v38, v35;
	v56 =	vpop (erf);
	[tilespmem:$0xBE00] =	vst v52;
	v57 =	vmul.f32 v54, v53  }
0x23d: {  	v61 =	vadd.f32 v47, v43;
	v59 =	vpop (erf);
	[tilespmem:$0xBE80] =	vst v55;
	v60 =	vmul.f32 v56, v4  }
0x23e: {  	[tilespmem:$0xBF00] =	vst v57;
	v62 =	vmul.f32 v59, v58;
	v63 =	vpop (erf)  }
0x23f: {  	[tilespmem:$0xBF80] =	vst v60;
	v1 =	vmul.f32 v63, v61  }
0x240: {  	[tilespmem:$0xC000] =	vst v62  }
0x241: {  	[tilespmem:$0xC080] =	vst v1  }
0x242: {  	[hbm4b:s14+s3] =	stream.linear.scatter [tilespmem:s28], [sflag:$0x2], $0x2000, $0x38;
	[tilespmem:$0x18200] =	vst v63  }
0x243: {  	_ =	swait.ge [sflag:s25], $0x2000  }
0x244: {  	[sflag:s25] =	ssyncset.done $0x0  }
0x245: {  	[sflag:s25] =	ssyncadd.s32 $0xFFFFE000  }
0x246: {  	[bflag:$0x0] =	sbarrier.arrive $0xFFFF  }
0x247: {  	[tilespmem:s29], [sflag:$0x1] =	stream.indirect.gather [hbm4b:s4+s20], $0x80, s19, s20, $0xb8;
	[tilespmem:$0x18200] =	vst v63  }
0x248: {  	_ = 	snop  }
0x249: {  	[tilespmem:s30], [sflag:$0x1] =	stream.indirect.gather [hbm4b:s4+s20], $0x80, s22, s20, $0xb8;
	[tilespmem:$0x18200] =	vst v63  }
0x24a: {  	_ =	swait.ge [sflag:s24], $0x4000  }
0x24b: {  	[sflag:s24] =	ssyncset.done $0x0  }
0x24c: {  	[sflag:s24] =	ssyncadd.s32 $0xFFFFC000  }
0x24d: {  	_ =	swait.ge [sflag:s24], $0x4000  }
0x24e: {  	[sflag:s24] =	ssyncset.done $0x0  }
0x24f: {  	[sflag:s24] =	ssyncadd.s32 $0xFFFFC000  }
0x250: {  	[hbm4b:s15+s3] =	stream.linear.scatter [tilespmem:s29], [sflag:$0x1], $0x4000, $0x38;
	[tilespmem:$0x18200] =	vst v63  }
0x251: {  	_ = 	snop  }
0x252: {  	[hbm4b:s16+s3] =	stream.linear.scatter [tilespmem:s30], [sflag:$0x1], $0x4000, $0x38;
	[tilespmem:$0x18200] =	vst v63  }
0x253: {  	p0 =	sne.s32 s17, $0x1;
	_ =	swait.ge [sflag:s24], $0x4000  }
.Ltmp0:
0x254: {  	[sflag:s24] =	ssyncset.done $0x0;
	(pc) =	sbr.rel @p0 .LBB2_1-.Ltmp0, $4  }
0x255: {  	[sflag:s24] =	ssyncadd.s32 $0xFFFFC000  }
0x256: {  	_ =	swait.ge [sflag:s24], $0x4000  }
0x257: {  	[sflag:s24] =	ssyncset.done $0x0  }
0x258: {  	s17 =	sadd.s32 $0xFFFFFFFF, s17;
	[sflag:s24] =	ssyncadd.s32 $0xFFFFC000  }
0x259: {  	_ =	sfence.sel $0x180000  }
0x25a: {  	[bflag:$0x0] =	sbarrier.arrive $0xFFFF  }
0x25b: {  	_ =	strace $0x90000047  }
0x25c: {  	[bflag:$0x2] =	sbarrier.arrive $0xFFFF  }
0x25d: {  	p0 =	sne.s32 s2, $0x0;
	s0 =	rddreg [dreg:$0x3]  }
0x25e: {  	s0 =	sadd.s32 @!p0 $0x100000, s0  }
0x25f: {  	[sflag:s0] =	ssyncadd.tile.s32 @!p0 $0x1;
	_ =	shalt  }
.Lfunc_end2:
_tile_overlayer_lowered:
.L_overlay_start_2:
0x260: {  	(tag) =	ssettag $0x2  }
0x261: {  	s0 =	rddreg [dreg:$0x0];
	s2 =	stileid.u32  }
0x262: {  	s1 =	rddreg [dreg:$0x1];
	p0 =	sne.s32 s2, $0x0  }
0x263: {  	s3 =	rddreg [dreg:$0x2];
	[bflag:$0x3] =	sbarrier.arrive $0xFFFF;
	s2 =	simm.s32 @!p0 $0x1C02  }
0x264: {  	[timem:s3], [sflag:s2] =	dma.local @!p0 [hbm:s0], s1  }
0x265: {  	s0 =	simm.s32 @!p0 $0x2  }
0x266: {  	_ =	swait.ge @!p0 [sflag:s0], s1  }
0x267: {  	s1 =	ssub.s32 @!p0 $0x0, s1;
	[sflag:s0] =	ssyncset.done @!p0 $0x0  }
0x268: {  	[sflag:s0] =	ssyncadd.s32 @!p0 s1  }
0x269: {  	[bflag:$0x3] =	sbarrier.arrive $0xFFFF  }
0x26a: {  	_ =	shalt  }

</sc_bundles>
